<compile_context>
chip_gen: v7x
topology: tpu7x:2x2x1
jax: 0.10.2.dev20260603
libtpu: 0.0.44.dev20260713+nightly
codegen_flags: <defaults>
</compile_context>

<pallas_src>
import functools

import jax
import jax.numpy as jnp
from jax import lax
from jax.experimental import pallas as pl
from jax.experimental.pallas import tpu as pltpu
from jax.experimental.pallas import tpu_sc as plsc

_NC = 2
_NS = 16
_NW = _NC * _NS
_CH = 128
_DEPTH = 3


def _mesh():
    return plsc.VectorSubcoreMesh(
        core_axis_name="c", subcore_axis_name="s",
        num_cores=_NC, num_subcores=_NS)


def _part(n_nodes):
    base = n_nodes // (8 * _NS) * 8
    tail = n_nodes - base * _NS
    return base, tail


def _zero_acc(zeros_v, acc_sh, sid, n_nodes):
    rpt, tail = _part(n_nodes)
    start = sid * rpt
    for off in range(0, rpt, _CH):
        sz = min(_CH, rpt - off)
        pltpu.sync_copy(zeros_v.at[pl.ds(0, sz)],
                        acc_sh.at[pl.ds(start + off, sz)])
    if tail:
        @pl.when(sid == _NS - 1)
        def _():
            pltpu.sync_copy(zeros_v.at[pl.ds(0, tail)],
                            acc_sh.at[pl.ds(rpt * _NS, tail)])


def _write_out(acc_sh, out_ref, sid, n_nodes):
    rpt, tail = _part(n_nodes)
    pltpu.sync_copy(acc_sh.at[pl.ds(sid * rpt, rpt)],
                    out_ref.at[pl.ds(sid * rpt, rpt)])
    if tail:
        @pl.when(sid == _NS - 1)
        def _():
            pltpu.sync_copy(acc_sh.at[pl.ds(rpt * _NS, tail)],
                            out_ref.at[pl.ds(rpt * _NS, tail)])


def _make_seg_sum(n_nodes, d, n_edges):
    ncht = n_edges // _CH
    nb = ncht // _NW
    nrem = ncht - nb * _NW
    npair = nb // 2
    assert nb % 2 == 0 and n_edges == ncht * _CH

    @functools.partial(
        pl.kernel,
        out_type=jax.ShapeDtypeStruct((_NC, n_nodes, d), jnp.float32),
        mesh=_mesh(),
        scratch_types=[
            pltpu.VMEM((2, _CH), jnp.int32),
            pltpu.VMEM((2, _CH), jnp.int32),
            pltpu.VMEM((_CH, d), jnp.float32),
            pltpu.VMEM((_CH, d), jnp.float32),
            pltpu.VMEM_SHARED((n_nodes, d), jnp.float32),
            pltpu.SemaphoreType.DMA,
            pltpu.SemaphoreType.DMA,
        ],
    )
    def seg_sum(h_hbm, sd_hbm, zeros_hbm, out_hbm,
                ib0, ib1, rows0, rows1, acc_sh, gsem0, gsem1):
        cid = lax.axis_index("c")
        sid = lax.axis_index("s")
        wid = cid * _NS + sid
        base = wid * nb

        pltpu.sync_copy(zeros_hbm, rows0)
        _zero_acc(rows0, acc_sh, sid, n_nodes)
        plsc.subcore_barrier()

        if nrem:
            @pl.when(wid < nrem)
            def _():
                pltpu.sync_copy(sd_hbm.at[nb * _NW + wid], ib0)
                pltpu.async_copy(h_hbm.at[ib0.at[0]], rows0, gsem0).wait()
                pltpu.sync_copy(rows0, acc_sh.at[ib0.at[1]], add=True)

        pltpu.sync_copy(sd_hbm.at[base], ib0)
        pltpu.sync_copy(sd_hbm.at[base + 1], ib1)
        pltpu.async_copy(h_hbm.at[ib0.at[0]], rows0, gsem0)

        def pair(g, _):
            i0 = base + 2 * g
            pltpu.make_async_copy(h_hbm.at[ib0.at[0]], rows0, gsem0).wait()
            pltpu.async_copy(h_hbm.at[ib1.at[0]], rows1, gsem1)
            pltpu.sync_copy(rows0, acc_sh.at[ib0.at[1]], add=True)

            @pl.when(g < npair - 1)
            def _():
                pltpu.sync_copy(sd_hbm.at[i0 + 2], ib0)

            pltpu.make_async_copy(h_hbm.at[ib1.at[0]], rows1, gsem1).wait()

            @pl.when(g < npair - 1)
            def _():
                pltpu.async_copy(h_hbm.at[ib0.at[0]], rows0, gsem0)

            pltpu.sync_copy(rows1, acc_sh.at[ib1.at[1]], add=True)

            @pl.when(g < npair - 1)
            def _():
                pltpu.sync_copy(sd_hbm.at[i0 + 3], ib1)
            return 0

        lax.fori_loop(0, npair, pair, 0)

        plsc.subcore_barrier()
        _write_out(acc_sh, out_hbm.at[cid], sid, n_nodes)

    return seg_sum


def _make_lin_seg(n_nodes, d, n_edges):
    ncht = n_edges // _CH
    nb = ncht // _NW
    nrem = ncht - nb * _NW
    npair = nb // 2
    assert nb % 2 == 0 and n_edges == ncht * _CH

    @functools.partial(
        pl.kernel,
        out_type=jax.ShapeDtypeStruct((_NC, n_nodes, d), jnp.float32),
        mesh=_mesh(),
        scratch_types=[
            pltpu.VMEM((2, _CH), jnp.int32),
            pltpu.VMEM((2, _CH), jnp.int32),
            pltpu.VMEM((_CH, d), jnp.float32),
            pltpu.VMEM((_CH, d), jnp.float32),
            pltpu.VMEM_SHARED((n_nodes, d), jnp.float32),
            pltpu.SemaphoreType.DMA,
            pltpu.SemaphoreType.DMA,
        ],
    )
    def lin_seg(a_hbm, sd_hbm, zeros_hbm, out_hbm,
                ib0, ib1, rows0, rows1, acc_sh, gsem0, gsem1):
        cid = lax.axis_index("c")
        sid = lax.axis_index("s")
        wid = cid * _NS + sid
        base = wid * nb

        pltpu.sync_copy(zeros_hbm, rows0)
        _zero_acc(rows0, acc_sh, sid, n_nodes)
        plsc.subcore_barrier()

        def _rows_at(q):
            return a_hbm.at[pl.ds(q * _CH, _CH)]

        if nrem:
            @pl.when(wid < nrem)
            def _():
                pltpu.sync_copy(sd_hbm.at[nb * _NW + wid], ib0)
                pltpu.sync_copy(_rows_at(nb * _NW + wid), rows0)
                pltpu.sync_copy(rows0, acc_sh.at[ib0.at[1]], add=True)

        pltpu.sync_copy(sd_hbm.at[base], ib0)
        pltpu.sync_copy(sd_hbm.at[base + 1], ib1)
        pltpu.async_copy(_rows_at(base), rows0, gsem0)

        def pair(g, _):
            i0 = base + 2 * g
            pltpu.make_async_copy(_rows_at(i0), rows0, gsem0).wait()
            pltpu.async_copy(_rows_at(i0 + 1), rows1, gsem1)
            pltpu.sync_copy(rows0, acc_sh.at[ib0.at[1]], add=True)

            @pl.when(g < npair - 1)
            def _():
                pltpu.sync_copy(sd_hbm.at[i0 + 2], ib0)

            pltpu.make_async_copy(_rows_at(i0 + 1), rows1, gsem1).wait()

            @pl.when(g < npair - 1)
            def _():
                pltpu.async_copy(_rows_at(i0 + 2), rows0, gsem0)

            pltpu.sync_copy(rows1, acc_sh.at[ib1.at[1]], add=True)

            @pl.when(g < npair - 1)
            def _():
                pltpu.sync_copy(sd_hbm.at[i0 + 3], ib1)
            return 0

        lax.fori_loop(0, npair, pair, 0)

        plsc.subcore_barrier()
        _write_out(acc_sh, out_hbm.at[cid], sid, n_nodes)

    return lin_seg



_BR = 5000


def _init_body(v_ref, w_ref, b_ref, out_ref):
    h = jnp.dot(v_ref[...], w_ref[...], preferred_element_type=jnp.float32)
    out_ref[...] = jnp.maximum(h + b_ref[...], 0.0)


def _tc_init(V, W, b):
    n, dv = V.shape
    dh = W.shape[1]
    grid = n // _BR
    return pl.pallas_call(
        _init_body,
        grid=(grid,),
        in_specs=[
            pl.BlockSpec((_BR, dv), lambda i: (i, 0)),
            pl.BlockSpec((dv, dh), lambda i: (0, 0)),
            pl.BlockSpec((1, dh), lambda i: (0, 0)),
        ],
        out_specs=pl.BlockSpec((_BR, dh), lambda i: (i, 0)),
        out_shape=jax.ShapeDtypeStruct((n, dh), jnp.float32),
    )(V, W, b.reshape(1, dh))


_BE = 16000


def _edge_body(e_ref, w_ref, b_ref, out_ref):
    a = jnp.dot(e_ref[...], w_ref[...], preferred_element_type=jnp.float32)
    out_ref[...] = a + b_ref[...]


def _tc_edge_msg(E, We, b):
    ne, de = E.shape
    dh = We.shape[1]
    grid = ne // _BE
    return pl.pallas_call(
        _edge_body,
        grid=(grid,),
        in_specs=[
            pl.BlockSpec((_BE, de), lambda i: (i, 0)),
            pl.BlockSpec((de, dh), lambda i: (0, 0)),
            pl.BlockSpec((1, dh), lambda i: (0, 0)),
        ],
        out_specs=pl.BlockSpec((_BE, dh), lambda i: (i, 0)),
        out_shape=jax.ShapeDtypeStruct((ne, dh), jnp.float32),
    )(E, We, b.reshape(1, dh))


def _round_body(h0_ref, p_ref, wp_ref, s_ref, out_ref):
    p = p_ref[0] + p_ref[1]
    m = jnp.dot(p, wp_ref[...], preferred_element_type=jnp.float32)
    m = m + s_ref[0] + s_ref[1]
    out_ref[...] = jnp.maximum(h0_ref[...] + m, 0.0)


def _tc_round(H0, P, Wp, S):
    n, dh = H0.shape
    grid = n // _BR
    return pl.pallas_call(
        _round_body,
        grid=(grid,),
        in_specs=[
            pl.BlockSpec((_BR, dh), lambda i: (i, 0)),
            pl.BlockSpec((_NC, _BR, dh), lambda i: (0, i, 0)),
            pl.BlockSpec((dh, dh), lambda i: (0, 0)),
            pl.BlockSpec((_NC, _BR, dh), lambda i: (0, i, 0)),
        ],
        out_specs=pl.BlockSpec((_BR, dh), lambda i: (i, 0)),
        out_shape=jax.ShapeDtypeStruct((n, dh), jnp.float32),
    )(H0, P, Wp, S)


def _final_body(v_ref, wv_ref, p_ref, wp_ref, b_ref, out_ref):
    p = p_ref[0] + p_ref[1]
    h = jnp.dot(v_ref[...], wv_ref[...], preferred_element_type=jnp.float32)
    h = h + jnp.dot(p, wp_ref[...], preferred_element_type=jnp.float32)
    out_ref[...] = jnp.maximum(h + b_ref[...], 0.0)


def _tc_final(V, Wv, P, Wp, b):
    n, dv = V.shape
    dh = Wv.shape[1]
    grid = n // _BR
    return pl.pallas_call(
        _final_body,
        grid=(grid,),
        in_specs=[
            pl.BlockSpec((_BR, dv), lambda i: (i, 0)),
            pl.BlockSpec((dv, dh), lambda i: (0, 0)),
            pl.BlockSpec((_NC, _BR, dh), lambda i: (0, i, 0)),
            pl.BlockSpec((dh, dh), lambda i: (0, 0)),
            pl.BlockSpec((1, dh), lambda i: (0, 0)),
        ],
        out_specs=pl.BlockSpec((_BR, dh), lambda i: (i, 0)),
        out_shape=jax.ShapeDtypeStruct((n, dh), jnp.float32),
    )(V, Wv, P, Wp, b.reshape(1, dh))


def kernel(V, E, edge_index, rev_edge_index, batch, W_i, b_i, W_h, b_h,
           W_o, b_o):
    n, dv = V.shape
    ne, de = E.shape
    dh = W_i.shape[1]
    src = edge_index[0]
    dst = edge_index[1]

    zeros_h = jnp.zeros((_CH, dh), jnp.float32)

    ncht = ne // _CH
    sd = jnp.stack([src.reshape(ncht, _CH), dst.reshape(ncht, _CH)],
                   axis=1)

    lin_seg = _make_lin_seg(n, dh, ne)
    seg_sum = _make_seg_sum(n, dh, ne)

    Wp = W_h[:dh]
    H0 = _tc_init(V, W_i, b_i)
    P = seg_sum(H0, sd, zeros_h)
    A = _tc_edge_msg(E, W_h[dh:], b_h)
    S = lin_seg(A, sd, zeros_h)

    H = H0
    for r in range(_DEPTH - 1):
        if r > 0:
            P = seg_sum(H, sd, zeros_h)
        H = _tc_round(H0, P, Wp, S)

    P = seg_sum(H, sd, zeros_h)
    return _tc_final(V, W_o[:dv], P, W_o[dv:], b_o)

# --- scband reference (transcript-rebuilt; emitter-appended) ---
"""Pipeline reference for scband-atom-message-passing-57921928954076 (READ-ONLY COPY).

The authoritative reference and input builder live on the scoring server;
editing this copy changes nothing except your own understanding.
"""

import jax, jax.numpy as jnp
import numpy as np

N_NODES = 10000
N_EDGES = 320000
D_V = 128
D_E = 16
D_H = 128
DEPTH = 3


def setup_inputs(seed: int = 0) -> dict:
    key = jax.random.key(seed)
    ks = jax.random.split(key, 8)
    V = jax.random.normal(ks[0], (N_NODES, D_V), dtype=jnp.float32)
    E = jax.random.normal(ks[1], (N_EDGES, D_E), dtype=jnp.float32)
    edge_index = jax.random.randint(ks[2], (2, N_EDGES), 0, N_NODES, dtype=jnp.int32)
    rev_edge_index = jax.random.randint(ks[3], (N_EDGES,), 0, N_EDGES, dtype=jnp.int32)
    batch = jnp.zeros((N_NODES,), dtype=jnp.int32)
    W_i = jax.random.normal(ks[4], (D_V, D_H), dtype=jnp.float32) * 0.05
    b_i = jnp.zeros((D_H,), dtype=jnp.float32)
    W_h = jax.random.normal(ks[5], (D_H + D_E, D_H), dtype=jnp.float32) * 0.05
    b_h = jnp.zeros((D_H,), dtype=jnp.float32)
    W_o = jax.random.normal(ks[6], (D_V + D_H, D_H), dtype=jnp.float32) * 0.05
    b_o = jnp.zeros((D_H,), dtype=jnp.float32)
    return {"V": V, "E": E, "edge_index": edge_index, "rev_edge_index": rev_edge_index, "batch": batch, "W_i": W_i, "b_i": b_i, "W_h": W_h, "b_h": b_h, "W_o": W_o, "b_o": b_o}


def reference(V, E, edge_index, rev_edge_index, batch, W_i, b_i, W_h, b_h, W_o, b_o):
    # AtomMessagePassing forward (dropout p=0.0 is identity in eval/train)
    src = edge_index[0]
    dst = edge_index[1]
    H_0 = jax.nn.relu(V @ W_i + b_i)
    H = H_0
    for _ in range(1, DEPTH):
        neighbor_h = H[src]                                   # gather [E, d_h]
        neighbor_msg = jnp.concatenate([neighbor_h, E], axis=1)  # [E, d_h + d_e]
        edge_messages = neighbor_msg @ W_h + b_h              # [E, d_h]
        M = jax.ops.segment_sum(edge_messages, dst, num_segments=N_NODES)  # scatter-add
        H = jax.nn.relu(H_0 + M)
    M_v = jax.ops.segment_sum(H[src], dst, num_segments=N_NODES)
    node_output = jnp.concatenate([V, M_v], axis=1)
    H_v = jax.nn.relu(node_output @ W_o + b_o)
    return H_v

if __name__ == "__main__":
    import jax
    _d = setup_inputs()
    print(jax.jit(kernel)(*tuple(_d.values())))

</pallas_src>

<mosaic_0001>
#map = affine_map<(d0, d1) -> (0, 0)>
#map1 = affine_map<(d0, d1) -> (0, 0, 0)>
module attributes {stable_mosaic.version = 14 : i64} {
  func.func @lin_seg(%arg0: i32, %arg1: i32, %arg2: memref<320000x128xf32, #tpu.memory_space<hbm>>, %arg3: memref<2500x2x128xi32, #tpu.memory_space<hbm>>, %arg4: memref<128x128xf32, #tpu.memory_space<hbm>>, %arg5: memref<2x10000x128xf32, #tpu.memory_space<hbm>>, %arg6: memref<2x128xi32, #tpu.memory_space<vmem>>, %arg7: memref<2x128xi32, #tpu.memory_space<vmem>>, %arg8: memref<128x128xf32, #tpu.memory_space<vmem>>, %arg9: memref<128x128xf32, #tpu.memory_space<vmem>>, %arg10: memref<10000x128xf32, #tpu.memory_space<vmem_shared>>, %arg11: memref<!tpu.dma_semaphore, #tpu.memory_space<semaphore_mem>>, %arg12: memref<!tpu.dma_semaphore, #tpu.memory_space<semaphore_mem>>) attributes {dimension_semantics = [#tpu.dimension_semantics<core_parallel>, #tpu.dimension_semantics<subcore_parallel>], iteration_bounds = array<i64: 2, 16>, scalar_prefetch = 0 : i64, scratch_operands = 7 : i64, tpu.core_type = #tpu.core_type<sc_vector_subcore>, window_params = [{transform_indices = #map}, {transform_indices = #map1}, {transform_indices = #map}, {transform_indices = #map1}]} {
    %mul3A = arith.constant 16 : i32
    %mul3A_0 = arith.muli %arg0, %mul3A : i32
    %add3A = arith.addi %mul3A_0, %arg1 : i32
    %mul3A_1 = arith.constant 78 : i32
    %mul3A_2 = arith.muli %add3A, %mul3A_1 : i32
    "tpu.region"() ({
      %run_scoped3A = tpu.sem_alloc : memref<!tpu.dma_semaphore, #tpu.memory_space<semaphore_mem>>
      tpu.enqueue_dma source(%arg4 : memref<128x128xf32, #tpu.memory_space<hbm>>) target(%arg8 : memref<128x128xf32, #tpu.memory_space<vmem>>) target_semaphore(%run_scoped3A : memref<!tpu.dma_semaphore, #tpu.memory_space<semaphore_mem>>)
      tpu.wait_dma2 semaphore(%run_scoped3A : memref<!tpu.dma_semaphore, #tpu.memory_space<semaphore_mem>>) src(%arg4 : memref<128x128xf32, #tpu.memory_space<hbm>>) dst(%arg8 : memref<128x128xf32, #tpu.memory_space<vmem>>)
      tpu.yield
    }) : () -> ()
    %mul3A_3 = arith.constant 624 : i32
    %mul3A_4 = arith.muli %arg1, %mul3A_3 : i32
    %add3A_5 = arith.constant 0 : i32
    %add3A_6 = arith.addi %mul3A_4, %add3A_5 : i32
    "tpu.region"() ({
      %run_scoped3A = tpu.sem_alloc : memref<!tpu.dma_semaphore, #tpu.memory_space<semaphore_mem>>
      %dma_start3A_44 = arith.constant 0 : i32
      %dma_start3A_45 = arith.constant 0 : i32
      %dma_start3A_46 = tpu.memref_slice %arg8[%dma_start3A_44, %dma_start3A_45] : memref<128x128xf32, #tpu.memory_space<vmem>> -> memref<128x128xf32, #tpu.memory_space<vmem>>
      %dma_start3A_47 = arith.constant 0 : i32
      %dma_start3A_48 = tpu.memref_slice %arg10[%add3A_6, %dma_start3A_47] : memref<10000x128xf32, #tpu.memory_space<vmem_shared>> -> memref<128x128xf32, #tpu.memory_space<vmem_shared>>
      %dma_start3A_49 = arith.constant 0 : i32
      %dma_start3A_50 = tpu.memref_slice %arg10[%add3A_6, %dma_start3A_49] : memref<10000x128xf32, #tpu.memory_space<vmem_shared>> -> memref<128x128xf32, #tpu.memory_space<vmem_shared>>
      %dma_start3A_51 = arith.constant 0 : i32
      %dma_start3A_52 = arith.constant 0 : i32
      %dma_start3A_53 = tpu.memref_slice %arg8[%dma_start3A_51, %dma_start3A_52] : memref<128x128xf32, #tpu.memory_space<vmem>> -> memref<128x128xf32, #tpu.memory_space<vmem>>
      tpu.enqueue_dma source(%dma_start3A_53 : memref<128x128xf32, #tpu.memory_space<vmem>>) target(%dma_start3A_50 : memref<128x128xf32, #tpu.memory_space<vmem_shared>>) target_semaphore(%run_scoped3A : memref<!tpu.dma_semaphore, #tpu.memory_space<semaphore_mem>>)
      %dma_wait3A = arith.constant 0 : i32
      %dma_wait3A_54 = arith.constant 0 : i32
      %dma_wait3A_55 = tpu.memref_slice %arg8[%dma_wait3A, %dma_wait3A_54] : memref<128x128xf32, #tpu.memory_space<vmem>> -> memref<128x128xf32, #tpu.memory_space<vmem>>
      %dma_wait3A_56 = arith.constant 0 : i32
      %dma_wait3A_57 = tpu.memref_slice %arg10[%add3A_6, %dma_wait3A_56] : memref<10000x128xf32, #tpu.memory_space<vmem_shared>> -> memref<128x128xf32, #tpu.memory_space<vmem_shared>>
      %dma_wait3A_58 = arith.constant 0 : i32
      %dma_wait3A_59 = tpu.memref_slice %arg10[%add3A_6, %dma_wait3A_58] : memref<10000x128xf32, #tpu.memory_space<vmem_shared>> -> memref<128x128xf32, #tpu.memory_space<vmem_shared>>
      %dma_wait3A_60 = arith.constant 0 : i32
      %dma_wait3A_61 = arith.constant 0 : i32
      %dma_wait3A_62 = tpu.memref_slice %arg8[%dma_wait3A_60, %dma_wait3A_61] : memref<128x128xf32, #tpu.memory_space<vmem>> -> memref<128x128xf32, #tpu.memory_space<vmem>>
      tpu.wait_dma2 semaphore(%run_scoped3A : memref<!tpu.dma_semaphore, #tpu.memory_space<semaphore_mem>>) src(%dma_wait3A_62 : memref<128x128xf32, #tpu.memory_space<vmem>>) dst(%dma_wait3A_59 : memref<128x128xf32, #tpu.memory_space<vmem_shared>>)
      tpu.yield
    }) : () -> ()
    %add3A_7 = arith.constant 128 : i32
    %add3A_8 = arith.addi %mul3A_4, %add3A_7 : i32
    "tpu.region"() ({
      %run_scoped3A = tpu.sem_alloc : memref<!tpu.dma_semaphore, #tpu.memory_space<semaphore_mem>>
      %dma_start3A_44 = arith.constant 0 : i32
      %dma_start3A_45 = arith.constant 0 : i32
      %dma_start3A_46 = tpu.memref_slice %arg8[%dma_start3A_44, %dma_start3A_45] : memref<128x128xf32, #tpu.memory_space<vmem>> -> memref<128x128xf32, #tpu.memory_space<vmem>>
      %dma_start3A_47 = arith.constant 0 : i32
      %dma_start3A_48 = tpu.memref_slice %arg10[%add3A_8, %dma_start3A_47] : memref<10000x128xf32, #tpu.memory_space<vmem_shared>> -> memref<128x128xf32, #tpu.memory_space<vmem_shared>>
      %dma_start3A_49 = arith.constant 0 : i32
      %dma_start3A_50 = tpu.memref_slice %arg10[%add3A_8, %dma_start3A_49] : memref<10000x128xf32, #tpu.memory_space<vmem_shared>> -> memref<128x128xf32, #tpu.memory_space<vmem_shared>>
      %dma_start3A_51 = arith.constant 0 : i32
      %dma_start3A_52 = arith.constant 0 : i32
      %dma_start3A_53 = tpu.memref_slice %arg8[%dma_start3A_51, %dma_start3A_52] : memref<128x128xf32, #tpu.memory_space<vmem>> -> memref<128x128xf32, #tpu.memory_space<vmem>>
      tpu.enqueue_dma source(%dma_start3A_53 : memref<128x128xf32, #tpu.memory_space<vmem>>) target(%dma_start3A_50 : memref<128x128xf32, #tpu.memory_space<vmem_shared>>) target_semaphore(%run_scoped3A : memref<!tpu.dma_semaphore, #tpu.memory_space<semaphore_mem>>)
      %dma_wait3A = arith.constant 0 : i32
      %dma_wait3A_54 = arith.constant 0 : i32
      %dma_wait3A_55 = tpu.memref_slice %arg8[%dma_wait3A, %dma_wait3A_54] : memref<128x128xf32, #tpu.memory_space<vmem>> -> memref<128x128xf32, #tpu.memory_space<vmem>>
      %dma_wait3A_56 = arith.constant 0 : i32
      %dma_wait3A_57 = tpu.memref_slice %arg10[%add3A_8, %dma_wait3A_56] : memref<10000x128xf32, #tpu.memory_space<vmem_shared>> -> memref<128x128xf32, #tpu.memory_space<vmem_shared>>
      %dma_wait3A_58 = arith.constant 0 : i32
      %dma_wait3A_59 = tpu.memref_slice %arg10[%add3A_8, %dma_wait3A_58] : memref<10000x128xf32, #tpu.memory_space<vmem_shared>> -> memref<128x128xf32, #tpu.memory_space<vmem_shared>>
      %dma_wait3A_60 = arith.constant 0 : i32
      %dma_wait3A_61 = arith.constant 0 : i32
      %dma_wait3A_62 = tpu.memref_slice %arg8[%dma_wait3A_60, %dma_wait3A_61] : memref<128x128xf32, #tpu.memory_space<vmem>> -> memref<128x128xf32, #tpu.memory_space<vmem>>
      tpu.wait_dma2 semaphore(%run_scoped3A : memref<!tpu.dma_semaphore, #tpu.memory_space<semaphore_mem>>) src(%dma_wait3A_62 : memref<128x128xf32, #tpu.memory_space<vmem>>) dst(%dma_wait3A_59 : memref<128x128xf32, #tpu.memory_space<vmem_shared>>)
      tpu.yield
    }) : () -> ()
    %add3A_9 = arith.constant 256 : i32
    %add3A_10 = arith.addi %mul3A_4, %add3A_9 : i32
    "tpu.region"() ({
      %run_scoped3A = tpu.sem_alloc : memref<!tpu.dma_semaphore, #tpu.memory_space<semaphore_mem>>
      %dma_start3A_44 = arith.constant 0 : i32
      %dma_start3A_45 = arith.constant 0 : i32
      %dma_start3A_46 = tpu.memref_slice %arg8[%dma_start3A_44, %dma_start3A_45] : memref<128x128xf32, #tpu.memory_space<vmem>> -> memref<128x128xf32, #tpu.memory_space<vmem>>
      %dma_start3A_47 = arith.constant 0 : i32
      %dma_start3A_48 = tpu.memref_slice %arg10[%add3A_10, %dma_start3A_47] : memref<10000x128xf32, #tpu.memory_space<vmem_shared>> -> memref<128x128xf32, #tpu.memory_space<vmem_shared>>
      %dma_start3A_49 = arith.constant 0 : i32
      %dma_start3A_50 = tpu.memref_slice %arg10[%add3A_10, %dma_start3A_49] : memref<10000x128xf32, #tpu.memory_space<vmem_shared>> -> memref<128x128xf32, #tpu.memory_space<vmem_shared>>
      %dma_start3A_51 = arith.constant 0 : i32
      %dma_start3A_52 = arith.constant 0 : i32
      %dma_start3A_53 = tpu.memref_slice %arg8[%dma_start3A_51, %dma_start3A_52] : memref<128x128xf32, #tpu.memory_space<vmem>> -> memref<128x128xf32, #tpu.memory_space<vmem>>
      tpu.enqueue_dma source(%dma_start3A_53 : memref<128x128xf32, #tpu.memory_space<vmem>>) target(%dma_start3A_50 : memref<128x128xf32, #tpu.memory_space<vmem_shared>>) target_semaphore(%run_scoped3A : memref<!tpu.dma_semaphore, #tpu.memory_space<semaphore_mem>>)
      %dma_wait3A = arith.constant 0 : i32
      %dma_wait3A_54 = arith.constant 0 : i32
      %dma_wait3A_55 = tpu.memref_slice %arg8[%dma_wait3A, %dma_wait3A_54] : memref<128x128xf32, #tpu.memory_space<vmem>> -> memref<128x128xf32, #tpu.memory_space<vmem>>
      %dma_wait3A_56 = arith.constant 0 : i32
      %dma_wait3A_57 = tpu.memref_slice %arg10[%add3A_10, %dma_wait3A_56] : memref<10000x128xf32, #tpu.memory_space<vmem_shared>> -> memref<128x128xf32, #tpu.memory_space<vmem_shared>>
      %dma_wait3A_58 = arith.constant 0 : i32
      %dma_wait3A_59 = tpu.memref_slice %arg10[%add3A_10, %dma_wait3A_58] : memref<10000x128xf32, #tpu.memory_space<vmem_shared>> -> memref<128x128xf32, #tpu.memory_space<vmem_shared>>
      %dma_wait3A_60 = arith.constant 0 : i32
      %dma_wait3A_61 = arith.constant 0 : i32
      %dma_wait3A_62 = tpu.memref_slice %arg8[%dma_wait3A_60, %dma_wait3A_61] : memref<128x128xf32, #tpu.memory_space<vmem>> -> memref<128x128xf32, #tpu.memory_space<vmem>>
      tpu.wait_dma2 semaphore(%run_scoped3A : memref<!tpu.dma_semaphore, #tpu.memory_space<semaphore_mem>>) src(%dma_wait3A_62 : memref<128x128xf32, #tpu.memory_space<vmem>>) dst(%dma_wait3A_59 : memref<128x128xf32, #tpu.memory_space<vmem_shared>>)
      tpu.yield
    }) : () -> ()
    %add3A_11 = arith.constant 384 : i32
    %add3A_12 = arith.addi %mul3A_4, %add3A_11 : i32
    "tpu.region"() ({
      %run_scoped3A = tpu.sem_alloc : memref<!tpu.dma_semaphore, #tpu.memory_space<semaphore_mem>>
      %dma_start3A_44 = arith.constant 0 : i32
      %dma_start3A_45 = arith.constant 0 : i32
      %dma_start3A_46 = tpu.memref_slice %arg8[%dma_start3A_44, %dma_start3A_45] : memref<128x128xf32, #tpu.memory_space<vmem>> -> memref<128x128xf32, #tpu.memory_space<vmem>>
      %dma_start3A_47 = arith.constant 0 : i32
      %dma_start3A_48 = tpu.memref_slice %arg10[%add3A_12, %dma_start3A_47] : memref<10000x128xf32, #tpu.memory_space<vmem_shared>> -> memref<128x128xf32, #tpu.memory_space<vmem_shared>>
      %dma_start3A_49 = arith.constant 0 : i32
      %dma_start3A_50 = tpu.memref_slice %arg10[%add3A_12, %dma_start3A_49] : memref<10000x128xf32, #tpu.memory_space<vmem_shared>> -> memref<128x128xf32, #tpu.memory_space<vmem_shared>>
      %dma_start3A_51 = arith.constant 0 : i32
      %dma_start3A_52 = arith.constant 0 : i32
      %dma_start3A_53 = tpu.memref_slice %arg8[%dma_start3A_51, %dma_start3A_52] : memref<128x128xf32, #tpu.memory_space<vmem>> -> memref<128x128xf32, #tpu.memory_space<vmem>>
      tpu.enqueue_dma source(%dma_start3A_53 : memref<128x128xf32, #tpu.memory_space<vmem>>) target(%dma_start3A_50 : memref<128x128xf32, #tpu.memory_space<vmem_shared>>) target_semaphore(%run_scoped3A : memref<!tpu.dma_semaphore, #tpu.memory_space<semaphore_mem>>)
      %dma_wait3A = arith.constant 0 : i32
      %dma_wait3A_54 = arith.constant 0 : i32
      %dma_wait3A_55 = tpu.memref_slice %arg8[%dma_wait3A, %dma_wait3A_54] : memref<128x128xf32, #tpu.memory_space<vmem>> -> memref<128x128xf32, #tpu.memory_space<vmem>>
      %dma_wait3A_56 = arith.constant 0 : i32
      %dma_wait3A_57 = tpu.memref_slice %arg10[%add3A_12, %dma_wait3A_56] : memref<10000x128xf32, #tpu.memory_space<vmem_shared>> -> memref<128x128xf32, #tpu.memory_space<vmem_shared>>
      %dma_wait3A_58 = arith.constant 0 : i32
      %dma_wait3A_59 = tpu.memref_slice %arg10[%add3A_12, %dma_wait3A_58] : memref<10000x128xf32, #tpu.memory_space<vmem_shared>> -> memref<128x128xf32, #tpu.memory_space<vmem_shared>>
      %dma_wait3A_60 = arith.constant 0 : i32
      %dma_wait3A_61 = arith.constant 0 : i32
      %dma_wait3A_62 = tpu.memref_slice %arg8[%dma_wait3A_60, %dma_wait3A_61] : memref<128x128xf32, #tpu.memory_space<vmem>> -> memref<128x128xf32, #tpu.memory_space<vmem>>
      tpu.wait_dma2 semaphore(%run_scoped3A : memref<!tpu.dma_semaphore, #tpu.memory_space<semaphore_mem>>) src(%dma_wait3A_62 : memref<128x128xf32, #tpu.memory_space<vmem>>) dst(%dma_wait3A_59 : memref<128x128xf32, #tpu.memory_space<vmem_shared>>)
      tpu.yield
    }) : () -> ()
    %add3A_13 = arith.constant 512 : i32
    %add3A_14 = arith.addi %mul3A_4, %add3A_13 : i32
    "tpu.region"() ({
      %run_scoped3A = tpu.sem_alloc : memref<!tpu.dma_semaphore, #tpu.memory_space<semaphore_mem>>
      %dma_start3A_44 = arith.constant 0 : i32
      %dma_start3A_45 = arith.constant 0 : i32
      %dma_start3A_46 = tpu.memref_slice %arg8[%dma_start3A_44, %dma_start3A_45] : memref<128x128xf32, #tpu.memory_space<vmem>> -> memref<112x128xf32, #tpu.memory_space<vmem>>
      %dma_start3A_47 = arith.constant 0 : i32
      %dma_start3A_48 = tpu.memref_slice %arg10[%add3A_14, %dma_start3A_47] : memref<10000x128xf32, #tpu.memory_space<vmem_shared>> -> memref<112x128xf32, #tpu.memory_space<vmem_shared>>
      %dma_start3A_49 = arith.constant 0 : i32
      %dma_start3A_50 = tpu.memref_slice %arg10[%add3A_14, %dma_start3A_49] : memref<10000x128xf32, #tpu.memory_space<vmem_shared>> -> memref<112x128xf32, #tpu.memory_space<vmem_shared>>
      %dma_start3A_51 = arith.constant 0 : i32
      %dma_start3A_52 = arith.constant 0 : i32
      %dma_start3A_53 = tpu.memref_slice %arg8[%dma_start3A_51, %dma_start3A_52] : memref<128x128xf32, #tpu.memory_space<vmem>> -> memref<112x128xf32, #tpu.memory_space<vmem>>
      tpu.enqueue_dma source(%dma_start3A_53 : memref<112x128xf32, #tpu.memory_space<vmem>>) target(%dma_start3A_50 : memref<112x128xf32, #tpu.memory_space<vmem_shared>>) target_semaphore(%run_scoped3A : memref<!tpu.dma_semaphore, #tpu.memory_space<semaphore_mem>>)
      %dma_wait3A = arith.constant 0 : i32
      %dma_wait3A_54 = arith.constant 0 : i32
      %dma_wait3A_55 = tpu.memref_slice %arg8[%dma_wait3A, %dma_wait3A_54] : memref<128x128xf32, #tpu.memory_space<vmem>> -> memref<112x128xf32, #tpu.memory_space<vmem>>
      %dma_wait3A_56 = arith.constant 0 : i32
      %dma_wait3A_57 = tpu.memref_slice %arg10[%add3A_14, %dma_wait3A_56] : memref<10000x128xf32, #tpu.memory_space<vmem_shared>> -> memref<112x128xf32, #tpu.memory_space<vmem_shared>>
      %dma_wait3A_58 = arith.constant 0 : i32
      %dma_wait3A_59 = tpu.memref_slice %arg10[%add3A_14, %dma_wait3A_58] : memref<10000x128xf32, #tpu.memory_space<vmem_shared>> -> memref<112x128xf32, #tpu.memory_space<vmem_shared>>
      %dma_wait3A_60 = arith.constant 0 : i32
      %dma_wait3A_61 = arith.constant 0 : i32
      %dma_wait3A_62 = tpu.memref_slice %arg8[%dma_wait3A_60, %dma_wait3A_61] : memref<128x128xf32, #tpu.memory_space<vmem>> -> memref<112x128xf32, #tpu.memory_space<vmem>>
      tpu.wait_dma2 semaphore(%run_scoped3A : memref<!tpu.dma_semaphore, #tpu.memory_space<semaphore_mem>>) src(%dma_wait3A_62 : memref<112x128xf32, #tpu.memory_space<vmem>>) dst(%dma_wait3A_59 : memref<112x128xf32, #tpu.memory_space<vmem_shared>>)
      tpu.yield
    }) : () -> ()
    %eq3A = arith.constant 15 : i32
    %eq3A_15 = arith.cmpi eq, %arg1, %eq3A : i32
    %convert_element_type3A = arith.extui %eq3A_15 : i1 to i32
    %cond3A = arith.constant 0 : i32
    %cond3A_16 = arith.cmpi ne, %convert_element_type3A, %cond3A : i32
    scf.if %cond3A_16 {
      "tpu.region"() ({
        %run_scoped3A = tpu.sem_alloc : memref<!tpu.dma_semaphore, #tpu.memory_space<semaphore_mem>>
        %dma_start3A_44 = arith.constant 0 : i32
        %dma_start3A_45 = arith.constant 0 : i32
        %dma_start3A_46 = tpu.memref_slice %arg8[%dma_start3A_44, %dma_start3A_45] : memref<128x128xf32, #tpu.memory_space<vmem>> -> memref<16x128xf32, #tpu.memory_space<vmem>>
        %dma_start3A_47 = arith.constant 9984 : i32
        %dma_start3A_48 = arith.constant 0 : i32
        %dma_start3A_49 = tpu.memref_slice %arg10[%dma_start3A_47, %dma_start3A_48] : memref<10000x128xf32, #tpu.memory_space<vmem_shared>> -> memref<16x128xf32, #tpu.memory_space<vmem_shared>>
        %dma_start3A_50 = arith.constant 9984 : i32
        %dma_start3A_51 = arith.constant 0 : i32
        %dma_start3A_52 = tpu.memref_slice %arg10[%dma_start3A_50, %dma_start3A_51] : memref<10000x128xf32, #tpu.memory_space<vmem_shared>> -> memref<16x128xf32, #tpu.memory_space<vmem_shared>>
        %dma_start3A_53 = arith.constant 0 : i32
        %dma_start3A_54 = arith.constant 0 : i32
        %dma_start3A_55 = tpu.memref_slice %arg8[%dma_start3A_53, %dma_start3A_54] : memref<128x128xf32, #tpu.memory_space<vmem>> -> memref<16x128xf32, #tpu.memory_space<vmem>>
        tpu.enqueue_dma source(%dma_start3A_55 : memref<16x128xf32, #tpu.memory_space<vmem>>) target(%dma_start3A_52 : memref<16x128xf32, #tpu.memory_space<vmem_shared>>) target_semaphore(%run_scoped3A : memref<!tpu.dma_semaphore, #tpu.memory_space<semaphore_mem>>)
        %dma_wait3A = arith.constant 0 : i32
        %dma_wait3A_56 = arith.constant 0 : i32
        %dma_wait3A_57 = tpu.memref_slice %arg8[%dma_wait3A, %dma_wait3A_56] : memref<128x128xf32, #tpu.memory_space<vmem>> -> memref<16x128xf32, #tpu.memory_space<vmem>>
        %dma_wait3A_58 = arith.constant 9984 : i32
        %dma_wait3A_59 = arith.constant 0 : i32
        %dma_wait3A_60 = tpu.memref_slice %arg10[%dma_wait3A_58, %dma_wait3A_59] : memref<10000x128xf32, #tpu.memory_space<vmem_shared>> -> memref<16x128xf32, #tpu.memory_space<vmem_shared>>
        %dma_wait3A_61 = arith.constant 9984 : i32
        %dma_wait3A_62 = arith.constant 0 : i32
        %dma_wait3A_63 = tpu.memref_slice %arg10[%dma_wait3A_61, %dma_wait3A_62] : memref<10000x128xf32, #tpu.memory_space<vmem_shared>> -> memref<16x128xf32, #tpu.memory_space<vmem_shared>>
        %dma_wait3A_64 = arith.constant 0 : i32
        %dma_wait3A_65 = arith.constant 0 : i32
        %dma_wait3A_66 = tpu.memref_slice %arg8[%dma_wait3A_64, %dma_wait3A_65] : memref<128x128xf32, #tpu.memory_space<vmem>> -> memref<16x128xf32, #tpu.memory_space<vmem>>
        tpu.wait_dma2 semaphore(%run_scoped3A : memref<!tpu.dma_semaphore, #tpu.memory_space<semaphore_mem>>) src(%dma_wait3A_66 : memref<16x128xf32, #tpu.memory_space<vmem>>) dst(%dma_wait3A_63 : memref<16x128xf32, #tpu.memory_space<vmem_shared>>)
        tpu.yield
      }) : () -> ()
    } else {
    }
    %barrier3A = arith.constant 0 : index
    tpu.barrier barrier_id(%barrier3A)
    %lt3A = arith.constant 4 : i32
    %lt3A_17 = arith.cmpi slt, %add3A, %lt3A : i32
    %convert_element_type3A_18 = arith.extui %lt3A_17 : i1 to i32
    %cond3A_19 = arith.constant 0 : i32
    %cond3A_20 = arith.cmpi ne, %convert_element_type3A_18, %cond3A_19 : i32
    scf.if %cond3A_20 {
      %add3A_44 = arith.constant 2496 : i32
      %add3A_45 = arith.addi %add3A_44, %add3A : i32
      "tpu.region"() ({
        %run_scoped3A_50 = tpu.sem_alloc : memref<!tpu.dma_semaphore, #tpu.memory_space<semaphore_mem>>
        %dma_start3A_51 = arith.constant 0 : i32
        %dma_start3A_52 = arith.constant 0 : i32
        %dma_start3A_53 = tpu.memref_slice %arg3[%add3A_45, %dma_start3A_51, %dma_start3A_52] : memref<2500x2x128xi32, #tpu.memory_space<hbm>> -> memref<1x2x128xi32, #tpu.memory_space<hbm>>
        %dma_start3A_54 = tpu.memref_squeeze %dma_start3A_53 : memref<1x2x128xi32, #tpu.memory_space<hbm>> -> memref<2x128xi32, #tpu.memory_space<hbm>>
        %dma_start3A_55 = arith.constant 0 : i32
        %dma_start3A_56 = arith.constant 0 : i32
        %dma_start3A_57 = tpu.memref_slice %arg3[%add3A_45, %dma_start3A_55, %dma_start3A_56] : memref<2500x2x128xi32, #tpu.memory_space<hbm>> -> memref<1x2x128xi32, #tpu.memory_space<hbm>>
        %dma_start3A_58 = tpu.memref_squeeze %dma_start3A_57 : memref<1x2x128xi32, #tpu.memory_space<hbm>> -> memref<2x128xi32, #tpu.memory_space<hbm>>
        tpu.enqueue_dma source(%dma_start3A_58 : memref<2x128xi32, #tpu.memory_space<hbm>>) target(%arg6 : memref<2x128xi32, #tpu.memory_space<vmem>>) target_semaphore(%run_scoped3A_50 : memref<!tpu.dma_semaphore, #tpu.memory_space<semaphore_mem>>)
        %dma_wait3A = arith.constant 0 : i32
        %dma_wait3A_59 = arith.constant 0 : i32
        %dma_wait3A_60 = tpu.memref_slice %arg3[%add3A_45, %dma_wait3A, %dma_wait3A_59] : memref<2500x2x128xi32, #tpu.memory_space<hbm>> -> memref<1x2x128xi32, #tpu.memory_space<hbm>>
        %dma_wait3A_61 = tpu.memref_squeeze %dma_wait3A_60 : memref<1x2x128xi32, #tpu.memory_space<hbm>> -> memref<2x128xi32, #tpu.memory_space<hbm>>
        %dma_wait3A_62 = arith.constant 0 : i32
        %dma_wait3A_63 = arith.constant 0 : i32
        %dma_wait3A_64 = tpu.memref_slice %arg3[%add3A_45, %dma_wait3A_62, %dma_wait3A_63] : memref<2500x2x128xi32, #tpu.memory_space<hbm>> -> memref<1x2x128xi32, #tpu.memory_space<hbm>>
        %dma_wait3A_65 = tpu.memref_squeeze %dma_wait3A_64 : memref<1x2x128xi32, #tpu.memory_space<hbm>> -> memref<2x128xi32, #tpu.memory_space<hbm>>
        tpu.wait_dma2 semaphore(%run_scoped3A_50 : memref<!tpu.dma_semaphore, #tpu.memory_space<semaphore_mem>>) src(%dma_wait3A_65 : memref<2x128xi32, #tpu.memory_space<hbm>>) dst(%arg6 : memref<2x128xi32, #tpu.memory_space<vmem>>)
        tpu.yield
      }) : () -> ()
      %add3A_46 = arith.constant 2496 : i32
      %add3A_47 = arith.addi %add3A_46, %add3A : i32
      %mul3A_48 = arith.constant 128 : i32
      %mul3A_49 = arith.muli %add3A_47, %mul3A_48 : i32
      "tpu.region"() ({
        %run_scoped3A_50 = tpu.sem_alloc : memref<!tpu.dma_semaphore, #tpu.memory_space<semaphore_mem>>
        %dma_start3A_51 = arith.constant 0 : i32
        %dma_start3A_52 = tpu.memref_slice %arg2[%mul3A_49, %dma_start3A_51] : memref<320000x128xf32, #tpu.memory_space<hbm>> -> memref<128x128xf32, #tpu.memory_space<hbm>>
        %dma_start3A_53 = arith.constant 0 : i32
        %dma_start3A_54 = tpu.memref_slice %arg2[%mul3A_49, %dma_start3A_53] : memref<320000x128xf32, #tpu.memory_space<hbm>> -> memref<128x128xf32, #tpu.memory_space<hbm>>
        tpu.enqueue_dma source(%dma_start3A_54 : memref<128x128xf32, #tpu.memory_space<hbm>>) target(%arg8 : memref<128x128xf32, #tpu.memory_space<vmem>>) target_semaphore(%run_scoped3A_50 : memref<!tpu.dma_semaphore, #tpu.memory_space<semaphore_mem>>)
        %dma_wait3A = arith.constant 0 : i32
        %dma_wait3A_55 = tpu.memref_slice %arg2[%mul3A_49, %dma_wait3A] : memref<320000x128xf32, #tpu.memory_space<hbm>> -> memref<128x128xf32, #tpu.memory_space<hbm>>
        %dma_wait3A_56 = arith.constant 0 : i32
        %dma_wait3A_57 = tpu.memref_slice %arg2[%mul3A_49, %dma_wait3A_56] : memref<320000x128xf32, #tpu.memory_space<hbm>> -> memref<128x128xf32, #tpu.memory_space<hbm>>
        tpu.wait_dma2 semaphore(%run_scoped3A_50 : memref<!tpu.dma_semaphore, #tpu.memory_space<semaphore_mem>>) src(%dma_wait3A_57 : memref<128x128xf32, #tpu.memory_space<hbm>>) dst(%arg8 : memref<128x128xf32, #tpu.memory_space<vmem>>)
        tpu.yield
      }) : () -> ()
      %run_scoped3A = arith.constant 1 : i32
      "tpu.region"() ({
        %run_scoped3A_50 = tpu.sem_alloc : memref<!tpu.dma_semaphore, #tpu.memory_space<semaphore_mem>>
        %dma_start3A_51 = arith.constant 0 : i32
        %dma_start3A_52 = tpu.memref_slice %arg6[%run_scoped3A, %dma_start3A_51] : memref<2x128xi32, #tpu.memory_space<vmem>> -> memref<1x128xi32, #tpu.memory_space<vmem>>
        %dma_start3A_53 = tpu.memref_squeeze %dma_start3A_52 : memref<1x128xi32, #tpu.memory_space<vmem>> -> memref<128xi32, #tpu.memory_space<vmem>>
        %dma_start3A_54 = arith.constant 0 : i32
        %dma_start3A_55 = arith.constant 0 : i32
        %dma_start3A_56 = tpu.memref_slice %arg10[%dma_start3A_54, %dma_start3A_55] : memref<10000x128xf32, #tpu.memory_space<vmem_shared>> -> memref<10000x128xf32, #tpu.memory_space<vmem_shared>>
        tpu.enqueue_indirect_dma source(%arg8 : memref<128x128xf32, #tpu.memory_space<vmem>>) target(%dma_start3A_56 : memref<10000x128xf32, #tpu.memory_space<vmem_shared>>) offsets(%dma_start3A_53 : memref<128xi32, #tpu.memory_space<vmem>>) semaphore(%run_scoped3A_50 : memref<!tpu.dma_semaphore, #tpu.memory_space<semaphore_mem>>) {add = true}
        %dma_wait3A = arith.constant 0 : i32
        %dma_wait3A_57 = tpu.memref_slice %arg6[%run_scoped3A, %dma_wait3A] : memref<2x128xi32, #tpu.memory_space<vmem>> -> memref<1x128xi32, #tpu.memory_space<vmem>>
        %dma_wait3A_58 = tpu.memref_squeeze %dma_wait3A_57 : memref<1x128xi32, #tpu.memory_space<vmem>> -> memref<128xi32, #tpu.memory_space<vmem>>
        %dma_wait3A_59 = arith.constant 0 : i32
        %dma_wait3A_60 = arith.constant 0 : i32
        %dma_wait3A_61 = tpu.memref_slice %arg10[%dma_wait3A_59, %dma_wait3A_60] : memref<10000x128xf32, #tpu.memory_space<vmem_shared>> -> memref<10000x128xf32, #tpu.memory_space<vmem_shared>>
        tpu.wait_indirect_dma semaphore(%run_scoped3A_50 : memref<!tpu.dma_semaphore, #tpu.memory_space<semaphore_mem>>) src(%arg8 : memref<128x128xf32, #tpu.memory_space<vmem>>) dst(%dma_wait3A_61 : memref<10000x128xf32, #tpu.memory_space<vmem_shared>>)
        tpu.yield
      }) : () -> ()
    } else {
    }
    "tpu.region"() ({
      %run_scoped3A = tpu.sem_alloc : memref<!tpu.dma_semaphore, #tpu.memory_space<semaphore_mem>>
      %dma_start3A_44 = arith.constant 0 : i32
      %dma_start3A_45 = arith.constant 0 : i32
      %dma_start3A_46 = tpu.memref_slice %arg3[%mul3A_2, %dma_start3A_44, %dma_start3A_45] : memref<2500x2x128xi32, #tpu.memory_space<hbm>> -> memref<1x2x128xi32, #tpu.memory_space<hbm>>
      %dma_start3A_47 = tpu.memref_squeeze %dma_start3A_46 : memref<1x2x128xi32, #tpu.memory_space<hbm>> -> memref<2x128xi32, #tpu.memory_space<hbm>>
      %dma_start3A_48 = arith.constant 0 : i32
      %dma_start3A_49 = arith.constant 0 : i32
      %dma_start3A_50 = tpu.memref_slice %arg3[%mul3A_2, %dma_start3A_48, %dma_start3A_49] : memref<2500x2x128xi32, #tpu.memory_space<hbm>> -> memref<1x2x128xi32, #tpu.memory_space<hbm>>
      %dma_start3A_51 = tpu.memref_squeeze %dma_start3A_50 : memref<1x2x128xi32, #tpu.memory_space<hbm>> -> memref<2x128xi32, #tpu.memory_space<hbm>>
      tpu.enqueue_dma source(%dma_start3A_51 : memref<2x128xi32, #tpu.memory_space<hbm>>) target(%arg6 : memref<2x128xi32, #tpu.memory_space<vmem>>) target_semaphore(%run_scoped3A : memref<!tpu.dma_semaphore, #tpu.memory_space<semaphore_mem>>)
      %dma_wait3A = arith.constant 0 : i32
      %dma_wait3A_52 = arith.constant 0 : i32
      %dma_wait3A_53 = tpu.memref_slice %arg3[%mul3A_2, %dma_wait3A, %dma_wait3A_52] : memref<2500x2x128xi32, #tpu.memory_space<hbm>> -> memref<1x2x128xi32, #tpu.memory_space<hbm>>
      %dma_wait3A_54 = tpu.memref_squeeze %dma_wait3A_53 : memref<1x2x128xi32, #tpu.memory_space<hbm>> -> memref<2x128xi32, #tpu.memory_space<hbm>>
      %dma_wait3A_55 = arith.constant 0 : i32
      %dma_wait3A_56 = arith.constant 0 : i32
      %dma_wait3A_57 = tpu.memref_slice %arg3[%mul3A_2, %dma_wait3A_55, %dma_wait3A_56] : memref<2500x2x128xi32, #tpu.memory_space<hbm>> -> memref<1x2x128xi32, #tpu.memory_space<hbm>>
      %dma_wait3A_58 = tpu.memref_squeeze %dma_wait3A_57 : memref<1x2x128xi32, #tpu.memory_space<hbm>> -> memref<2x128xi32, #tpu.memory_space<hbm>>
      tpu.wait_dma2 semaphore(%run_scoped3A : memref<!tpu.dma_semaphore, #tpu.memory_space<semaphore_mem>>) src(%dma_wait3A_58 : memref<2x128xi32, #tpu.memory_space<hbm>>) dst(%arg6 : memref<2x128xi32, #tpu.memory_space<vmem>>)
      tpu.yield
    }) : () -> ()
    %add3A_21 = arith.constant 1 : i32
    %add3A_22 = arith.addi %mul3A_2, %add3A_21 : i32
    "tpu.region"() ({
      %run_scoped3A = tpu.sem_alloc : memref<!tpu.dma_semaphore, #tpu.memory_space<semaphore_mem>>
      %dma_start3A_44 = arith.constant 0 : i32
      %dma_start3A_45 = arith.constant 0 : i32
      %dma_start3A_46 = tpu.memref_slice %arg3[%add3A_22, %dma_start3A_44, %dma_start3A_45] : memref<2500x2x128xi32, #tpu.memory_space<hbm>> -> memref<1x2x128xi32, #tpu.memory_space<hbm>>
      %dma_start3A_47 = tpu.memref_squeeze %dma_start3A_46 : memref<1x2x128xi32, #tpu.memory_space<hbm>> -> memref<2x128xi32, #tpu.memory_space<hbm>>
      %dma_start3A_48 = arith.constant 0 : i32
      %dma_start3A_49 = arith.constant 0 : i32
      %dma_start3A_50 = tpu.memref_slice %arg3[%add3A_22, %dma_start3A_48, %dma_start3A_49] : memref<2500x2x128xi32, #tpu.memory_space<hbm>> -> memref<1x2x128xi32, #tpu.memory_space<hbm>>
      %dma_start3A_51 = tpu.memref_squeeze %dma_start3A_50 : memref<1x2x128xi32, #tpu.memory_space<hbm>> -> memref<2x128xi32, #tpu.memory_space<hbm>>
      tpu.enqueue_dma source(%dma_start3A_51 : memref<2x128xi32, #tpu.memory_space<hbm>>) target(%arg7 : memref<2x128xi32, #tpu.memory_space<vmem>>) target_semaphore(%run_scoped3A : memref<!tpu.dma_semaphore, #tpu.memory_space<semaphore_mem>>)
      %dma_wait3A = arith.constant 0 : i32
      %dma_wait3A_52 = arith.constant 0 : i32
      %dma_wait3A_53 = tpu.memref_slice %arg3[%add3A_22, %dma_wait3A, %dma_wait3A_52] : memref<2500x2x128xi32, #tpu.memory_space<hbm>> -> memref<1x2x128xi32, #tpu.memory_space<hbm>>
      %dma_wait3A_54 = tpu.memref_squeeze %dma_wait3A_53 : memref<1x2x128xi32, #tpu.memory_space<hbm>> -> memref<2x128xi32, #tpu.memory_space<hbm>>
      %dma_wait3A_55 = arith.constant 0 : i32
      %dma_wait3A_56 = arith.constant 0 : i32
      %dma_wait3A_57 = tpu.memref_slice %arg3[%add3A_22, %dma_wait3A_55, %dma_wait3A_56] : memref<2500x2x128xi32, #tpu.memory_space<hbm>> -> memref<1x2x128xi32, #tpu.memory_space<hbm>>
      %dma_wait3A_58 = tpu.memref_squeeze %dma_wait3A_57 : memref<1x2x128xi32, #tpu.memory_space<hbm>> -> memref<2x128xi32, #tpu.memory_space<hbm>>
      tpu.wait_dma2 semaphore(%run_scoped3A : memref<!tpu.dma_semaphore, #tpu.memory_space<semaphore_mem>>) src(%dma_wait3A_58 : memref<2x128xi32, #tpu.memory_space<hbm>>) dst(%arg7 : memref<2x128xi32, #tpu.memory_space<vmem>>)
      tpu.yield
    }) : () -> ()
    %mul3A_23 = arith.constant 128 : i32
    %mul3A_24 = arith.muli %mul3A_2, %mul3A_23 : i32
    %dma_start3A = arith.constant 0 : i32
    %dma_start3A_25 = tpu.memref_slice %arg2[%mul3A_24, %dma_start3A] : memref<320000x128xf32, #tpu.memory_space<hbm>> -> memref<128x128xf32, #tpu.memory_space<hbm>>
    %dma_start3A_26 = arith.constant 0 : i32
    %dma_start3A_27 = tpu.memref_slice %arg2[%mul3A_24, %dma_start3A_26] : memref<320000x128xf32, #tpu.memory_space<hbm>> -> memref<128x128xf32, #tpu.memory_space<hbm>>
    tpu.enqueue_dma source(%dma_start3A_27 : memref<128x128xf32, #tpu.memory_space<hbm>>) target(%arg8 : memref<128x128xf32, #tpu.memory_space<vmem>>) target_semaphore(%arg11 : memref<!tpu.dma_semaphore, #tpu.memory_space<semaphore_mem>>)
    %scan3A = arith.constant 0 : i32
    %scan3A_28 = arith.constant 0 : i32
    %scan3A_29 = arith.constant 39 : i32
    %scan3A_30 = arith.addi %scan3A_28, %scan3A_29 : i32
    %scan3A_31 = arith.constant 1 : i32
    %scan3A_32 = scf.for %scan3A_44 = %scan3A_28 to %scan3A_30 step %scan3A_31 iter_args(%scan3A_45 = %scan3A) -> (i32)  : i32 {
      %mul3A_46 = arith.constant 2 : i32
      %mul3A_47 = arith.muli %mul3A_46, %scan3A_44 : i32
      %add3A_48 = arith.addi %mul3A_2, %mul3A_47 : i32
      %mul3A_49 = arith.constant 128 : i32
      %mul3A_50 = arith.muli %add3A_48, %mul3A_49 : i32
      %dma_wait3A = arith.constant 0 : i32
      %dma_wait3A_51 = tpu.memref_slice %arg2[%mul3A_50, %dma_wait3A] : memref<320000x128xf32, #tpu.memory_space<hbm>> -> memref<128x128xf32, #tpu.memory_space<hbm>>
      %dma_wait3A_52 = arith.constant 0 : i32
      %dma_wait3A_53 = tpu.memref_slice %arg2[%mul3A_50, %dma_wait3A_52] : memref<320000x128xf32, #tpu.memory_space<hbm>> -> memref<128x128xf32, #tpu.memory_space<hbm>>
      tpu.wait_dma2 semaphore(%arg11 : memref<!tpu.dma_semaphore, #tpu.memory_space<semaphore_mem>>) src(%dma_wait3A_53 : memref<128x128xf32, #tpu.memory_space<hbm>>) dst(%arg8 : memref<128x128xf32, #tpu.memory_space<vmem>>)
      %add3A_54 = arith.constant 1 : i32
      %add3A_55 = arith.addi %add3A_48, %add3A_54 : i32
      %mul3A_56 = arith.constant 128 : i32
      %mul3A_57 = arith.muli %add3A_55, %mul3A_56 : i32
      %dma_start3A_58 = arith.constant 0 : i32
      %dma_start3A_59 = tpu.memref_slice %arg2[%mul3A_57, %dma_start3A_58] : memref<320000x128xf32, #tpu.memory_space<hbm>> -> memref<128x128xf32, #tpu.memory_space<hbm>>
      %dma_start3A_60 = arith.constant 0 : i32
      %dma_start3A_61 = tpu.memref_slice %arg2[%mul3A_57, %dma_start3A_60] : memref<320000x128xf32, #tpu.memory_space<hbm>> -> memref<128x128xf32, #tpu.memory_space<hbm>>
      tpu.enqueue_dma source(%dma_start3A_61 : memref<128x128xf32, #tpu.memory_space<hbm>>) target(%arg9 : memref<128x128xf32, #tpu.memory_space<vmem>>) target_semaphore(%arg12 : memref<!tpu.dma_semaphore, #tpu.memory_space<semaphore_mem>>)
      %run_scoped3A = arith.constant 1 : i32
      "tpu.region"() ({
        %run_scoped3A_87 = tpu.sem_alloc : memref<!tpu.dma_semaphore, #tpu.memory_space<semaphore_mem>>
        %dma_start3A_88 = arith.constant 0 : i32
        %dma_start3A_89 = tpu.memref_slice %arg6[%run_scoped3A, %dma_start3A_88] : memref<2x128xi32, #tpu.memory_space<vmem>> -> memref<1x128xi32, #tpu.memory_space<vmem>>
        %dma_start3A_90 = tpu.memref_squeeze %dma_start3A_89 : memref<1x128xi32, #tpu.memory_space<vmem>> -> memref<128xi32, #tpu.memory_space<vmem>>
        %dma_start3A_91 = arith.constant 0 : i32
        %dma_start3A_92 = arith.constant 0 : i32
        %dma_start3A_93 = tpu.memref_slice %arg10[%dma_start3A_91, %dma_start3A_92] : memref<10000x128xf32, #tpu.memory_space<vmem_shared>> -> memref<10000x128xf32, #tpu.memory_space<vmem_shared>>
        tpu.enqueue_indirect_dma source(%arg8 : memref<128x128xf32, #tpu.memory_space<vmem>>) target(%dma_start3A_93 : memref<10000x128xf32, #tpu.memory_space<vmem_shared>>) offsets(%dma_start3A_90 : memref<128xi32, #tpu.memory_space<vmem>>) semaphore(%run_scoped3A_87 : memref<!tpu.dma_semaphore, #tpu.memory_space<semaphore_mem>>) {add = true}
        %dma_wait3A_94 = arith.constant 0 : i32
        %dma_wait3A_95 = tpu.memref_slice %arg6[%run_scoped3A, %dma_wait3A_94] : memref<2x128xi32, #tpu.memory_space<vmem>> -> memref<1x128xi32, #tpu.memory_space<vmem>>
        %dma_wait3A_96 = tpu.memref_squeeze %dma_wait3A_95 : memref<1x128xi32, #tpu.memory_space<vmem>> -> memref<128xi32, #tpu.memory_space<vmem>>
        %dma_wait3A_97 = arith.constant 0 : i32
        %dma_wait3A_98 = arith.constant 0 : i32
        %dma_wait3A_99 = tpu.memref_slice %arg10[%dma_wait3A_97, %dma_wait3A_98] : memref<10000x128xf32, #tpu.memory_space<vmem_shared>> -> memref<10000x128xf32, #tpu.memory_space<vmem_shared>>
        tpu.wait_indirect_dma semaphore(%run_scoped3A_87 : memref<!tpu.dma_semaphore, #tpu.memory_space<semaphore_mem>>) src(%arg8 : memref<128x128xf32, #tpu.memory_space<vmem>>) dst(%dma_wait3A_99 : memref<10000x128xf32, #tpu.memory_space<vmem_shared>>)
        tpu.yield
      }) : () -> ()
      %lt3A_62 = arith.constant 38 : i32
      %lt3A_63 = arith.cmpi slt, %scan3A_44, %lt3A_62 : i32
      %convert_element_type3A_64 = arith.extui %lt3A_63 : i1 to i32
      %cond3A_65 = arith.constant 0 : i32
      %cond3A_66 = arith.cmpi ne, %convert_element_type3A_64, %cond3A_65 : i32
      scf.if %cond3A_66 {
        %add3A_87 = arith.constant 2 : i32
        %add3A_88 = arith.addi %add3A_48, %add3A_87 : i32
        "tpu.region"() ({
          %run_scoped3A_89 = tpu.sem_alloc : memref<!tpu.dma_semaphore, #tpu.memory_space<semaphore_mem>>
          %dma_start3A_90 = arith.constant 0 : i32
          %dma_start3A_91 = arith.constant 0 : i32
          %dma_start3A_92 = tpu.memref_slice %arg3[%add3A_88, %dma_start3A_90, %dma_start3A_91] : memref<2500x2x128xi32, #tpu.memory_space<hbm>> -> memref<1x2x128xi32, #tpu.memory_space<hbm>>
          %dma_start3A_93 = tpu.memref_squeeze %dma_start3A_92 : memref<1x2x128xi32, #tpu.memory_space<hbm>> -> memref<2x128xi32, #tpu.memory_space<hbm>>
          %dma_start3A_94 = arith.constant 0 : i32
          %dma_start3A_95 = arith.constant 0 : i32
          %dma_start3A_96 = tpu.memref_slice %arg3[%add3A_88, %dma_start3A_94, %dma_start3A_95] : memref<2500x2x128xi32, #tpu.memory_space<hbm>> -> memref<1x2x128xi32, #tpu.memory_space<hbm>>
          %dma_start3A_97 = tpu.memref_squeeze %dma_start3A_96 : memref<1x2x128xi32, #tpu.memory_space<hbm>> -> memref<2x128xi32, #tpu.memory_space<hbm>>
          tpu.enqueue_dma source(%dma_start3A_97 : memref<2x128xi32, #tpu.memory_space<hbm>>) target(%arg6 : memref<2x128xi32, #tpu.memory_space<vmem>>) target_semaphore(%run_scoped3A_89 : memref<!tpu.dma_semaphore, #tpu.memory_space<semaphore_mem>>)
          %dma_wait3A_98 = arith.constant 0 : i32
          %dma_wait3A_99 = arith.constant 0 : i32
          %dma_wait3A_100 = tpu.memref_slice %arg3[%add3A_88, %dma_wait3A_98, %dma_wait3A_99] : memref<2500x2x128xi32, #tpu.memory_space<hbm>> -> memref<1x2x128xi32, #tpu.memory_space<hbm>>
          %dma_wait3A_101 = tpu.memref_squeeze %dma_wait3A_100 : memref<1x2x128xi32, #tpu.memory_space<hbm>> -> memref<2x128xi32, #tpu.memory_space<hbm>>
          %dma_wait3A_102 = arith.constant 0 : i32
          %dma_wait3A_103 = arith.constant 0 : i32
          %dma_wait3A_104 = tpu.memref_slice %arg3[%add3A_88, %dma_wait3A_102, %dma_wait3A_103] : memref<2500x2x128xi32, #tpu.memory_space<hbm>> -> memref<1x2x128xi32, #tpu.memory_space<hbm>>
          %dma_wait3A_105 = tpu.memref_squeeze %dma_wait3A_104 : memref<1x2x128xi32, #tpu.memory_space<hbm>> -> memref<2x128xi32, #tpu.memory_space<hbm>>
          tpu.wait_dma2 semaphore(%run_scoped3A_89 : memref<!tpu.dma_semaphore, #tpu.memory_space<semaphore_mem>>) src(%dma_wait3A_105 : memref<2x128xi32, #tpu.memory_space<hbm>>) dst(%arg6 : memref<2x128xi32, #tpu.memory_space<vmem>>)
          tpu.yield
        }) : () -> ()
      } else {
      }
      %add3A_67 = arith.constant 1 : i32
      %add3A_68 = arith.addi %add3A_48, %add3A_67 : i32
      %mul3A_69 = arith.constant 128 : i32
      %mul3A_70 = arith.muli %add3A_68, %mul3A_69 : i32
      %dma_wait3A_71 = arith.constant 0 : i32
      %dma_wait3A_72 = tpu.memref_slice %arg2[%mul3A_70, %dma_wait3A_71] : memref<320000x128xf32, #tpu.memory_space<hbm>> -> memref<128x128xf32, #tpu.memory_space<hbm>>
      %dma_wait3A_73 = arith.constant 0 : i32
      %dma_wait3A_74 = tpu.memref_slice %arg2[%mul3A_70, %dma_wait3A_73] : memref<320000x128xf32, #tpu.memory_space<hbm>> -> memref<128x128xf32, #tpu.memory_space<hbm>>
      tpu.wait_dma2 semaphore(%arg12 : memref<!tpu.dma_semaphore, #tpu.memory_space<semaphore_mem>>) src(%dma_wait3A_74 : memref<128x128xf32, #tpu.memory_space<hbm>>) dst(%arg9 : memref<128x128xf32, #tpu.memory_space<vmem>>)
      %lt3A_75 = arith.constant 38 : i32
      %lt3A_76 = arith.cmpi slt, %scan3A_44, %lt3A_75 : i32
      %convert_element_type3A_77 = arith.extui %lt3A_76 : i1 to i32
      %cond3A_78 = arith.constant 0 : i32
      %cond3A_79 = arith.cmpi ne, %convert_element_type3A_77, %cond3A_78 : i32
      scf.if %cond3A_79 {
        %add3A_87 = arith.constant 2 : i32
        %add3A_88 = arith.addi %add3A_48, %add3A_87 : i32
        %mul3A_89 = arith.constant 128 : i32
        %mul3A_90 = arith.muli %add3A_88, %mul3A_89 : i32
        %dma_start3A_91 = arith.constant 0 : i32
        %dma_start3A_92 = tpu.memref_slice %arg2[%mul3A_90, %dma_start3A_91] : memref<320000x128xf32, #tpu.memory_space<hbm>> -> memref<128x128xf32, #tpu.memory_space<hbm>>
        %dma_start3A_93 = arith.constant 0 : i32
        %dma_start3A_94 = tpu.memref_slice %arg2[%mul3A_90, %dma_start3A_93] : memref<320000x128xf32, #tpu.memory_space<hbm>> -> memref<128x128xf32, #tpu.memory_space<hbm>>
        tpu.enqueue_dma source(%dma_start3A_94 : memref<128x128xf32, #tpu.memory_space<hbm>>) target(%arg8 : memref<128x128xf32, #tpu.memory_space<vmem>>) target_semaphore(%arg11 : memref<!tpu.dma_semaphore, #tpu.memory_space<semaphore_mem>>)
      } else {
      }
      %run_scoped3A_80 = arith.constant 1 : i32
      "tpu.region"() ({
        %run_scoped3A_87 = tpu.sem_alloc : memref<!tpu.dma_semaphore, #tpu.memory_space<semaphore_mem>>
        %dma_start3A_88 = arith.constant 0 : i32
        %dma_start3A_89 = tpu.memref_slice %arg7[%run_scoped3A_80, %dma_start3A_88] : memref<2x128xi32, #tpu.memory_space<vmem>> -> memref<1x128xi32, #tpu.memory_space<vmem>>
        %dma_start3A_90 = tpu.memref_squeeze %dma_start3A_89 : memref<1x128xi32, #tpu.memory_space<vmem>> -> memref<128xi32, #tpu.memory_space<vmem>>
        %dma_start3A_91 = arith.constant 0 : i32
        %dma_start3A_92 = arith.constant 0 : i32
        %dma_start3A_93 = tpu.memref_slice %arg10[%dma_start3A_91, %dma_start3A_92] : memref<10000x128xf32, #tpu.memory_space<vmem_shared>> -> memref<10000x128xf32, #tpu.memory_space<vmem_shared>>
        tpu.enqueue_indirect_dma source(%arg9 : memref<128x128xf32, #tpu.memory_space<vmem>>) target(%dma_start3A_93 : memref<10000x128xf32, #tpu.memory_space<vmem_shared>>) offsets(%dma_start3A_90 : memref<128xi32, #tpu.memory_space<vmem>>) semaphore(%run_scoped3A_87 : memref<!tpu.dma_semaphore, #tpu.memory_space<semaphore_mem>>) {add = true}
        %dma_wait3A_94 = arith.constant 0 : i32
        %dma_wait3A_95 = tpu.memref_slice %arg7[%run_scoped3A_80, %dma_wait3A_94] : memref<2x128xi32, #tpu.memory_space<vmem>> -> memref<1x128xi32, #tpu.memory_space<vmem>>
        %dma_wait3A_96 = tpu.memref_squeeze %dma_wait3A_95 : memref<1x128xi32, #tpu.memory_space<vmem>> -> memref<128xi32, #tpu.memory_space<vmem>>
        %dma_wait3A_97 = arith.constant 0 : i32
        %dma_wait3A_98 = arith.constant 0 : i32
        %dma_wait3A_99 = tpu.memref_slice %arg10[%dma_wait3A_97, %dma_wait3A_98] : memref<10000x128xf32, #tpu.memory_space<vmem_shared>> -> memref<10000x128xf32, #tpu.memory_space<vmem_shared>>
        tpu.wait_indirect_dma semaphore(%run_scoped3A_87 : memref<!tpu.dma_semaphore, #tpu.memory_space<semaphore_mem>>) src(%arg9 : memref<128x128xf32, #tpu.memory_space<vmem>>) dst(%dma_wait3A_99 : memref<10000x128xf32, #tpu.memory_space<vmem_shared>>)
        tpu.yield
      }) : () -> ()
      %lt3A_81 = arith.constant 38 : i32
      %lt3A_82 = arith.cmpi slt, %scan3A_44, %lt3A_81 : i32
      %convert_element_type3A_83 = arith.extui %lt3A_82 : i1 to i32
      %cond3A_84 = arith.constant 0 : i32
      %cond3A_85 = arith.cmpi ne, %convert_element_type3A_83, %cond3A_84 : i32
      scf.if %cond3A_85 {
        %add3A_87 = arith.constant 3 : i32
        %add3A_88 = arith.addi %add3A_48, %add3A_87 : i32
        "tpu.region"() ({
          %run_scoped3A_89 = tpu.sem_alloc : memref<!tpu.dma_semaphore, #tpu.memory_space<semaphore_mem>>
          %dma_start3A_90 = arith.constant 0 : i32
          %dma_start3A_91 = arith.constant 0 : i32
          %dma_start3A_92 = tpu.memref_slice %arg3[%add3A_88, %dma_start3A_90, %dma_start3A_91] : memref<2500x2x128xi32, #tpu.memory_space<hbm>> -> memref<1x2x128xi32, #tpu.memory_space<hbm>>
          %dma_start3A_93 = tpu.memref_squeeze %dma_start3A_92 : memref<1x2x128xi32, #tpu.memory_space<hbm>> -> memref<2x128xi32, #tpu.memory_space<hbm>>
          %dma_start3A_94 = arith.constant 0 : i32
          %dma_start3A_95 = arith.constant 0 : i32
          %dma_start3A_96 = tpu.memref_slice %arg3[%add3A_88, %dma_start3A_94, %dma_start3A_95] : memref<2500x2x128xi32, #tpu.memory_space<hbm>> -> memref<1x2x128xi32, #tpu.memory_space<hbm>>
          %dma_start3A_97 = tpu.memref_squeeze %dma_start3A_96 : memref<1x2x128xi32, #tpu.memory_space<hbm>> -> memref<2x128xi32, #tpu.memory_space<hbm>>
          tpu.enqueue_dma source(%dma_start3A_97 : memref<2x128xi32, #tpu.memory_space<hbm>>) target(%arg7 : memref<2x128xi32, #tpu.memory_space<vmem>>) target_semaphore(%run_scoped3A_89 : memref<!tpu.dma_semaphore, #tpu.memory_space<semaphore_mem>>)
          %dma_wait3A_98 = arith.constant 0 : i32
          %dma_wait3A_99 = arith.constant 0 : i32
          %dma_wait3A_100 = tpu.memref_slice %arg3[%add3A_88, %dma_wait3A_98, %dma_wait3A_99] : memref<2500x2x128xi32, #tpu.memory_space<hbm>> -> memref<1x2x128xi32, #tpu.memory_space<hbm>>
          %dma_wait3A_101 = tpu.memref_squeeze %dma_wait3A_100 : memref<1x2x128xi32, #tpu.memory_space<hbm>> -> memref<2x128xi32, #tpu.memory_space<hbm>>
          %dma_wait3A_102 = arith.constant 0 : i32
          %dma_wait3A_103 = arith.constant 0 : i32
          %dma_wait3A_104 = tpu.memref_slice %arg3[%add3A_88, %dma_wait3A_102, %dma_wait3A_103] : memref<2500x2x128xi32, #tpu.memory_space<hbm>> -> memref<1x2x128xi32, #tpu.memory_space<hbm>>
          %dma_wait3A_105 = tpu.memref_squeeze %dma_wait3A_104 : memref<1x2x128xi32, #tpu.memory_space<hbm>> -> memref<2x128xi32, #tpu.memory_space<hbm>>
          tpu.wait_dma2 semaphore(%run_scoped3A_89 : memref<!tpu.dma_semaphore, #tpu.memory_space<semaphore_mem>>) src(%dma_wait3A_105 : memref<2x128xi32, #tpu.memory_space<hbm>>) dst(%arg7 : memref<2x128xi32, #tpu.memory_space<vmem>>)
          tpu.yield
        }) : () -> ()
      } else {
      }
      %scan3A_86 = arith.constant 0 : i32
      scf.yield %scan3A_86 : i32
    }
    %scan3A_33 = arith.constant 39 : i32
    %barrier3A_34 = arith.constant 0 : index
    tpu.barrier barrier_id(%barrier3A_34)
    %mul3A_35 = arith.constant 624 : i32
    %mul3A_36 = arith.muli %arg1, %mul3A_35 : i32
    %mul3A_37 = arith.constant 624 : i32
    %mul3A_38 = arith.muli %arg1, %mul3A_37 : i32
    "tpu.region"() ({
      %run_scoped3A = tpu.sem_alloc : memref<!tpu.dma_semaphore, #tpu.memory_space<semaphore_mem>>
      %dma_start3A_44 = arith.constant 0 : i32
      %dma_start3A_45 = arith.constant 0 : i32
      %dma_start3A_46 = tpu.memref_slice %arg5[%arg0, %dma_start3A_44, %dma_start3A_45] : memref<2x10000x128xf32, #tpu.memory_space<hbm>> -> memref<1x10000x128xf32, #tpu.memory_space<hbm>>
      %dma_start3A_47 = tpu.memref_squeeze %dma_start3A_46 : memref<1x10000x128xf32, #tpu.memory_space<hbm>> -> memref<10000x128xf32, #tpu.memory_space<hbm>>
      %dma_start3A_48 = arith.constant 0 : i32
      %dma_start3A_49 = tpu.memref_slice %dma_start3A_47[%mul3A_38, %dma_start3A_48] : memref<10000x128xf32, #tpu.memory_space<hbm>> -> memref<624x128xf32, #tpu.memory_space<hbm>>
      %dma_start3A_50 = arith.constant 0 : i32
      %dma_start3A_51 = tpu.memref_slice %arg10[%mul3A_36, %dma_start3A_50] : memref<10000x128xf32, #tpu.memory_space<vmem_shared>> -> memref<624x128xf32, #tpu.memory_space<vmem_shared>>
      tpu.enqueue_dma source(%dma_start3A_51 : memref<624x128xf32, #tpu.memory_space<vmem_shared>>) target(%dma_start3A_49 : memref<624x128xf32, #tpu.memory_space<hbm>>) target_semaphore(%run_scoped3A : memref<!tpu.dma_semaphore, #tpu.memory_space<semaphore_mem>>)
      %dma_wait3A = arith.constant 0 : i32
      %dma_wait3A_52 = arith.constant 0 : i32
      %dma_wait3A_53 = tpu.memref_slice %arg5[%arg0, %dma_wait3A, %dma_wait3A_52] : memref<2x10000x128xf32, #tpu.memory_space<hbm>> -> memref<1x10000x128xf32, #tpu.memory_space<hbm>>
      %dma_wait3A_54 = tpu.memref_squeeze %dma_wait3A_53 : memref<1x10000x128xf32, #tpu.memory_space<hbm>> -> memref<10000x128xf32, #tpu.memory_space<hbm>>
      %dma_wait3A_55 = arith.constant 0 : i32
      %dma_wait3A_56 = tpu.memref_slice %dma_wait3A_54[%mul3A_38, %dma_wait3A_55] : memref<10000x128xf32, #tpu.memory_space<hbm>> -> memref<624x128xf32, #tpu.memory_space<hbm>>
      %dma_wait3A_57 = arith.constant 0 : i32
      %dma_wait3A_58 = tpu.memref_slice %arg10[%mul3A_36, %dma_wait3A_57] : memref<10000x128xf32, #tpu.memory_space<vmem_shared>> -> memref<624x128xf32, #tpu.memory_space<vmem_shared>>
      tpu.wait_dma2 semaphore(%run_scoped3A : memref<!tpu.dma_semaphore, #tpu.memory_space<semaphore_mem>>) src(%dma_wait3A_58 : memref<624x128xf32, #tpu.memory_space<vmem_shared>>) dst(%dma_wait3A_56 : memref<624x128xf32, #tpu.memory_space<hbm>>)
      tpu.yield
    }) : () -> ()
    %eq3A_39 = arith.constant 15 : i32
    %eq3A_40 = arith.cmpi eq, %arg1, %eq3A_39 : i32
    %convert_element_type3A_41 = arith.extui %eq3A_40 : i1 to i32
    %cond3A_42 = arith.constant 0 : i32
    %cond3A_43 = arith.cmpi ne, %convert_element_type3A_41, %cond3A_42 : i32
    scf.if %cond3A_43 {
      "tpu.region"() ({
        %run_scoped3A = tpu.sem_alloc : memref<!tpu.dma_semaphore, #tpu.memory_space<semaphore_mem>>
        %dma_start3A_44 = arith.constant 0 : i32
        %dma_start3A_45 = arith.constant 0 : i32
        %dma_start3A_46 = tpu.memref_slice %arg5[%arg0, %dma_start3A_44, %dma_start3A_45] : memref<2x10000x128xf32, #tpu.memory_space<hbm>> -> memref<1x10000x128xf32, #tpu.memory_space<hbm>>
        %dma_start3A_47 = tpu.memref_squeeze %dma_start3A_46 : memref<1x10000x128xf32, #tpu.memory_space<hbm>> -> memref<10000x128xf32, #tpu.memory_space<hbm>>
        %dma_start3A_48 = arith.constant 9984 : i32
        %dma_start3A_49 = arith.constant 0 : i32
        %dma_start3A_50 = tpu.memref_slice %dma_start3A_47[%dma_start3A_48, %dma_start3A_49] : memref<10000x128xf32, #tpu.memory_space<hbm>> -> memref<16x128xf32, #tpu.memory_space<hbm>>
        %dma_start3A_51 = arith.constant 9984 : i32
        %dma_start3A_52 = arith.constant 0 : i32
        %dma_start3A_53 = tpu.memref_slice %arg10[%dma_start3A_51, %dma_start3A_52] : memref<10000x128xf32, #tpu.memory_space<vmem_shared>> -> memref<16x128xf32, #tpu.memory_space<vmem_shared>>
        tpu.enqueue_dma source(%dma_start3A_53 : memref<16x128xf32, #tpu.memory_space<vmem_shared>>) target(%dma_start3A_50 : memref<16x128xf32, #tpu.memory_space<hbm>>) target_semaphore(%run_scoped3A : memref<!tpu.dma_semaphore, #tpu.memory_space<semaphore_mem>>)
        %dma_wait3A = arith.constant 0 : i32
        %dma_wait3A_54 = arith.constant 0 : i32
        %dma_wait3A_55 = tpu.memref_slice %arg5[%arg0, %dma_wait3A, %dma_wait3A_54] : memref<2x10000x128xf32, #tpu.memory_space<hbm>> -> memref<1x10000x128xf32, #tpu.memory_space<hbm>>
        %dma_wait3A_56 = tpu.memref_squeeze %dma_wait3A_55 : memref<1x10000x128xf32, #tpu.memory_space<hbm>> -> memref<10000x128xf32, #tpu.memory_space<hbm>>
        %dma_wait3A_57 = arith.constant 9984 : i32
        %dma_wait3A_58 = arith.constant 0 : i32
        %dma_wait3A_59 = tpu.memref_slice %dma_wait3A_56[%dma_wait3A_57, %dma_wait3A_58] : memref<10000x128xf32, #tpu.memory_space<hbm>> -> memref<16x128xf32, #tpu.memory_space<hbm>>
        %dma_wait3A_60 = arith.constant 9984 : i32
        %dma_wait3A_61 = arith.constant 0 : i32
        %dma_wait3A_62 = tpu.memref_slice %arg10[%dma_wait3A_60, %dma_wait3A_61] : memref<10000x128xf32, #tpu.memory_space<vmem_shared>> -> memref<16x128xf32, #tpu.memory_space<vmem_shared>>
        tpu.wait_dma2 semaphore(%run_scoped3A : memref<!tpu.dma_semaphore, #tpu.memory_space<semaphore_mem>>) src(%dma_wait3A_62 : memref<16x128xf32, #tpu.memory_space<vmem_shared>>) dst(%dma_wait3A_59 : memref<16x128xf32, #tpu.memory_space<hbm>>)
        tpu.yield
      }) : () -> ()
    } else {
    }
    return
  }
}

#map = affine_map<(d0, d1) -> (0, 0)>
#map1 = affine_map<(d0, d1) -> (0, 0, 0)>
module attributes {stable_mosaic.version = 14 : i64} {
  func.func @seg_sum(%arg0: i32, %arg1: i32, %arg2: memref<10000x128xf32, #tpu.memory_space<hbm>>, %arg3: memref<2500x2x128xi32, #tpu.memory_space<hbm>>, %arg4: memref<128x128xf32, #tpu.memory_space<hbm>>, %arg5: memref<2x10000x128xf32, #tpu.memory_space<hbm>>, %arg6: memref<2x128xi32, #tpu.memory_space<vmem>>, %arg7: memref<2x128xi32, #tpu.memory_space<vmem>>, %arg8: memref<128x128xf32, #tpu.memory_space<vmem>>, %arg9: memref<128x128xf32, #tpu.memory_space<vmem>>, %arg10: memref<10000x128xf32, #tpu.memory_space<vmem_shared>>, %arg11: memref<!tpu.dma_semaphore, #tpu.memory_space<semaphore_mem>>, %arg12: memref<!tpu.dma_semaphore, #tpu.memory_space<semaphore_mem>>) attributes {dimension_semantics = [#tpu.dimension_semantics<core_parallel>, #tpu.dimension_semantics<subcore_parallel>], iteration_bounds = array<i64: 2, 16>, scalar_prefetch = 0 : i64, scratch_operands = 7 : i64, tpu.core_type = #tpu.core_type<sc_vector_subcore>, window_params = [{transform_indices = #map}, {transform_indices = #map1}, {transform_indices = #map}, {transform_indices = #map1}]} {
    %mul3A = arith.constant 16 : i32
    %mul3A_0 = arith.muli %arg0, %mul3A : i32
    %add3A = arith.addi %mul3A_0, %arg1 : i32
    %mul3A_1 = arith.constant 78 : i32
    %mul3A_2 = arith.muli %add3A, %mul3A_1 : i32
    "tpu.region"() ({
      %run_scoped3A = tpu.sem_alloc : memref<!tpu.dma_semaphore, #tpu.memory_space<semaphore_mem>>
      tpu.enqueue_dma source(%arg4 : memref<128x128xf32, #tpu.memory_space<hbm>>) target(%arg8 : memref<128x128xf32, #tpu.memory_space<vmem>>) target_semaphore(%run_scoped3A : memref<!tpu.dma_semaphore, #tpu.memory_space<semaphore_mem>>)
      tpu.wait_dma2 semaphore(%run_scoped3A : memref<!tpu.dma_semaphore, #tpu.memory_space<semaphore_mem>>) src(%arg4 : memref<128x128xf32, #tpu.memory_space<hbm>>) dst(%arg8 : memref<128x128xf32, #tpu.memory_space<vmem>>)
      tpu.yield
    }) : () -> ()
    %mul3A_3 = arith.constant 624 : i32
    %mul3A_4 = arith.muli %arg1, %mul3A_3 : i32
    %add3A_5 = arith.constant 0 : i32
    %add3A_6 = arith.addi %mul3A_4, %add3A_5 : i32
    "tpu.region"() ({
      %run_scoped3A = tpu.sem_alloc : memref<!tpu.dma_semaphore, #tpu.memory_space<semaphore_mem>>
      %dma_start3A_45 = arith.constant 0 : i32
      %dma_start3A_46 = arith.constant 0 : i32
      %dma_start3A_47 = tpu.memref_slice %arg8[%dma_start3A_45, %dma_start3A_46] : memref<128x128xf32, #tpu.memory_space<vmem>> -> memref<128x128xf32, #tpu.memory_space<vmem>>
      %dma_start3A_48 = arith.constant 0 : i32
      %dma_start3A_49 = tpu.memref_slice %arg10[%add3A_6, %dma_start3A_48] : memref<10000x128xf32, #tpu.memory_space<vmem_shared>> -> memref<128x128xf32, #tpu.memory_space<vmem_shared>>
      %dma_start3A_50 = arith.constant 0 : i32
      %dma_start3A_51 = tpu.memref_slice %arg10[%add3A_6, %dma_start3A_50] : memref<10000x128xf32, #tpu.memory_space<vmem_shared>> -> memref<128x128xf32, #tpu.memory_space<vmem_shared>>
      %dma_start3A_52 = arith.constant 0 : i32
      %dma_start3A_53 = arith.constant 0 : i32
      %dma_start3A_54 = tpu.memref_slice %arg8[%dma_start3A_52, %dma_start3A_53] : memref<128x128xf32, #tpu.memory_space<vmem>> -> memref<128x128xf32, #tpu.memory_space<vmem>>
      tpu.enqueue_dma source(%dma_start3A_54 : memref<128x128xf32, #tpu.memory_space<vmem>>) target(%dma_start3A_51 : memref<128x128xf32, #tpu.memory_space<vmem_shared>>) target_semaphore(%run_scoped3A : memref<!tpu.dma_semaphore, #tpu.memory_space<semaphore_mem>>)
      %dma_wait3A = arith.constant 0 : i32
      %dma_wait3A_55 = arith.constant 0 : i32
      %dma_wait3A_56 = tpu.memref_slice %arg8[%dma_wait3A, %dma_wait3A_55] : memref<128x128xf32, #tpu.memory_space<vmem>> -> memref<128x128xf32, #tpu.memory_space<vmem>>
      %dma_wait3A_57 = arith.constant 0 : i32
      %dma_wait3A_58 = tpu.memref_slice %arg10[%add3A_6, %dma_wait3A_57] : memref<10000x128xf32, #tpu.memory_space<vmem_shared>> -> memref<128x128xf32, #tpu.memory_space<vmem_shared>>
      %dma_wait3A_59 = arith.constant 0 : i32
      %dma_wait3A_60 = tpu.memref_slice %arg10[%add3A_6, %dma_wait3A_59] : memref<10000x128xf32, #tpu.memory_space<vmem_shared>> -> memref<128x128xf32, #tpu.memory_space<vmem_shared>>
      %dma_wait3A_61 = arith.constant 0 : i32
      %dma_wait3A_62 = arith.constant 0 : i32
      %dma_wait3A_63 = tpu.memref_slice %arg8[%dma_wait3A_61, %dma_wait3A_62] : memref<128x128xf32, #tpu.memory_space<vmem>> -> memref<128x128xf32, #tpu.memory_space<vmem>>
      tpu.wait_dma2 semaphore(%run_scoped3A : memref<!tpu.dma_semaphore, #tpu.memory_space<semaphore_mem>>) src(%dma_wait3A_63 : memref<128x128xf32, #tpu.memory_space<vmem>>) dst(%dma_wait3A_60 : memref<128x128xf32, #tpu.memory_space<vmem_shared>>)
      tpu.yield
    }) : () -> ()
    %add3A_7 = arith.constant 128 : i32
    %add3A_8 = arith.addi %mul3A_4, %add3A_7 : i32
    "tpu.region"() ({
      %run_scoped3A = tpu.sem_alloc : memref<!tpu.dma_semaphore, #tpu.memory_space<semaphore_mem>>
      %dma_start3A_45 = arith.constant 0 : i32
      %dma_start3A_46 = arith.constant 0 : i32
      %dma_start3A_47 = tpu.memref_slice %arg8[%dma_start3A_45, %dma_start3A_46] : memref<128x128xf32, #tpu.memory_space<vmem>> -> memref<128x128xf32, #tpu.memory_space<vmem>>
      %dma_start3A_48 = arith.constant 0 : i32
      %dma_start3A_49 = tpu.memref_slice %arg10[%add3A_8, %dma_start3A_48] : memref<10000x128xf32, #tpu.memory_space<vmem_shared>> -> memref<128x128xf32, #tpu.memory_space<vmem_shared>>
      %dma_start3A_50 = arith.constant 0 : i32
      %dma_start3A_51 = tpu.memref_slice %arg10[%add3A_8, %dma_start3A_50] : memref<10000x128xf32, #tpu.memory_space<vmem_shared>> -> memref<128x128xf32, #tpu.memory_space<vmem_shared>>
      %dma_start3A_52 = arith.constant 0 : i32
      %dma_start3A_53 = arith.constant 0 : i32
      %dma_start3A_54 = tpu.memref_slice %arg8[%dma_start3A_52, %dma_start3A_53] : memref<128x128xf32, #tpu.memory_space<vmem>> -> memref<128x128xf32, #tpu.memory_space<vmem>>
      tpu.enqueue_dma source(%dma_start3A_54 : memref<128x128xf32, #tpu.memory_space<vmem>>) target(%dma_start3A_51 : memref<128x128xf32, #tpu.memory_space<vmem_shared>>) target_semaphore(%run_scoped3A : memref<!tpu.dma_semaphore, #tpu.memory_space<semaphore_mem>>)
      %dma_wait3A = arith.constant 0 : i32
      %dma_wait3A_55 = arith.constant 0 : i32
      %dma_wait3A_56 = tpu.memref_slice %arg8[%dma_wait3A, %dma_wait3A_55] : memref<128x128xf32, #tpu.memory_space<vmem>> -> memref<128x128xf32, #tpu.memory_space<vmem>>
      %dma_wait3A_57 = arith.constant 0 : i32
      %dma_wait3A_58 = tpu.memref_slice %arg10[%add3A_8, %dma_wait3A_57] : memref<10000x128xf32, #tpu.memory_space<vmem_shared>> -> memref<128x128xf32, #tpu.memory_space<vmem_shared>>
      %dma_wait3A_59 = arith.constant 0 : i32
      %dma_wait3A_60 = tpu.memref_slice %arg10[%add3A_8, %dma_wait3A_59] : memref<10000x128xf32, #tpu.memory_space<vmem_shared>> -> memref<128x128xf32, #tpu.memory_space<vmem_shared>>
      %dma_wait3A_61 = arith.constant 0 : i32
      %dma_wait3A_62 = arith.constant 0 : i32
      %dma_wait3A_63 = tpu.memref_slice %arg8[%dma_wait3A_61, %dma_wait3A_62] : memref<128x128xf32, #tpu.memory_space<vmem>> -> memref<128x128xf32, #tpu.memory_space<vmem>>
      tpu.wait_dma2 semaphore(%run_scoped3A : memref<!tpu.dma_semaphore, #tpu.memory_space<semaphore_mem>>) src(%dma_wait3A_63 : memref<128x128xf32, #tpu.memory_space<vmem>>) dst(%dma_wait3A_60 : memref<128x128xf32, #tpu.memory_space<vmem_shared>>)
      tpu.yield
    }) : () -> ()
    %add3A_9 = arith.constant 256 : i32
    %add3A_10 = arith.addi %mul3A_4, %add3A_9 : i32
    "tpu.region"() ({
      %run_scoped3A = tpu.sem_alloc : memref<!tpu.dma_semaphore, #tpu.memory_space<semaphore_mem>>
      %dma_start3A_45 = arith.constant 0 : i32
      %dma_start3A_46 = arith.constant 0 : i32
      %dma_start3A_47 = tpu.memref_slice %arg8[%dma_start3A_45, %dma_start3A_46] : memref<128x128xf32, #tpu.memory_space<vmem>> -> memref<128x128xf32, #tpu.memory_space<vmem>>
      %dma_start3A_48 = arith.constant 0 : i32
      %dma_start3A_49 = tpu.memref_slice %arg10[%add3A_10, %dma_start3A_48] : memref<10000x128xf32, #tpu.memory_space<vmem_shared>> -> memref<128x128xf32, #tpu.memory_space<vmem_shared>>
      %dma_start3A_50 = arith.constant 0 : i32
      %dma_start3A_51 = tpu.memref_slice %arg10[%add3A_10, %dma_start3A_50] : memref<10000x128xf32, #tpu.memory_space<vmem_shared>> -> memref<128x128xf32, #tpu.memory_space<vmem_shared>>
      %dma_start3A_52 = arith.constant 0 : i32
      %dma_start3A_53 = arith.constant 0 : i32
      %dma_start3A_54 = tpu.memref_slice %arg8[%dma_start3A_52, %dma_start3A_53] : memref<128x128xf32, #tpu.memory_space<vmem>> -> memref<128x128xf32, #tpu.memory_space<vmem>>
      tpu.enqueue_dma source(%dma_start3A_54 : memref<128x128xf32, #tpu.memory_space<vmem>>) target(%dma_start3A_51 : memref<128x128xf32, #tpu.memory_space<vmem_shared>>) target_semaphore(%run_scoped3A : memref<!tpu.dma_semaphore, #tpu.memory_space<semaphore_mem>>)
      %dma_wait3A = arith.constant 0 : i32
      %dma_wait3A_55 = arith.constant 0 : i32
      %dma_wait3A_56 = tpu.memref_slice %arg8[%dma_wait3A, %dma_wait3A_55] : memref<128x128xf32, #tpu.memory_space<vmem>> -> memref<128x128xf32, #tpu.memory_space<vmem>>
      %dma_wait3A_57 = arith.constant 0 : i32
      %dma_wait3A_58 = tpu.memref_slice %arg10[%add3A_10, %dma_wait3A_57] : memref<10000x128xf32, #tpu.memory_space<vmem_shared>> -> memref<128x128xf32, #tpu.memory_space<vmem_shared>>
      %dma_wait3A_59 = arith.constant 0 : i32
      %dma_wait3A_60 = tpu.memref_slice %arg10[%add3A_10, %dma_wait3A_59] : memref<10000x128xf32, #tpu.memory_space<vmem_shared>> -> memref<128x128xf32, #tpu.memory_space<vmem_shared>>
      %dma_wait3A_61 = arith.constant 0 : i32
      %dma_wait3A_62 = arith.constant 0 : i32
      %dma_wait3A_63 = tpu.memref_slice %arg8[%dma_wait3A_61, %dma_wait3A_62] : memref<128x128xf32, #tpu.memory_space<vmem>> -> memref<128x128xf32, #tpu.memory_space<vmem>>
      tpu.wait_dma2 semaphore(%run_scoped3A : memref<!tpu.dma_semaphore, #tpu.memory_space<semaphore_mem>>) src(%dma_wait3A_63 : memref<128x128xf32, #tpu.memory_space<vmem>>) dst(%dma_wait3A_60 : memref<128x128xf32, #tpu.memory_space<vmem_shared>>)
      tpu.yield
    }) : () -> ()
    %add3A_11 = arith.constant 384 : i32
    %add3A_12 = arith.addi %mul3A_4, %add3A_11 : i32
    "tpu.region"() ({
      %run_scoped3A = tpu.sem_alloc : memref<!tpu.dma_semaphore, #tpu.memory_space<semaphore_mem>>
      %dma_start3A_45 = arith.constant 0 : i32
      %dma_start3A_46 = arith.constant 0 : i32
      %dma_start3A_47 = tpu.memref_slice %arg8[%dma_start3A_45, %dma_start3A_46] : memref<128x128xf32, #tpu.memory_space<vmem>> -> memref<128x128xf32, #tpu.memory_space<vmem>>
      %dma_start3A_48 = arith.constant 0 : i32
      %dma_start3A_49 = tpu.memref_slice %arg10[%add3A_12, %dma_start3A_48] : memref<10000x128xf32, #tpu.memory_space<vmem_shared>> -> memref<128x128xf32, #tpu.memory_space<vmem_shared>>
      %dma_start3A_50 = arith.constant 0 : i32
      %dma_start3A_51 = tpu.memref_slice %arg10[%add3A_12, %dma_start3A_50] : memref<10000x128xf32, #tpu.memory_space<vmem_shared>> -> memref<128x128xf32, #tpu.memory_space<vmem_shared>>
      %dma_start3A_52 = arith.constant 0 : i32
      %dma_start3A_53 = arith.constant 0 : i32
      %dma_start3A_54 = tpu.memref_slice %arg8[%dma_start3A_52, %dma_start3A_53] : memref<128x128xf32, #tpu.memory_space<vmem>> -> memref<128x128xf32, #tpu.memory_space<vmem>>
      tpu.enqueue_dma source(%dma_start3A_54 : memref<128x128xf32, #tpu.memory_space<vmem>>) target(%dma_start3A_51 : memref<128x128xf32, #tpu.memory_space<vmem_shared>>) target_semaphore(%run_scoped3A : memref<!tpu.dma_semaphore, #tpu.memory_space<semaphore_mem>>)
      %dma_wait3A = arith.constant 0 : i32
      %dma_wait3A_55 = arith.constant 0 : i32
      %dma_wait3A_56 = tpu.memref_slice %arg8[%dma_wait3A, %dma_wait3A_55] : memref<128x128xf32, #tpu.memory_space<vmem>> -> memref<128x128xf32, #tpu.memory_space<vmem>>
      %dma_wait3A_57 = arith.constant 0 : i32
      %dma_wait3A_58 = tpu.memref_slice %arg10[%add3A_12, %dma_wait3A_57] : memref<10000x128xf32, #tpu.memory_space<vmem_shared>> -> memref<128x128xf32, #tpu.memory_space<vmem_shared>>
      %dma_wait3A_59 = arith.constant 0 : i32
      %dma_wait3A_60 = tpu.memref_slice %arg10[%add3A_12, %dma_wait3A_59] : memref<10000x128xf32, #tpu.memory_space<vmem_shared>> -> memref<128x128xf32, #tpu.memory_space<vmem_shared>>
      %dma_wait3A_61 = arith.constant 0 : i32
      %dma_wait3A_62 = arith.constant 0 : i32
      %dma_wait3A_63 = tpu.memref_slice %arg8[%dma_wait3A_61, %dma_wait3A_62] : memref<128x128xf32, #tpu.memory_space<vmem>> -> memref<128x128xf32, #tpu.memory_space<vmem>>
      tpu.wait_dma2 semaphore(%run_scoped3A : memref<!tpu.dma_semaphore, #tpu.memory_space<semaphore_mem>>) src(%dma_wait3A_63 : memref<128x128xf32, #tpu.memory_space<vmem>>) dst(%dma_wait3A_60 : memref<128x128xf32, #tpu.memory_space<vmem_shared>>)
      tpu.yield
    }) : () -> ()
    %add3A_13 = arith.constant 512 : i32
    %add3A_14 = arith.addi %mul3A_4, %add3A_13 : i32
    "tpu.region"() ({
      %run_scoped3A = tpu.sem_alloc : memref<!tpu.dma_semaphore, #tpu.memory_space<semaphore_mem>>
      %dma_start3A_45 = arith.constant 0 : i32
      %dma_start3A_46 = arith.constant 0 : i32
      %dma_start3A_47 = tpu.memref_slice %arg8[%dma_start3A_45, %dma_start3A_46] : memref<128x128xf32, #tpu.memory_space<vmem>> -> memref<112x128xf32, #tpu.memory_space<vmem>>
      %dma_start3A_48 = arith.constant 0 : i32
      %dma_start3A_49 = tpu.memref_slice %arg10[%add3A_14, %dma_start3A_48] : memref<10000x128xf32, #tpu.memory_space<vmem_shared>> -> memref<112x128xf32, #tpu.memory_space<vmem_shared>>
      %dma_start3A_50 = arith.constant 0 : i32
      %dma_start3A_51 = tpu.memref_slice %arg10[%add3A_14, %dma_start3A_50] : memref<10000x128xf32, #tpu.memory_space<vmem_shared>> -> memref<112x128xf32, #tpu.memory_space<vmem_shared>>
      %dma_start3A_52 = arith.constant 0 : i32
      %dma_start3A_53 = arith.constant 0 : i32
      %dma_start3A_54 = tpu.memref_slice %arg8[%dma_start3A_52, %dma_start3A_53] : memref<128x128xf32, #tpu.memory_space<vmem>> -> memref<112x128xf32, #tpu.memory_space<vmem>>
      tpu.enqueue_dma source(%dma_start3A_54 : memref<112x128xf32, #tpu.memory_space<vmem>>) target(%dma_start3A_51 : memref<112x128xf32, #tpu.memory_space<vmem_shared>>) target_semaphore(%run_scoped3A : memref<!tpu.dma_semaphore, #tpu.memory_space<semaphore_mem>>)
      %dma_wait3A = arith.constant 0 : i32
      %dma_wait3A_55 = arith.constant 0 : i32
      %dma_wait3A_56 = tpu.memref_slice %arg8[%dma_wait3A, %dma_wait3A_55] : memref<128x128xf32, #tpu.memory_space<vmem>> -> memref<112x128xf32, #tpu.memory_space<vmem>>
      %dma_wait3A_57 = arith.constant 0 : i32
      %dma_wait3A_58 = tpu.memref_slice %arg10[%add3A_14, %dma_wait3A_57] : memref<10000x128xf32, #tpu.memory_space<vmem_shared>> -> memref<112x128xf32, #tpu.memory_space<vmem_shared>>
      %dma_wait3A_59 = arith.constant 0 : i32
      %dma_wait3A_60 = tpu.memref_slice %arg10[%add3A_14, %dma_wait3A_59] : memref<10000x128xf32, #tpu.memory_space<vmem_shared>> -> memref<112x128xf32, #tpu.memory_space<vmem_shared>>
      %dma_wait3A_61 = arith.constant 0 : i32
      %dma_wait3A_62 = arith.constant 0 : i32
      %dma_wait3A_63 = tpu.memref_slice %arg8[%dma_wait3A_61, %dma_wait3A_62] : memref<128x128xf32, #tpu.memory_space<vmem>> -> memref<112x128xf32, #tpu.memory_space<vmem>>
      tpu.wait_dma2 semaphore(%run_scoped3A : memref<!tpu.dma_semaphore, #tpu.memory_space<semaphore_mem>>) src(%dma_wait3A_63 : memref<112x128xf32, #tpu.memory_space<vmem>>) dst(%dma_wait3A_60 : memref<112x128xf32, #tpu.memory_space<vmem_shared>>)
      tpu.yield
    }) : () -> ()
    %eq3A = arith.constant 15 : i32
    %eq3A_15 = arith.cmpi eq, %arg1, %eq3A : i32
    %convert_element_type3A = arith.extui %eq3A_15 : i1 to i32
    %cond3A = arith.constant 0 : i32
    %cond3A_16 = arith.cmpi ne, %convert_element_type3A, %cond3A : i32
    scf.if %cond3A_16 {
      "tpu.region"() ({
        %run_scoped3A = tpu.sem_alloc : memref<!tpu.dma_semaphore, #tpu.memory_space<semaphore_mem>>
        %dma_start3A_45 = arith.constant 0 : i32
        %dma_start3A_46 = arith.constant 0 : i32
        %dma_start3A_47 = tpu.memref_slice %arg8[%dma_start3A_45, %dma_start3A_46] : memref<128x128xf32, #tpu.memory_space<vmem>> -> memref<16x128xf32, #tpu.memory_space<vmem>>
        %dma_start3A_48 = arith.constant 9984 : i32
        %dma_start3A_49 = arith.constant 0 : i32
        %dma_start3A_50 = tpu.memref_slice %arg10[%dma_start3A_48, %dma_start3A_49] : memref<10000x128xf32, #tpu.memory_space<vmem_shared>> -> memref<16x128xf32, #tpu.memory_space<vmem_shared>>
        %dma_start3A_51 = arith.constant 9984 : i32
        %dma_start3A_52 = arith.constant 0 : i32
        %dma_start3A_53 = tpu.memref_slice %arg10[%dma_start3A_51, %dma_start3A_52] : memref<10000x128xf32, #tpu.memory_space<vmem_shared>> -> memref<16x128xf32, #tpu.memory_space<vmem_shared>>
        %dma_start3A_54 = arith.constant 0 : i32
        %dma_start3A_55 = arith.constant 0 : i32
        %dma_start3A_56 = tpu.memref_slice %arg8[%dma_start3A_54, %dma_start3A_55] : memref<128x128xf32, #tpu.memory_space<vmem>> -> memref<16x128xf32, #tpu.memory_space<vmem>>
        tpu.enqueue_dma source(%dma_start3A_56 : memref<16x128xf32, #tpu.memory_space<vmem>>) target(%dma_start3A_53 : memref<16x128xf32, #tpu.memory_space<vmem_shared>>) target_semaphore(%run_scoped3A : memref<!tpu.dma_semaphore, #tpu.memory_space<semaphore_mem>>)
        %dma_wait3A = arith.constant 0 : i32
        %dma_wait3A_57 = arith.constant 0 : i32
        %dma_wait3A_58 = tpu.memref_slice %arg8[%dma_wait3A, %dma_wait3A_57] : memref<128x128xf32, #tpu.memory_space<vmem>> -> memref<16x128xf32, #tpu.memory_space<vmem>>
        %dma_wait3A_59 = arith.constant 9984 : i32
        %dma_wait3A_60 = arith.constant 0 : i32
        %dma_wait3A_61 = tpu.memref_slice %arg10[%dma_wait3A_59, %dma_wait3A_60] : memref<10000x128xf32, #tpu.memory_space<vmem_shared>> -> memref<16x128xf32, #tpu.memory_space<vmem_shared>>
        %dma_wait3A_62 = arith.constant 9984 : i32
        %dma_wait3A_63 = arith.constant 0 : i32
        %dma_wait3A_64 = tpu.memref_slice %arg10[%dma_wait3A_62, %dma_wait3A_63] : memref<10000x128xf32, #tpu.memory_space<vmem_shared>> -> memref<16x128xf32, #tpu.memory_space<vmem_shared>>
        %dma_wait3A_65 = arith.constant 0 : i32
        %dma_wait3A_66 = arith.constant 0 : i32
        %dma_wait3A_67 = tpu.memref_slice %arg8[%dma_wait3A_65, %dma_wait3A_66] : memref<128x128xf32, #tpu.memory_space<vmem>> -> memref<16x128xf32, #tpu.memory_space<vmem>>
        tpu.wait_dma2 semaphore(%run_scoped3A : memref<!tpu.dma_semaphore, #tpu.memory_space<semaphore_mem>>) src(%dma_wait3A_67 : memref<16x128xf32, #tpu.memory_space<vmem>>) dst(%dma_wait3A_64 : memref<16x128xf32, #tpu.memory_space<vmem_shared>>)
        tpu.yield
      }) : () -> ()
    } else {
    }
    %barrier3A = arith.constant 0 : index
    tpu.barrier barrier_id(%barrier3A)
    %lt3A = arith.constant 4 : i32
    %lt3A_17 = arith.cmpi slt, %add3A, %lt3A : i32
    %convert_element_type3A_18 = arith.extui %lt3A_17 : i1 to i32
    %cond3A_19 = arith.constant 0 : i32
    %cond3A_20 = arith.cmpi ne, %convert_element_type3A_18, %cond3A_19 : i32
    scf.if %cond3A_20 {
      %add3A_45 = arith.constant 2496 : i32
      %add3A_46 = arith.addi %add3A_45, %add3A : i32
      "tpu.region"() ({
        %run_scoped3A_60 = tpu.sem_alloc : memref<!tpu.dma_semaphore, #tpu.memory_space<semaphore_mem>>
        %dma_start3A_61 = arith.constant 0 : i32
        %dma_start3A_62 = arith.constant 0 : i32
        %dma_start3A_63 = tpu.memref_slice %arg3[%add3A_46, %dma_start3A_61, %dma_start3A_62] : memref<2500x2x128xi32, #tpu.memory_space<hbm>> -> memref<1x2x128xi32, #tpu.memory_space<hbm>>
        %dma_start3A_64 = tpu.memref_squeeze %dma_start3A_63 : memref<1x2x128xi32, #tpu.memory_space<hbm>> -> memref<2x128xi32, #tpu.memory_space<hbm>>
        %dma_start3A_65 = arith.constant 0 : i32
        %dma_start3A_66 = arith.constant 0 : i32
        %dma_start3A_67 = tpu.memref_slice %arg3[%add3A_46, %dma_start3A_65, %dma_start3A_66] : memref<2500x2x128xi32, #tpu.memory_space<hbm>> -> memref<1x2x128xi32, #tpu.memory_space<hbm>>
        %dma_start3A_68 = tpu.memref_squeeze %dma_start3A_67 : memref<1x2x128xi32, #tpu.memory_space<hbm>> -> memref<2x128xi32, #tpu.memory_space<hbm>>
        tpu.enqueue_dma source(%dma_start3A_68 : memref<2x128xi32, #tpu.memory_space<hbm>>) target(%arg6 : memref<2x128xi32, #tpu.memory_space<vmem>>) target_semaphore(%run_scoped3A_60 : memref<!tpu.dma_semaphore, #tpu.memory_space<semaphore_mem>>)
        %dma_wait3A_69 = arith.constant 0 : i32
        %dma_wait3A_70 = arith.constant 0 : i32
        %dma_wait3A_71 = tpu.memref_slice %arg3[%add3A_46, %dma_wait3A_69, %dma_wait3A_70] : memref<2500x2x128xi32, #tpu.memory_space<hbm>> -> memref<1x2x128xi32, #tpu.memory_space<hbm>>
        %dma_wait3A_72 = tpu.memref_squeeze %dma_wait3A_71 : memref<1x2x128xi32, #tpu.memory_space<hbm>> -> memref<2x128xi32, #tpu.memory_space<hbm>>
        %dma_wait3A_73 = arith.constant 0 : i32
        %dma_wait3A_74 = arith.constant 0 : i32
        %dma_wait3A_75 = tpu.memref_slice %arg3[%add3A_46, %dma_wait3A_73, %dma_wait3A_74] : memref<2500x2x128xi32, #tpu.memory_space<hbm>> -> memref<1x2x128xi32, #tpu.memory_space<hbm>>
        %dma_wait3A_76 = tpu.memref_squeeze %dma_wait3A_75 : memref<1x2x128xi32, #tpu.memory_space<hbm>> -> memref<2x128xi32, #tpu.memory_space<hbm>>
        tpu.wait_dma2 semaphore(%run_scoped3A_60 : memref<!tpu.dma_semaphore, #tpu.memory_space<semaphore_mem>>) src(%dma_wait3A_76 : memref<2x128xi32, #tpu.memory_space<hbm>>) dst(%arg6 : memref<2x128xi32, #tpu.memory_space<vmem>>)
        tpu.yield
      }) : () -> ()
      %dma_start3A_47 = arith.constant 0 : i32
      %dma_start3A_48 = arith.constant 0 : i32
      %dma_start3A_49 = tpu.memref_slice %arg6[%dma_start3A_47, %dma_start3A_48] : memref<2x128xi32, #tpu.memory_space<vmem>> -> memref<1x128xi32, #tpu.memory_space<vmem>>
      %dma_start3A_50 = tpu.memref_squeeze %dma_start3A_49 : memref<1x128xi32, #tpu.memory_space<vmem>> -> memref<128xi32, #tpu.memory_space<vmem>>
      %dma_start3A_51 = arith.constant 0 : i32
      %dma_start3A_52 = arith.constant 0 : i32
      %dma_start3A_53 = tpu.memref_slice %arg2[%dma_start3A_51, %dma_start3A_52] : memref<10000x128xf32, #tpu.memory_space<hbm>> -> memref<10000x128xf32, #tpu.memory_space<hbm>>
      tpu.enqueue_indirect_dma source(%dma_start3A_53 : memref<10000x128xf32, #tpu.memory_space<hbm>>) target(%arg8 : memref<128x128xf32, #tpu.memory_space<vmem>>) offsets(%dma_start3A_50 : memref<128xi32, #tpu.memory_space<vmem>>) semaphore(%arg11 : memref<!tpu.dma_semaphore, #tpu.memory_space<semaphore_mem>>)
      %dma_wait3A = arith.constant 0 : i32
      %dma_wait3A_54 = arith.constant 0 : i32
      %dma_wait3A_55 = tpu.memref_slice %arg6[%dma_wait3A, %dma_wait3A_54] : memref<2x128xi32, #tpu.memory_space<vmem>> -> memref<1x128xi32, #tpu.memory_space<vmem>>
      %dma_wait3A_56 = tpu.memref_squeeze %dma_wait3A_55 : memref<1x128xi32, #tpu.memory_space<vmem>> -> memref<128xi32, #tpu.memory_space<vmem>>
      %dma_wait3A_57 = arith.constant 0 : i32
      %dma_wait3A_58 = arith.constant 0 : i32
      %dma_wait3A_59 = tpu.memref_slice %arg2[%dma_wait3A_57, %dma_wait3A_58] : memref<10000x128xf32, #tpu.memory_space<hbm>> -> memref<10000x128xf32, #tpu.memory_space<hbm>>
      tpu.wait_indirect_dma semaphore(%arg11 : memref<!tpu.dma_semaphore, #tpu.memory_space<semaphore_mem>>) src(%dma_wait3A_59 : memref<10000x128xf32, #tpu.memory_space<hbm>>) dst(%arg8 : memref<128x128xf32, #tpu.memory_space<vmem>>)
      %run_scoped3A = arith.constant 1 : i32
      "tpu.region"() ({
        %run_scoped3A_60 = tpu.sem_alloc : memref<!tpu.dma_semaphore, #tpu.memory_space<semaphore_mem>>
        %dma_start3A_61 = arith.constant 0 : i32
        %dma_start3A_62 = tpu.memref_slice %arg6[%run_scoped3A, %dma_start3A_61] : memref<2x128xi32, #tpu.memory_space<vmem>> -> memref<1x128xi32, #tpu.memory_space<vmem>>
        %dma_start3A_63 = tpu.memref_squeeze %dma_start3A_62 : memref<1x128xi32, #tpu.memory_space<vmem>> -> memref<128xi32, #tpu.memory_space<vmem>>
        %dma_start3A_64 = arith.constant 0 : i32
        %dma_start3A_65 = arith.constant 0 : i32
        %dma_start3A_66 = tpu.memref_slice %arg10[%dma_start3A_64, %dma_start3A_65] : memref<10000x128xf32, #tpu.memory_space<vmem_shared>> -> memref<10000x128xf32, #tpu.memory_space<vmem_shared>>
        tpu.enqueue_indirect_dma source(%arg8 : memref<128x128xf32, #tpu.memory_space<vmem>>) target(%dma_start3A_66 : memref<10000x128xf32, #tpu.memory_space<vmem_shared>>) offsets(%dma_start3A_63 : memref<128xi32, #tpu.memory_space<vmem>>) semaphore(%run_scoped3A_60 : memref<!tpu.dma_semaphore, #tpu.memory_space<semaphore_mem>>) {add = true}
        %dma_wait3A_67 = arith.constant 0 : i32
        %dma_wait3A_68 = tpu.memref_slice %arg6[%run_scoped3A, %dma_wait3A_67] : memref<2x128xi32, #tpu.memory_space<vmem>> -> memref<1x128xi32, #tpu.memory_space<vmem>>
        %dma_wait3A_69 = tpu.memref_squeeze %dma_wait3A_68 : memref<1x128xi32, #tpu.memory_space<vmem>> -> memref<128xi32, #tpu.memory_space<vmem>>
        %dma_wait3A_70 = arith.constant 0 : i32
        %dma_wait3A_71 = arith.constant 0 : i32
        %dma_wait3A_72 = tpu.memref_slice %arg10[%dma_wait3A_70, %dma_wait3A_71] : memref<10000x128xf32, #tpu.memory_space<vmem_shared>> -> memref<10000x128xf32, #tpu.memory_space<vmem_shared>>
        tpu.wait_indirect_dma semaphore(%run_scoped3A_60 : memref<!tpu.dma_semaphore, #tpu.memory_space<semaphore_mem>>) src(%arg8 : memref<128x128xf32, #tpu.memory_space<vmem>>) dst(%dma_wait3A_72 : memref<10000x128xf32, #tpu.memory_space<vmem_shared>>)
        tpu.yield
      }) : () -> ()
    } else {
    }
    "tpu.region"() ({
      %run_scoped3A = tpu.sem_alloc : memref<!tpu.dma_semaphore, #tpu.memory_space<semaphore_mem>>
      %dma_start3A_45 = arith.constant 0 : i32
      %dma_start3A_46 = arith.constant 0 : i32
      %dma_start3A_47 = tpu.memref_slice %arg3[%mul3A_2, %dma_start3A_45, %dma_start3A_46] : memref<2500x2x128xi32, #tpu.memory_space<hbm>> -> memref<1x2x128xi32, #tpu.memory_space<hbm>>
      %dma_start3A_48 = tpu.memref_squeeze %dma_start3A_47 : memref<1x2x128xi32, #tpu.memory_space<hbm>> -> memref<2x128xi32, #tpu.memory_space<hbm>>
      %dma_start3A_49 = arith.constant 0 : i32
      %dma_start3A_50 = arith.constant 0 : i32
      %dma_start3A_51 = tpu.memref_slice %arg3[%mul3A_2, %dma_start3A_49, %dma_start3A_50] : memref<2500x2x128xi32, #tpu.memory_space<hbm>> -> memref<1x2x128xi32, #tpu.memory_space<hbm>>
      %dma_start3A_52 = tpu.memref_squeeze %dma_start3A_51 : memref<1x2x128xi32, #tpu.memory_space<hbm>> -> memref<2x128xi32, #tpu.memory_space<hbm>>
      tpu.enqueue_dma source(%dma_start3A_52 : memref<2x128xi32, #tpu.memory_space<hbm>>) target(%arg6 : memref<2x128xi32, #tpu.memory_space<vmem>>) target_semaphore(%run_scoped3A : memref<!tpu.dma_semaphore, #tpu.memory_space<semaphore_mem>>)
      %dma_wait3A = arith.constant 0 : i32
      %dma_wait3A_53 = arith.constant 0 : i32
      %dma_wait3A_54 = tpu.memref_slice %arg3[%mul3A_2, %dma_wait3A, %dma_wait3A_53] : memref<2500x2x128xi32, #tpu.memory_space<hbm>> -> memref<1x2x128xi32, #tpu.memory_space<hbm>>
      %dma_wait3A_55 = tpu.memref_squeeze %dma_wait3A_54 : memref<1x2x128xi32, #tpu.memory_space<hbm>> -> memref<2x128xi32, #tpu.memory_space<hbm>>
      %dma_wait3A_56 = arith.constant 0 : i32
      %dma_wait3A_57 = arith.constant 0 : i32
      %dma_wait3A_58 = tpu.memref_slice %arg3[%mul3A_2, %dma_wait3A_56, %dma_wait3A_57] : memref<2500x2x128xi32, #tpu.memory_space<hbm>> -> memref<1x2x128xi32, #tpu.memory_space<hbm>>
      %dma_wait3A_59 = tpu.memref_squeeze %dma_wait3A_58 : memref<1x2x128xi32, #tpu.memory_space<hbm>> -> memref<2x128xi32, #tpu.memory_space<hbm>>
      tpu.wait_dma2 semaphore(%run_scoped3A : memref<!tpu.dma_semaphore, #tpu.memory_space<semaphore_mem>>) src(%dma_wait3A_59 : memref<2x128xi32, #tpu.memory_space<hbm>>) dst(%arg6 : memref<2x128xi32, #tpu.memory_space<vmem>>)
      tpu.yield
    }) : () -> ()
    %add3A_21 = arith.constant 1 : i32
    %add3A_22 = arith.addi %mul3A_2, %add3A_21 : i32
    "tpu.region"() ({
      %run_scoped3A = tpu.sem_alloc : memref<!tpu.dma_semaphore, #tpu.memory_space<semaphore_mem>>
      %dma_start3A_45 = arith.constant 0 : i32
      %dma_start3A_46 = arith.constant 0 : i32
      %dma_start3A_47 = tpu.memref_slice %arg3[%add3A_22, %dma_start3A_45, %dma_start3A_46] : memref<2500x2x128xi32, #tpu.memory_space<hbm>> -> memref<1x2x128xi32, #tpu.memory_space<hbm>>
      %dma_start3A_48 = tpu.memref_squeeze %dma_start3A_47 : memref<1x2x128xi32, #tpu.memory_space<hbm>> -> memref<2x128xi32, #tpu.memory_space<hbm>>
      %dma_start3A_49 = arith.constant 0 : i32
      %dma_start3A_50 = arith.constant 0 : i32
      %dma_start3A_51 = tpu.memref_slice %arg3[%add3A_22, %dma_start3A_49, %dma_start3A_50] : memref<2500x2x128xi32, #tpu.memory_space<hbm>> -> memref<1x2x128xi32, #tpu.memory_space<hbm>>
      %dma_start3A_52 = tpu.memref_squeeze %dma_start3A_51 : memref<1x2x128xi32, #tpu.memory_space<hbm>> -> memref<2x128xi32, #tpu.memory_space<hbm>>
      tpu.enqueue_dma source(%dma_start3A_52 : memref<2x128xi32, #tpu.memory_space<hbm>>) target(%arg7 : memref<2x128xi32, #tpu.memory_space<vmem>>) target_semaphore(%run_scoped3A : memref<!tpu.dma_semaphore, #tpu.memory_space<semaphore_mem>>)
      %dma_wait3A = arith.constant 0 : i32
      %dma_wait3A_53 = arith.constant 0 : i32
      %dma_wait3A_54 = tpu.memref_slice %arg3[%add3A_22, %dma_wait3A, %dma_wait3A_53] : memref<2500x2x128xi32, #tpu.memory_space<hbm>> -> memref<1x2x128xi32, #tpu.memory_space<hbm>>
      %dma_wait3A_55 = tpu.memref_squeeze %dma_wait3A_54 : memref<1x2x128xi32, #tpu.memory_space<hbm>> -> memref<2x128xi32, #tpu.memory_space<hbm>>
      %dma_wait3A_56 = arith.constant 0 : i32
      %dma_wait3A_57 = arith.constant 0 : i32
      %dma_wait3A_58 = tpu.memref_slice %arg3[%add3A_22, %dma_wait3A_56, %dma_wait3A_57] : memref<2500x2x128xi32, #tpu.memory_space<hbm>> -> memref<1x2x128xi32, #tpu.memory_space<hbm>>
      %dma_wait3A_59 = tpu.memref_squeeze %dma_wait3A_58 : memref<1x2x128xi32, #tpu.memory_space<hbm>> -> memref<2x128xi32, #tpu.memory_space<hbm>>
      tpu.wait_dma2 semaphore(%run_scoped3A : memref<!tpu.dma_semaphore, #tpu.memory_space<semaphore_mem>>) src(%dma_wait3A_59 : memref<2x128xi32, #tpu.memory_space<hbm>>) dst(%arg7 : memref<2x128xi32, #tpu.memory_space<vmem>>)
      tpu.yield
    }) : () -> ()
    %dma_start3A = arith.constant 0 : i32
    %dma_start3A_23 = arith.constant 0 : i32
    %dma_start3A_24 = tpu.memref_slice %arg6[%dma_start3A, %dma_start3A_23] : memref<2x128xi32, #tpu.memory_space<vmem>> -> memref<1x128xi32, #tpu.memory_space<vmem>>
    %dma_start3A_25 = tpu.memref_squeeze %dma_start3A_24 : memref<1x128xi32, #tpu.memory_space<vmem>> -> memref<128xi32, #tpu.memory_space<vmem>>
    %dma_start3A_26 = arith.constant 0 : i32
    %dma_start3A_27 = arith.constant 0 : i32
    %dma_start3A_28 = tpu.memref_slice %arg2[%dma_start3A_26, %dma_start3A_27] : memref<10000x128xf32, #tpu.memory_space<hbm>> -> memref<10000x128xf32, #tpu.memory_space<hbm>>
    tpu.enqueue_indirect_dma source(%dma_start3A_28 : memref<10000x128xf32, #tpu.memory_space<hbm>>) target(%arg8 : memref<128x128xf32, #tpu.memory_space<vmem>>) offsets(%dma_start3A_25 : memref<128xi32, #tpu.memory_space<vmem>>) semaphore(%arg11 : memref<!tpu.dma_semaphore, #tpu.memory_space<semaphore_mem>>)
    %scan3A = arith.constant 0 : i32
    %scan3A_29 = arith.constant 0 : i32
    %scan3A_30 = arith.constant 39 : i32
    %scan3A_31 = arith.addi %scan3A_29, %scan3A_30 : i32
    %scan3A_32 = arith.constant 1 : i32
    %scan3A_33 = scf.for %scan3A_45 = %scan3A_29 to %scan3A_31 step %scan3A_32 iter_args(%scan3A_46 = %scan3A) -> (i32)  : i32 {
      %mul3A_47 = arith.constant 2 : i32
      %mul3A_48 = arith.muli %mul3A_47, %scan3A_45 : i32
      %add3A_49 = arith.addi %mul3A_2, %mul3A_48 : i32
      %dma_wait3A = arith.constant 0 : i32
      %dma_wait3A_50 = arith.constant 0 : i32
      %dma_wait3A_51 = tpu.memref_slice %arg6[%dma_wait3A, %dma_wait3A_50] : memref<2x128xi32, #tpu.memory_space<vmem>> -> memref<1x128xi32, #tpu.memory_space<vmem>>
      %dma_wait3A_52 = tpu.memref_squeeze %dma_wait3A_51 : memref<1x128xi32, #tpu.memory_space<vmem>> -> memref<128xi32, #tpu.memory_space<vmem>>
      %dma_wait3A_53 = arith.constant 0 : i32
      %dma_wait3A_54 = arith.constant 0 : i32
      %dma_wait3A_55 = tpu.memref_slice %arg2[%dma_wait3A_53, %dma_wait3A_54] : memref<10000x128xf32, #tpu.memory_space<hbm>> -> memref<10000x128xf32, #tpu.memory_space<hbm>>
      tpu.wait_indirect_dma semaphore(%arg11 : memref<!tpu.dma_semaphore, #tpu.memory_space<semaphore_mem>>) src(%dma_wait3A_55 : memref<10000x128xf32, #tpu.memory_space<hbm>>) dst(%arg8 : memref<128x128xf32, #tpu.memory_space<vmem>>)
      %dma_start3A_56 = arith.constant 0 : i32
      %dma_start3A_57 = arith.constant 0 : i32
      %dma_start3A_58 = tpu.memref_slice %arg7[%dma_start3A_56, %dma_start3A_57] : memref<2x128xi32, #tpu.memory_space<vmem>> -> memref<1x128xi32, #tpu.memory_space<vmem>>
      %dma_start3A_59 = tpu.memref_squeeze %dma_start3A_58 : memref<1x128xi32, #tpu.memory_space<vmem>> -> memref<128xi32, #tpu.memory_space<vmem>>
      %dma_start3A_60 = arith.constant 0 : i32
      %dma_start3A_61 = arith.constant 0 : i32
      %dma_start3A_62 = tpu.memref_slice %arg2[%dma_start3A_60, %dma_start3A_61] : memref<10000x128xf32, #tpu.memory_space<hbm>> -> memref<10000x128xf32, #tpu.memory_space<hbm>>
      tpu.enqueue_indirect_dma source(%dma_start3A_62 : memref<10000x128xf32, #tpu.memory_space<hbm>>) target(%arg9 : memref<128x128xf32, #tpu.memory_space<vmem>>) offsets(%dma_start3A_59 : memref<128xi32, #tpu.memory_space<vmem>>) semaphore(%arg12 : memref<!tpu.dma_semaphore, #tpu.memory_space<semaphore_mem>>)
      %run_scoped3A = arith.constant 1 : i32
      "tpu.region"() ({
        %run_scoped3A_87 = tpu.sem_alloc : memref<!tpu.dma_semaphore, #tpu.memory_space<semaphore_mem>>
        %dma_start3A_88 = arith.constant 0 : i32
        %dma_start3A_89 = tpu.memref_slice %arg6[%run_scoped3A, %dma_start3A_88] : memref<2x128xi32, #tpu.memory_space<vmem>> -> memref<1x128xi32, #tpu.memory_space<vmem>>
        %dma_start3A_90 = tpu.memref_squeeze %dma_start3A_89 : memref<1x128xi32, #tpu.memory_space<vmem>> -> memref<128xi32, #tpu.memory_space<vmem>>
        %dma_start3A_91 = arith.constant 0 : i32
        %dma_start3A_92 = arith.constant 0 : i32
        %dma_start3A_93 = tpu.memref_slice %arg10[%dma_start3A_91, %dma_start3A_92] : memref<10000x128xf32, #tpu.memory_space<vmem_shared>> -> memref<10000x128xf32, #tpu.memory_space<vmem_shared>>
        tpu.enqueue_indirect_dma source(%arg8 : memref<128x128xf32, #tpu.memory_space<vmem>>) target(%dma_start3A_93 : memref<10000x128xf32, #tpu.memory_space<vmem_shared>>) offsets(%dma_start3A_90 : memref<128xi32, #tpu.memory_space<vmem>>) semaphore(%run_scoped3A_87 : memref<!tpu.dma_semaphore, #tpu.memory_space<semaphore_mem>>) {add = true}
        %dma_wait3A_94 = arith.constant 0 : i32
        %dma_wait3A_95 = tpu.memref_slice %arg6[%run_scoped3A, %dma_wait3A_94] : memref<2x128xi32, #tpu.memory_space<vmem>> -> memref<1x128xi32, #tpu.memory_space<vmem>>
        %dma_wait3A_96 = tpu.memref_squeeze %dma_wait3A_95 : memref<1x128xi32, #tpu.memory_space<vmem>> -> memref<128xi32, #tpu.memory_space<vmem>>
        %dma_wait3A_97 = arith.constant 0 : i32
        %dma_wait3A_98 = arith.constant 0 : i32
        %dma_wait3A_99 = tpu.memref_slice %arg10[%dma_wait3A_97, %dma_wait3A_98] : memref<10000x128xf32, #tpu.memory_space<vmem_shared>> -> memref<10000x128xf32, #tpu.memory_space<vmem_shared>>
        tpu.wait_indirect_dma semaphore(%run_scoped3A_87 : memref<!tpu.dma_semaphore, #tpu.memory_space<semaphore_mem>>) src(%arg8 : memref<128x128xf32, #tpu.memory_space<vmem>>) dst(%dma_wait3A_99 : memref<10000x128xf32, #tpu.memory_space<vmem_shared>>)
        tpu.yield
      }) : () -> ()
      %lt3A_63 = arith.constant 38 : i32
      %lt3A_64 = arith.cmpi slt, %scan3A_45, %lt3A_63 : i32
      %convert_element_type3A_65 = arith.extui %lt3A_64 : i1 to i32
      %cond3A_66 = arith.constant 0 : i32
      %cond3A_67 = arith.cmpi ne, %convert_element_type3A_65, %cond3A_66 : i32
      scf.if %cond3A_67 {
        %add3A_87 = arith.constant 2 : i32
        %add3A_88 = arith.addi %add3A_49, %add3A_87 : i32
        "tpu.region"() ({
          %run_scoped3A_89 = tpu.sem_alloc : memref<!tpu.dma_semaphore, #tpu.memory_space<semaphore_mem>>
          %dma_start3A_90 = arith.constant 0 : i32
          %dma_start3A_91 = arith.constant 0 : i32
          %dma_start3A_92 = tpu.memref_slice %arg3[%add3A_88, %dma_start3A_90, %dma_start3A_91] : memref<2500x2x128xi32, #tpu.memory_space<hbm>> -> memref<1x2x128xi32, #tpu.memory_space<hbm>>
          %dma_start3A_93 = tpu.memref_squeeze %dma_start3A_92 : memref<1x2x128xi32, #tpu.memory_space<hbm>> -> memref<2x128xi32, #tpu.memory_space<hbm>>
          %dma_start3A_94 = arith.constant 0 : i32
          %dma_start3A_95 = arith.constant 0 : i32
          %dma_start3A_96 = tpu.memref_slice %arg3[%add3A_88, %dma_start3A_94, %dma_start3A_95] : memref<2500x2x128xi32, #tpu.memory_space<hbm>> -> memref<1x2x128xi32, #tpu.memory_space<hbm>>
          %dma_start3A_97 = tpu.memref_squeeze %dma_start3A_96 : memref<1x2x128xi32, #tpu.memory_space<hbm>> -> memref<2x128xi32, #tpu.memory_space<hbm>>
          tpu.enqueue_dma source(%dma_start3A_97 : memref<2x128xi32, #tpu.memory_space<hbm>>) target(%arg6 : memref<2x128xi32, #tpu.memory_space<vmem>>) target_semaphore(%run_scoped3A_89 : memref<!tpu.dma_semaphore, #tpu.memory_space<semaphore_mem>>)
          %dma_wait3A_98 = arith.constant 0 : i32
          %dma_wait3A_99 = arith.constant 0 : i32
          %dma_wait3A_100 = tpu.memref_slice %arg3[%add3A_88, %dma_wait3A_98, %dma_wait3A_99] : memref<2500x2x128xi32, #tpu.memory_space<hbm>> -> memref<1x2x128xi32, #tpu.memory_space<hbm>>
          %dma_wait3A_101 = tpu.memref_squeeze %dma_wait3A_100 : memref<1x2x128xi32, #tpu.memory_space<hbm>> -> memref<2x128xi32, #tpu.memory_space<hbm>>
          %dma_wait3A_102 = arith.constant 0 : i32
          %dma_wait3A_103 = arith.constant 0 : i32
          %dma_wait3A_104 = tpu.memref_slice %arg3[%add3A_88, %dma_wait3A_102, %dma_wait3A_103] : memref<2500x2x128xi32, #tpu.memory_space<hbm>> -> memref<1x2x128xi32, #tpu.memory_space<hbm>>
          %dma_wait3A_105 = tpu.memref_squeeze %dma_wait3A_104 : memref<1x2x128xi32, #tpu.memory_space<hbm>> -> memref<2x128xi32, #tpu.memory_space<hbm>>
          tpu.wait_dma2 semaphore(%run_scoped3A_89 : memref<!tpu.dma_semaphore, #tpu.memory_space<semaphore_mem>>) src(%dma_wait3A_105 : memref<2x128xi32, #tpu.memory_space<hbm>>) dst(%arg6 : memref<2x128xi32, #tpu.memory_space<vmem>>)
          tpu.yield
        }) : () -> ()
      } else {
      }
      %dma_wait3A_68 = arith.constant 0 : i32
      %dma_wait3A_69 = arith.constant 0 : i32
      %dma_wait3A_70 = tpu.memref_slice %arg7[%dma_wait3A_68, %dma_wait3A_69] : memref<2x128xi32, #tpu.memory_space<vmem>> -> memref<1x128xi32, #tpu.memory_space<vmem>>
      %dma_wait3A_71 = tpu.memref_squeeze %dma_wait3A_70 : memref<1x128xi32, #tpu.memory_space<vmem>> -> memref<128xi32, #tpu.memory_space<vmem>>
      %dma_wait3A_72 = arith.constant 0 : i32
      %dma_wait3A_73 = arith.constant 0 : i32
      %dma_wait3A_74 = tpu.memref_slice %arg2[%dma_wait3A_72, %dma_wait3A_73] : memref<10000x128xf32, #tpu.memory_space<hbm>> -> memref<10000x128xf32, #tpu.memory_space<hbm>>
      tpu.wait_indirect_dma semaphore(%arg12 : memref<!tpu.dma_semaphore, #tpu.memory_space<semaphore_mem>>) src(%dma_wait3A_74 : memref<10000x128xf32, #tpu.memory_space<hbm>>) dst(%arg9 : memref<128x128xf32, #tpu.memory_space<vmem>>)
      %lt3A_75 = arith.constant 38 : i32
      %lt3A_76 = arith.cmpi slt, %scan3A_45, %lt3A_75 : i32
      %convert_element_type3A_77 = arith.extui %lt3A_76 : i1 to i32
      %cond3A_78 = arith.constant 0 : i32
      %cond3A_79 = arith.cmpi ne, %convert_element_type3A_77, %cond3A_78 : i32
      scf.if %cond3A_79 {
        %dma_start3A_87 = arith.constant 0 : i32
        %dma_start3A_88 = arith.constant 0 : i32
        %dma_start3A_89 = tpu.memref_slice %arg6[%dma_start3A_87, %dma_start3A_88] : memref<2x128xi32, #tpu.memory_space<vmem>> -> memref<1x128xi32, #tpu.memory_space<vmem>>
        %dma_start3A_90 = tpu.memref_squeeze %dma_start3A_89 : memref<1x128xi32, #tpu.memory_space<vmem>> -> memref<128xi32, #tpu.memory_space<vmem>>
        %dma_start3A_91 = arith.constant 0 : i32
        %dma_start3A_92 = arith.constant 0 : i32
        %dma_start3A_93 = tpu.memref_slice %arg2[%dma_start3A_91, %dma_start3A_92] : memref<10000x128xf32, #tpu.memory_space<hbm>> -> memref<10000x128xf32, #tpu.memory_space<hbm>>
        tpu.enqueue_indirect_dma source(%dma_start3A_93 : memref<10000x128xf32, #tpu.memory_space<hbm>>) target(%arg8 : memref<128x128xf32, #tpu.memory_space<vmem>>) offsets(%dma_start3A_90 : memref<128xi32, #tpu.memory_space<vmem>>) semaphore(%arg11 : memref<!tpu.dma_semaphore, #tpu.memory_space<semaphore_mem>>)
      } else {
      }
      %run_scoped3A_80 = arith.constant 1 : i32
      "tpu.region"() ({
        %run_scoped3A_87 = tpu.sem_alloc : memref<!tpu.dma_semaphore, #tpu.memory_space<semaphore_mem>>
        %dma_start3A_88 = arith.constant 0 : i32
        %dma_start3A_89 = tpu.memref_slice %arg7[%run_scoped3A_80, %dma_start3A_88] : memref<2x128xi32, #tpu.memory_space<vmem>> -> memref<1x128xi32, #tpu.memory_space<vmem>>
        %dma_start3A_90 = tpu.memref_squeeze %dma_start3A_89 : memref<1x128xi32, #tpu.memory_space<vmem>> -> memref<128xi32, #tpu.memory_space<vmem>>
        %dma_start3A_91 = arith.constant 0 : i32
        %dma_start3A_92 = arith.constant 0 : i32
        %dma_start3A_93 = tpu.memref_slice %arg10[%dma_start3A_91, %dma_start3A_92] : memref<10000x128xf32, #tpu.memory_space<vmem_shared>> -> memref<10000x128xf32, #tpu.memory_space<vmem_shared>>
        tpu.enqueue_indirect_dma source(%arg9 : memref<128x128xf32, #tpu.memory_space<vmem>>) target(%dma_start3A_93 : memref<10000x128xf32, #tpu.memory_space<vmem_shared>>) offsets(%dma_start3A_90 : memref<128xi32, #tpu.memory_space<vmem>>) semaphore(%run_scoped3A_87 : memref<!tpu.dma_semaphore, #tpu.memory_space<semaphore_mem>>) {add = true}
        %dma_wait3A_94 = arith.constant 0 : i32
        %dma_wait3A_95 = tpu.memref_slice %arg7[%run_scoped3A_80, %dma_wait3A_94] : memref<2x128xi32, #tpu.memory_space<vmem>> -> memref<1x128xi32, #tpu.memory_space<vmem>>
        %dma_wait3A_96 = tpu.memref_squeeze %dma_wait3A_95 : memref<1x128xi32, #tpu.memory_space<vmem>> -> memref<128xi32, #tpu.memory_space<vmem>>
        %dma_wait3A_97 = arith.constant 0 : i32
        %dma_wait3A_98 = arith.constant 0 : i32
        %dma_wait3A_99 = tpu.memref_slice %arg10[%dma_wait3A_97, %dma_wait3A_98] : memref<10000x128xf32, #tpu.memory_space<vmem_shared>> -> memref<10000x128xf32, #tpu.memory_space<vmem_shared>>
        tpu.wait_indirect_dma semaphore(%run_scoped3A_87 : memref<!tpu.dma_semaphore, #tpu.memory_space<semaphore_mem>>) src(%arg9 : memref<128x128xf32, #tpu.memory_space<vmem>>) dst(%dma_wait3A_99 : memref<10000x128xf32, #tpu.memory_space<vmem_shared>>)
        tpu.yield
      }) : () -> ()
      %lt3A_81 = arith.constant 38 : i32
      %lt3A_82 = arith.cmpi slt, %scan3A_45, %lt3A_81 : i32
      %convert_element_type3A_83 = arith.extui %lt3A_82 : i1 to i32
      %cond3A_84 = arith.constant 0 : i32
      %cond3A_85 = arith.cmpi ne, %convert_element_type3A_83, %cond3A_84 : i32
      scf.if %cond3A_85 {
        %add3A_87 = arith.constant 3 : i32
        %add3A_88 = arith.addi %add3A_49, %add3A_87 : i32
        "tpu.region"() ({
          %run_scoped3A_89 = tpu.sem_alloc : memref<!tpu.dma_semaphore, #tpu.memory_space<semaphore_mem>>
          %dma_start3A_90 = arith.constant 0 : i32
          %dma_start3A_91 = arith.constant 0 : i32
          %dma_start3A_92 = tpu.memref_slice %arg3[%add3A_88, %dma_start3A_90, %dma_start3A_91] : memref<2500x2x128xi32, #tpu.memory_space<hbm>> -> memref<1x2x128xi32, #tpu.memory_space<hbm>>
          %dma_start3A_93 = tpu.memref_squeeze %dma_start3A_92 : memref<1x2x128xi32, #tpu.memory_space<hbm>> -> memref<2x128xi32, #tpu.memory_space<hbm>>
          %dma_start3A_94 = arith.constant 0 : i32
          %dma_start3A_95 = arith.constant 0 : i32
          %dma_start3A_96 = tpu.memref_slice %arg3[%add3A_88, %dma_start3A_94, %dma_start3A_95] : memref<2500x2x128xi32, #tpu.memory_space<hbm>> -> memref<1x2x128xi32, #tpu.memory_space<hbm>>
          %dma_start3A_97 = tpu.memref_squeeze %dma_start3A_96 : memref<1x2x128xi32, #tpu.memory_space<hbm>> -> memref<2x128xi32, #tpu.memory_space<hbm>>
          tpu.enqueue_dma source(%dma_start3A_97 : memref<2x128xi32, #tpu.memory_space<hbm>>) target(%arg7 : memref<2x128xi32, #tpu.memory_space<vmem>>) target_semaphore(%run_scoped3A_89 : memref<!tpu.dma_semaphore, #tpu.memory_space<semaphore_mem>>)
          %dma_wait3A_98 = arith.constant 0 : i32
          %dma_wait3A_99 = arith.constant 0 : i32
          %dma_wait3A_100 = tpu.memref_slice %arg3[%add3A_88, %dma_wait3A_98, %dma_wait3A_99] : memref<2500x2x128xi32, #tpu.memory_space<hbm>> -> memref<1x2x128xi32, #tpu.memory_space<hbm>>
          %dma_wait3A_101 = tpu.memref_squeeze %dma_wait3A_100 : memref<1x2x128xi32, #tpu.memory_space<hbm>> -> memref<2x128xi32, #tpu.memory_space<hbm>>
          %dma_wait3A_102 = arith.constant 0 : i32
          %dma_wait3A_103 = arith.constant 0 : i32
          %dma_wait3A_104 = tpu.memref_slice %arg3[%add3A_88, %dma_wait3A_102, %dma_wait3A_103] : memref<2500x2x128xi32, #tpu.memory_space<hbm>> -> memref<1x2x128xi32, #tpu.memory_space<hbm>>
          %dma_wait3A_105 = tpu.memref_squeeze %dma_wait3A_104 : memref<1x2x128xi32, #tpu.memory_space<hbm>> -> memref<2x128xi32, #tpu.memory_space<hbm>>
          tpu.wait_dma2 semaphore(%run_scoped3A_89 : memref<!tpu.dma_semaphore, #tpu.memory_space<semaphore_mem>>) src(%dma_wait3A_105 : memref<2x128xi32, #tpu.memory_space<hbm>>) dst(%arg7 : memref<2x128xi32, #tpu.memory_space<vmem>>)
          tpu.yield
        }) : () -> ()
      } else {
      }
      %scan3A_86 = arith.constant 0 : i32
      scf.yield %scan3A_86 : i32
    }
    %scan3A_34 = arith.constant 39 : i32
    %barrier3A_35 = arith.constant 0 : index
    tpu.barrier barrier_id(%barrier3A_35)
    %mul3A_36 = arith.constant 624 : i32
    %mul3A_37 = arith.muli %arg1, %mul3A_36 : i32
    %mul3A_38 = arith.constant 624 : i32
    %mul3A_39 = arith.muli %arg1, %mul3A_38 : i32
    "tpu.region"() ({
      %run_scoped3A = tpu.sem_alloc : memref<!tpu.dma_semaphore, #tpu.memory_space<semaphore_mem>>
      %dma_start3A_45 = arith.constant 0 : i32
      %dma_start3A_46 = arith.constant 0 : i32
      %dma_start3A_47 = tpu.memref_slice %arg5[%arg0, %dma_start3A_45, %dma_start3A_46] : memref<2x10000x128xf32, #tpu.memory_space<hbm>> -> memref<1x10000x128xf32, #tpu.memory_space<hbm>>
      %dma_start3A_48 = tpu.memref_squeeze %dma_start3A_47 : memref<1x10000x128xf32, #tpu.memory_space<hbm>> -> memref<10000x128xf32, #tpu.memory_space<hbm>>
      %dma_start3A_49 = arith.constant 0 : i32
      %dma_start3A_50 = tpu.memref_slice %dma_start3A_48[%mul3A_39, %dma_start3A_49] : memref<10000x128xf32, #tpu.memory_space<hbm>> -> memref<624x128xf32, #tpu.memory_space<hbm>>
      %dma_start3A_51 = arith.constant 0 : i32
      %dma_start3A_52 = tpu.memref_slice %arg10[%mul3A_37, %dma_start3A_51] : memref<10000x128xf32, #tpu.memory_space<vmem_shared>> -> memref<624x128xf32, #tpu.memory_space<vmem_shared>>
      tpu.enqueue_dma source(%dma_start3A_52 : memref<624x128xf32, #tpu.memory_space<vmem_shared>>) target(%dma_start3A_50 : memref<624x128xf32, #tpu.memory_space<hbm>>) target_semaphore(%run_scoped3A : memref<!tpu.dma_semaphore, #tpu.memory_space<semaphore_mem>>)
      %dma_wait3A = arith.constant 0 : i32
      %dma_wait3A_53 = arith.constant 0 : i32
      %dma_wait3A_54 = tpu.memref_slice %arg5[%arg0, %dma_wait3A, %dma_wait3A_53] : memref<2x10000x128xf32, #tpu.memory_space<hbm>> -> memref<1x10000x128xf32, #tpu.memory_space<hbm>>
      %dma_wait3A_55 = tpu.memref_squeeze %dma_wait3A_54 : memref<1x10000x128xf32, #tpu.memory_space<hbm>> -> memref<10000x128xf32, #tpu.memory_space<hbm>>
      %dma_wait3A_56 = arith.constant 0 : i32
      %dma_wait3A_57 = tpu.memref_slice %dma_wait3A_55[%mul3A_39, %dma_wait3A_56] : memref<10000x128xf32, #tpu.memory_space<hbm>> -> memref<624x128xf32, #tpu.memory_space<hbm>>
      %dma_wait3A_58 = arith.constant 0 : i32
      %dma_wait3A_59 = tpu.memref_slice %arg10[%mul3A_37, %dma_wait3A_58] : memref<10000x128xf32, #tpu.memory_space<vmem_shared>> -> memref<624x128xf32, #tpu.memory_space<vmem_shared>>
      tpu.wait_dma2 semaphore(%run_scoped3A : memref<!tpu.dma_semaphore, #tpu.memory_space<semaphore_mem>>) src(%dma_wait3A_59 : memref<624x128xf32, #tpu.memory_space<vmem_shared>>) dst(%dma_wait3A_57 : memref<624x128xf32, #tpu.memory_space<hbm>>)
      tpu.yield
    }) : () -> ()
    %eq3A_40 = arith.constant 15 : i32
    %eq3A_41 = arith.cmpi eq, %arg1, %eq3A_40 : i32
    %convert_element_type3A_42 = arith.extui %eq3A_41 : i1 to i32
    %cond3A_43 = arith.constant 0 : i32
    %cond3A_44 = arith.cmpi ne, %convert_element_type3A_42, %cond3A_43 : i32
    scf.if %cond3A_44 {
      "tpu.region"() ({
        %run_scoped3A = tpu.sem_alloc : memref<!tpu.dma_semaphore, #tpu.memory_space<semaphore_mem>>
        %dma_start3A_45 = arith.constant 0 : i32
        %dma_start3A_46 = arith.constant 0 : i32
        %dma_start3A_47 = tpu.memref_slice %arg5[%arg0, %dma_start3A_45, %dma_start3A_46] : memref<2x10000x128xf32, #tpu.memory_space<hbm>> -> memref<1x10000x128xf32, #tpu.memory_space<hbm>>
        %dma_start3A_48 = tpu.memref_squeeze %dma_start3A_47 : memref<1x10000x128xf32, #tpu.memory_space<hbm>> -> memref<10000x128xf32, #tpu.memory_space<hbm>>
        %dma_start3A_49 = arith.constant 9984 : i32
        %dma_start3A_50 = arith.constant 0 : i32
        %dma_start3A_51 = tpu.memref_slice %dma_start3A_48[%dma_start3A_49, %dma_start3A_50] : memref<10000x128xf32, #tpu.memory_space<hbm>> -> memref<16x128xf32, #tpu.memory_space<hbm>>
        %dma_start3A_52 = arith.constant 9984 : i32
        %dma_start3A_53 = arith.constant 0 : i32
        %dma_start3A_54 = tpu.memref_slice %arg10[%dma_start3A_52, %dma_start3A_53] : memref<10000x128xf32, #tpu.memory_space<vmem_shared>> -> memref<16x128xf32, #tpu.memory_space<vmem_shared>>
        tpu.enqueue_dma source(%dma_start3A_54 : memref<16x128xf32, #tpu.memory_space<vmem_shared>>) target(%dma_start3A_51 : memref<16x128xf32, #tpu.memory_space<hbm>>) target_semaphore(%run_scoped3A : memref<!tpu.dma_semaphore, #tpu.memory_space<semaphore_mem>>)
        %dma_wait3A = arith.constant 0 : i32
        %dma_wait3A_55 = arith.constant 0 : i32
        %dma_wait3A_56 = tpu.memref_slice %arg5[%arg0, %dma_wait3A, %dma_wait3A_55] : memref<2x10000x128xf32, #tpu.memory_space<hbm>> -> memref<1x10000x128xf32, #tpu.memory_space<hbm>>
        %dma_wait3A_57 = tpu.memref_squeeze %dma_wait3A_56 : memref<1x10000x128xf32, #tpu.memory_space<hbm>> -> memref<10000x128xf32, #tpu.memory_space<hbm>>
        %dma_wait3A_58 = arith.constant 9984 : i32
        %dma_wait3A_59 = arith.constant 0 : i32
        %dma_wait3A_60 = tpu.memref_slice %dma_wait3A_57[%dma_wait3A_58, %dma_wait3A_59] : memref<10000x128xf32, #tpu.memory_space<hbm>> -> memref<16x128xf32, #tpu.memory_space<hbm>>
        %dma_wait3A_61 = arith.constant 9984 : i32
        %dma_wait3A_62 = arith.constant 0 : i32
        %dma_wait3A_63 = tpu.memref_slice %arg10[%dma_wait3A_61, %dma_wait3A_62] : memref<10000x128xf32, #tpu.memory_space<vmem_shared>> -> memref<16x128xf32, #tpu.memory_space<vmem_shared>>
        tpu.wait_dma2 semaphore(%run_scoped3A : memref<!tpu.dma_semaphore, #tpu.memory_space<semaphore_mem>>) src(%dma_wait3A_63 : memref<16x128xf32, #tpu.memory_space<vmem_shared>>) dst(%dma_wait3A_60 : memref<16x128xf32, #tpu.memory_space<hbm>>)
        tpu.yield
      }) : () -> ()
    } else {
    }
    return
  }
}

#map = affine_map<(d0, d1) -> (0, 0)>
#map1 = affine_map<(d0, d1) -> (0, 0, 0)>
module attributes {stable_mosaic.version = 14 : i64} {
  func.func @seg_sum(%arg0: i32, %arg1: i32, %arg2: memref<10000x128xf32, #tpu.memory_space<hbm>>, %arg3: memref<2500x2x128xi32, #tpu.memory_space<hbm>>, %arg4: memref<128x128xf32, #tpu.memory_space<hbm>>, %arg5: memref<2x10000x128xf32, #tpu.memory_space<hbm>>, %arg6: memref<2x128xi32, #tpu.memory_space<vmem>>, %arg7: memref<2x128xi32, #tpu.memory_space<vmem>>, %arg8: memref<128x128xf32, #tpu.memory_space<vmem>>, %arg9: memref<128x128xf32, #tpu.memory_space<vmem>>, %arg10: memref<10000x128xf32, #tpu.memory_space<vmem_shared>>, %arg11: memref<!tpu.dma_semaphore, #tpu.memory_space<semaphore_mem>>, %arg12: memref<!tpu.dma_semaphore, #tpu.memory_space<semaphore_mem>>) attributes {dimension_semantics = [#tpu.dimension_semantics<core_parallel>, #tpu.dimension_semantics<subcore_parallel>], iteration_bounds = array<i64: 2, 16>, scalar_prefetch = 0 : i64, scratch_operands = 7 : i64, tpu.core_type = #tpu.core_type<sc_vector_subcore>, window_params = [{transform_indices = #map}, {transform_indices = #map1}, {transform_indices = #map}, {transform_indices = #map1}]} {
    %mul3A = arith.constant 16 : i32
    %mul3A_0 = arith.muli %arg0, %mul3A : i32
    %add3A = arith.addi %mul3A_0, %arg1 : i32
    %mul3A_1 = arith.constant 78 : i32
    %mul3A_2 = arith.muli %add3A, %mul3A_1 : i32
    "tpu.region"() ({
      %run_scoped3A = tpu.sem_alloc : memref<!tpu.dma_semaphore, #tpu.memory_space<semaphore_mem>>
      tpu.enqueue_dma source(%arg4 : memref<128x128xf32, #tpu.memory_space<hbm>>) target(%arg8 : memref<128x128xf32, #tpu.memory_space<vmem>>) target_semaphore(%run_scoped3A : memref<!tpu.dma_semaphore, #tpu.memory_space<semaphore_mem>>)
      tpu.wait_dma2 semaphore(%run_scoped3A : memref<!tpu.dma_semaphore, #tpu.memory_space<semaphore_mem>>) src(%arg4 : memref<128x128xf32, #tpu.memory_space<hbm>>) dst(%arg8 : memref<128x128xf32, #tpu.memory_space<vmem>>)
      tpu.yield
    }) : () -> ()
    %mul3A_3 = arith.constant 624 : i32
    %mul3A_4 = arith.muli %arg1, %mul3A_3 : i32
    %add3A_5 = arith.constant 0 : i32
    %add3A_6 = arith.addi %mul3A_4, %add3A_5 : i32
    "tpu.region"() ({
      %run_scoped3A = tpu.sem_alloc : memref<!tpu.dma_semaphore, #tpu.memory_space<semaphore_mem>>
      %dma_start3A_45 = arith.constant 0 : i32
      %dma_start3A_46 = arith.constant 0 : i32
      %dma_start3A_47 = tpu.memref_slice %arg8[%dma_start3A_45, %dma_start3A_46] : memref<128x128xf32, #tpu.memory_space<vmem>> -> memref<128x128xf32, #tpu.memory_space<vmem>>
      %dma_start3A_48 = arith.constant 0 : i32
      %dma_start3A_49 = tpu.memref_slice %arg10[%add3A_6, %dma_start3A_48] : memref<10000x128xf32, #tpu.memory_space<vmem_shared>> -> memref<128x128xf32, #tpu.memory_space<vmem_shared>>
      %dma_start3A_50 = arith.constant 0 : i32
      %dma_start3A_51 = tpu.memref_slice %arg10[%add3A_6, %dma_start3A_50] : memref<10000x128xf32, #tpu.memory_space<vmem_shared>> -> memref<128x128xf32, #tpu.memory_space<vmem_shared>>
      %dma_start3A_52 = arith.constant 0 : i32
      %dma_start3A_53 = arith.constant 0 : i32
      %dma_start3A_54 = tpu.memref_slice %arg8[%dma_start3A_52, %dma_start3A_53] : memref<128x128xf32, #tpu.memory_space<vmem>> -> memref<128x128xf32, #tpu.memory_space<vmem>>
      tpu.enqueue_dma source(%dma_start3A_54 : memref<128x128xf32, #tpu.memory_space<vmem>>) target(%dma_start3A_51 : memref<128x128xf32, #tpu.memory_space<vmem_shared>>) target_semaphore(%run_scoped3A : memref<!tpu.dma_semaphore, #tpu.memory_space<semaphore_mem>>)
      %dma_wait3A = arith.constant 0 : i32
      %dma_wait3A_55 = arith.constant 0 : i32
      %dma_wait3A_56 = tpu.memref_slice %arg8[%dma_wait3A, %dma_wait3A_55] : memref<128x128xf32, #tpu.memory_space<vmem>> -> memref<128x128xf32, #tpu.memory_space<vmem>>
      %dma_wait3A_57 = arith.constant 0 : i32
      %dma_wait3A_58 = tpu.memref_slice %arg10[%add3A_6, %dma_wait3A_57] : memref<10000x128xf32, #tpu.memory_space<vmem_shared>> -> memref<128x128xf32, #tpu.memory_space<vmem_shared>>
      %dma_wait3A_59 = arith.constant 0 : i32
      %dma_wait3A_60 = tpu.memref_slice %arg10[%add3A_6, %dma_wait3A_59] : memref<10000x128xf32, #tpu.memory_space<vmem_shared>> -> memref<128x128xf32, #tpu.memory_space<vmem_shared>>
      %dma_wait3A_61 = arith.constant 0 : i32
      %dma_wait3A_62 = arith.constant 0 : i32
      %dma_wait3A_63 = tpu.memref_slice %arg8[%dma_wait3A_61, %dma_wait3A_62] : memref<128x128xf32, #tpu.memory_space<vmem>> -> memref<128x128xf32, #tpu.memory_space<vmem>>
      tpu.wait_dma2 semaphore(%run_scoped3A : memref<!tpu.dma_semaphore, #tpu.memory_space<semaphore_mem>>) src(%dma_wait3A_63 : memref<128x128xf32, #tpu.memory_space<vmem>>) dst(%dma_wait3A_60 : memref<128x128xf32, #tpu.memory_space<vmem_shared>>)
      tpu.yield
    }) : () -> ()
    %add3A_7 = arith.constant 128 : i32
    %add3A_8 = arith.addi %mul3A_4, %add3A_7 : i32
    "tpu.region"() ({
      %run_scoped3A = tpu.sem_alloc : memref<!tpu.dma_semaphore, #tpu.memory_space<semaphore_mem>>
      %dma_start3A_45 = arith.constant 0 : i32
      %dma_start3A_46 = arith.constant 0 : i32
      %dma_start3A_47 = tpu.memref_slice %arg8[%dma_start3A_45, %dma_start3A_46] : memref<128x128xf32, #tpu.memory_space<vmem>> -> memref<128x128xf32, #tpu.memory_space<vmem>>
      %dma_start3A_48 = arith.constant 0 : i32
      %dma_start3A_49 = tpu.memref_slice %arg10[%add3A_8, %dma_start3A_48] : memref<10000x128xf32, #tpu.memory_space<vmem_shared>> -> memref<128x128xf32, #tpu.memory_space<vmem_shared>>
      %dma_start3A_50 = arith.constant 0 : i32
      %dma_start3A_51 = tpu.memref_slice %arg10[%add3A_8, %dma_start3A_50] : memref<10000x128xf32, #tpu.memory_space<vmem_shared>> -> memref<128x128xf32, #tpu.memory_space<vmem_shared>>
      %dma_start3A_52 = arith.constant 0 : i32
      %dma_start3A_53 = arith.constant 0 : i32
      %dma_start3A_54 = tpu.memref_slice %arg8[%dma_start3A_52, %dma_start3A_53] : memref<128x128xf32, #tpu.memory_space<vmem>> -> memref<128x128xf32, #tpu.memory_space<vmem>>
      tpu.enqueue_dma source(%dma_start3A_54 : memref<128x128xf32, #tpu.memory_space<vmem>>) target(%dma_start3A_51 : memref<128x128xf32, #tpu.memory_space<vmem_shared>>) target_semaphore(%run_scoped3A : memref<!tpu.dma_semaphore, #tpu.memory_space<semaphore_mem>>)
      %dma_wait3A = arith.constant 0 : i32
      %dma_wait3A_55 = arith.constant 0 : i32
      %dma_wait3A_56 = tpu.memref_slice %arg8[%dma_wait3A, %dma_wait3A_55] : memref<128x128xf32, #tpu.memory_space<vmem>> -> memref<128x128xf32, #tpu.memory_space<vmem>>
      %dma_wait3A_57 = arith.constant 0 : i32
      %dma_wait3A_58 = tpu.memref_slice %arg10[%add3A_8, %dma_wait3A_57] : memref<10000x128xf32, #tpu.memory_space<vmem_shared>> -> memref<128x128xf32, #tpu.memory_space<vmem_shared>>
      %dma_wait3A_59 = arith.constant 0 : i32
      %dma_wait3A_60 = tpu.memref_slice %arg10[%add3A_8, %dma_wait3A_59] : memref<10000x128xf32, #tpu.memory_space<vmem_shared>> -> memref<128x128xf32, #tpu.memory_space<vmem_shared>>
      %dma_wait3A_61 = arith.constant 0 : i32
      %dma_wait3A_62 = arith.constant 0 : i32
      %dma_wait3A_63 = tpu.memref_slice %arg8[%dma_wait3A_61, %dma_wait3A_62] : memref<128x128xf32, #tpu.memory_space<vmem>> -> memref<128x128xf32, #tpu.memory_space<vmem>>
      tpu.wait_dma2 semaphore(%run_scoped3A : memref<!tpu.dma_semaphore, #tpu.memory_space<semaphore_mem>>) src(%dma_wait3A_63 : memref<128x128xf32, #tpu.memory_space<vmem>>) dst(%dma_wait3A_60 : memref<128x128xf32, #tpu.memory_space<vmem_shared>>)
      tpu.yield
    }) : () -> ()
    %add3A_9 = arith.constant 256 : i32
    %add3A_10 = arith.addi %mul3A_4, %add3A_9 : i32
    "tpu.region"() ({
      %run_scoped3A = tpu.sem_alloc : memref<!tpu.dma_semaphore, #tpu.memory_space<semaphore_mem>>
      %dma_start3A_45 = arith.constant 0 : i32
      %dma_start3A_46 = arith.constant 0 : i32
      %dma_start3A_47 = tpu.memref_slice %arg8[%dma_start3A_45, %dma_start3A_46] : memref<128x128xf32, #tpu.memory_space<vmem>> -> memref<128x128xf32, #tpu.memory_space<vmem>>
      %dma_start3A_48 = arith.constant 0 : i32
      %dma_start3A_49 = tpu.memref_slice %arg10[%add3A_10, %dma_start3A_48] : memref<10000x128xf32, #tpu.memory_space<vmem_shared>> -> memref<128x128xf32, #tpu.memory_space<vmem_shared>>
      %dma_start3A_50 = arith.constant 0 : i32
      %dma_start3A_51 = tpu.memref_slice %arg10[%add3A_10, %dma_start3A_50] : memref<10000x128xf32, #tpu.memory_space<vmem_shared>> -> memref<128x128xf32, #tpu.memory_space<vmem_shared>>
      %dma_start3A_52 = arith.constant 0 : i32
      %dma_start3A_53 = arith.constant 0 : i32
      %dma_start3A_54 = tpu.memref_slice %arg8[%dma_start3A_52, %dma_start3A_53] : memref<128x128xf32, #tpu.memory_space<vmem>> -> memref<128x128xf32, #tpu.memory_space<vmem>>
      tpu.enqueue_dma source(%dma_start3A_54 : memref<128x128xf32, #tpu.memory_space<vmem>>) target(%dma_start3A_51 : memref<128x128xf32, #tpu.memory_space<vmem_shared>>) target_semaphore(%run_scoped3A : memref<!tpu.dma_semaphore, #tpu.memory_space<semaphore_mem>>)
      %dma_wait3A = arith.constant 0 : i32
      %dma_wait3A_55 = arith.constant 0 : i32
      %dma_wait3A_56 = tpu.memref_slice %arg8[%dma_wait3A, %dma_wait3A_55] : memref<128x128xf32, #tpu.memory_space<vmem>> -> memref<128x128xf32, #tpu.memory_space<vmem>>
      %dma_wait3A_57 = arith.constant 0 : i32
      %dma_wait3A_58 = tpu.memref_slice %arg10[%add3A_10, %dma_wait3A_57] : memref<10000x128xf32, #tpu.memory_space<vmem_shared>> -> memref<128x128xf32, #tpu.memory_space<vmem_shared>>
      %dma_wait3A_59 = arith.constant 0 : i32
      %dma_wait3A_60 = tpu.memref_slice %arg10[%add3A_10, %dma_wait3A_59] : memref<10000x128xf32, #tpu.memory_space<vmem_shared>> -> memref<128x128xf32, #tpu.memory_space<vmem_shared>>
      %dma_wait3A_61 = arith.constant 0 : i32
      %dma_wait3A_62 = arith.constant 0 : i32
      %dma_wait3A_63 = tpu.memref_slice %arg8[%dma_wait3A_61, %dma_wait3A_62] : memref<128x128xf32, #tpu.memory_space<vmem>> -> memref<128x128xf32, #tpu.memory_space<vmem>>
      tpu.wait_dma2 semaphore(%run_scoped3A : memref<!tpu.dma_semaphore, #tpu.memory_space<semaphore_mem>>) src(%dma_wait3A_63 : memref<128x128xf32, #tpu.memory_space<vmem>>) dst(%dma_wait3A_60 : memref<128x128xf32, #tpu.memory_space<vmem_shared>>)
      tpu.yield
    }) : () -> ()
    %add3A_11 = arith.constant 384 : i32
    %add3A_12 = arith.addi %mul3A_4, %add3A_11 : i32
    "tpu.region"() ({
      %run_scoped3A = tpu.sem_alloc : memref<!tpu.dma_semaphore, #tpu.memory_space<semaphore_mem>>
      %dma_start3A_45 = arith.constant 0 : i32
      %dma_start3A_46 = arith.constant 0 : i32
      %dma_start3A_47 = tpu.memref_slice %arg8[%dma_start3A_45, %dma_start3A_46] : memref<128x128xf32, #tpu.memory_space<vmem>> -> memref<128x128xf32, #tpu.memory_space<vmem>>
      %dma_start3A_48 = arith.constant 0 : i32
      %dma_start3A_49 = tpu.memref_slice %arg10[%add3A_12, %dma_start3A_48] : memref<10000x128xf32, #tpu.memory_space<vmem_shared>> -> memref<128x128xf32, #tpu.memory_space<vmem_shared>>
      %dma_start3A_50 = arith.constant 0 : i32
      %dma_start3A_51 = tpu.memref_slice %arg10[%add3A_12, %dma_start3A_50] : memref<10000x128xf32, #tpu.memory_space<vmem_shared>> -> memref<128x128xf32, #tpu.memory_space<vmem_shared>>
      %dma_start3A_52 = arith.constant 0 : i32
      %dma_start3A_53 = arith.constant 0 : i32
      %dma_start3A_54 = tpu.memref_slice %arg8[%dma_start3A_52, %dma_start3A_53] : memref<128x128xf32, #tpu.memory_space<vmem>> -> memref<128x128xf32, #tpu.memory_space<vmem>>
      tpu.enqueue_dma source(%dma_start3A_54 : memref<128x128xf32, #tpu.memory_space<vmem>>) target(%dma_start3A_51 : memref<128x128xf32, #tpu.memory_space<vmem_shared>>) target_semaphore(%run_scoped3A : memref<!tpu.dma_semaphore, #tpu.memory_space<semaphore_mem>>)
      %dma_wait3A = arith.constant 0 : i32
      %dma_wait3A_55 = arith.constant 0 : i32
      %dma_wait3A_56 = tpu.memref_slice %arg8[%dma_wait3A, %dma_wait3A_55] : memref<128x128xf32, #tpu.memory_space<vmem>> -> memref<128x128xf32, #tpu.memory_space<vmem>>
      %dma_wait3A_57 = arith.constant 0 : i32
      %dma_wait3A_58 = tpu.memref_slice %arg10[%add3A_12, %dma_wait3A_57] : memref<10000x128xf32, #tpu.memory_space<vmem_shared>> -> memref<128x128xf32, #tpu.memory_space<vmem_shared>>
      %dma_wait3A_59 = arith.constant 0 : i32
      %dma_wait3A_60 = tpu.memref_slice %arg10[%add3A_12, %dma_wait3A_59] : memref<10000x128xf32, #tpu.memory_space<vmem_shared>> -> memref<128x128xf32, #tpu.memory_space<vmem_shared>>
      %dma_wait3A_61 = arith.constant 0 : i32
      %dma_wait3A_62 = arith.constant 0 : i32
      %dma_wait3A_63 = tpu.memref_slice %arg8[%dma_wait3A_61, %dma_wait3A_62] : memref<128x128xf32, #tpu.memory_space<vmem>> -> memref<128x128xf32, #tpu.memory_space<vmem>>
      tpu.wait_dma2 semaphore(%run_scoped3A : memref<!tpu.dma_semaphore, #tpu.memory_space<semaphore_mem>>) src(%dma_wait3A_63 : memref<128x128xf32, #tpu.memory_space<vmem>>) dst(%dma_wait3A_60 : memref<128x128xf32, #tpu.memory_space<vmem_shared>>)
      tpu.yield
    }) : () -> ()
    %add3A_13 = arith.constant 512 : i32
    %add3A_14 = arith.addi %mul3A_4, %add3A_13 : i32
    "tpu.region"() ({
      %run_scoped3A = tpu.sem_alloc : memref<!tpu.dma_semaphore, #tpu.memory_space<semaphore_mem>>
      %dma_start3A_45 = arith.constant 0 : i32
      %dma_start3A_46 = arith.constant 0 : i32
      %dma_start3A_47 = tpu.memref_slice %arg8[%dma_start3A_45, %dma_start3A_46] : memref<128x128xf32, #tpu.memory_space<vmem>> -> memref<112x128xf32, #tpu.memory_space<vmem>>
      %dma_start3A_48 = arith.constant 0 : i32
      %dma_start3A_49 = tpu.memref_slice %arg10[%add3A_14, %dma_start3A_48] : memref<10000x128xf32, #tpu.memory_space<vmem_shared>> -> memref<112x128xf32, #tpu.memory_space<vmem_shared>>
      %dma_start3A_50 = arith.constant 0 : i32
      %dma_start3A_51 = tpu.memref_slice %arg10[%add3A_14, %dma_start3A_50] : memref<10000x128xf32, #tpu.memory_space<vmem_shared>> -> memref<112x128xf32, #tpu.memory_space<vmem_shared>>
      %dma_start3A_52 = arith.constant 0 : i32
      %dma_start3A_53 = arith.constant 0 : i32
      %dma_start3A_54 = tpu.memref_slice %arg8[%dma_start3A_52, %dma_start3A_53] : memref<128x128xf32, #tpu.memory_space<vmem>> -> memref<112x128xf32, #tpu.memory_space<vmem>>
      tpu.enqueue_dma source(%dma_start3A_54 : memref<112x128xf32, #tpu.memory_space<vmem>>) target(%dma_start3A_51 : memref<112x128xf32, #tpu.memory_space<vmem_shared>>) target_semaphore(%run_scoped3A : memref<!tpu.dma_semaphore, #tpu.memory_space<semaphore_mem>>)
      %dma_wait3A = arith.constant 0 : i32
      %dma_wait3A_55 = arith.constant 0 : i32
      %dma_wait3A_56 = tpu.memref_slice %arg8[%dma_wait3A, %dma_wait3A_55] : memref<128x128xf32, #tpu.memory_space<vmem>> -> memref<112x128xf32, #tpu.memory_space<vmem>>
      %dma_wait3A_57 = arith.constant 0 : i32
      %dma_wait3A_58 = tpu.memref_slice %arg10[%add3A_14, %dma_wait3A_57] : memref<10000x128xf32, #tpu.memory_space<vmem_shared>> -> memref<112x128xf32, #tpu.memory_space<vmem_shared>>
      %dma_wait3A_59 = arith.constant 0 : i32
      %dma_wait3A_60 = tpu.memref_slice %arg10[%add3A_14, %dma_wait3A_59] : memref<10000x128xf32, #tpu.memory_space<vmem_shared>> -> memref<112x128xf32, #tpu.memory_space<vmem_shared>>
      %dma_wait3A_61 = arith.constant 0 : i32
      %dma_wait3A_62 = arith.constant 0 : i32
      %dma_wait3A_63 = tpu.memref_slice %arg8[%dma_wait3A_61, %dma_wait3A_62] : memref<128x128xf32, #tpu.memory_space<vmem>> -> memref<112x128xf32, #tpu.memory_space<vmem>>
      tpu.wait_dma2 semaphore(%run_scoped3A : memref<!tpu.dma_semaphore, #tpu.memory_space<semaphore_mem>>) src(%dma_wait3A_63 : memref<112x128xf32, #tpu.memory_space<vmem>>) dst(%dma_wait3A_60 : memref<112x128xf32, #tpu.memory_space<vmem_shared>>)
      tpu.yield
    }) : () -> ()
    %eq3A = arith.constant 15 : i32
    %eq3A_15 = arith.cmpi eq, %arg1, %eq3A : i32
    %convert_element_type3A = arith.extui %eq3A_15 : i1 to i32
    %cond3A = arith.constant 0 : i32
    %cond3A_16 = arith.cmpi ne, %convert_element_type3A, %cond3A : i32
    scf.if %cond3A_16 {
      "tpu.region"() ({
        %run_scoped3A = tpu.sem_alloc : memref<!tpu.dma_semaphore, #tpu.memory_space<semaphore_mem>>
        %dma_start3A_45 = arith.constant 0 : i32
        %dma_start3A_46 = arith.constant 0 : i32
        %dma_start3A_47 = tpu.memref_slice %arg8[%dma_start3A_45, %dma_start3A_46] : memref<128x128xf32, #tpu.memory_space<vmem>> -> memref<16x128xf32, #tpu.memory_space<vmem>>
        %dma_start3A_48 = arith.constant 9984 : i32
        %dma_start3A_49 = arith.constant 0 : i32
        %dma_start3A_50 = tpu.memref_slice %arg10[%dma_start3A_48, %dma_start3A_49] : memref<10000x128xf32, #tpu.memory_space<vmem_shared>> -> memref<16x128xf32, #tpu.memory_space<vmem_shared>>
        %dma_start3A_51 = arith.constant 9984 : i32
        %dma_start3A_52 = arith.constant 0 : i32
        %dma_start3A_53 = tpu.memref_slice %arg10[%dma_start3A_51, %dma_start3A_52] : memref<10000x128xf32, #tpu.memory_space<vmem_shared>> -> memref<16x128xf32, #tpu.memory_space<vmem_shared>>
        %dma_start3A_54 = arith.constant 0 : i32
        %dma_start3A_55 = arith.constant 0 : i32
        %dma_start3A_56 = tpu.memref_slice %arg8[%dma_start3A_54, %dma_start3A_55] : memref<128x128xf32, #tpu.memory_space<vmem>> -> memref<16x128xf32, #tpu.memory_space<vmem>>
        tpu.enqueue_dma source(%dma_start3A_56 : memref<16x128xf32, #tpu.memory_space<vmem>>) target(%dma_start3A_53 : memref<16x128xf32, #tpu.memory_space<vmem_shared>>) target_semaphore(%run_scoped3A : memref<!tpu.dma_semaphore, #tpu.memory_space<semaphore_mem>>)
        %dma_wait3A = arith.constant 0 : i32
        %dma_wait3A_57 = arith.constant 0 : i32
        %dma_wait3A_58 = tpu.memref_slice %arg8[%dma_wait3A, %dma_wait3A_57] : memref<128x128xf32, #tpu.memory_space<vmem>> -> memref<16x128xf32, #tpu.memory_space<vmem>>
        %dma_wait3A_59 = arith.constant 9984 : i32
        %dma_wait3A_60 = arith.constant 0 : i32
        %dma_wait3A_61 = tpu.memref_slice %arg10[%dma_wait3A_59, %dma_wait3A_60] : memref<10000x128xf32, #tpu.memory_space<vmem_shared>> -> memref<16x128xf32, #tpu.memory_space<vmem_shared>>
        %dma_wait3A_62 = arith.constant 9984 : i32
        %dma_wait3A_63 = arith.constant 0 : i32
        %dma_wait3A_64 = tpu.memref_slice %arg10[%dma_wait3A_62, %dma_wait3A_63] : memref<10000x128xf32, #tpu.memory_space<vmem_shared>> -> memref<16x128xf32, #tpu.memory_space<vmem_shared>>
        %dma_wait3A_65 = arith.constant 0 : i32
        %dma_wait3A_66 = arith.constant 0 : i32
        %dma_wait3A_67 = tpu.memref_slice %arg8[%dma_wait3A_65, %dma_wait3A_66] : memref<128x128xf32, #tpu.memory_space<vmem>> -> memref<16x128xf32, #tpu.memory_space<vmem>>
        tpu.wait_dma2 semaphore(%run_scoped3A : memref<!tpu.dma_semaphore, #tpu.memory_space<semaphore_mem>>) src(%dma_wait3A_67 : memref<16x128xf32, #tpu.memory_space<vmem>>) dst(%dma_wait3A_64 : memref<16x128xf32, #tpu.memory_space<vmem_shared>>)
        tpu.yield
      }) : () -> ()
    } else {
    }
    %barrier3A = arith.constant 0 : index
    tpu.barrier barrier_id(%barrier3A)
    %lt3A = arith.constant 4 : i32
    %lt3A_17 = arith.cmpi slt, %add3A, %lt3A : i32
    %convert_element_type3A_18 = arith.extui %lt3A_17 : i1 to i32
    %cond3A_19 = arith.constant 0 : i32
    %cond3A_20 = arith.cmpi ne, %convert_element_type3A_18, %cond3A_19 : i32
    scf.if %cond3A_20 {
      %add3A_45 = arith.constant 2496 : i32
      %add3A_46 = arith.addi %add3A_45, %add3A : i32
      "tpu.region"() ({
        %run_scoped3A_60 = tpu.sem_alloc : memref<!tpu.dma_semaphore, #tpu.memory_space<semaphore_mem>>
        %dma_start3A_61 = arith.constant 0 : i32
        %dma_start3A_62 = arith.constant 0 : i32
        %dma_start3A_63 = tpu.memref_slice %arg3[%add3A_46, %dma_start3A_61, %dma_start3A_62] : memref<2500x2x128xi32, #tpu.memory_space<hbm>> -> memref<1x2x128xi32, #tpu.memory_space<hbm>>
        %dma_start3A_64 = tpu.memref_squeeze %dma_start3A_63 : memref<1x2x128xi32, #tpu.memory_space<hbm>> -> memref<2x128xi32, #tpu.memory_space<hbm>>
        %dma_start3A_65 = arith.constant 0 : i32
        %dma_start3A_66 = arith.constant 0 : i32
        %dma_start3A_67 = tpu.memref_slice %arg3[%add3A_46, %dma_start3A_65, %dma_start3A_66] : memref<2500x2x128xi32, #tpu.memory_space<hbm>> -> memref<1x2x128xi32, #tpu.memory_space<hbm>>
        %dma_start3A_68 = tpu.memref_squeeze %dma_start3A_67 : memref<1x2x128xi32, #tpu.memory_space<hbm>> -> memref<2x128xi32, #tpu.memory_space<hbm>>
        tpu.enqueue_dma source(%dma_start3A_68 : memref<2x128xi32, #tpu.memory_space<hbm>>) target(%arg6 : memref<2x128xi32, #tpu.memory_space<vmem>>) target_semaphore(%run_scoped3A_60 : memref<!tpu.dma_semaphore, #tpu.memory_space<semaphore_mem>>)
        %dma_wait3A_69 = arith.constant 0 : i32
        %dma_wait3A_70 = arith.constant 0 : i32
        %dma_wait3A_71 = tpu.memref_slice %arg3[%add3A_46, %dma_wait3A_69, %dma_wait3A_70] : memref<2500x2x128xi32, #tpu.memory_space<hbm>> -> memref<1x2x128xi32, #tpu.memory_space<hbm>>
        %dma_wait3A_72 = tpu.memref_squeeze %dma_wait3A_71 : memref<1x2x128xi32, #tpu.memory_space<hbm>> -> memref<2x128xi32, #tpu.memory_space<hbm>>
        %dma_wait3A_73 = arith.constant 0 : i32
        %dma_wait3A_74 = arith.constant 0 : i32
        %dma_wait3A_75 = tpu.memref_slice %arg3[%add3A_46, %dma_wait3A_73, %dma_wait3A_74] : memref<2500x2x128xi32, #tpu.memory_space<hbm>> -> memref<1x2x128xi32, #tpu.memory_space<hbm>>
        %dma_wait3A_76 = tpu.memref_squeeze %dma_wait3A_75 : memref<1x2x128xi32, #tpu.memory_space<hbm>> -> memref<2x128xi32, #tpu.memory_space<hbm>>
        tpu.wait_dma2 semaphore(%run_scoped3A_60 : memref<!tpu.dma_semaphore, #tpu.memory_space<semaphore_mem>>) src(%dma_wait3A_76 : memref<2x128xi32, #tpu.memory_space<hbm>>) dst(%arg6 : memref<2x128xi32, #tpu.memory_space<vmem>>)
        tpu.yield
      }) : () -> ()
      %dma_start3A_47 = arith.constant 0 : i32
      %dma_start3A_48 = arith.constant 0 : i32
      %dma_start3A_49 = tpu.memref_slice %arg6[%dma_start3A_47, %dma_start3A_48] : memref<2x128xi32, #tpu.memory_space<vmem>> -> memref<1x128xi32, #tpu.memory_space<vmem>>
      %dma_start3A_50 = tpu.memref_squeeze %dma_start3A_49 : memref<1x128xi32, #tpu.memory_space<vmem>> -> memref<128xi32, #tpu.memory_space<vmem>>
      %dma_start3A_51 = arith.constant 0 : i32
      %dma_start3A_52 = arith.constant 0 : i32
      %dma_start3A_53 = tpu.memref_slice %arg2[%dma_start3A_51, %dma_start3A_52] : memref<10000x128xf32, #tpu.memory_space<hbm>> -> memref<10000x128xf32, #tpu.memory_space<hbm>>
      tpu.enqueue_indirect_dma source(%dma_start3A_53 : memref<10000x128xf32, #tpu.memory_space<hbm>>) target(%arg8 : memref<128x128xf32, #tpu.memory_space<vmem>>) offsets(%dma_start3A_50 : memref<128xi32, #tpu.memory_space<vmem>>) semaphore(%arg11 : memref<!tpu.dma_semaphore, #tpu.memory_space<semaphore_mem>>)
      %dma_wait3A = arith.constant 0 : i32
      %dma_wait3A_54 = arith.constant 0 : i32
      %dma_wait3A_55 = tpu.memref_slice %arg6[%dma_wait3A, %dma_wait3A_54] : memref<2x128xi32, #tpu.memory_space<vmem>> -> memref<1x128xi32, #tpu.memory_space<vmem>>
      %dma_wait3A_56 = tpu.memref_squeeze %dma_wait3A_55 : memref<1x128xi32, #tpu.memory_space<vmem>> -> memref<128xi32, #tpu.memory_space<vmem>>
      %dma_wait3A_57 = arith.constant 0 : i32
      %dma_wait3A_58 = arith.constant 0 : i32
      %dma_wait3A_59 = tpu.memref_slice %arg2[%dma_wait3A_57, %dma_wait3A_58] : memref<10000x128xf32, #tpu.memory_space<hbm>> -> memref<10000x128xf32, #tpu.memory_space<hbm>>
      tpu.wait_indirect_dma semaphore(%arg11 : memref<!tpu.dma_semaphore, #tpu.memory_space<semaphore_mem>>) src(%dma_wait3A_59 : memref<10000x128xf32, #tpu.memory_space<hbm>>) dst(%arg8 : memref<128x128xf32, #tpu.memory_space<vmem>>)
      %run_scoped3A = arith.constant 1 : i32
      "tpu.region"() ({
        %run_scoped3A_60 = tpu.sem_alloc : memref<!tpu.dma_semaphore, #tpu.memory_space<semaphore_mem>>
        %dma_start3A_61 = arith.constant 0 : i32
        %dma_start3A_62 = tpu.memref_slice %arg6[%run_scoped3A, %dma_start3A_61] : memref<2x128xi32, #tpu.memory_space<vmem>> -> memref<1x128xi32, #tpu.memory_space<vmem>>
        %dma_start3A_63 = tpu.memref_squeeze %dma_start3A_62 : memref<1x128xi32, #tpu.memory_space<vmem>> -> memref<128xi32, #tpu.memory_space<vmem>>
        %dma_start3A_64 = arith.constant 0 : i32
        %dma_start3A_65 = arith.constant 0 : i32
        %dma_start3A_66 = tpu.memref_slice %arg10[%dma_start3A_64, %dma_start3A_65] : memref<10000x128xf32, #tpu.memory_space<vmem_shared>> -> memref<10000x128xf32, #tpu.memory_space<vmem_shared>>
        tpu.enqueue_indirect_dma source(%arg8 : memref<128x128xf32, #tpu.memory_space<vmem>>) target(%dma_start3A_66 : memref<10000x128xf32, #tpu.memory_space<vmem_shared>>) offsets(%dma_start3A_63 : memref<128xi32, #tpu.memory_space<vmem>>) semaphore(%run_scoped3A_60 : memref<!tpu.dma_semaphore, #tpu.memory_space<semaphore_mem>>) {add = true}
        %dma_wait3A_67 = arith.constant 0 : i32
        %dma_wait3A_68 = tpu.memref_slice %arg6[%run_scoped3A, %dma_wait3A_67] : memref<2x128xi32, #tpu.memory_space<vmem>> -> memref<1x128xi32, #tpu.memory_space<vmem>>
        %dma_wait3A_69 = tpu.memref_squeeze %dma_wait3A_68 : memref<1x128xi32, #tpu.memory_space<vmem>> -> memref<128xi32, #tpu.memory_space<vmem>>
        %dma_wait3A_70 = arith.constant 0 : i32
        %dma_wait3A_71 = arith.constant 0 : i32
        %dma_wait3A_72 = tpu.memref_slice %arg10[%dma_wait3A_70, %dma_wait3A_71] : memref<10000x128xf32, #tpu.memory_space<vmem_shared>> -> memref<10000x128xf32, #tpu.memory_space<vmem_shared>>
        tpu.wait_indirect_dma semaphore(%run_scoped3A_60 : memref<!tpu.dma_semaphore, #tpu.memory_space<semaphore_mem>>) src(%arg8 : memref<128x128xf32, #tpu.memory_space<vmem>>) dst(%dma_wait3A_72 : memref<10000x128xf32, #tpu.memory_space<vmem_shared>>)
        tpu.yield
      }) : () -> ()
    } else {
    }
    "tpu.region"() ({
      %run_scoped3A = tpu.sem_alloc : memref<!tpu.dma_semaphore, #tpu.memory_space<semaphore_mem>>
      %dma_start3A_45 = arith.constant 0 : i32
      %dma_start3A_46 = arith.constant 0 : i32
      %dma_start3A_47 = tpu.memref_slice %arg3[%mul3A_2, %dma_start3A_45, %dma_start3A_46] : memref<2500x2x128xi32, #tpu.memory_space<hbm>> -> memref<1x2x128xi32, #tpu.memory_space<hbm>>
      %dma_start3A_48 = tpu.memref_squeeze %dma_start3A_47 : memref<1x2x128xi32, #tpu.memory_space<hbm>> -> memref<2x128xi32, #tpu.memory_space<hbm>>
      %dma_start3A_49 = arith.constant 0 : i32
      %dma_start3A_50 = arith.constant 0 : i32
      %dma_start3A_51 = tpu.memref_slice %arg3[%mul3A_2, %dma_start3A_49, %dma_start3A_50] : memref<2500x2x128xi32, #tpu.memory_space<hbm>> -> memref<1x2x128xi32, #tpu.memory_space<hbm>>
      %dma_start3A_52 = tpu.memref_squeeze %dma_start3A_51 : memref<1x2x128xi32, #tpu.memory_space<hbm>> -> memref<2x128xi32, #tpu.memory_space<hbm>>
      tpu.enqueue_dma source(%dma_start3A_52 : memref<2x128xi32, #tpu.memory_space<hbm>>) target(%arg6 : memref<2x128xi32, #tpu.memory_space<vmem>>) target_semaphore(%run_scoped3A : memref<!tpu.dma_semaphore, #tpu.memory_space<semaphore_mem>>)
      %dma_wait3A = arith.constant 0 : i32
      %dma_wait3A_53 = arith.constant 0 : i32
      %dma_wait3A_54 = tpu.memref_slice %arg3[%mul3A_2, %dma_wait3A, %dma_wait3A_53] : memref<2500x2x128xi32, #tpu.memory_space<hbm>> -> memref<1x2x128xi32, #tpu.memory_space<hbm>>
      %dma_wait3A_55 = tpu.memref_squeeze %dma_wait3A_54 : memref<1x2x128xi32, #tpu.memory_space<hbm>> -> memref<2x128xi32, #tpu.memory_space<hbm>>
      %dma_wait3A_56 = arith.constant 0 : i32
      %dma_wait3A_57 = arith.constant 0 : i32
      %dma_wait3A_58 = tpu.memref_slice %arg3[%mul3A_2, %dma_wait3A_56, %dma_wait3A_57] : memref<2500x2x128xi32, #tpu.memory_space<hbm>> -> memref<1x2x128xi32, #tpu.memory_space<hbm>>
      %dma_wait3A_59 = tpu.memref_squeeze %dma_wait3A_58 : memref<1x2x128xi32, #tpu.memory_space<hbm>> -> memref<2x128xi32, #tpu.memory_space<hbm>>
      tpu.wait_dma2 semaphore(%run_scoped3A : memref<!tpu.dma_semaphore, #tpu.memory_space<semaphore_mem>>) src(%dma_wait3A_59 : memref<2x128xi32, #tpu.memory_space<hbm>>) dst(%arg6 : memref<2x128xi32, #tpu.memory_space<vmem>>)
      tpu.yield
    }) : () -> ()
    %add3A_21 = arith.constant 1 : i32
    %add3A_22 = arith.addi %mul3A_2, %add3A_21 : i32
    "tpu.region"() ({
      %run_scoped3A = tpu.sem_alloc : memref<!tpu.dma_semaphore, #tpu.memory_space<semaphore_mem>>
      %dma_start3A_45 = arith.constant 0 : i32
      %dma_start3A_46 = arith.constant 0 : i32
      %dma_start3A_47 = tpu.memref_slice %arg3[%add3A_22, %dma_start3A_45, %dma_start3A_46] : memref<2500x2x128xi32, #tpu.memory_space<hbm>> -> memref<1x2x128xi32, #tpu.memory_space<hbm>>
      %dma_start3A_48 = tpu.memref_squeeze %dma_start3A_47 : memref<1x2x128xi32, #tpu.memory_space<hbm>> -> memref<2x128xi32, #tpu.memory_space<hbm>>
      %dma_start3A_49 = arith.constant 0 : i32
      %dma_start3A_50 = arith.constant 0 : i32
      %dma_start3A_51 = tpu.memref_slice %arg3[%add3A_22, %dma_start3A_49, %dma_start3A_50] : memref<2500x2x128xi32, #tpu.memory_space<hbm>> -> memref<1x2x128xi32, #tpu.memory_space<hbm>>
      %dma_start3A_52 = tpu.memref_squeeze %dma_start3A_51 : memref<1x2x128xi32, #tpu.memory_space<hbm>> -> memref<2x128xi32, #tpu.memory_space<hbm>>
      tpu.enqueue_dma source(%dma_start3A_52 : memref<2x128xi32, #tpu.memory_space<hbm>>) target(%arg7 : memref<2x128xi32, #tpu.memory_space<vmem>>) target_semaphore(%run_scoped3A : memref<!tpu.dma_semaphore, #tpu.memory_space<semaphore_mem>>)
      %dma_wait3A = arith.constant 0 : i32
      %dma_wait3A_53 = arith.constant 0 : i32
      %dma_wait3A_54 = tpu.memref_slice %arg3[%add3A_22, %dma_wait3A, %dma_wait3A_53] : memref<2500x2x128xi32, #tpu.memory_space<hbm>> -> memref<1x2x128xi32, #tpu.memory_space<hbm>>
      %dma_wait3A_55 = tpu.memref_squeeze %dma_wait3A_54 : memref<1x2x128xi32, #tpu.memory_space<hbm>> -> memref<2x128xi32, #tpu.memory_space<hbm>>
      %dma_wait3A_56 = arith.constant 0 : i32
      %dma_wait3A_57 = arith.constant 0 : i32
      %dma_wait3A_58 = tpu.memref_slice %arg3[%add3A_22, %dma_wait3A_56, %dma_wait3A_57] : memref<2500x2x128xi32, #tpu.memory_space<hbm>> -> memref<1x2x128xi32, #tpu.memory_space<hbm>>
      %dma_wait3A_59 = tpu.memref_squeeze %dma_wait3A_58 : memref<1x2x128xi32, #tpu.memory_space<hbm>> -> memref<2x128xi32, #tpu.memory_space<hbm>>
      tpu.wait_dma2 semaphore(%run_scoped3A : memref<!tpu.dma_semaphore, #tpu.memory_space<semaphore_mem>>) src(%dma_wait3A_59 : memref<2x128xi32, #tpu.memory_space<hbm>>) dst(%arg7 : memref<2x128xi32, #tpu.memory_space<vmem>>)
      tpu.yield
    }) : () -> ()
    %dma_start3A = arith.constant 0 : i32
    %dma_start3A_23 = arith.constant 0 : i32
    %dma_start3A_24 = tpu.memref_slice %arg6[%dma_start3A, %dma_start3A_23] : memref<2x128xi32, #tpu.memory_space<vmem>> -> memref<1x128xi32, #tpu.memory_space<vmem>>
    %dma_start3A_25 = tpu.memref_squeeze %dma_start3A_24 : memref<1x128xi32, #tpu.memory_space<vmem>> -> memref<128xi32, #tpu.memory_space<vmem>>
    %dma_start3A_26 = arith.constant 0 : i32
    %dma_start3A_27 = arith.constant 0 : i32
    %dma_start3A_28 = tpu.memref_slice %arg2[%dma_start3A_26, %dma_start3A_27] : memref<10000x128xf32, #tpu.memory_space<hbm>> -> memref<10000x128xf32, #tpu.memory_space<hbm>>
    tpu.enqueue_indirect_dma source(%dma_start3A_28 : memref<10000x128xf32, #tpu.memory_space<hbm>>) target(%arg8 : memref<128x128xf32, #tpu.memory_space<vmem>>) offsets(%dma_start3A_25 : memref<128xi32, #tpu.memory_space<vmem>>) semaphore(%arg11 : memref<!tpu.dma_semaphore, #tpu.memory_space<semaphore_mem>>)
    %scan3A = arith.constant 0 : i32
    %scan3A_29 = arith.constant 0 : i32
    %scan3A_30 = arith.constant 39 : i32
    %scan3A_31 = arith.addi %scan3A_29, %scan3A_30 : i32
    %scan3A_32 = arith.constant 1 : i32
    %scan3A_33 = scf.for %scan3A_45 = %scan3A_29 to %scan3A_31 step %scan3A_32 iter_args(%scan3A_46 = %scan3A) -> (i32)  : i32 {
      %mul3A_47 = arith.constant 2 : i32
      %mul3A_48 = arith.muli %mul3A_47, %scan3A_45 : i32
      %add3A_49 = arith.addi %mul3A_2, %mul3A_48 : i32
      %dma_wait3A = arith.constant 0 : i32
      %dma_wait3A_50 = arith.constant 0 : i32
      %dma_wait3A_51 = tpu.memref_slice %arg6[%dma_wait3A, %dma_wait3A_50] : memref<2x128xi32, #tpu.memory_space<vmem>> -> memref<1x128xi32, #tpu.memory_space<vmem>>
      %dma_wait3A_52 = tpu.memref_squeeze %dma_wait3A_51 : memref<1x128xi32, #tpu.memory_space<vmem>> -> memref<128xi32, #tpu.memory_space<vmem>>
      %dma_wait3A_53 = arith.constant 0 : i32
      %dma_wait3A_54 = arith.constant 0 : i32
      %dma_wait3A_55 = tpu.memref_slice %arg2[%dma_wait3A_53, %dma_wait3A_54] : memref<10000x128xf32, #tpu.memory_space<hbm>> -> memref<10000x128xf32, #tpu.memory_space<hbm>>
      tpu.wait_indirect_dma semaphore(%arg11 : memref<!tpu.dma_semaphore, #tpu.memory_space<semaphore_mem>>) src(%dma_wait3A_55 : memref<10000x128xf32, #tpu.memory_space<hbm>>) dst(%arg8 : memref<128x128xf32, #tpu.memory_space<vmem>>)
      %dma_start3A_56 = arith.constant 0 : i32
      %dma_start3A_57 = arith.constant 0 : i32
      %dma_start3A_58 = tpu.memref_slice %arg7[%dma_start3A_56, %dma_start3A_57] : memref<2x128xi32, #tpu.memory_space<vmem>> -> memref<1x128xi32, #tpu.memory_space<vmem>>
      %dma_start3A_59 = tpu.memref_squeeze %dma_start3A_58 : memref<1x128xi32, #tpu.memory_space<vmem>> -> memref<128xi32, #tpu.memory_space<vmem>>
      %dma_start3A_60 = arith.constant 0 : i32
      %dma_start3A_61 = arith.constant 0 : i32
      %dma_start3A_62 = tpu.memref_slice %arg2[%dma_start3A_60, %dma_start3A_61] : memref<10000x128xf32, #tpu.memory_space<hbm>> -> memref<10000x128xf32, #tpu.memory_space<hbm>>
      tpu.enqueue_indirect_dma source(%dma_start3A_62 : memref<10000x128xf32, #tpu.memory_space<hbm>>) target(%arg9 : memref<128x128xf32, #tpu.memory_space<vmem>>) offsets(%dma_start3A_59 : memref<128xi32, #tpu.memory_space<vmem>>) semaphore(%arg12 : memref<!tpu.dma_semaphore, #tpu.memory_space<semaphore_mem>>)
      %run_scoped3A = arith.constant 1 : i32
      "tpu.region"() ({
        %run_scoped3A_87 = tpu.sem_alloc : memref<!tpu.dma_semaphore, #tpu.memory_space<semaphore_mem>>
        %dma_start3A_88 = arith.constant 0 : i32
        %dma_start3A_89 = tpu.memref_slice %arg6[%run_scoped3A, %dma_start3A_88] : memref<2x128xi32, #tpu.memory_space<vmem>> -> memref<1x128xi32, #tpu.memory_space<vmem>>
        %dma_start3A_90 = tpu.memref_squeeze %dma_start3A_89 : memref<1x128xi32, #tpu.memory_space<vmem>> -> memref<128xi32, #tpu.memory_space<vmem>>
        %dma_start3A_91 = arith.constant 0 : i32
        %dma_start3A_92 = arith.constant 0 : i32
        %dma_start3A_93 = tpu.memref_slice %arg10[%dma_start3A_91, %dma_start3A_92] : memref<10000x128xf32, #tpu.memory_space<vmem_shared>> -> memref<10000x128xf32, #tpu.memory_space<vmem_shared>>
        tpu.enqueue_indirect_dma source(%arg8 : memref<128x128xf32, #tpu.memory_space<vmem>>) target(%dma_start3A_93 : memref<10000x128xf32, #tpu.memory_space<vmem_shared>>) offsets(%dma_start3A_90 : memref<128xi32, #tpu.memory_space<vmem>>) semaphore(%run_scoped3A_87 : memref<!tpu.dma_semaphore, #tpu.memory_space<semaphore_mem>>) {add = true}
        %dma_wait3A_94 = arith.constant 0 : i32
        %dma_wait3A_95 = tpu.memref_slice %arg6[%run_scoped3A, %dma_wait3A_94] : memref<2x128xi32, #tpu.memory_space<vmem>> -> memref<1x128xi32, #tpu.memory_space<vmem>>
        %dma_wait3A_96 = tpu.memref_squeeze %dma_wait3A_95 : memref<1x128xi32, #tpu.memory_space<vmem>> -> memref<128xi32, #tpu.memory_space<vmem>>
        %dma_wait3A_97 = arith.constant 0 : i32
        %dma_wait3A_98 = arith.constant 0 : i32
        %dma_wait3A_99 = tpu.memref_slice %arg10[%dma_wait3A_97, %dma_wait3A_98] : memref<10000x128xf32, #tpu.memory_space<vmem_shared>> -> memref<10000x128xf32, #tpu.memory_space<vmem_shared>>
        tpu.wait_indirect_dma semaphore(%run_scoped3A_87 : memref<!tpu.dma_semaphore, #tpu.memory_space<semaphore_mem>>) src(%arg8 : memref<128x128xf32, #tpu.memory_space<vmem>>) dst(%dma_wait3A_99 : memref<10000x128xf32, #tpu.memory_space<vmem_shared>>)
        tpu.yield
      }) : () -> ()
      %lt3A_63 = arith.constant 38 : i32
      %lt3A_64 = arith.cmpi slt, %scan3A_45, %lt3A_63 : i32
      %convert_element_type3A_65 = arith.extui %lt3A_64 : i1 to i32
      %cond3A_66 = arith.constant 0 : i32
      %cond3A_67 = arith.cmpi ne, %convert_element_type3A_65, %cond3A_66 : i32
      scf.if %cond3A_67 {
        %add3A_87 = arith.constant 2 : i32
        %add3A_88 = arith.addi %add3A_49, %add3A_87 : i32
        "tpu.region"() ({
          %run_scoped3A_89 = tpu.sem_alloc : memref<!tpu.dma_semaphore, #tpu.memory_space<semaphore_mem>>
          %dma_start3A_90 = arith.constant 0 : i32
          %dma_start3A_91 = arith.constant 0 : i32
          %dma_start3A_92 = tpu.memref_slice %arg3[%add3A_88, %dma_start3A_90, %dma_start3A_91] : memref<2500x2x128xi32, #tpu.memory_space<hbm>> -> memref<1x2x128xi32, #tpu.memory_space<hbm>>
          %dma_start3A_93 = tpu.memref_squeeze %dma_start3A_92 : memref<1x2x128xi32, #tpu.memory_space<hbm>> -> memref<2x128xi32, #tpu.memory_space<hbm>>
          %dma_start3A_94 = arith.constant 0 : i32
          %dma_start3A_95 = arith.constant 0 : i32
          %dma_start3A_96 = tpu.memref_slice %arg3[%add3A_88, %dma_start3A_94, %dma_start3A_95] : memref<2500x2x128xi32, #tpu.memory_space<hbm>> -> memref<1x2x128xi32, #tpu.memory_space<hbm>>
          %dma_start3A_97 = tpu.memref_squeeze %dma_start3A_96 : memref<1x2x128xi32, #tpu.memory_space<hbm>> -> memref<2x128xi32, #tpu.memory_space<hbm>>
          tpu.enqueue_dma source(%dma_start3A_97 : memref<2x128xi32, #tpu.memory_space<hbm>>) target(%arg6 : memref<2x128xi32, #tpu.memory_space<vmem>>) target_semaphore(%run_scoped3A_89 : memref<!tpu.dma_semaphore, #tpu.memory_space<semaphore_mem>>)
          %dma_wait3A_98 = arith.constant 0 : i32
          %dma_wait3A_99 = arith.constant 0 : i32
          %dma_wait3A_100 = tpu.memref_slice %arg3[%add3A_88, %dma_wait3A_98, %dma_wait3A_99] : memref<2500x2x128xi32, #tpu.memory_space<hbm>> -> memref<1x2x128xi32, #tpu.memory_space<hbm>>
          %dma_wait3A_101 = tpu.memref_squeeze %dma_wait3A_100 : memref<1x2x128xi32, #tpu.memory_space<hbm>> -> memref<2x128xi32, #tpu.memory_space<hbm>>
          %dma_wait3A_102 = arith.constant 0 : i32
          %dma_wait3A_103 = arith.constant 0 : i32
          %dma_wait3A_104 = tpu.memref_slice %arg3[%add3A_88, %dma_wait3A_102, %dma_wait3A_103] : memref<2500x2x128xi32, #tpu.memory_space<hbm>> -> memref<1x2x128xi32, #tpu.memory_space<hbm>>
          %dma_wait3A_105 = tpu.memref_squeeze %dma_wait3A_104 : memref<1x2x128xi32, #tpu.memory_space<hbm>> -> memref<2x128xi32, #tpu.memory_space<hbm>>
          tpu.wait_dma2 semaphore(%run_scoped3A_89 : memref<!tpu.dma_semaphore, #tpu.memory_space<semaphore_mem>>) src(%dma_wait3A_105 : memref<2x128xi32, #tpu.memory_space<hbm>>) dst(%arg6 : memref<2x128xi32, #tpu.memory_space<vmem>>)
          tpu.yield
        }) : () -> ()
      } else {
      }
      %dma_wait3A_68 = arith.constant 0 : i32
      %dma_wait3A_69 = arith.constant 0 : i32
      %dma_wait3A_70 = tpu.memref_slice %arg7[%dma_wait3A_68, %dma_wait3A_69] : memref<2x128xi32, #tpu.memory_space<vmem>> -> memref<1x128xi32, #tpu.memory_space<vmem>>
      %dma_wait3A_71 = tpu.memref_squeeze %dma_wait3A_70 : memref<1x128xi32, #tpu.memory_space<vmem>> -> memref<128xi32, #tpu.memory_space<vmem>>
      %dma_wait3A_72 = arith.constant 0 : i32
      %dma_wait3A_73 = arith.constant 0 : i32
      %dma_wait3A_74 = tpu.memref_slice %arg2[%dma_wait3A_72, %dma_wait3A_73] : memref<10000x128xf32, #tpu.memory_space<hbm>> -> memref<10000x128xf32, #tpu.memory_space<hbm>>
      tpu.wait_indirect_dma semaphore(%arg12 : memref<!tpu.dma_semaphore, #tpu.memory_space<semaphore_mem>>) src(%dma_wait3A_74 : memref<10000x128xf32, #tpu.memory_space<hbm>>) dst(%arg9 : memref<128x128xf32, #tpu.memory_space<vmem>>)
      %lt3A_75 = arith.constant 38 : i32
      %lt3A_76 = arith.cmpi slt, %scan3A_45, %lt3A_75 : i32
      %convert_element_type3A_77 = arith.extui %lt3A_76 : i1 to i32
      %cond3A_78 = arith.constant 0 : i32
      %cond3A_79 = arith.cmpi ne, %convert_element_type3A_77, %cond3A_78 : i32
      scf.if %cond3A_79 {
        %dma_start3A_87 = arith.constant 0 : i32
        %dma_start3A_88 = arith.constant 0 : i32
        %dma_start3A_89 = tpu.memref_slice %arg6[%dma_start3A_87, %dma_start3A_88] : memref<2x128xi32, #tpu.memory_space<vmem>> -> memref<1x128xi32, #tpu.memory_space<vmem>>
        %dma_start3A_90 = tpu.memref_squeeze %dma_start3A_89 : memref<1x128xi32, #tpu.memory_space<vmem>> -> memref<128xi32, #tpu.memory_space<vmem>>
        %dma_start3A_91 = arith.constant 0 : i32
        %dma_start3A_92 = arith.constant 0 : i32
        %dma_start3A_93 = tpu.memref_slice %arg2[%dma_start3A_91, %dma_start3A_92] : memref<10000x128xf32, #tpu.memory_space<hbm>> -> memref<10000x128xf32, #tpu.memory_space<hbm>>
        tpu.enqueue_indirect_dma source(%dma_start3A_93 : memref<10000x128xf32, #tpu.memory_space<hbm>>) target(%arg8 : memref<128x128xf32, #tpu.memory_space<vmem>>) offsets(%dma_start3A_90 : memref<128xi32, #tpu.memory_space<vmem>>) semaphore(%arg11 : memref<!tpu.dma_semaphore, #tpu.memory_space<semaphore_mem>>)
      } else {
      }
      %run_scoped3A_80 = arith.constant 1 : i32
      "tpu.region"() ({
        %run_scoped3A_87 = tpu.sem_alloc : memref<!tpu.dma_semaphore, #tpu.memory_space<semaphore_mem>>
        %dma_start3A_88 = arith.constant 0 : i32
        %dma_start3A_89 = tpu.memref_slice %arg7[%run_scoped3A_80, %dma_start3A_88] : memref<2x128xi32, #tpu.memory_space<vmem>> -> memref<1x128xi32, #tpu.memory_space<vmem>>
        %dma_start3A_90 = tpu.memref_squeeze %dma_start3A_89 : memref<1x128xi32, #tpu.memory_space<vmem>> -> memref<128xi32, #tpu.memory_space<vmem>>
        %dma_start3A_91 = arith.constant 0 : i32
        %dma_start3A_92 = arith.constant 0 : i32
        %dma_start3A_93 = tpu.memref_slice %arg10[%dma_start3A_91, %dma_start3A_92] : memref<10000x128xf32, #tpu.memory_space<vmem_shared>> -> memref<10000x128xf32, #tpu.memory_space<vmem_shared>>
        tpu.enqueue_indirect_dma source(%arg9 : memref<128x128xf32, #tpu.memory_space<vmem>>) target(%dma_start3A_93 : memref<10000x128xf32, #tpu.memory_space<vmem_shared>>) offsets(%dma_start3A_90 : memref<128xi32, #tpu.memory_space<vmem>>) semaphore(%run_scoped3A_87 : memref<!tpu.dma_semaphore, #tpu.memory_space<semaphore_mem>>) {add = true}
        %dma_wait3A_94 = arith.constant 0 : i32
        %dma_wait3A_95 = tpu.memref_slice %arg7[%run_scoped3A_80, %dma_wait3A_94] : memref<2x128xi32, #tpu.memory_space<vmem>> -> memref<1x128xi32, #tpu.memory_space<vmem>>
        %dma_wait3A_96 = tpu.memref_squeeze %dma_wait3A_95 : memref<1x128xi32, #tpu.memory_space<vmem>> -> memref<128xi32, #tpu.memory_space<vmem>>
        %dma_wait3A_97 = arith.constant 0 : i32
        %dma_wait3A_98 = arith.constant 0 : i32
        %dma_wait3A_99 = tpu.memref_slice %arg10[%dma_wait3A_97, %dma_wait3A_98] : memref<10000x128xf32, #tpu.memory_space<vmem_shared>> -> memref<10000x128xf32, #tpu.memory_space<vmem_shared>>
        tpu.wait_indirect_dma semaphore(%run_scoped3A_87 : memref<!tpu.dma_semaphore, #tpu.memory_space<semaphore_mem>>) src(%arg9 : memref<128x128xf32, #tpu.memory_space<vmem>>) dst(%dma_wait3A_99 : memref<10000x128xf32, #tpu.memory_space<vmem_shared>>)
        tpu.yield
      }) : () -> ()
      %lt3A_81 = arith.constant 38 : i32
      %lt3A_82 = arith.cmpi slt, %scan3A_45, %lt3A_81 : i32
      %convert_element_type3A_83 = arith.extui %lt3A_82 : i1 to i32
      %cond3A_84 = arith.constant 0 : i32
      %cond3A_85 = arith.cmpi ne, %convert_element_type3A_83, %cond3A_84 : i32
      scf.if %cond3A_85 {
        %add3A_87 = arith.constant 3 : i32
        %add3A_88 = arith.addi %add3A_49, %add3A_87 : i32
        "tpu.region"() ({
          %run_scoped3A_89 = tpu.sem_alloc : memref<!tpu.dma_semaphore, #tpu.memory_space<semaphore_mem>>
          %dma_start3A_90 = arith.constant 0 : i32
          %dma_start3A_91 = arith.constant 0 : i32
          %dma_start3A_92 = tpu.memref_slice %arg3[%add3A_88, %dma_start3A_90, %dma_start3A_91] : memref<2500x2x128xi32, #tpu.memory_space<hbm>> -> memref<1x2x128xi32, #tpu.memory_space<hbm>>
          %dma_start3A_93 = tpu.memref_squeeze %dma_start3A_92 : memref<1x2x128xi32, #tpu.memory_space<hbm>> -> memref<2x128xi32, #tpu.memory_space<hbm>>
          %dma_start3A_94 = arith.constant 0 : i32
          %dma_start3A_95 = arith.constant 0 : i32
          %dma_start3A_96 = tpu.memref_slice %arg3[%add3A_88, %dma_start3A_94, %dma_start3A_95] : memref<2500x2x128xi32, #tpu.memory_space<hbm>> -> memref<1x2x128xi32, #tpu.memory_space<hbm>>
          %dma_start3A_97 = tpu.memref_squeeze %dma_start3A_96 : memref<1x2x128xi32, #tpu.memory_space<hbm>> -> memref<2x128xi32, #tpu.memory_space<hbm>>
          tpu.enqueue_dma source(%dma_start3A_97 : memref<2x128xi32, #tpu.memory_space<hbm>>) target(%arg7 : memref<2x128xi32, #tpu.memory_space<vmem>>) target_semaphore(%run_scoped3A_89 : memref<!tpu.dma_semaphore, #tpu.memory_space<semaphore_mem>>)
          %dma_wait3A_98 = arith.constant 0 : i32
          %dma_wait3A_99 = arith.constant 0 : i32
          %dma_wait3A_100 = tpu.memref_slice %arg3[%add3A_88, %dma_wait3A_98, %dma_wait3A_99] : memref<2500x2x128xi32, #tpu.memory_space<hbm>> -> memref<1x2x128xi32, #tpu.memory_space<hbm>>
          %dma_wait3A_101 = tpu.memref_squeeze %dma_wait3A_100 : memref<1x2x128xi32, #tpu.memory_space<hbm>> -> memref<2x128xi32, #tpu.memory_space<hbm>>
          %dma_wait3A_102 = arith.constant 0 : i32
          %dma_wait3A_103 = arith.constant 0 : i32
          %dma_wait3A_104 = tpu.memref_slice %arg3[%add3A_88, %dma_wait3A_102, %dma_wait3A_103] : memref<2500x2x128xi32, #tpu.memory_space<hbm>> -> memref<1x2x128xi32, #tpu.memory_space<hbm>>
          %dma_wait3A_105 = tpu.memref_squeeze %dma_wait3A_104 : memref<1x2x128xi32, #tpu.memory_space<hbm>> -> memref<2x128xi32, #tpu.memory_space<hbm>>
          tpu.wait_dma2 semaphore(%run_scoped3A_89 : memref<!tpu.dma_semaphore, #tpu.memory_space<semaphore_mem>>) src(%dma_wait3A_105 : memref<2x128xi32, #tpu.memory_space<hbm>>) dst(%arg7 : memref<2x128xi32, #tpu.memory_space<vmem>>)
          tpu.yield
        }) : () -> ()
      } else {
      }
      %scan3A_86 = arith.constant 0 : i32
      scf.yield %scan3A_86 : i32
    }
    %scan3A_34 = arith.constant 39 : i32
    %barrier3A_35 = arith.constant 0 : index
    tpu.barrier barrier_id(%barrier3A_35)
    %mul3A_36 = arith.constant 624 : i32
    %mul3A_37 = arith.muli %arg1, %mul3A_36 : i32
    %mul3A_38 = arith.constant 624 : i32
    %mul3A_39 = arith.muli %arg1, %mul3A_38 : i32
    "tpu.region"() ({
      %run_scoped3A = tpu.sem_alloc : memref<!tpu.dma_semaphore, #tpu.memory_space<semaphore_mem>>
      %dma_start3A_45 = arith.constant 0 : i32
      %dma_start3A_46 = arith.constant 0 : i32
      %dma_start3A_47 = tpu.memref_slice %arg5[%arg0, %dma_start3A_45, %dma_start3A_46] : memref<2x10000x128xf32, #tpu.memory_space<hbm>> -> memref<1x10000x128xf32, #tpu.memory_space<hbm>>
      %dma_start3A_48 = tpu.memref_squeeze %dma_start3A_47 : memref<1x10000x128xf32, #tpu.memory_space<hbm>> -> memref<10000x128xf32, #tpu.memory_space<hbm>>
      %dma_start3A_49 = arith.constant 0 : i32
      %dma_start3A_50 = tpu.memref_slice %dma_start3A_48[%mul3A_39, %dma_start3A_49] : memref<10000x128xf32, #tpu.memory_space<hbm>> -> memref<624x128xf32, #tpu.memory_space<hbm>>
      %dma_start3A_51 = arith.constant 0 : i32
      %dma_start3A_52 = tpu.memref_slice %arg10[%mul3A_37, %dma_start3A_51] : memref<10000x128xf32, #tpu.memory_space<vmem_shared>> -> memref<624x128xf32, #tpu.memory_space<vmem_shared>>
      tpu.enqueue_dma source(%dma_start3A_52 : memref<624x128xf32, #tpu.memory_space<vmem_shared>>) target(%dma_start3A_50 : memref<624x128xf32, #tpu.memory_space<hbm>>) target_semaphore(%run_scoped3A : memref<!tpu.dma_semaphore, #tpu.memory_space<semaphore_mem>>)
      %dma_wait3A = arith.constant 0 : i32
      %dma_wait3A_53 = arith.constant 0 : i32
      %dma_wait3A_54 = tpu.memref_slice %arg5[%arg0, %dma_wait3A, %dma_wait3A_53] : memref<2x10000x128xf32, #tpu.memory_space<hbm>> -> memref<1x10000x128xf32, #tpu.memory_space<hbm>>
      %dma_wait3A_55 = tpu.memref_squeeze %dma_wait3A_54 : memref<1x10000x128xf32, #tpu.memory_space<hbm>> -> memref<10000x128xf32, #tpu.memory_space<hbm>>
      %dma_wait3A_56 = arith.constant 0 : i32
      %dma_wait3A_57 = tpu.memref_slice %dma_wait3A_55[%mul3A_39, %dma_wait3A_56] : memref<10000x128xf32, #tpu.memory_space<hbm>> -> memref<624x128xf32, #tpu.memory_space<hbm>>
      %dma_wait3A_58 = arith.constant 0 : i32
      %dma_wait3A_59 = tpu.memref_slice %arg10[%mul3A_37, %dma_wait3A_58] : memref<10000x128xf32, #tpu.memory_space<vmem_shared>> -> memref<624x128xf32, #tpu.memory_space<vmem_shared>>
      tpu.wait_dma2 semaphore(%run_scoped3A : memref<!tpu.dma_semaphore, #tpu.memory_space<semaphore_mem>>) src(%dma_wait3A_59 : memref<624x128xf32, #tpu.memory_space<vmem_shared>>) dst(%dma_wait3A_57 : memref<624x128xf32, #tpu.memory_space<hbm>>)
      tpu.yield
    }) : () -> ()
    %eq3A_40 = arith.constant 15 : i32
    %eq3A_41 = arith.cmpi eq, %arg1, %eq3A_40 : i32
    %convert_element_type3A_42 = arith.extui %eq3A_41 : i1 to i32
    %cond3A_43 = arith.constant 0 : i32
    %cond3A_44 = arith.cmpi ne, %convert_element_type3A_42, %cond3A_43 : i32
    scf.if %cond3A_44 {
      "tpu.region"() ({
        %run_scoped3A = tpu.sem_alloc : memref<!tpu.dma_semaphore, #tpu.memory_space<semaphore_mem>>
        %dma_start3A_45 = arith.constant 0 : i32
        %dma_start3A_46 = arith.constant 0 : i32
        %dma_start3A_47 = tpu.memref_slice %arg5[%arg0, %dma_start3A_45, %dma_start3A_46] : memref<2x10000x128xf32, #tpu.memory_space<hbm>> -> memref<1x10000x128xf32, #tpu.memory_space<hbm>>
        %dma_start3A_48 = tpu.memref_squeeze %dma_start3A_47 : memref<1x10000x128xf32, #tpu.memory_space<hbm>> -> memref<10000x128xf32, #tpu.memory_space<hbm>>
        %dma_start3A_49 = arith.constant 9984 : i32
        %dma_start3A_50 = arith.constant 0 : i32
        %dma_start3A_51 = tpu.memref_slice %dma_start3A_48[%dma_start3A_49, %dma_start3A_50] : memref<10000x128xf32, #tpu.memory_space<hbm>> -> memref<16x128xf32, #tpu.memory_space<hbm>>
        %dma_start3A_52 = arith.constant 9984 : i32
        %dma_start3A_53 = arith.constant 0 : i32
        %dma_start3A_54 = tpu.memref_slice %arg10[%dma_start3A_52, %dma_start3A_53] : memref<10000x128xf32, #tpu.memory_space<vmem_shared>> -> memref<16x128xf32, #tpu.memory_space<vmem_shared>>
        tpu.enqueue_dma source(%dma_start3A_54 : memref<16x128xf32, #tpu.memory_space<vmem_shared>>) target(%dma_start3A_51 : memref<16x128xf32, #tpu.memory_space<hbm>>) target_semaphore(%run_scoped3A : memref<!tpu.dma_semaphore, #tpu.memory_space<semaphore_mem>>)
        %dma_wait3A = arith.constant 0 : i32
        %dma_wait3A_55 = arith.constant 0 : i32
        %dma_wait3A_56 = tpu.memref_slice %arg5[%arg0, %dma_wait3A, %dma_wait3A_55] : memref<2x10000x128xf32, #tpu.memory_space<hbm>> -> memref<1x10000x128xf32, #tpu.memory_space<hbm>>
        %dma_wait3A_57 = tpu.memref_squeeze %dma_wait3A_56 : memref<1x10000x128xf32, #tpu.memory_space<hbm>> -> memref<10000x128xf32, #tpu.memory_space<hbm>>
        %dma_wait3A_58 = arith.constant 9984 : i32
        %dma_wait3A_59 = arith.constant 0 : i32
        %dma_wait3A_60 = tpu.memref_slice %dma_wait3A_57[%dma_wait3A_58, %dma_wait3A_59] : memref<10000x128xf32, #tpu.memory_space<hbm>> -> memref<16x128xf32, #tpu.memory_space<hbm>>
        %dma_wait3A_61 = arith.constant 9984 : i32
        %dma_wait3A_62 = arith.constant 0 : i32
        %dma_wait3A_63 = tpu.memref_slice %arg10[%dma_wait3A_61, %dma_wait3A_62] : memref<10000x128xf32, #tpu.memory_space<vmem_shared>> -> memref<16x128xf32, #tpu.memory_space<vmem_shared>>
        tpu.wait_dma2 semaphore(%run_scoped3A : memref<!tpu.dma_semaphore, #tpu.memory_space<semaphore_mem>>) src(%dma_wait3A_63 : memref<16x128xf32, #tpu.memory_space<vmem_shared>>) dst(%dma_wait3A_60 : memref<16x128xf32, #tpu.memory_space<hbm>>)
        tpu.yield
      }) : () -> ()
    } else {
    }
    return
  }
}

#map = affine_map<(d0, d1) -> (0, 0)>
#map1 = affine_map<(d0, d1) -> (0, 0, 0)>
module attributes {stable_mosaic.version = 14 : i64} {
  func.func @seg_sum(%arg0: i32, %arg1: i32, %arg2: memref<10000x128xf32, #tpu.memory_space<hbm>>, %arg3: memref<2500x2x128xi32, #tpu.memory_space<hbm>>, %arg4: memref<128x128xf32, #tpu.memory_space<hbm>>, %arg5: memref<2x10000x128xf32, #tpu.memory_space<hbm>>, %arg6: memref<2x128xi32, #tpu.memory_space<vmem>>, %arg7: memref<2x128xi32, #tpu.memory_space<vmem>>, %arg8: memref<128x128xf32, #tpu.memory_space<vmem>>, %arg9: memref<128x128xf32, #tpu.memory_space<vmem>>, %arg10: memref<10000x128xf32, #tpu.memory_space<vmem_shared>>, %arg11: memref<!tpu.dma_semaphore, #tpu.memory_space<semaphore_mem>>, %arg12: memref<!tpu.dma_semaphore, #tpu.memory_space<semaphore_mem>>) attributes {dimension_semantics = [#tpu.dimension_semantics<core_parallel>, #tpu.dimension_semantics<subcore_parallel>], iteration_bounds = array<i64: 2, 16>, scalar_prefetch = 0 : i64, scratch_operands = 7 : i64, tpu.core_type = #tpu.core_type<sc_vector_subcore>, window_params = [{transform_indices = #map}, {transform_indices = #map1}, {transform_indices = #map}, {transform_indices = #map1}]} {
    %mul3A = arith.constant 16 : i32
    %mul3A_0 = arith.muli %arg0, %mul3A : i32
    %add3A = arith.addi %mul3A_0, %arg1 : i32
    %mul3A_1 = arith.constant 78 : i32
    %mul3A_2 = arith.muli %add3A, %mul3A_1 : i32
    "tpu.region"() ({
      %run_scoped3A = tpu.sem_alloc : memref<!tpu.dma_semaphore, #tpu.memory_space<semaphore_mem>>
      tpu.enqueue_dma source(%arg4 : memref<128x128xf32, #tpu.memory_space<hbm>>) target(%arg8 : memref<128x128xf32, #tpu.memory_space<vmem>>) target_semaphore(%run_scoped3A : memref<!tpu.dma_semaphore, #tpu.memory_space<semaphore_mem>>)
      tpu.wait_dma2 semaphore(%run_scoped3A : memref<!tpu.dma_semaphore, #tpu.memory_space<semaphore_mem>>) src(%arg4 : memref<128x128xf32, #tpu.memory_space<hbm>>) dst(%arg8 : memref<128x128xf32, #tpu.memory_space<vmem>>)
      tpu.yield
    }) : () -> ()
    %mul3A_3 = arith.constant 624 : i32
    %mul3A_4 = arith.muli %arg1, %mul3A_3 : i32
    %add3A_5 = arith.constant 0 : i32
    %add3A_6 = arith.addi %mul3A_4, %add3A_5 : i32
    "tpu.region"() ({
      %run_scoped3A = tpu.sem_alloc : memref<!tpu.dma_semaphore, #tpu.memory_space<semaphore_mem>>
      %dma_start3A_45 = arith.constant 0 : i32
      %dma_start3A_46 = arith.constant 0 : i32
      %dma_start3A_47 = tpu.memref_slice %arg8[%dma_start3A_45, %dma_start3A_46] : memref<128x128xf32, #tpu.memory_space<vmem>> -> memref<128x128xf32, #tpu.memory_space<vmem>>
      %dma_start3A_48 = arith.constant 0 : i32
      %dma_start3A_49 = tpu.memref_slice %arg10[%add3A_6, %dma_start3A_48] : memref<10000x128xf32, #tpu.memory_space<vmem_shared>> -> memref<128x128xf32, #tpu.memory_space<vmem_shared>>
      %dma_start3A_50 = arith.constant 0 : i32
      %dma_start3A_51 = tpu.memref_slice %arg10[%add3A_6, %dma_start3A_50] : memref<10000x128xf32, #tpu.memory_space<vmem_shared>> -> memref<128x128xf32, #tpu.memory_space<vmem_shared>>
      %dma_start3A_52 = arith.constant 0 : i32
      %dma_start3A_53 = arith.constant 0 : i32
      %dma_start3A_54 = tpu.memref_slice %arg8[%dma_start3A_52, %dma_start3A_53] : memref<128x128xf32, #tpu.memory_space<vmem>> -> memref<128x128xf32, #tpu.memory_space<vmem>>
      tpu.enqueue_dma source(%dma_start3A_54 : memref<128x128xf32, #tpu.memory_space<vmem>>) target(%dma_start3A_51 : memref<128x128xf32, #tpu.memory_space<vmem_shared>>) target_semaphore(%run_scoped3A : memref<!tpu.dma_semaphore, #tpu.memory_space<semaphore_mem>>)
      %dma_wait3A = arith.constant 0 : i32
      %dma_wait3A_55 = arith.constant 0 : i32
      %dma_wait3A_56 = tpu.memref_slice %arg8[%dma_wait3A, %dma_wait3A_55] : memref<128x128xf32, #tpu.memory_space<vmem>> -> memref<128x128xf32, #tpu.memory_space<vmem>>
      %dma_wait3A_57 = arith.constant 0 : i32
      %dma_wait3A_58 = tpu.memref_slice %arg10[%add3A_6, %dma_wait3A_57] : memref<10000x128xf32, #tpu.memory_space<vmem_shared>> -> memref<128x128xf32, #tpu.memory_space<vmem_shared>>
      %dma_wait3A_59 = arith.constant 0 : i32
      %dma_wait3A_60 = tpu.memref_slice %arg10[%add3A_6, %dma_wait3A_59] : memref<10000x128xf32, #tpu.memory_space<vmem_shared>> -> memref<128x128xf32, #tpu.memory_space<vmem_shared>>
      %dma_wait3A_61 = arith.constant 0 : i32
      %dma_wait3A_62 = arith.constant 0 : i32
      %dma_wait3A_63 = tpu.memref_slice %arg8[%dma_wait3A_61, %dma_wait3A_62] : memref<128x128xf32, #tpu.memory_space<vmem>> -> memref<128x128xf32, #tpu.memory_space<vmem>>
      tpu.wait_dma2 semaphore(%run_scoped3A : memref<!tpu.dma_semaphore, #tpu.memory_space<semaphore_mem>>) src(%dma_wait3A_63 : memref<128x128xf32, #tpu.memory_space<vmem>>) dst(%dma_wait3A_60 : memref<128x128xf32, #tpu.memory_space<vmem_shared>>)
      tpu.yield
    }) : () -> ()
    %add3A_7 = arith.constant 128 : i32
    %add3A_8 = arith.addi %mul3A_4, %add3A_7 : i32
    "tpu.region"() ({
      %run_scoped3A = tpu.sem_alloc : memref<!tpu.dma_semaphore, #tpu.memory_space<semaphore_mem>>
      %dma_start3A_45 = arith.constant 0 : i32
      %dma_start3A_46 = arith.constant 0 : i32
      %dma_start3A_47 = tpu.memref_slice %arg8[%dma_start3A_45, %dma_start3A_46] : memref<128x128xf32, #tpu.memory_space<vmem>> -> memref<128x128xf32, #tpu.memory_space<vmem>>
      %dma_start3A_48 = arith.constant 0 : i32
      %dma_start3A_49 = tpu.memref_slice %arg10[%add3A_8, %dma_start3A_48] : memref<10000x128xf32, #tpu.memory_space<vmem_shared>> -> memref<128x128xf32, #tpu.memory_space<vmem_shared>>
      %dma_start3A_50 = arith.constant 0 : i32
      %dma_start3A_51 = tpu.memref_slice %arg10[%add3A_8, %dma_start3A_50] : memref<10000x128xf32, #tpu.memory_space<vmem_shared>> -> memref<128x128xf32, #tpu.memory_space<vmem_shared>>
      %dma_start3A_52 = arith.constant 0 : i32
      %dma_start3A_53 = arith.constant 0 : i32
      %dma_start3A_54 = tpu.memref_slice %arg8[%dma_start3A_52, %dma_start3A_53] : memref<128x128xf32, #tpu.memory_space<vmem>> -> memref<128x128xf32, #tpu.memory_space<vmem>>
      tpu.enqueue_dma source(%dma_start3A_54 : memref<128x128xf32, #tpu.memory_space<vmem>>) target(%dma_start3A_51 : memref<128x128xf32, #tpu.memory_space<vmem_shared>>) target_semaphore(%run_scoped3A : memref<!tpu.dma_semaphore, #tpu.memory_space<semaphore_mem>>)
      %dma_wait3A = arith.constant 0 : i32
      %dma_wait3A_55 = arith.constant 0 : i32
      %dma_wait3A_56 = tpu.memref_slice %arg8[%dma_wait3A, %dma_wait3A_55] : memref<128x128xf32, #tpu.memory_space<vmem>> -> memref<128x128xf32, #tpu.memory_space<vmem>>
      %dma_wait3A_57 = arith.constant 0 : i32
      %dma_wait3A_58 = tpu.memref_slice %arg10[%add3A_8, %dma_wait3A_57] : memref<10000x128xf32, #tpu.memory_space<vmem_shared>> -> memref<128x128xf32, #tpu.memory_space<vmem_shared>>
      %dma_wait3A_59 = arith.constant 0 : i32
      %dma_wait3A_60 = tpu.memref_slice %arg10[%add3A_8, %dma_wait3A_59] : memref<10000x128xf32, #tpu.memory_space<vmem_shared>> -> memref<128x128xf32, #tpu.memory_space<vmem_shared>>
      %dma_wait3A_61 = arith.constant 0 : i32
      %dma_wait3A_62 = arith.constant 0 : i32
      %dma_wait3A_63 = tpu.memref_slice %arg8[%dma_wait3A_61, %dma_wait3A_62] : memref<128x128xf32, #tpu.memory_space<vmem>> -> memref<128x128xf32, #tpu.memory_space<vmem>>
      tpu.wait_dma2 semaphore(%run_scoped3A : memref<!tpu.dma_semaphore, #tpu.memory_space<semaphore_mem>>) src(%dma_wait3A_63 : memref<128x128xf32, #tpu.memory_space<vmem>>) dst(%dma_wait3A_60 : memref<128x128xf32, #tpu.memory_space<vmem_shared>>)
      tpu.yield
    }) : () -> ()
    %add3A_9 = arith.constant 256 : i32
    %add3A_10 = arith.addi %mul3A_4, %add3A_9 : i32
    "tpu.region"() ({
      %run_scoped3A = tpu.sem_alloc : memref<!tpu.dma_semaphore, #tpu.memory_space<semaphore_mem>>
      %dma_start3A_45 = arith.constant 0 : i32
      %dma_start3A_46 = arith.constant 0 : i32
      %dma_start3A_47 = tpu.memref_slice %arg8[%dma_start3A_45, %dma_start3A_46] : memref<128x128xf32, #tpu.memory_space<vmem>> -> memref<128x128xf32, #tpu.memory_space<vmem>>
      %dma_start3A_48 = arith.constant 0 : i32
      %dma_start3A_49 = tpu.memref_slice %arg10[%add3A_10, %dma_start3A_48] : memref<10000x128xf32, #tpu.memory_space<vmem_shared>> -> memref<128x128xf32, #tpu.memory_space<vmem_shared>>
      %dma_start3A_50 = arith.constant 0 : i32
      %dma_start3A_51 = tpu.memref_slice %arg10[%add3A_10, %dma_start3A_50] : memref<10000x128xf32, #tpu.memory_space<vmem_shared>> -> memref<128x128xf32, #tpu.memory_space<vmem_shared>>
      %dma_start3A_52 = arith.constant 0 : i32
      %dma_start3A_53 = arith.constant 0 : i32
      %dma_start3A_54 = tpu.memref_slice %arg8[%dma_start3A_52, %dma_start3A_53] : memref<128x128xf32, #tpu.memory_space<vmem>> -> memref<128x128xf32, #tpu.memory_space<vmem>>
      tpu.enqueue_dma source(%dma_start3A_54 : memref<128x128xf32, #tpu.memory_space<vmem>>) target(%dma_start3A_51 : memref<128x128xf32, #tpu.memory_space<vmem_shared>>) target_semaphore(%run_scoped3A : memref<!tpu.dma_semaphore, #tpu.memory_space<semaphore_mem>>)
      %dma_wait3A = arith.constant 0 : i32
      %dma_wait3A_55 = arith.constant 0 : i32
      %dma_wait3A_56 = tpu.memref_slice %arg8[%dma_wait3A, %dma_wait3A_55] : memref<128x128xf32, #tpu.memory_space<vmem>> -> memref<128x128xf32, #tpu.memory_space<vmem>>
      %dma_wait3A_57 = arith.constant 0 : i32
      %dma_wait3A_58 = tpu.memref_slice %arg10[%add3A_10, %dma_wait3A_57] : memref<10000x128xf32, #tpu.memory_space<vmem_shared>> -> memref<128x128xf32, #tpu.memory_space<vmem_shared>>
      %dma_wait3A_59 = arith.constant 0 : i32
      %dma_wait3A_60 = tpu.memref_slice %arg10[%add3A_10, %dma_wait3A_59] : memref<10000x128xf32, #tpu.memory_space<vmem_shared>> -> memref<128x128xf32, #tpu.memory_space<vmem_shared>>
      %dma_wait3A_61 = arith.constant 0 : i32
      %dma_wait3A_62 = arith.constant 0 : i32
      %dma_wait3A_63 = tpu.memref_slice %arg8[%dma_wait3A_61, %dma_wait3A_62] : memref<128x128xf32, #tpu.memory_space<vmem>> -> memref<128x128xf32, #tpu.memory_space<vmem>>
      tpu.wait_dma2 semaphore(%run_scoped3A : memref<!tpu.dma_semaphore, #tpu.memory_space<semaphore_mem>>) src(%dma_wait3A_63 : memref<128x128xf32, #tpu.memory_space<vmem>>) dst(%dma_wait3A_60 : memref<128x128xf32, #tpu.memory_space<vmem_shared>>)
      tpu.yield
    }) : () -> ()
    %add3A_11 = arith.constant 384 : i32
    %add3A_12 = arith.addi %mul3A_4, %add3A_11 : i32
    "tpu.region"() ({
      %run_scoped3A = tpu.sem_alloc : memref<!tpu.dma_semaphore, #tpu.memory_space<semaphore_mem>>
      %dma_start3A_45 = arith.constant 0 : i32
      %dma_start3A_46 = arith.constant 0 : i32
      %dma_start3A_47 = tpu.memref_slice %arg8[%dma_start3A_45, %dma_start3A_46] : memref<128x128xf32, #tpu.memory_space<vmem>> -> memref<128x128xf32, #tpu.memory_space<vmem>>
      %dma_start3A_48 = arith.constant 0 : i32
      %dma_start3A_49 = tpu.memref_slice %arg10[%add3A_12, %dma_start3A_48] : memref<10000x128xf32, #tpu.memory_space<vmem_shared>> -> memref<128x128xf32, #tpu.memory_space<vmem_shared>>
      %dma_start3A_50 = arith.constant 0 : i32
      %dma_start3A_51 = tpu.memref_slice %arg10[%add3A_12, %dma_start3A_50] : memref<10000x128xf32, #tpu.memory_space<vmem_shared>> -> memref<128x128xf32, #tpu.memory_space<vmem_shared>>
      %dma_start3A_52 = arith.constant 0 : i32
      %dma_start3A_53 = arith.constant 0 : i32
      %dma_start3A_54 = tpu.memref_slice %arg8[%dma_start3A_52, %dma_start3A_53] : memref<128x128xf32, #tpu.memory_space<vmem>> -> memref<128x128xf32, #tpu.memory_space<vmem>>
      tpu.enqueue_dma source(%dma_start3A_54 : memref<128x128xf32, #tpu.memory_space<vmem>>) target(%dma_start3A_51 : memref<128x128xf32, #tpu.memory_space<vmem_shared>>) target_semaphore(%run_scoped3A : memref<!tpu.dma_semaphore, #tpu.memory_space<semaphore_mem>>)
      %dma_wait3A = arith.constant 0 : i32
      %dma_wait3A_55 = arith.constant 0 : i32
      %dma_wait3A_56 = tpu.memref_slice %arg8[%dma_wait3A, %dma_wait3A_55] : memref<128x128xf32, #tpu.memory_space<vmem>> -> memref<128x128xf32, #tpu.memory_space<vmem>>
      %dma_wait3A_57 = arith.constant 0 : i32
      %dma_wait3A_58 = tpu.memref_slice %arg10[%add3A_12, %dma_wait3A_57] : memref<10000x128xf32, #tpu.memory_space<vmem_shared>> -> memref<128x128xf32, #tpu.memory_space<vmem_shared>>
      %dma_wait3A_59 = arith.constant 0 : i32
      %dma_wait3A_60 = tpu.memref_slice %arg10[%add3A_12, %dma_wait3A_59] : memref<10000x128xf32, #tpu.memory_space<vmem_shared>> -> memref<128x128xf32, #tpu.memory_space<vmem_shared>>
      %dma_wait3A_61 = arith.constant 0 : i32
      %dma_wait3A_62 = arith.constant 0 : i32
      %dma_wait3A_63 = tpu.memref_slice %arg8[%dma_wait3A_61, %dma_wait3A_62] : memref<128x128xf32, #tpu.memory_space<vmem>> -> memref<128x128xf32, #tpu.memory_space<vmem>>
      tpu.wait_dma2 semaphore(%run_scoped3A : memref<!tpu.dma_semaphore, #tpu.memory_space<semaphore_mem>>) src(%dma_wait3A_63 : memref<128x128xf32, #tpu.memory_space<vmem>>) dst(%dma_wait3A_60 : memref<128x128xf32, #tpu.memory_space<vmem_shared>>)
      tpu.yield
    }) : () -> ()
    %add3A_13 = arith.constant 512 : i32
    %add3A_14 = arith.addi %mul3A_4, %add3A_13 : i32
    "tpu.region"() ({
      %run_scoped3A = tpu.sem_alloc : memref<!tpu.dma_semaphore, #tpu.memory_space<semaphore_mem>>
      %dma_start3A_45 = arith.constant 0 : i32
      %dma_start3A_46 = arith.constant 0 : i32
      %dma_start3A_47 = tpu.memref_slice %arg8[%dma_start3A_45, %dma_start3A_46] : memref<128x128xf32, #tpu.memory_space<vmem>> -> memref<112x128xf32, #tpu.memory_space<vmem>>
      %dma_start3A_48 = arith.constant 0 : i32
      %dma_start3A_49 = tpu.memref_slice %arg10[%add3A_14, %dma_start3A_48] : memref<10000x128xf32, #tpu.memory_space<vmem_shared>> -> memref<112x128xf32, #tpu.memory_space<vmem_shared>>
      %dma_start3A_50 = arith.constant 0 : i32
      %dma_start3A_51 = tpu.memref_slice %arg10[%add3A_14, %dma_start3A_50] : memref<10000x128xf32, #tpu.memory_space<vmem_shared>> -> memref<112x128xf32, #tpu.memory_space<vmem_shared>>
      %dma_start3A_52 = arith.constant 0 : i32
      %dma_start3A_53 = arith.constant 0 : i32
      %dma_start3A_54 = tpu.memref_slice %arg8[%dma_start3A_52, %dma_start3A_53] : memref<128x128xf32, #tpu.memory_space<vmem>> -> memref<112x128xf32, #tpu.memory_space<vmem>>
      tpu.enqueue_dma source(%dma_start3A_54 : memref<112x128xf32, #tpu.memory_space<vmem>>) target(%dma_start3A_51 : memref<112x128xf32, #tpu.memory_space<vmem_shared>>) target_semaphore(%run_scoped3A : memref<!tpu.dma_semaphore, #tpu.memory_space<semaphore_mem>>)
      %dma_wait3A = arith.constant 0 : i32
      %dma_wait3A_55 = arith.constant 0 : i32
      %dma_wait3A_56 = tpu.memref_slice %arg8[%dma_wait3A, %dma_wait3A_55] : memref<128x128xf32, #tpu.memory_space<vmem>> -> memref<112x128xf32, #tpu.memory_space<vmem>>
      %dma_wait3A_57 = arith.constant 0 : i32
      %dma_wait3A_58 = tpu.memref_slice %arg10[%add3A_14, %dma_wait3A_57] : memref<10000x128xf32, #tpu.memory_space<vmem_shared>> -> memref<112x128xf32, #tpu.memory_space<vmem_shared>>
      %dma_wait3A_59 = arith.constant 0 : i32
      %dma_wait3A_60 = tpu.memref_slice %arg10[%add3A_14, %dma_wait3A_59] : memref<10000x128xf32, #tpu.memory_space<vmem_shared>> -> memref<112x128xf32, #tpu.memory_space<vmem_shared>>
      %dma_wait3A_61 = arith.constant 0 : i32
      %dma_wait3A_62 = arith.constant 0 : i32
      %dma_wait3A_63 = tpu.memref_slice %arg8[%dma_wait3A_61, %dma_wait3A_62] : memref<128x128xf32, #tpu.memory_space<vmem>> -> memref<112x128xf32, #tpu.memory_space<vmem>>
      tpu.wait_dma2 semaphore(%run_scoped3A : memref<!tpu.dma_semaphore, #tpu.memory_space<semaphore_mem>>) src(%dma_wait3A_63 : memref<112x128xf32, #tpu.memory_space<vmem>>) dst(%dma_wait3A_60 : memref<112x128xf32, #tpu.memory_space<vmem_shared>>)
      tpu.yield
    }) : () -> ()
    %eq3A = arith.constant 15 : i32
    %eq3A_15 = arith.cmpi eq, %arg1, %eq3A : i32
    %convert_element_type3A = arith.extui %eq3A_15 : i1 to i32
    %cond3A = arith.constant 0 : i32
    %cond3A_16 = arith.cmpi ne, %convert_element_type3A, %cond3A : i32
    scf.if %cond3A_16 {
      "tpu.region"() ({
        %run_scoped3A = tpu.sem_alloc : memref<!tpu.dma_semaphore, #tpu.memory_space<semaphore_mem>>
        %dma_start3A_45 = arith.constant 0 : i32
        %dma_start3A_46 = arith.constant 0 : i32
        %dma_start3A_47 = tpu.memref_slice %arg8[%dma_start3A_45, %dma_start3A_46] : memref<128x128xf32, #tpu.memory_space<vmem>> -> memref<16x128xf32, #tpu.memory_space<vmem>>
        %dma_start3A_48 = arith.constant 9984 : i32
        %dma_start3A_49 = arith.constant 0 : i32
        %dma_start3A_50 = tpu.memref_slice %arg10[%dma_start3A_48, %dma_start3A_49] : memref<10000x128xf32, #tpu.memory_space<vmem_shared>> -> memref<16x128xf32, #tpu.memory_space<vmem_shared>>
        %dma_start3A_51 = arith.constant 9984 : i32
        %dma_start3A_52 = arith.constant 0 : i32
        %dma_start3A_53 = tpu.memref_slice %arg10[%dma_start3A_51, %dma_start3A_52] : memref<10000x128xf32, #tpu.memory_space<vmem_shared>> -> memref<16x128xf32, #tpu.memory_space<vmem_shared>>
        %dma_start3A_54 = arith.constant 0 : i32
        %dma_start3A_55 = arith.constant 0 : i32
        %dma_start3A_56 = tpu.memref_slice %arg8[%dma_start3A_54, %dma_start3A_55] : memref<128x128xf32, #tpu.memory_space<vmem>> -> memref<16x128xf32, #tpu.memory_space<vmem>>
        tpu.enqueue_dma source(%dma_start3A_56 : memref<16x128xf32, #tpu.memory_space<vmem>>) target(%dma_start3A_53 : memref<16x128xf32, #tpu.memory_space<vmem_shared>>) target_semaphore(%run_scoped3A : memref<!tpu.dma_semaphore, #tpu.memory_space<semaphore_mem>>)
        %dma_wait3A = arith.constant 0 : i32
        %dma_wait3A_57 = arith.constant 0 : i32
        %dma_wait3A_58 = tpu.memref_slice %arg8[%dma_wait3A, %dma_wait3A_57] : memref<128x128xf32, #tpu.memory_space<vmem>> -> memref<16x128xf32, #tpu.memory_space<vmem>>
        %dma_wait3A_59 = arith.constant 9984 : i32
        %dma_wait3A_60 = arith.constant 0 : i32
        %dma_wait3A_61 = tpu.memref_slice %arg10[%dma_wait3A_59, %dma_wait3A_60] : memref<10000x128xf32, #tpu.memory_space<vmem_shared>> -> memref<16x128xf32, #tpu.memory_space<vmem_shared>>
        %dma_wait3A_62 = arith.constant 9984 : i32
        %dma_wait3A_63 = arith.constant 0 : i32
        %dma_wait3A_64 = tpu.memref_slice %arg10[%dma_wait3A_62, %dma_wait3A_63] : memref<10000x128xf32, #tpu.memory_space<vmem_shared>> -> memref<16x128xf32, #tpu.memory_space<vmem_shared>>
        %dma_wait3A_65 = arith.constant 0 : i32
        %dma_wait3A_66 = arith.constant 0 : i32
        %dma_wait3A_67 = tpu.memref_slice %arg8[%dma_wait3A_65, %dma_wait3A_66] : memref<128x128xf32, #tpu.memory_space<vmem>> -> memref<16x128xf32, #tpu.memory_space<vmem>>
        tpu.wait_dma2 semaphore(%run_scoped3A : memref<!tpu.dma_semaphore, #tpu.memory_space<semaphore_mem>>) src(%dma_wait3A_67 : memref<16x128xf32, #tpu.memory_space<vmem>>) dst(%dma_wait3A_64 : memref<16x128xf32, #tpu.memory_space<vmem_shared>>)
        tpu.yield
      }) : () -> ()
    } else {
    }
    %barrier3A = arith.constant 0 : index
    tpu.barrier barrier_id(%barrier3A)
    %lt3A = arith.constant 4 : i32
    %lt3A_17 = arith.cmpi slt, %add3A, %lt3A : i32
    %convert_element_type3A_18 = arith.extui %lt3A_17 : i1 to i32
    %cond3A_19 = arith.constant 0 : i32
    %cond3A_20 = arith.cmpi ne, %convert_element_type3A_18, %cond3A_19 : i32
    scf.if %cond3A_20 {
      %add3A_45 = arith.constant 2496 : i32
      %add3A_46 = arith.addi %add3A_45, %add3A : i32
      "tpu.region"() ({
        %run_scoped3A_60 = tpu.sem_alloc : memref<!tpu.dma_semaphore, #tpu.memory_space<semaphore_mem>>
        %dma_start3A_61 = arith.constant 0 : i32
        %dma_start3A_62 = arith.constant 0 : i32
        %dma_start3A_63 = tpu.memref_slice %arg3[%add3A_46, %dma_start3A_61, %dma_start3A_62] : memref<2500x2x128xi32, #tpu.memory_space<hbm>> -> memref<1x2x128xi32, #tpu.memory_space<hbm>>
        %dma_start3A_64 = tpu.memref_squeeze %dma_start3A_63 : memref<1x2x128xi32, #tpu.memory_space<hbm>> -> memref<2x128xi32, #tpu.memory_space<hbm>>
        %dma_start3A_65 = arith.constant 0 : i32
        %dma_start3A_66 = arith.constant 0 : i32
        %dma_start3A_67 = tpu.memref_slice %arg3[%add3A_46, %dma_start3A_65, %dma_start3A_66] : memref<2500x2x128xi32, #tpu.memory_space<hbm>> -> memref<1x2x128xi32, #tpu.memory_space<hbm>>
        %dma_start3A_68 = tpu.memref_squeeze %dma_start3A_67 : memref<1x2x128xi32, #tpu.memory_space<hbm>> -> memref<2x128xi32, #tpu.memory_space<hbm>>
        tpu.enqueue_dma source(%dma_start3A_68 : memref<2x128xi32, #tpu.memory_space<hbm>>) target(%arg6 : memref<2x128xi32, #tpu.memory_space<vmem>>) target_semaphore(%run_scoped3A_60 : memref<!tpu.dma_semaphore, #tpu.memory_space<semaphore_mem>>)
        %dma_wait3A_69 = arith.constant 0 : i32
        %dma_wait3A_70 = arith.constant 0 : i32
        %dma_wait3A_71 = tpu.memref_slice %arg3[%add3A_46, %dma_wait3A_69, %dma_wait3A_70] : memref<2500x2x128xi32, #tpu.memory_space<hbm>> -> memref<1x2x128xi32, #tpu.memory_space<hbm>>
        %dma_wait3A_72 = tpu.memref_squeeze %dma_wait3A_71 : memref<1x2x128xi32, #tpu.memory_space<hbm>> -> memref<2x128xi32, #tpu.memory_space<hbm>>
        %dma_wait3A_73 = arith.constant 0 : i32
        %dma_wait3A_74 = arith.constant 0 : i32
        %dma_wait3A_75 = tpu.memref_slice %arg3[%add3A_46, %dma_wait3A_73, %dma_wait3A_74] : memref<2500x2x128xi32, #tpu.memory_space<hbm>> -> memref<1x2x128xi32, #tpu.memory_space<hbm>>
        %dma_wait3A_76 = tpu.memref_squeeze %dma_wait3A_75 : memref<1x2x128xi32, #tpu.memory_space<hbm>> -> memref<2x128xi32, #tpu.memory_space<hbm>>
        tpu.wait_dma2 semaphore(%run_scoped3A_60 : memref<!tpu.dma_semaphore, #tpu.memory_space<semaphore_mem>>) src(%dma_wait3A_76 : memref<2x128xi32, #tpu.memory_space<hbm>>) dst(%arg6 : memref<2x128xi32, #tpu.memory_space<vmem>>)
        tpu.yield
      }) : () -> ()
      %dma_start3A_47 = arith.constant 0 : i32
      %dma_start3A_48 = arith.constant 0 : i32
      %dma_start3A_49 = tpu.memref_slice %arg6[%dma_start3A_47, %dma_start3A_48] : memref<2x128xi32, #tpu.memory_space<vmem>> -> memref<1x128xi32, #tpu.memory_space<vmem>>
      %dma_start3A_50 = tpu.memref_squeeze %dma_start3A_49 : memref<1x128xi32, #tpu.memory_space<vmem>> -> memref<128xi32, #tpu.memory_space<vmem>>
      %dma_start3A_51 = arith.constant 0 : i32
      %dma_start3A_52 = arith.constant 0 : i32
      %dma_start3A_53 = tpu.memref_slice %arg2[%dma_start3A_51, %dma_start3A_52] : memref<10000x128xf32, #tpu.memory_space<hbm>> -> memref<10000x128xf32, #tpu.memory_space<hbm>>
      tpu.enqueue_indirect_dma source(%dma_start3A_53 : memref<10000x128xf32, #tpu.memory_space<hbm>>) target(%arg8 : memref<128x128xf32, #tpu.memory_space<vmem>>) offsets(%dma_start3A_50 : memref<128xi32, #tpu.memory_space<vmem>>) semaphore(%arg11 : memref<!tpu.dma_semaphore, #tpu.memory_space<semaphore_mem>>)
      %dma_wait3A = arith.constant 0 : i32
      %dma_wait3A_54 = arith.constant 0 : i32
      %dma_wait3A_55 = tpu.memref_slice %arg6[%dma_wait3A, %dma_wait3A_54] : memref<2x128xi32, #tpu.memory_space<vmem>> -> memref<1x128xi32, #tpu.memory_space<vmem>>
      %dma_wait3A_56 = tpu.memref_squeeze %dma_wait3A_55 : memref<1x128xi32, #tpu.memory_space<vmem>> -> memref<128xi32, #tpu.memory_space<vmem>>
      %dma_wait3A_57 = arith.constant 0 : i32
      %dma_wait3A_58 = arith.constant 0 : i32
      %dma_wait3A_59 = tpu.memref_slice %arg2[%dma_wait3A_57, %dma_wait3A_58] : memref<10000x128xf32, #tpu.memory_space<hbm>> -> memref<10000x128xf32, #tpu.memory_space<hbm>>
      tpu.wait_indirect_dma semaphore(%arg11 : memref<!tpu.dma_semaphore, #tpu.memory_space<semaphore_mem>>) src(%dma_wait3A_59 : memref<10000x128xf32, #tpu.memory_space<hbm>>) dst(%arg8 : memref<128x128xf32, #tpu.memory_space<vmem>>)
      %run_scoped3A = arith.constant 1 : i32
      "tpu.region"() ({
        %run_scoped3A_60 = tpu.sem_alloc : memref<!tpu.dma_semaphore, #tpu.memory_space<semaphore_mem>>
        %dma_start3A_61 = arith.constant 0 : i32
        %dma_start3A_62 = tpu.memref_slice %arg6[%run_scoped3A, %dma_start3A_61] : memref<2x128xi32, #tpu.memory_space<vmem>> -> memref<1x128xi32, #tpu.memory_space<vmem>>
        %dma_start3A_63 = tpu.memref_squeeze %dma_start3A_62 : memref<1x128xi32, #tpu.memory_space<vmem>> -> memref<128xi32, #tpu.memory_space<vmem>>
        %dma_start3A_64 = arith.constant 0 : i32
        %dma_start3A_65 = arith.constant 0 : i32
        %dma_start3A_66 = tpu.memref_slice %arg10[%dma_start3A_64, %dma_start3A_65] : memref<10000x128xf32, #tpu.memory_space<vmem_shared>> -> memref<10000x128xf32, #tpu.memory_space<vmem_shared>>
        tpu.enqueue_indirect_dma source(%arg8 : memref<128x128xf32, #tpu.memory_space<vmem>>) target(%dma_start3A_66 : memref<10000x128xf32, #tpu.memory_space<vmem_shared>>) offsets(%dma_start3A_63 : memref<128xi32, #tpu.memory_space<vmem>>) semaphore(%run_scoped3A_60 : memref<!tpu.dma_semaphore, #tpu.memory_space<semaphore_mem>>) {add = true}
        %dma_wait3A_67 = arith.constant 0 : i32
        %dma_wait3A_68 = tpu.memref_slice %arg6[%run_scoped3A, %dma_wait3A_67] : memref<2x128xi32, #tpu.memory_space<vmem>> -> memref<1x128xi32, #tpu.memory_space<vmem>>
        %dma_wait3A_69 = tpu.memref_squeeze %dma_wait3A_68 : memref<1x128xi32, #tpu.memory_space<vmem>> -> memref<128xi32, #tpu.memory_space<vmem>>
        %dma_wait3A_70 = arith.constant 0 : i32
        %dma_wait3A_71 = arith.constant 0 : i32
        %dma_wait3A_72 = tpu.memref_slice %arg10[%dma_wait3A_70, %dma_wait3A_71] : memref<10000x128xf32, #tpu.memory_space<vmem_shared>> -> memref<10000x128xf32, #tpu.memory_space<vmem_shared>>
        tpu.wait_indirect_dma semaphore(%run_scoped3A_60 : memref<!tpu.dma_semaphore, #tpu.memory_space<semaphore_mem>>) src(%arg8 : memref<128x128xf32, #tpu.memory_space<vmem>>) dst(%dma_wait3A_72 : memref<10000x128xf32, #tpu.memory_space<vmem_shared>>)
        tpu.yield
      }) : () -> ()
    } else {
    }
    "tpu.region"() ({
      %run_scoped3A = tpu.sem_alloc : memref<!tpu.dma_semaphore, #tpu.memory_space<semaphore_mem>>
      %dma_start3A_45 = arith.constant 0 : i32
      %dma_start3A_46 = arith.constant 0 : i32
      %dma_start3A_47 = tpu.memref_slice %arg3[%mul3A_2, %dma_start3A_45, %dma_start3A_46] : memref<2500x2x128xi32, #tpu.memory_space<hbm>> -> memref<1x2x128xi32, #tpu.memory_space<hbm>>
      %dma_start3A_48 = tpu.memref_squeeze %dma_start3A_47 : memref<1x2x128xi32, #tpu.memory_space<hbm>> -> memref<2x128xi32, #tpu.memory_space<hbm>>
      %dma_start3A_49 = arith.constant 0 : i32
      %dma_start3A_50 = arith.constant 0 : i32
      %dma_start3A_51 = tpu.memref_slice %arg3[%mul3A_2, %dma_start3A_49, %dma_start3A_50] : memref<2500x2x128xi32, #tpu.memory_space<hbm>> -> memref<1x2x128xi32, #tpu.memory_space<hbm>>
      %dma_start3A_52 = tpu.memref_squeeze %dma_start3A_51 : memref<1x2x128xi32, #tpu.memory_space<hbm>> -> memref<2x128xi32, #tpu.memory_space<hbm>>
      tpu.enqueue_dma source(%dma_start3A_52 : memref<2x128xi32, #tpu.memory_space<hbm>>) target(%arg6 : memref<2x128xi32, #tpu.memory_space<vmem>>) target_semaphore(%run_scoped3A : memref<!tpu.dma_semaphore, #tpu.memory_space<semaphore_mem>>)
      %dma_wait3A = arith.constant 0 : i32
      %dma_wait3A_53 = arith.constant 0 : i32
      %dma_wait3A_54 = tpu.memref_slice %arg3[%mul3A_2, %dma_wait3A, %dma_wait3A_53] : memref<2500x2x128xi32, #tpu.memory_space<hbm>> -> memref<1x2x128xi32, #tpu.memory_space<hbm>>
      %dma_wait3A_55 = tpu.memref_squeeze %dma_wait3A_54 : memref<1x2x128xi32, #tpu.memory_space<hbm>> -> memref<2x128xi32, #tpu.memory_space<hbm>>
      %dma_wait3A_56 = arith.constant 0 : i32
      %dma_wait3A_57 = arith.constant 0 : i32
      %dma_wait3A_58 = tpu.memref_slice %arg3[%mul3A_2, %dma_wait3A_56, %dma_wait3A_57] : memref<2500x2x128xi32, #tpu.memory_space<hbm>> -> memref<1x2x128xi32, #tpu.memory_space<hbm>>
      %dma_wait3A_59 = tpu.memref_squeeze %dma_wait3A_58 : memref<1x2x128xi32, #tpu.memory_space<hbm>> -> memref<2x128xi32, #tpu.memory_space<hbm>>
      tpu.wait_dma2 semaphore(%run_scoped3A : memref<!tpu.dma_semaphore, #tpu.memory_space<semaphore_mem>>) src(%dma_wait3A_59 : memref<2x128xi32, #tpu.memory_space<hbm>>) dst(%arg6 : memref<2x128xi32, #tpu.memory_space<vmem>>)
      tpu.yield
    }) : () -> ()
    %add3A_21 = arith.constant 1 : i32
    %add3A_22 = arith.addi %mul3A_2, %add3A_21 : i32
    "tpu.region"() ({
      %run_scoped3A = tpu.sem_alloc : memref<!tpu.dma_semaphore, #tpu.memory_space<semaphore_mem>>
      %dma_start3A_45 = arith.constant 0 : i32
      %dma_start3A_46 = arith.constant 0 : i32
      %dma_start3A_47 = tpu.memref_slice %arg3[%add3A_22, %dma_start3A_45, %dma_start3A_46] : memref<2500x2x128xi32, #tpu.memory_space<hbm>> -> memref<1x2x128xi32, #tpu.memory_space<hbm>>
      %dma_start3A_48 = tpu.memref_squeeze %dma_start3A_47 : memref<1x2x128xi32, #tpu.memory_space<hbm>> -> memref<2x128xi32, #tpu.memory_space<hbm>>
      %dma_start3A_49 = arith.constant 0 : i32
      %dma_start3A_50 = arith.constant 0 : i32
      %dma_start3A_51 = tpu.memref_slice %arg3[%add3A_22, %dma_start3A_49, %dma_start3A_50] : memref<2500x2x128xi32, #tpu.memory_space<hbm>> -> memref<1x2x128xi32, #tpu.memory_space<hbm>>
      %dma_start3A_52 = tpu.memref_squeeze %dma_start3A_51 : memref<1x2x128xi32, #tpu.memory_space<hbm>> -> memref<2x128xi32, #tpu.memory_space<hbm>>
      tpu.enqueue_dma source(%dma_start3A_52 : memref<2x128xi32, #tpu.memory_space<hbm>>) target(%arg7 : memref<2x128xi32, #tpu.memory_space<vmem>>) target_semaphore(%run_scoped3A : memref<!tpu.dma_semaphore, #tpu.memory_space<semaphore_mem>>)
      %dma_wait3A = arith.constant 0 : i32
      %dma_wait3A_53 = arith.constant 0 : i32
      %dma_wait3A_54 = tpu.memref_slice %arg3[%add3A_22, %dma_wait3A, %dma_wait3A_53] : memref<2500x2x128xi32, #tpu.memory_space<hbm>> -> memref<1x2x128xi32, #tpu.memory_space<hbm>>
      %dma_wait3A_55 = tpu.memref_squeeze %dma_wait3A_54 : memref<1x2x128xi32, #tpu.memory_space<hbm>> -> memref<2x128xi32, #tpu.memory_space<hbm>>
      %dma_wait3A_56 = arith.constant 0 : i32
      %dma_wait3A_57 = arith.constant 0 : i32
      %dma_wait3A_58 = tpu.memref_slice %arg3[%add3A_22, %dma_wait3A_56, %dma_wait3A_57] : memref<2500x2x128xi32, #tpu.memory_space<hbm>> -> memref<1x2x128xi32, #tpu.memory_space<hbm>>
      %dma_wait3A_59 = tpu.memref_squeeze %dma_wait3A_58 : memref<1x2x128xi32, #tpu.memory_space<hbm>> -> memref<2x128xi32, #tpu.memory_space<hbm>>
      tpu.wait_dma2 semaphore(%run_scoped3A : memref<!tpu.dma_semaphore, #tpu.memory_space<semaphore_mem>>) src(%dma_wait3A_59 : memref<2x128xi32, #tpu.memory_space<hbm>>) dst(%arg7 : memref<2x128xi32, #tpu.memory_space<vmem>>)
      tpu.yield
    }) : () -> ()
    %dma_start3A = arith.constant 0 : i32
    %dma_start3A_23 = arith.constant 0 : i32
    %dma_start3A_24 = tpu.memref_slice %arg6[%dma_start3A, %dma_start3A_23] : memref<2x128xi32, #tpu.memory_space<vmem>> -> memref<1x128xi32, #tpu.memory_space<vmem>>
    %dma_start3A_25 = tpu.memref_squeeze %dma_start3A_24 : memref<1x128xi32, #tpu.memory_space<vmem>> -> memref<128xi32, #tpu.memory_space<vmem>>
    %dma_start3A_26 = arith.constant 0 : i32
    %dma_start3A_27 = arith.constant 0 : i32
    %dma_start3A_28 = tpu.memref_slice %arg2[%dma_start3A_26, %dma_start3A_27] : memref<10000x128xf32, #tpu.memory_space<hbm>> -> memref<10000x128xf32, #tpu.memory_space<hbm>>
    tpu.enqueue_indirect_dma source(%dma_start3A_28 : memref<10000x128xf32, #tpu.memory_space<hbm>>) target(%arg8 : memref<128x128xf32, #tpu.memory_space<vmem>>) offsets(%dma_start3A_25 : memref<128xi32, #tpu.memory_space<vmem>>) semaphore(%arg11 : memref<!tpu.dma_semaphore, #tpu.memory_space<semaphore_mem>>)
    %scan3A = arith.constant 0 : i32
    %scan3A_29 = arith.constant 0 : i32
    %scan3A_30 = arith.constant 39 : i32
    %scan3A_31 = arith.addi %scan3A_29, %scan3A_30 : i32
    %scan3A_32 = arith.constant 1 : i32
    %scan3A_33 = scf.for %scan3A_45 = %scan3A_29 to %scan3A_31 step %scan3A_32 iter_args(%scan3A_46 = %scan3A) -> (i32)  : i32 {
      %mul3A_47 = arith.constant 2 : i32
      %mul3A_48 = arith.muli %mul3A_47, %scan3A_45 : i32
      %add3A_49 = arith.addi %mul3A_2, %mul3A_48 : i32
      %dma_wait3A = arith.constant 0 : i32
      %dma_wait3A_50 = arith.constant 0 : i32
      %dma_wait3A_51 = tpu.memref_slice %arg6[%dma_wait3A, %dma_wait3A_50] : memref<2x128xi32, #tpu.memory_space<vmem>> -> memref<1x128xi32, #tpu.memory_space<vmem>>
      %dma_wait3A_52 = tpu.memref_squeeze %dma_wait3A_51 : memref<1x128xi32, #tpu.memory_space<vmem>> -> memref<128xi32, #tpu.memory_space<vmem>>
      %dma_wait3A_53 = arith.constant 0 : i32
      %dma_wait3A_54 = arith.constant 0 : i32
      %dma_wait3A_55 = tpu.memref_slice %arg2[%dma_wait3A_53, %dma_wait3A_54] : memref<10000x128xf32, #tpu.memory_space<hbm>> -> memref<10000x128xf32, #tpu.memory_space<hbm>>
      tpu.wait_indirect_dma semaphore(%arg11 : memref<!tpu.dma_semaphore, #tpu.memory_space<semaphore_mem>>) src(%dma_wait3A_55 : memref<10000x128xf32, #tpu.memory_space<hbm>>) dst(%arg8 : memref<128x128xf32, #tpu.memory_space<vmem>>)
      %dma_start3A_56 = arith.constant 0 : i32
      %dma_start3A_57 = arith.constant 0 : i32
      %dma_start3A_58 = tpu.memref_slice %arg7[%dma_start3A_56, %dma_start3A_57] : memref<2x128xi32, #tpu.memory_space<vmem>> -> memref<1x128xi32, #tpu.memory_space<vmem>>
      %dma_start3A_59 = tpu.memref_squeeze %dma_start3A_58 : memref<1x128xi32, #tpu.memory_space<vmem>> -> memref<128xi32, #tpu.memory_space<vmem>>
      %dma_start3A_60 = arith.constant 0 : i32
      %dma_start3A_61 = arith.constant 0 : i32
      %dma_start3A_62 = tpu.memref_slice %arg2[%dma_start3A_60, %dma_start3A_61] : memref<10000x128xf32, #tpu.memory_space<hbm>> -> memref<10000x128xf32, #tpu.memory_space<hbm>>
      tpu.enqueue_indirect_dma source(%dma_start3A_62 : memref<10000x128xf32, #tpu.memory_space<hbm>>) target(%arg9 : memref<128x128xf32, #tpu.memory_space<vmem>>) offsets(%dma_start3A_59 : memref<128xi32, #tpu.memory_space<vmem>>) semaphore(%arg12 : memref<!tpu.dma_semaphore, #tpu.memory_space<semaphore_mem>>)
      %run_scoped3A = arith.constant 1 : i32
      "tpu.region"() ({
        %run_scoped3A_87 = tpu.sem_alloc : memref<!tpu.dma_semaphore, #tpu.memory_space<semaphore_mem>>
        %dma_start3A_88 = arith.constant 0 : i32
        %dma_start3A_89 = tpu.memref_slice %arg6[%run_scoped3A, %dma_start3A_88] : memref<2x128xi32, #tpu.memory_space<vmem>> -> memref<1x128xi32, #tpu.memory_space<vmem>>
        %dma_start3A_90 = tpu.memref_squeeze %dma_start3A_89 : memref<1x128xi32, #tpu.memory_space<vmem>> -> memref<128xi32, #tpu.memory_space<vmem>>
        %dma_start3A_91 = arith.constant 0 : i32
        %dma_start3A_92 = arith.constant 0 : i32
        %dma_start3A_93 = tpu.memref_slice %arg10[%dma_start3A_91, %dma_start3A_92] : memref<10000x128xf32, #tpu.memory_space<vmem_shared>> -> memref<10000x128xf32, #tpu.memory_space<vmem_shared>>
        tpu.enqueue_indirect_dma source(%arg8 : memref<128x128xf32, #tpu.memory_space<vmem>>) target(%dma_start3A_93 : memref<10000x128xf32, #tpu.memory_space<vmem_shared>>) offsets(%dma_start3A_90 : memref<128xi32, #tpu.memory_space<vmem>>) semaphore(%run_scoped3A_87 : memref<!tpu.dma_semaphore, #tpu.memory_space<semaphore_mem>>) {add = true}
        %dma_wait3A_94 = arith.constant 0 : i32
        %dma_wait3A_95 = tpu.memref_slice %arg6[%run_scoped3A, %dma_wait3A_94] : memref<2x128xi32, #tpu.memory_space<vmem>> -> memref<1x128xi32, #tpu.memory_space<vmem>>
        %dma_wait3A_96 = tpu.memref_squeeze %dma_wait3A_95 : memref<1x128xi32, #tpu.memory_space<vmem>> -> memref<128xi32, #tpu.memory_space<vmem>>
        %dma_wait3A_97 = arith.constant 0 : i32
        %dma_wait3A_98 = arith.constant 0 : i32
        %dma_wait3A_99 = tpu.memref_slice %arg10[%dma_wait3A_97, %dma_wait3A_98] : memref<10000x128xf32, #tpu.memory_space<vmem_shared>> -> memref<10000x128xf32, #tpu.memory_space<vmem_shared>>
        tpu.wait_indirect_dma semaphore(%run_scoped3A_87 : memref<!tpu.dma_semaphore, #tpu.memory_space<semaphore_mem>>) src(%arg8 : memref<128x128xf32, #tpu.memory_space<vmem>>) dst(%dma_wait3A_99 : memref<10000x128xf32, #tpu.memory_space<vmem_shared>>)
        tpu.yield
      }) : () -> ()
      %lt3A_63 = arith.constant 38 : i32
      %lt3A_64 = arith.cmpi slt, %scan3A_45, %lt3A_63 : i32
      %convert_element_type3A_65 = arith.extui %lt3A_64 : i1 to i32
      %cond3A_66 = arith.constant 0 : i32
      %cond3A_67 = arith.cmpi ne, %convert_element_type3A_65, %cond3A_66 : i32
      scf.if %cond3A_67 {
        %add3A_87 = arith.constant 2 : i32
        %add3A_88 = arith.addi %add3A_49, %add3A_87 : i32
        "tpu.region"() ({
          %run_scoped3A_89 = tpu.sem_alloc : memref<!tpu.dma_semaphore, #tpu.memory_space<semaphore_mem>>
          %dma_start3A_90 = arith.constant 0 : i32
          %dma_start3A_91 = arith.constant 0 : i32
          %dma_start3A_92 = tpu.memref_slice %arg3[%add3A_88, %dma_start3A_90, %dma_start3A_91] : memref<2500x2x128xi32, #tpu.memory_space<hbm>> -> memref<1x2x128xi32, #tpu.memory_space<hbm>>
          %dma_start3A_93 = tpu.memref_squeeze %dma_start3A_92 : memref<1x2x128xi32, #tpu.memory_space<hbm>> -> memref<2x128xi32, #tpu.memory_space<hbm>>
          %dma_start3A_94 = arith.constant 0 : i32
          %dma_start3A_95 = arith.constant 0 : i32
          %dma_start3A_96 = tpu.memref_slice %arg3[%add3A_88, %dma_start3A_94, %dma_start3A_95] : memref<2500x2x128xi32, #tpu.memory_space<hbm>> -> memref<1x2x128xi32, #tpu.memory_space<hbm>>
          %dma_start3A_97 = tpu.memref_squeeze %dma_start3A_96 : memref<1x2x128xi32, #tpu.memory_space<hbm>> -> memref<2x128xi32, #tpu.memory_space<hbm>>
          tpu.enqueue_dma source(%dma_start3A_97 : memref<2x128xi32, #tpu.memory_space<hbm>>) target(%arg6 : memref<2x128xi32, #tpu.memory_space<vmem>>) target_semaphore(%run_scoped3A_89 : memref<!tpu.dma_semaphore, #tpu.memory_space<semaphore_mem>>)
          %dma_wait3A_98 = arith.constant 0 : i32
          %dma_wait3A_99 = arith.constant 0 : i32
          %dma_wait3A_100 = tpu.memref_slice %arg3[%add3A_88, %dma_wait3A_98, %dma_wait3A_99] : memref<2500x2x128xi32, #tpu.memory_space<hbm>> -> memref<1x2x128xi32, #tpu.memory_space<hbm>>
          %dma_wait3A_101 = tpu.memref_squeeze %dma_wait3A_100 : memref<1x2x128xi32, #tpu.memory_space<hbm>> -> memref<2x128xi32, #tpu.memory_space<hbm>>
          %dma_wait3A_102 = arith.constant 0 : i32
          %dma_wait3A_103 = arith.constant 0 : i32
          %dma_wait3A_104 = tpu.memref_slice %arg3[%add3A_88, %dma_wait3A_102, %dma_wait3A_103] : memref<2500x2x128xi32, #tpu.memory_space<hbm>> -> memref<1x2x128xi32, #tpu.memory_space<hbm>>
          %dma_wait3A_105 = tpu.memref_squeeze %dma_wait3A_104 : memref<1x2x128xi32, #tpu.memory_space<hbm>> -> memref<2x128xi32, #tpu.memory_space<hbm>>
          tpu.wait_dma2 semaphore(%run_scoped3A_89 : memref<!tpu.dma_semaphore, #tpu.memory_space<semaphore_mem>>) src(%dma_wait3A_105 : memref<2x128xi32, #tpu.memory_space<hbm>>) dst(%arg6 : memref<2x128xi32, #tpu.memory_space<vmem>>)
          tpu.yield
        }) : () -> ()
      } else {
      }
      %dma_wait3A_68 = arith.constant 0 : i32
      %dma_wait3A_69 = arith.constant 0 : i32
      %dma_wait3A_70 = tpu.memref_slice %arg7[%dma_wait3A_68, %dma_wait3A_69] : memref<2x128xi32, #tpu.memory_space<vmem>> -> memref<1x128xi32, #tpu.memory_space<vmem>>
      %dma_wait3A_71 = tpu.memref_squeeze %dma_wait3A_70 : memref<1x128xi32, #tpu.memory_space<vmem>> -> memref<128xi32, #tpu.memory_space<vmem>>
      %dma_wait3A_72 = arith.constant 0 : i32
      %dma_wait3A_73 = arith.constant 0 : i32
      %dma_wait3A_74 = tpu.memref_slice %arg2[%dma_wait3A_72, %dma_wait3A_73] : memref<10000x128xf32, #tpu.memory_space<hbm>> -> memref<10000x128xf32, #tpu.memory_space<hbm>>
      tpu.wait_indirect_dma semaphore(%arg12 : memref<!tpu.dma_semaphore, #tpu.memory_space<semaphore_mem>>) src(%dma_wait3A_74 : memref<10000x128xf32, #tpu.memory_space<hbm>>) dst(%arg9 : memref<128x128xf32, #tpu.memory_space<vmem>>)
      %lt3A_75 = arith.constant 38 : i32
      %lt3A_76 = arith.cmpi slt, %scan3A_45, %lt3A_75 : i32
      %convert_element_type3A_77 = arith.extui %lt3A_76 : i1 to i32
      %cond3A_78 = arith.constant 0 : i32
      %cond3A_79 = arith.cmpi ne, %convert_element_type3A_77, %cond3A_78 : i32
      scf.if %cond3A_79 {
        %dma_start3A_87 = arith.constant 0 : i32
        %dma_start3A_88 = arith.constant 0 : i32
        %dma_start3A_89 = tpu.memref_slice %arg6[%dma_start3A_87, %dma_start3A_88] : memref<2x128xi32, #tpu.memory_space<vmem>> -> memref<1x128xi32, #tpu.memory_space<vmem>>
        %dma_start3A_90 = tpu.memref_squeeze %dma_start3A_89 : memref<1x128xi32, #tpu.memory_space<vmem>> -> memref<128xi32, #tpu.memory_space<vmem>>
        %dma_start3A_91 = arith.constant 0 : i32
        %dma_start3A_92 = arith.constant 0 : i32
        %dma_start3A_93 = tpu.memref_slice %arg2[%dma_start3A_91, %dma_start3A_92] : memref<10000x128xf32, #tpu.memory_space<hbm>> -> memref<10000x128xf32, #tpu.memory_space<hbm>>
        tpu.enqueue_indirect_dma source(%dma_start3A_93 : memref<10000x128xf32, #tpu.memory_space<hbm>>) target(%arg8 : memref<128x128xf32, #tpu.memory_space<vmem>>) offsets(%dma_start3A_90 : memref<128xi32, #tpu.memory_space<vmem>>) semaphore(%arg11 : memref<!tpu.dma_semaphore, #tpu.memory_space<semaphore_mem>>)
      } else {
      }
      %run_scoped3A_80 = arith.constant 1 : i32
      "tpu.region"() ({
        %run_scoped3A_87 = tpu.sem_alloc : memref<!tpu.dma_semaphore, #tpu.memory_space<semaphore_mem>>
        %dma_start3A_88 = arith.constant 0 : i32
        %dma_start3A_89 = tpu.memref_slice %arg7[%run_scoped3A_80, %dma_start3A_88] : memref<2x128xi32, #tpu.memory_space<vmem>> -> memref<1x128xi32, #tpu.memory_space<vmem>>
        %dma_start3A_90 = tpu.memref_squeeze %dma_start3A_89 : memref<1x128xi32, #tpu.memory_space<vmem>> -> memref<128xi32, #tpu.memory_space<vmem>>
        %dma_start3A_91 = arith.constant 0 : i32
        %dma_start3A_92 = arith.constant 0 : i32
        %dma_start3A_93 = tpu.memref_slice %arg10[%dma_start3A_91, %dma_start3A_92] : memref<10000x128xf32, #tpu.memory_space<vmem_shared>> -> memref<10000x128xf32, #tpu.memory_space<vmem_shared>>
        tpu.enqueue_indirect_dma source(%arg9 : memref<128x128xf32, #tpu.memory_space<vmem>>) target(%dma_start3A_93 : memref<10000x128xf32, #tpu.memory_space<vmem_shared>>) offsets(%dma_start3A_90 : memref<128xi32, #tpu.memory_space<vmem>>) semaphore(%run_scoped3A_87 : memref<!tpu.dma_semaphore, #tpu.memory_space<semaphore_mem>>) {add = true}
        %dma_wait3A_94 = arith.constant 0 : i32
        %dma_wait3A_95 = tpu.memref_slice %arg7[%run_scoped3A_80, %dma_wait3A_94] : memref<2x128xi32, #tpu.memory_space<vmem>> -> memref<1x128xi32, #tpu.memory_space<vmem>>
        %dma_wait3A_96 = tpu.memref_squeeze %dma_wait3A_95 : memref<1x128xi32, #tpu.memory_space<vmem>> -> memref<128xi32, #tpu.memory_space<vmem>>
        %dma_wait3A_97 = arith.constant 0 : i32
        %dma_wait3A_98 = arith.constant 0 : i32
        %dma_wait3A_99 = tpu.memref_slice %arg10[%dma_wait3A_97, %dma_wait3A_98] : memref<10000x128xf32, #tpu.memory_space<vmem_shared>> -> memref<10000x128xf32, #tpu.memory_space<vmem_shared>>
        tpu.wait_indirect_dma semaphore(%run_scoped3A_87 : memref<!tpu.dma_semaphore, #tpu.memory_space<semaphore_mem>>) src(%arg9 : memref<128x128xf32, #tpu.memory_space<vmem>>) dst(%dma_wait3A_99 : memref<10000x128xf32, #tpu.memory_space<vmem_shared>>)
        tpu.yield
      }) : () -> ()
      %lt3A_81 = arith.constant 38 : i32
      %lt3A_82 = arith.cmpi slt, %scan3A_45, %lt3A_81 : i32
      %convert_element_type3A_83 = arith.extui %lt3A_82 : i1 to i32
      %cond3A_84 = arith.constant 0 : i32
      %cond3A_85 = arith.cmpi ne, %convert_element_type3A_83, %cond3A_84 : i32
      scf.if %cond3A_85 {
        %add3A_87 = arith.constant 3 : i32
        %add3A_88 = arith.addi %add3A_49, %add3A_87 : i32
        "tpu.region"() ({
          %run_scoped3A_89 = tpu.sem_alloc : memref<!tpu.dma_semaphore, #tpu.memory_space<semaphore_mem>>
          %dma_start3A_90 = arith.constant 0 : i32
          %dma_start3A_91 = arith.constant 0 : i32
          %dma_start3A_92 = tpu.memref_slice %arg3[%add3A_88, %dma_start3A_90, %dma_start3A_91] : memref<2500x2x128xi32, #tpu.memory_space<hbm>> -> memref<1x2x128xi32, #tpu.memory_space<hbm>>
          %dma_start3A_93 = tpu.memref_squeeze %dma_start3A_92 : memref<1x2x128xi32, #tpu.memory_space<hbm>> -> memref<2x128xi32, #tpu.memory_space<hbm>>
          %dma_start3A_94 = arith.constant 0 : i32
          %dma_start3A_95 = arith.constant 0 : i32
          %dma_start3A_96 = tpu.memref_slice %arg3[%add3A_88, %dma_start3A_94, %dma_start3A_95] : memref<2500x2x128xi32, #tpu.memory_space<hbm>> -> memref<1x2x128xi32, #tpu.memory_space<hbm>>
          %dma_start3A_97 = tpu.memref_squeeze %dma_start3A_96 : memref<1x2x128xi32, #tpu.memory_space<hbm>> -> memref<2x128xi32, #tpu.memory_space<hbm>>
          tpu.enqueue_dma source(%dma_start3A_97 : memref<2x128xi32, #tpu.memory_space<hbm>>) target(%arg7 : memref<2x128xi32, #tpu.memory_space<vmem>>) target_semaphore(%run_scoped3A_89 : memref<!tpu.dma_semaphore, #tpu.memory_space<semaphore_mem>>)
          %dma_wait3A_98 = arith.constant 0 : i32
          %dma_wait3A_99 = arith.constant 0 : i32
          %dma_wait3A_100 = tpu.memref_slice %arg3[%add3A_88, %dma_wait3A_98, %dma_wait3A_99] : memref<2500x2x128xi32, #tpu.memory_space<hbm>> -> memref<1x2x128xi32, #tpu.memory_space<hbm>>
          %dma_wait3A_101 = tpu.memref_squeeze %dma_wait3A_100 : memref<1x2x128xi32, #tpu.memory_space<hbm>> -> memref<2x128xi32, #tpu.memory_space<hbm>>
          %dma_wait3A_102 = arith.constant 0 : i32
          %dma_wait3A_103 = arith.constant 0 : i32
          %dma_wait3A_104 = tpu.memref_slice %arg3[%add3A_88, %dma_wait3A_102, %dma_wait3A_103] : memref<2500x2x128xi32, #tpu.memory_space<hbm>> -> memref<1x2x128xi32, #tpu.memory_space<hbm>>
          %dma_wait3A_105 = tpu.memref_squeeze %dma_wait3A_104 : memref<1x2x128xi32, #tpu.memory_space<hbm>> -> memref<2x128xi32, #tpu.memory_space<hbm>>
          tpu.wait_dma2 semaphore(%run_scoped3A_89 : memref<!tpu.dma_semaphore, #tpu.memory_space<semaphore_mem>>) src(%dma_wait3A_105 : memref<2x128xi32, #tpu.memory_space<hbm>>) dst(%arg7 : memref<2x128xi32, #tpu.memory_space<vmem>>)
          tpu.yield
        }) : () -> ()
      } else {
      }
      %scan3A_86 = arith.constant 0 : i32
      scf.yield %scan3A_86 : i32
    }
    %scan3A_34 = arith.constant 39 : i32
    %barrier3A_35 = arith.constant 0 : index
    tpu.barrier barrier_id(%barrier3A_35)
    %mul3A_36 = arith.constant 624 : i32
    %mul3A_37 = arith.muli %arg1, %mul3A_36 : i32
    %mul3A_38 = arith.constant 624 : i32
    %mul3A_39 = arith.muli %arg1, %mul3A_38 : i32
    "tpu.region"() ({
      %run_scoped3A = tpu.sem_alloc : memref<!tpu.dma_semaphore, #tpu.memory_space<semaphore_mem>>
      %dma_start3A_45 = arith.constant 0 : i32
      %dma_start3A_46 = arith.constant 0 : i32
      %dma_start3A_47 = tpu.memref_slice %arg5[%arg0, %dma_start3A_45, %dma_start3A_46] : memref<2x10000x128xf32, #tpu.memory_space<hbm>> -> memref<1x10000x128xf32, #tpu.memory_space<hbm>>
      %dma_start3A_48 = tpu.memref_squeeze %dma_start3A_47 : memref<1x10000x128xf32, #tpu.memory_space<hbm>> -> memref<10000x128xf32, #tpu.memory_space<hbm>>
      %dma_start3A_49 = arith.constant 0 : i32
      %dma_start3A_50 = tpu.memref_slice %dma_start3A_48[%mul3A_39, %dma_start3A_49] : memref<10000x128xf32, #tpu.memory_space<hbm>> -> memref<624x128xf32, #tpu.memory_space<hbm>>
      %dma_start3A_51 = arith.constant 0 : i32
      %dma_start3A_52 = tpu.memref_slice %arg10[%mul3A_37, %dma_start3A_51] : memref<10000x128xf32, #tpu.memory_space<vmem_shared>> -> memref<624x128xf32, #tpu.memory_space<vmem_shared>>
      tpu.enqueue_dma source(%dma_start3A_52 : memref<624x128xf32, #tpu.memory_space<vmem_shared>>) target(%dma_start3A_50 : memref<624x128xf32, #tpu.memory_space<hbm>>) target_semaphore(%run_scoped3A : memref<!tpu.dma_semaphore, #tpu.memory_space<semaphore_mem>>)
      %dma_wait3A = arith.constant 0 : i32
      %dma_wait3A_53 = arith.constant 0 : i32
      %dma_wait3A_54 = tpu.memref_slice %arg5[%arg0, %dma_wait3A, %dma_wait3A_53] : memref<2x10000x128xf32, #tpu.memory_space<hbm>> -> memref<1x10000x128xf32, #tpu.memory_space<hbm>>
      %dma_wait3A_55 = tpu.memref_squeeze %dma_wait3A_54 : memref<1x10000x128xf32, #tpu.memory_space<hbm>> -> memref<10000x128xf32, #tpu.memory_space<hbm>>
      %dma_wait3A_56 = arith.constant 0 : i32
      %dma_wait3A_57 = tpu.memref_slice %dma_wait3A_55[%mul3A_39, %dma_wait3A_56] : memref<10000x128xf32, #tpu.memory_space<hbm>> -> memref<624x128xf32, #tpu.memory_space<hbm>>
      %dma_wait3A_58 = arith.constant 0 : i32
      %dma_wait3A_59 = tpu.memref_slice %arg10[%mul3A_37, %dma_wait3A_58] : memref<10000x128xf32, #tpu.memory_space<vmem_shared>> -> memref<624x128xf32, #tpu.memory_space<vmem_shared>>
      tpu.wait_dma2 semaphore(%run_scoped3A : memref<!tpu.dma_semaphore, #tpu.memory_space<semaphore_mem>>) src(%dma_wait3A_59 : memref<624x128xf32, #tpu.memory_space<vmem_shared>>) dst(%dma_wait3A_57 : memref<624x128xf32, #tpu.memory_space<hbm>>)
      tpu.yield
    }) : () -> ()
    %eq3A_40 = arith.constant 15 : i32
    %eq3A_41 = arith.cmpi eq, %arg1, %eq3A_40 : i32
    %convert_element_type3A_42 = arith.extui %eq3A_41 : i1 to i32
    %cond3A_43 = arith.constant 0 : i32
    %cond3A_44 = arith.cmpi ne, %convert_element_type3A_42, %cond3A_43 : i32
    scf.if %cond3A_44 {
      "tpu.region"() ({
        %run_scoped3A = tpu.sem_alloc : memref<!tpu.dma_semaphore, #tpu.memory_space<semaphore_mem>>
        %dma_start3A_45 = arith.constant 0 : i32
        %dma_start3A_46 = arith.constant 0 : i32
        %dma_start3A_47 = tpu.memref_slice %arg5[%arg0, %dma_start3A_45, %dma_start3A_46] : memref<2x10000x128xf32, #tpu.memory_space<hbm>> -> memref<1x10000x128xf32, #tpu.memory_space<hbm>>
        %dma_start3A_48 = tpu.memref_squeeze %dma_start3A_47 : memref<1x10000x128xf32, #tpu.memory_space<hbm>> -> memref<10000x128xf32, #tpu.memory_space<hbm>>
        %dma_start3A_49 = arith.constant 9984 : i32
        %dma_start3A_50 = arith.constant 0 : i32
        %dma_start3A_51 = tpu.memref_slice %dma_start3A_48[%dma_start3A_49, %dma_start3A_50] : memref<10000x128xf32, #tpu.memory_space<hbm>> -> memref<16x128xf32, #tpu.memory_space<hbm>>
        %dma_start3A_52 = arith.constant 9984 : i32
        %dma_start3A_53 = arith.constant 0 : i32
        %dma_start3A_54 = tpu.memref_slice %arg10[%dma_start3A_52, %dma_start3A_53] : memref<10000x128xf32, #tpu.memory_space<vmem_shared>> -> memref<16x128xf32, #tpu.memory_space<vmem_shared>>
        tpu.enqueue_dma source(%dma_start3A_54 : memref<16x128xf32, #tpu.memory_space<vmem_shared>>) target(%dma_start3A_51 : memref<16x128xf32, #tpu.memory_space<hbm>>) target_semaphore(%run_scoped3A : memref<!tpu.dma_semaphore, #tpu.memory_space<semaphore_mem>>)
        %dma_wait3A = arith.constant 0 : i32
        %dma_wait3A_55 = arith.constant 0 : i32
        %dma_wait3A_56 = tpu.memref_slice %arg5[%arg0, %dma_wait3A, %dma_wait3A_55] : memref<2x10000x128xf32, #tpu.memory_space<hbm>> -> memref<1x10000x128xf32, #tpu.memory_space<hbm>>
        %dma_wait3A_57 = tpu.memref_squeeze %dma_wait3A_56 : memref<1x10000x128xf32, #tpu.memory_space<hbm>> -> memref<10000x128xf32, #tpu.memory_space<hbm>>
        %dma_wait3A_58 = arith.constant 9984 : i32
        %dma_wait3A_59 = arith.constant 0 : i32
        %dma_wait3A_60 = tpu.memref_slice %dma_wait3A_57[%dma_wait3A_58, %dma_wait3A_59] : memref<10000x128xf32, #tpu.memory_space<hbm>> -> memref<16x128xf32, #tpu.memory_space<hbm>>
        %dma_wait3A_61 = arith.constant 9984 : i32
        %dma_wait3A_62 = arith.constant 0 : i32
        %dma_wait3A_63 = tpu.memref_slice %arg10[%dma_wait3A_61, %dma_wait3A_62] : memref<10000x128xf32, #tpu.memory_space<vmem_shared>> -> memref<16x128xf32, #tpu.memory_space<vmem_shared>>
        tpu.wait_dma2 semaphore(%run_scoped3A : memref<!tpu.dma_semaphore, #tpu.memory_space<semaphore_mem>>) src(%dma_wait3A_63 : memref<16x128xf32, #tpu.memory_space<vmem_shared>>) dst(%dma_wait3A_60 : memref<16x128xf32, #tpu.memory_space<hbm>>)
        tpu.yield
      }) : () -> ()
    } else {
    }
    return
  }
}

module attributes {stable_mosaic.version = 14 : i64} {
  func.func @_init_body(%arg0: i32, %arg1: memref<5000x128xf32, #tpu.memory_space<vmem>>, %arg2: memref<128x128xf32, #tpu.memory_space<vmem>>, %arg3: memref<1x128xf32, #tpu.memory_space<vmem>>, %arg4: memref<5000x128xf32, #tpu.memory_space<vmem>>) attributes {dimension_semantics = [#tpu.dimension_semantics<arbitrary>], iteration_bounds = array<i64: 2>, scalar_prefetch = 0 : i64, scratch_operands = 0 : i64, tpu.core_type = #tpu.core_type<tc>, window_params = [{transform_indices = @transform_0, window_bounds = array<i64: 5000, 128>}, {pipeline_mode = #tpu.pipeline_mode<synchronous>, transform_indices = @transform_1, window_bounds = array<i64: 128, 128>}, {pipeline_mode = #tpu.pipeline_mode<synchronous>, transform_indices = @transform_2, window_bounds = array<i64: 1, 128>}, {transform_indices = @transform_3, window_bounds = array<i64: 5000, 128>}]} {
    %get3A = arith.constant 0 : index
    %get3A_0 = arith.constant 0 : index
    %get3A_1 = vector.load %arg1[%get3A, %get3A_0] : memref<5000x128xf32, #tpu.memory_space<vmem>>, vector<5000x128xf32>
    %get3A_2 = arith.constant 0 : index
    %get3A_3 = arith.constant 0 : index
    %get3A_4 = vector.load %arg2[%get3A_2, %get3A_3] : memref<128x128xf32, #tpu.memory_space<vmem>>, vector<128x128xf32>
    %dot_general3A = arith.constant dense<0.000000e+00> : vector<5000x128xf32>
    %dot_general3A_5 = tpu.matmul %get3A_1, %get3A_4, %dot_general3A {dimension_numbers = #tpu.dot_dimension_numbers<[1], [0], [0], [1], [0, 0, 1, 1], [], []>, transpose_lhs_hint = false} : vector<5000x128xf32>, vector<128x128xf32>, vector<5000x128xf32> -> vector<5000x128xf32>
    %get3A_6 = arith.constant 0 : index
    %get3A_7 = arith.constant 0 : index
    %get3A_8 = vector.load %arg3[%get3A_6, %get3A_7] : memref<1x128xf32, #tpu.memory_space<vmem>>, vector<1x128xf32>
    %add3A = vector.broadcast %get3A_8 : vector<1x128xf32> to vector<5000x128xf32>
    %add3A_9 = arith.addf %dot_general3A_5, %add3A : vector<5000x128xf32>
    %max3A = arith.constant 0.000000e+00 : f32
    %max3A_10 = vector.broadcast %max3A : f32 to vector<5000x128xf32>
    %max3A_11 = arith.maximumf %add3A_9, %max3A_10 : vector<5000x128xf32>
    %swap3A = arith.constant 0 : index
    %swap3A_12 = arith.constant 0 : index
    %swap3A_13 = vector.load %arg4[%swap3A, %swap3A_12] : memref<5000x128xf32, #tpu.memory_space<vmem>>, vector<5000x128xf32>
    tpu.vector_store %arg4[%swap3A, %swap3A_12], %max3A_11 {strides = array<i32>} : memref<5000x128xf32, #tpu.memory_space<vmem>>, vector<5000x128xf32>,
    return
  }
  func.func @transform_0(%arg0: i32) -> (i32, i32) {
    %c0_i32 = arith.constant 0 : i32
    %c0_i32_0 = arith.constant 0 : i32
    return %arg0, %c0_i32 : i32, i32
  }
  func.func @transform_1(%arg0: i32) -> (i32, i32) {
    %c0_i32 = arith.constant 0 : i32
    %c0_i32_0 = arith.constant 0 : i32
    %c0_i32_1 = arith.constant 0 : i32
    return %c0_i32, %c0_i32_0 : i32, i32
  }
  func.func @transform_2(%arg0: i32) -> (i32, i32) {
    %c0_i32 = arith.constant 0 : i32
    %c0_i32_0 = arith.constant 0 : i32
    %c0_i32_1 = arith.constant 0 : i32
    return %c0_i32, %c0_i32_0 : i32, i32
  }
  func.func @transform_3(%arg0: i32) -> (i32, i32) {
    %c0_i32 = arith.constant 0 : i32
    %c0_i32_0 = arith.constant 0 : i32
    return %arg0, %c0_i32 : i32, i32
  }
}

module attributes {stable_mosaic.version = 14 : i64} {
  func.func @_edge_body(%arg0: i32, %arg1: memref<16000x16xf32, #tpu.memory_space<vmem>>, %arg2: memref<16x128xf32, #tpu.memory_space<vmem>>, %arg3: memref<1x128xf32, #tpu.memory_space<vmem>>, %arg4: memref<16000x128xf32, #tpu.memory_space<vmem>>) attributes {dimension_semantics = [#tpu.dimension_semantics<arbitrary>], iteration_bounds = array<i64: 20>, scalar_prefetch = 0 : i64, scratch_operands = 0 : i64, tpu.core_type = #tpu.core_type<tc>, window_params = [{transform_indices = @transform_0, window_bounds = array<i64: 16000, 16>}, {pipeline_mode = #tpu.pipeline_mode<synchronous>, transform_indices = @transform_1, window_bounds = array<i64: 16, 128>}, {pipeline_mode = #tpu.pipeline_mode<synchronous>, transform_indices = @transform_2, window_bounds = array<i64: 1, 128>}, {transform_indices = @transform_3, window_bounds = array<i64: 16000, 128>}]} {
    %get3A = arith.constant 0 : index
    %get3A_0 = arith.constant 0 : index
    %get3A_1 = vector.load %arg1[%get3A, %get3A_0] : memref<16000x16xf32, #tpu.memory_space<vmem>>, vector<16000x16xf32>
    %get3A_2 = arith.constant 0 : index
    %get3A_3 = arith.constant 0 : index
    %get3A_4 = vector.load %arg2[%get3A_2, %get3A_3] : memref<16x128xf32, #tpu.memory_space<vmem>>, vector<16x128xf32>
    %dot_general3A = arith.constant dense<0.000000e+00> : vector<16000x128xf32>
    %dot_general3A_5 = tpu.matmul %get3A_1, %get3A_4, %dot_general3A {dimension_numbers = #tpu.dot_dimension_numbers<[1], [0], [0], [1], [0, 0, 1, 1], [], []>, transpose_lhs_hint = false} : vector<16000x16xf32>, vector<16x128xf32>, vector<16000x128xf32> -> vector<16000x128xf32>
    %get3A_6 = arith.constant 0 : index
    %get3A_7 = arith.constant 0 : index
    %get3A_8 = vector.load %arg3[%get3A_6, %get3A_7] : memref<1x128xf32, #tpu.memory_space<vmem>>, vector<1x128xf32>
    %add3A = vector.broadcast %get3A_8 : vector<1x128xf32> to vector<16000x128xf32>
    %add3A_9 = arith.addf %dot_general3A_5, %add3A : vector<16000x128xf32>
    %swap3A = arith.constant 0 : index
    %swap3A_10 = arith.constant 0 : index
    %swap3A_11 = vector.load %arg4[%swap3A, %swap3A_10] : memref<16000x128xf32, #tpu.memory_space<vmem>>, vector<16000x128xf32>
    tpu.vector_store %arg4[%swap3A, %swap3A_10], %add3A_9 {strides = array<i32>} : memref<16000x128xf32, #tpu.memory_space<vmem>>, vector<16000x128xf32>,
    return
  }
  func.func @transform_0(%arg0: i32) -> (i32, i32) {
    %c0_i32 = arith.constant 0 : i32
    %c0_i32_0 = arith.constant 0 : i32
    return %arg0, %c0_i32 : i32, i32
  }
  func.func @transform_1(%arg0: i32) -> (i32, i32) {
    %c0_i32 = arith.constant 0 : i32
    %c0_i32_0 = arith.constant 0 : i32
    %c0_i32_1 = arith.constant 0 : i32
    return %c0_i32, %c0_i32_0 : i32, i32
  }
  func.func @transform_2(%arg0: i32) -> (i32, i32) {
    %c0_i32 = arith.constant 0 : i32
    %c0_i32_0 = arith.constant 0 : i32
    %c0_i32_1 = arith.constant 0 : i32
    return %c0_i32, %c0_i32_0 : i32, i32
  }
  func.func @transform_3(%arg0: i32) -> (i32, i32) {
    %c0_i32 = arith.constant 0 : i32
    %c0_i32_0 = arith.constant 0 : i32
    return %arg0, %c0_i32 : i32, i32
  }
}

module attributes {stable_mosaic.version = 14 : i64} {
  func.func @_round_body(%arg0: i32, %arg1: memref<5000x128xf32, #tpu.memory_space<vmem>>, %arg2: memref<2x5000x128xf32, #tpu.memory_space<vmem>>, %arg3: memref<128x128xf32, #tpu.memory_space<vmem>>, %arg4: memref<2x5000x128xf32, #tpu.memory_space<vmem>>, %arg5: memref<5000x128xf32, #tpu.memory_space<vmem>>) attributes {dimension_semantics = [#tpu.dimension_semantics<arbitrary>], iteration_bounds = array<i64: 2>, scalar_prefetch = 0 : i64, scratch_operands = 0 : i64, tpu.core_type = #tpu.core_type<tc>, window_params = [{transform_indices = @transform_0, window_bounds = array<i64: 5000, 128>}, {transform_indices = @transform_1, window_bounds = array<i64: 2, 5000, 128>}, {pipeline_mode = #tpu.pipeline_mode<synchronous>, transform_indices = @transform_2, window_bounds = array<i64: 128, 128>}, {transform_indices = @transform_3, window_bounds = array<i64: 2, 5000, 128>}, {transform_indices = @transform_4, window_bounds = array<i64: 5000, 128>}]} {
    %get3A = arith.constant 0 : index
    %get3A_0 = arith.constant 0 : index
    %get3A_1 = arith.constant 0 : index
    %get3A_2 = vector.load %arg2[%get3A, %get3A_0, %get3A_1] : memref<2x5000x128xf32, #tpu.memory_space<vmem>>, vector<1x5000x128xf32>
    %get3A_3 = vector.shape_cast %get3A_2 : vector<1x5000x128xf32> to vector<5000x128xf32>
    %get3A_4 = arith.constant 1 : index
    %get3A_5 = arith.constant 0 : index
    %get3A_6 = arith.constant 0 : index
    %get3A_7 = vector.load %arg2[%get3A_4, %get3A_5, %get3A_6] : memref<2x5000x128xf32, #tpu.memory_space<vmem>>, vector<1x5000x128xf32>
    %get3A_8 = vector.shape_cast %get3A_7 : vector<1x5000x128xf32> to vector<5000x128xf32>
    %add3A = arith.addf %get3A_3, %get3A_8 : vector<5000x128xf32>
    %get3A_9 = arith.constant 0 : index
    %get3A_10 = arith.constant 0 : index
    %get3A_11 = vector.load %arg3[%get3A_9, %get3A_10] : memref<128x128xf32, #tpu.memory_space<vmem>>, vector<128x128xf32>
    %dot_general3A = arith.constant dense<0.000000e+00> : vector<5000x128xf32>
    %dot_general3A_12 = tpu.matmul %add3A, %get3A_11, %dot_general3A {dimension_numbers = #tpu.dot_dimension_numbers<[1], [0], [0], [1], [0, 0, 1, 1], [], []>, transpose_lhs_hint = false} : vector<5000x128xf32>, vector<128x128xf32>, vector<5000x128xf32> -> vector<5000x128xf32>
    %get3A_13 = arith.constant 0 : index
    %get3A_14 = arith.constant 0 : index
    %get3A_15 = arith.constant 0 : index
    %get3A_16 = vector.load %arg4[%get3A_13, %get3A_14, %get3A_15] : memref<2x5000x128xf32, #tpu.memory_space<vmem>>, vector<1x5000x128xf32>
    %get3A_17 = vector.shape_cast %get3A_16 : vector<1x5000x128xf32> to vector<5000x128xf32>
    %add3A_18 = arith.addf %dot_general3A_12, %get3A_17 : vector<5000x128xf32>
    %get3A_19 = arith.constant 1 : index
    %get3A_20 = arith.constant 0 : index
    %get3A_21 = arith.constant 0 : index
    %get3A_22 = vector.load %arg4[%get3A_19, %get3A_20, %get3A_21] : memref<2x5000x128xf32, #tpu.memory_space<vmem>>, vector<1x5000x128xf32>
    %get3A_23 = vector.shape_cast %get3A_22 : vector<1x5000x128xf32> to vector<5000x128xf32>
    %add3A_24 = arith.addf %add3A_18, %get3A_23 : vector<5000x128xf32>
    %get3A_25 = arith.constant 0 : index
    %get3A_26 = arith.constant 0 : index
    %get3A_27 = vector.load %arg1[%get3A_25, %get3A_26] : memref<5000x128xf32, #tpu.memory_space<vmem>>, vector<5000x128xf32>
    %add3A_28 = arith.addf %get3A_27, %add3A_24 : vector<5000x128xf32>
    %max3A = arith.constant 0.000000e+00 : f32
    %max3A_29 = vector.broadcast %max3A : f32 to vector<5000x128xf32>
    %max3A_30 = arith.maximumf %add3A_28, %max3A_29 : vector<5000x128xf32>
    %swap3A = arith.constant 0 : index
    %swap3A_31 = arith.constant 0 : index
    %swap3A_32 = vector.load %arg5[%swap3A, %swap3A_31] : memref<5000x128xf32, #tpu.memory_space<vmem>>, vector<5000x128xf32>
    tpu.vector_store %arg5[%swap3A, %swap3A_31], %max3A_30 {strides = array<i32>} : memref<5000x128xf32, #tpu.memory_space<vmem>>, vector<5000x128xf32>,
    return
  }
  func.func @transform_0(%arg0: i32) -> (i32, i32) {
    %c0_i32 = arith.constant 0 : i32
    %c0_i32_0 = arith.constant 0 : i32
    return %arg0, %c0_i32 : i32, i32
  }
  func.func @transform_1(%arg0: i32) -> (i32, i32, i32) {
    %c0_i32 = arith.constant 0 : i32
    %c0_i32_0 = arith.constant 0 : i32
    %c0_i32_1 = arith.constant 0 : i32
    return %c0_i32, %arg0, %c0_i32_0 : i32, i32, i32
  }
  func.func @transform_2(%arg0: i32) -> (i32, i32) {
    %c0_i32 = arith.constant 0 : i32
    %c0_i32_0 = arith.constant 0 : i32
    %c0_i32_1 = arith.constant 0 : i32
    return %c0_i32, %c0_i32_0 : i32, i32
  }
  func.func @transform_3(%arg0: i32) -> (i32, i32, i32) {
    %c0_i32 = arith.constant 0 : i32
    %c0_i32_0 = arith.constant 0 : i32
    %c0_i32_1 = arith.constant 0 : i32
    return %c0_i32, %arg0, %c0_i32_0 : i32, i32, i32
  }
  func.func @transform_4(%arg0: i32) -> (i32, i32) {
    %c0_i32 = arith.constant 0 : i32
    %c0_i32_0 = arith.constant 0 : i32
    return %arg0, %c0_i32 : i32, i32
  }
}

module attributes {stable_mosaic.version = 14 : i64} {
  func.func @_final_body(%arg0: i32, %arg1: memref<5000x128xf32, #tpu.memory_space<vmem>>, %arg2: memref<128x128xf32, #tpu.memory_space<vmem>>, %arg3: memref<2x5000x128xf32, #tpu.memory_space<vmem>>, %arg4: memref<128x128xf32, #tpu.memory_space<vmem>>, %arg5: memref<1x128xf32, #tpu.memory_space<vmem>>, %arg6: memref<5000x128xf32, #tpu.memory_space<vmem>>) attributes {dimension_semantics = [#tpu.dimension_semantics<arbitrary>], iteration_bounds = array<i64: 2>, scalar_prefetch = 0 : i64, scratch_operands = 0 : i64, tpu.core_type = #tpu.core_type<tc>, window_params = [{transform_indices = @transform_0, window_bounds = array<i64: 5000, 128>}, {pipeline_mode = #tpu.pipeline_mode<synchronous>, transform_indices = @transform_1, window_bounds = array<i64: 128, 128>}, {transform_indices = @transform_2, window_bounds = array<i64: 2, 5000, 128>}, {pipeline_mode = #tpu.pipeline_mode<synchronous>, transform_indices = @transform_3, window_bounds = array<i64: 128, 128>}, {pipeline_mode = #tpu.pipeline_mode<synchronous>, transform_indices = @transform_4, window_bounds = array<i64: 1, 128>}, {transform_indices = @transform_5, window_bounds = array<i64: 5000, 128>}]} {
    %get3A = arith.constant 0 : index
    %get3A_0 = arith.constant 0 : index
    %get3A_1 = arith.constant 0 : index
    %get3A_2 = vector.load %arg3[%get3A, %get3A_0, %get3A_1] : memref<2x5000x128xf32, #tpu.memory_space<vmem>>, vector<1x5000x128xf32>
    %get3A_3 = vector.shape_cast %get3A_2 : vector<1x5000x128xf32> to vector<5000x128xf32>
    %get3A_4 = arith.constant 1 : index
    %get3A_5 = arith.constant 0 : index
    %get3A_6 = arith.constant 0 : index
    %get3A_7 = vector.load %arg3[%get3A_4, %get3A_5, %get3A_6] : memref<2x5000x128xf32, #tpu.memory_space<vmem>>, vector<1x5000x128xf32>
    %get3A_8 = vector.shape_cast %get3A_7 : vector<1x5000x128xf32> to vector<5000x128xf32>
    %add3A = arith.addf %get3A_3, %get3A_8 : vector<5000x128xf32>
    %get3A_9 = arith.constant 0 : index
    %get3A_10 = arith.constant 0 : index
    %get3A_11 = vector.load %arg1[%get3A_9, %get3A_10] : memref<5000x128xf32, #tpu.memory_space<vmem>>, vector<5000x128xf32>
    %get3A_12 = arith.constant 0 : index
    %get3A_13 = arith.constant 0 : index
    %get3A_14 = vector.load %arg2[%get3A_12, %get3A_13] : memref<128x128xf32, #tpu.memory_space<vmem>>, vector<128x128xf32>
    %dot_general3A = arith.constant dense<0.000000e+00> : vector<5000x128xf32>
    %dot_general3A_15 = tpu.matmul %get3A_11, %get3A_14, %dot_general3A {dimension_numbers = #tpu.dot_dimension_numbers<[1], [0], [0], [1], [0, 0, 1, 1], [], []>, transpose_lhs_hint = false} : vector<5000x128xf32>, vector<128x128xf32>, vector<5000x128xf32> -> vector<5000x128xf32>
    %get3A_16 = arith.constant 0 : index
    %get3A_17 = arith.constant 0 : index
    %get3A_18 = vector.load %arg4[%get3A_16, %get3A_17] : memref<128x128xf32, #tpu.memory_space<vmem>>, vector<128x128xf32>
    %dot_general3A_19 = arith.constant dense<0.000000e+00> : vector<5000x128xf32>
    %dot_general3A_20 = tpu.matmul %add3A, %get3A_18, %dot_general3A_19 {dimension_numbers = #tpu.dot_dimension_numbers<[1], [0], [0], [1], [0, 0, 1, 1], [], []>, transpose_lhs_hint = false} : vector<5000x128xf32>, vector<128x128xf32>, vector<5000x128xf32> -> vector<5000x128xf32>
    %add3A_21 = arith.addf %dot_general3A_15, %dot_general3A_20 : vector<5000x128xf32>
    %get3A_22 = arith.constant 0 : index
    %get3A_23 = arith.constant 0 : index
    %get3A_24 = vector.load %arg5[%get3A_22, %get3A_23] : memref<1x128xf32, #tpu.memory_space<vmem>>, vector<1x128xf32>
    %add3A_25 = vector.broadcast %get3A_24 : vector<1x128xf32> to vector<5000x128xf32>
    %add3A_26 = arith.addf %add3A_21, %add3A_25 : vector<5000x128xf32>
    %max3A = arith.constant 0.000000e+00 : f32
    %max3A_27 = vector.broadcast %max3A : f32 to vector<5000x128xf32>
    %max3A_28 = arith.maximumf %add3A_26, %max3A_27 : vector<5000x128xf32>
    %swap3A = arith.constant 0 : index
    %swap3A_29 = arith.constant 0 : index
    %swap3A_30 = vector.load %arg6[%swap3A, %swap3A_29] : memref<5000x128xf32, #tpu.memory_space<vmem>>, vector<5000x128xf32>
    tpu.vector_store %arg6[%swap3A, %swap3A_29], %max3A_28 {strides = array<i32>} : memref<5000x128xf32, #tpu.memory_space<vmem>>, vector<5000x128xf32>,
    return
  }
  func.func @transform_0(%arg0: i32) -> (i32, i32) {
    %c0_i32 = arith.constant 0 : i32
    %c0_i32_0 = arith.constant 0 : i32
    return %arg0, %c0_i32 : i32, i32
  }
  func.func @transform_1(%arg0: i32) -> (i32, i32) {
    %c0_i32 = arith.constant 0 : i32
    %c0_i32_0 = arith.constant 0 : i32
    %c0_i32_1 = arith.constant 0 : i32
    return %c0_i32, %c0_i32_0 : i32, i32
  }
  func.func @transform_2(%arg0: i32) -> (i32, i32, i32) {
    %c0_i32 = arith.constant 0 : i32
    %c0_i32_0 = arith.constant 0 : i32
    %c0_i32_1 = arith.constant 0 : i32
    return %c0_i32, %arg0, %c0_i32_0 : i32, i32, i32
  }
  func.func @transform_3(%arg0: i32) -> (i32, i32) {
    %c0_i32 = arith.constant 0 : i32
    %c0_i32_0 = arith.constant 0 : i32
    %c0_i32_1 = arith.constant 0 : i32
    return %c0_i32, %c0_i32_0 : i32, i32
  }
  func.func @transform_4(%arg0: i32) -> (i32, i32) {
    %c0_i32 = arith.constant 0 : i32
    %c0_i32_0 = arith.constant 0 : i32
    %c0_i32_1 = arith.constant 0 : i32
    return %c0_i32, %c0_i32_0 : i32, i32
  }
  func.func @transform_5(%arg0: i32) -> (i32, i32) {
    %c0_i32 = arith.constant 0 : i32
    %c0_i32_0 = arith.constant 0 : i32
    return %arg0, %c0_i32 : i32, i32
  }
}

</mosaic_0001>

<sc_bundles>
// kernel: kernel.11.cloned.1.call-start
scs
__scs_entry_jumppad:
0x0: {  	(pc) =	sbr.rel $0x88, $3  }
0x1: {  	(tag) =	ssettag $0x0;
	lr =	simm.s32 $0x1  }
0x2: {  	[smem:$0x3F98] =	sst lr;
	_ =	strace $0xD0000000  }
0x3: {  	_ = 	snop  }
0x4: {  	_ = 	snop  }
0x5: {  	_ = 	snop  }
0x6: {  	_ = 	snop  }
0x7: {  	_ = 	snop  }
__scs_overlays_trampoline_lowered:
0x8: {  	[smem:$0x3FA7] =	sst s0  }
0x9: {  	[smem:$0x3FA8] =	sst s1  }
0xa: {  	[smem:$0x3FA9] =	sst s2  }
0xb: {  	[smem:$0x3FAA] =	sst s3  }
0xc: {  	[smem:$0x3FAB] =	sst s4  }
0xd: {  	[smem:$0x3FAC] =	sst s5  }
0xe: {  	[smem:$0x3FAD] =	sst s6  }
0xf: {  	[smem:$0x3FAE] =	sst s7  }
0x10: {  	[smem:$0x3FAF] =	sst s8  }
0x11: {  	[smem:$0x3FB0] =	sst s9;
	s0 =	simm.s32 @!p0 $0x0  }
0x12: {  	s1 =	sld [smem:$0x3F96];
	s0 =	simm.s32 @p0 $0x1  }
0x13: {  	[smem:$0x3FB1] =	sst s0;
	s0 =	simm.s32 @!p1 $0x0  }
0x14: {  	s2 =	sld [smem:$0x3F95];
	s0 =	simm.s32 @p1 $0x1  }
0x15: {  	[smem:$0x3FB2] =	sst s0;
	s0 =	simm.s32 @!p2 $0x0  }
0x16: {  	s3 =	sld [smem:$0x3FDB];
	s0 =	simm.s32 @p2 $0x1  }
0x17: {  	s4 =	simm.s32 $0x1BF5;
	[smem:$0x3FB4] =	sst s0  }
0x18: {  	s0 =	sld [smem:$0x3F97];
	_ =	swait.ge [sflag:s4], $0x0  }
0x19: {  	s7 =	sld [smem:$0x3F98]  }
0x1a: {  	s8 =	sadd.s32 $0xFFFFE003, lr  }
0x1b: {  	s9 =	sadd.s32 $0xFFFFFEF7, lr;
	s5 =	simm.s32 $0xFFFFFFFF;
	p2 =	slt.u32 s8, $0xFFFFF086  }
0x1c: {  	p1 =	slt.u32 s9, $0xF7A;
	s5 =	simm.s32 @!p2 $0x0  }
0x1d: {  	s5 =	simm.s32 @p1 $0x1;
	p0 =	seq.s32 s7, s2  }
0x1e: {  	s7 =	smul.u32 @!p0 $0xF7A, s2;
	p2 =	seq.s32 @!p0 s5, $0x0  }
0x1f: {  	s9 =	smul.u32 $0xF7A, s1;
	s8 =	simm.s32 @!p0 $0x1BF5;
	p2 =	por !p2, p0  }
0x20: {  	[sflag:s8] =	ssyncset.s32 @!p0 $0xFFFFF086;
	s6 =	sadd.s32 @!p0 s3, s7;
	s7 =	simm.s32 @!p0 $0x108  }
0x21: {  	s3 =	sadd.s32 s3, s9;
	s6 =	sadd.s32 @!p0 $0x88, s6;
	s7 =	simm.s32 @p2 $0x1082  }
0x22: {  	[simem:s7], [sflag:s8] =	dma.local @!p0 [hbm:s6], $0xF7A  }
0x23: {  	s9 =	sor.u32 $0xD0000000, s2;
	s6 =	simm.s32 $0x108;
	_ =	swait.ge @!p0 [sflag:s8], $0x0  }
0x24: {  	s3 =	sadd.s32 $0x88, s3;
	s6 =	simm.s32 @!p1 $0x1082;
	[sflag:s4] =	ssyncset.s32 $0xFFFFF086  }
0x25: {  	[simem:s6], [sflag:s4] =	dma.local [hbm:s3], $0xF7A  }
0x26: {  	[smem:$0x3F98] =	sst s1;
	(tag) =	ssettag s2;
	_ =	strace s9  }
0x27: {  	s1 =	sld [smem:$0x3FA8]  }
0x28: {  	s2 =	sld [smem:$0x3FA9]  }
0x29: {  	s4 =	sld [smem:$0x3FAB]  }
0x2a: {  	p0 =	seq.s32 s5, $0x0;
	s5 =	sld [smem:$0x3FAC]  }
0x2b: {  	s6 =	sld [smem:$0x3FAD]  }
0x2c: {  	s7 =	sld [smem:$0x3FAE]  }
0x2d: {  	s3 =	simm.s32 $0x108;
	s8 =	sld [smem:$0x3FAF]  }
0x2e: {  	s3 =	simm.s32 @!p0 $0x1082;
	s9 =	sld [smem:$0x3FB0]  }
0x2f: {  	lr =	sadd.s32 s0, s3;
	s0 =	sld [smem:$0x3FA7]  }
0x30: {  	s3 =	sld [smem:$0x3FAA]  }
0x31: {  	[smem:$0x3FB3] =	sst s10  }
0x32: {  	s10 =	sld [smem:$0x3FB1];
	_ =	sdelay $0x3  }
0x33: {  	p0 =	seq.s32 s10, $0x1;
	s10 =	sld [smem:$0x3FB3];
	_ =	sdelay $0x3  }
0x34: {  	[smem:$0x3FB3] =	sst s10  }
0x35: {  	s10 =	sld [smem:$0x3FB2];
	_ =	sdelay $0x3  }
0x36: {  	p1 =	seq.s32 s10, $0x1;
	s10 =	sld [smem:$0x3FB3];
	_ =	sdelay $0x3  }
0x37: {  	[smem:$0x3FB3] =	sst s10  }
0x38: {  	s10 =	sld [smem:$0x3FB4]  }
0x39: {  	_ = 	snop;
	(pc) =	sbr.ind lr, $3  }
0x3a: {  	_ = 	snop  }
0x3b: {  	_ = 	snop  }
0x3c: {  	p2 =	seq.s32 s10, $0x1;
	s10 =	sld [smem:$0x3FB3]  }
0x3d: {  	_ =	shalt  }
0x3e: {  	_ =	shalt  }
0x3f: {  	_ =	shalt  }
0x40: {  	_ =	shalt  }
0x41: {  	_ =	shalt  }
0x42: {  	_ =	shalt  }
0x43: {  	_ =	shalt  }
0x44: {  	_ =	shalt  }
0x45: {  	_ =	shalt  }
0x46: {  	_ =	shalt  }
0x47: {  	_ =	shalt  }
0x48: {  	_ =	shalt  }
0x49: {  	_ =	shalt  }
0x4a: {  	_ =	shalt  }
0x4b: {  	_ =	shalt  }
0x4c: {  	_ =	shalt  }
0x4d: {  	_ =	shalt  }
0x4e: {  	_ =	shalt  }
0x4f: {  	_ =	shalt  }
0x50: {  	_ =	shalt  }
0x51: {  	_ =	shalt  }
0x52: {  	_ =	shalt  }
0x53: {  	_ =	shalt  }
0x54: {  	_ =	shalt  }
0x55: {  	_ =	shalt  }
0x56: {  	_ =	shalt  }
0x57: {  	_ =	shalt  }
0x58: {  	_ =	shalt  }
0x59: {  	_ =	shalt  }
0x5a: {  	_ =	shalt  }
0x5b: {  	_ =	shalt  }
0x5c: {  	_ =	shalt  }
0x5d: {  	_ =	shalt  }
0x5e: {  	_ =	shalt  }
0x5f: {  	_ =	shalt  }
0x60: {  	_ =	shalt  }
0x61: {  	_ =	shalt  }
0x62: {  	_ =	shalt  }
0x63: {  	_ =	shalt  }
0x64: {  	_ =	shalt  }
0x65: {  	_ =	shalt  }
0x66: {  	_ =	shalt  }
0x67: {  	_ =	shalt  }
0x68: {  	_ =	shalt  }
0x69: {  	_ =	shalt  }
0x6a: {  	_ =	shalt  }
0x6b: {  	_ =	shalt  }
0x6c: {  	_ =	shalt  }
0x6d: {  	_ =	shalt  }
0x6e: {  	_ =	shalt  }
0x6f: {  	_ =	shalt  }
0x70: {  	_ =	shalt  }
0x71: {  	_ =	shalt  }
0x72: {  	_ =	shalt  }
0x73: {  	_ =	shalt  }
0x74: {  	_ =	shalt  }
0x75: {  	_ =	shalt  }
0x76: {  	_ =	shalt  }
0x77: {  	_ =	shalt  }
0x78: {  	_ =	shalt  }
0x79: {  	_ =	shalt  }
0x7a: {  	_ =	shalt  }
0x7b: {  	_ =	shalt  }
0x7c: {  	_ =	shalt  }
0x7d: {  	_ =	shalt  }
0x7e: {  	_ =	shalt  }
0x7f: {  	_ =	shalt  }
0x80: {  	_ =	shalt  }
0x81: {  	_ =	shalt  }
0x82: {  	_ =	shalt  }
0x83: {  	_ =	shalt  }
0x84: {  	_ =	shalt  }
0x85: {  	_ =	shalt  }
0x86: {  	_ =	shalt  }
0x87: {  	_ =	shalt  }
.Lfunc_end0:
.L_simem_size_0:
called_computation_lowered:
.L_overlay_start_0:
0x88: {  	s2 =	sld [smem:$0x3FD9]  }
0x89: {  	s3 =	sld [smem:$0x3FFE];
	_ =	sdelay $0x1  }
0x8a: {  	s1 =	srdreg.scid  }
0x8b: {  	s0 =	sand.u32 $0x1, s1  }
0x8c: {  	s17 =	sshll.u32 s0, $0xA;
	s2 =	sadd.s32 s3, s2  }
0x8d: {  	s2 =	sadd.s32 s2, s17  }
0x8e: {  	[smem:$0x3FBF] =	sst s2  }
0x8f: {  	_ = 	snop  }
0x90: {  	s2 =	sld [smem:$0x3FD0];
	(tm) =	ssettm $0x1  }
0x91: {  	s18 =	sld [smem:$0x3FFB];
	_ =	sdelay $0x3  }
0x92: {  	_ =	strace s18  }
0x93: {  	s3 =	sld [smem:$0x3FFC];
	_ =	sdelay $0x3  }
0x94: {  	_ =	strace s3  }
0x95: {  	s3 =	sld [smem:$0x3FFD];
	_ =	sdelay $0x3  }
0x96: {  	_ =	strace s3  }
0x97: {  	_ =	strace $0x8FFFFFFF  }
0x98: {  	s19 =	sld [smem:$0x3FDB];
	_ =	sdelay $0x1  }
0x99: {  	s4 =	simm.s32 $_scs_section_size  }
0x9a: {  	s5 =	simm.s32 $_size__tile_overlayer_lowered;
	s6 =	simm.s32 $_tile_overlayer_lowered  }
0x9b: {  	s22 =	simm.s32 $0x1BFF;
	s21 =	sshll.u32 s6, $0x1;
	s3 =	sadd.s32 s4, s19  }
0x9c: {  	s7 =	simm.s32 $0x0;
	s20 =	sshll.u32 s5, $0x1;
	s5 =	sadd.s32 s21, s3  }
0x9d: {  	[timem:s7], [sflag:s22] =	dma.local [hbm:s5], s20  }
0x9e: {  	_ =	swait.ge [sflag:s22], s20  }
0x9f: {  	s4 =	ssub.s32 $0x0, s20;
	[sflag:s22] =	ssyncset.done $0x0  }
0xa0: {  	[sflag:s22] =	ssyncadd.s32 s4;
	_ =	sdelay $0x1  }
0xa1: {  	s23 =	simm.s32 $0x1B8B  }
0xa2: {  	_ =	swait.ge [sflag:s23], $0x1  }
0xa3: {  	[sflag:s23] =	ssyncset.done $0x0  }
0xa4: {  	s25 =	simm.s32 $0x1B8E;
	s24 =	sld [smem:$0x3FFE];
	[sflag:s23] =	ssyncadd.s32 $0xFFFFFFFF  }
0xa5: {  	s26 =	simm.s32 $execute0_lowered;
	[smem:$0x3FD2] =	sst s25  }
0xa6: {  	s5 =	sshll.u32 s26, $0x1;
	_ =	strace $0x80000046;
	[dreg:$0x1] =	wrdreg $0xFFFFFFFF  }
0xa7: {  	s28 =	simm.s32 $_size_execute0_lowered;
	s3 =	sadd.s32 s3, s5;
	[dreg:$0x0] =	wrdreg $0x0  }
0xa8: {  	s5 =	sshll.u32 s28, $0x1;
	[dreg:$0x2] =	wrdreg s3  }
0xa9: {  	[dreg:$0x3] =	wrdreg s5  }
0xaa: {  	[dreg:$0x4] =	wrdreg $0xC0  }
0xab: {  	_ =	task [dreg:s7], $0x5FFFF  }
0xac: {  	[dreg:$0x1] =	wrdreg $0xFFFFFFFF  }
0xad: {  	[dreg:$0x0] =	wrdreg $0x60  }
0xae: {  	[dreg:$0x2] =	wrdreg s2  }
0xaf: {  	[dreg:$0x3] =	wrdreg s24  }
0xb0: {  	[dreg:$0x4] =	wrdreg $0x82000  }
0xb1: {  	[dreg:$0x5] =	wrdreg $0x9  }
0xb2: {  	_ =	task.clear_ibuf [dreg:s7], $0x6FFFF;
	_ =	strace $0x90000046  }
0xb3: {  	s29 =	simm.s32 $0x9;
	_ =	strace $0x80000048  }
0xb4: {  	_ =	swait.ge [sflag:s29], $0x1  }
0xb5: {  	[sflag:s29] =	ssyncadd.s32 $0xFFFFFFFF  }
0xb6: {  	_ =	strace $0x90000048  }
0xb7: {  	_ =	sfence  }
0xb8: {  	s30 =	sld [smem:$0x0];
	_ =	sdelay $0x2  }
0xb9: {  	s31 =	sshll.u32 s1, $0xD;
	s1 =	sshrl.u32 s1, $0x2  }
0xba: {  	s3 =	sand.u32 $0x4000, s31;
	s1 =	sadd.s32 s1, s30  }
0xbb: {  	s0 =	sor.u32 s3, s0;
	s1 =	sshll.u32 s1, $0x11  }
0xbc: {  	s0 =	sor.u32 s1, s0  }
0xbd: {  	s0 =	sadd.s32 $0x8F2B, s0  }
0xbe: {  	[sflag:s0] =	ssyncadd.remote.s32 $0x1  }
0xbf: {  	_ =	sfence.sel $0xFFFF  }
0xc0: {  	[dreg:$0x0] =	wrdreg $0xFFFFFFFF;
	(pc) =	sbr.abs _section_cstart, $3  }
0xc1: {  	[dreg:$0x1] =	wrdreg $0xFFFFFFFF  }
0xc2: {  	_ =	task.clear_ibuf [dreg:s7], $0x2FFFF;
	_ =	strace $0x9FFFFFFF  }
0xc3: {  	(tm) =	ssettm $0x7FFFFFFF  }
tec
execute0_lowered:
.L_overlay_start_1:
0x0: {  	(tag) =	ssettag $0x1  }
0x1: {  	s1 =	rddreg [dreg:$0x0]  }
0x2: {  	s6 =	rddreg [dreg:$0x1]  }
0x3: {  	s2 =	rddreg [dreg:$0x2];
	s3 =	srdreg.scid  }
0x4: {  	s4 =	simm.s32 $0x0;
	s0 =	stileid.u32;
	s21 =	simm.s32 $0x80  }
0x5: {  	s22 =	simm.s32 $0x1;
	s23 =	simm.s32 $0x4200;
	s24 =	simm.s32 $0x4  }
0x6: {  	s28 =	simm.s32 $0x180;
	s29 =	simm.s32 $0x0;
	s13 =	sand.u32 $0x1, s3  }
0x7: {  	[smem:$0x7FF] =	sst s4;
	s8 =	smul.u32 $0x4E000, s0;
	s16 =	sadd.s32 $0x4C00, s6  }
0x8: {  	s5 =	sadd.s32 $0x18600, s6;
	s11 =	sadd.s32 $0x138000, s2;
	s19 =	smul.u32 $0x9C0, s0  }
0x9: {  	s14 =	sshll.u32 s0, $0x5;
	s25 =	smul.u32 $0x2700, s0;
	p0 =	sne.s32 s0, $0xF  }
0xa: {  	s7 =	smul.u32 $0x27100, s13;
	_ =	strace $0x80000047;
	s26 =	ssub.s32 $0x2, s13  }
0xb: {  	s9 =	sshll.u32 s13, $0x4;
	s14 =	sadd.s32 s14, s16;
	s18 =	smul.u32 $0x9C00, s13  }
0xc: {  	s30 =	sshrl.u32 s8, $0x2;
	s31 =	sshrl.u32 s26, $0x1;
	s20 =	sor.u32 s0, s9  }
0xd: {  	s13 =	sadd.s32 $0x13800, s14;
	s15 =	sadd.s32 s7, s6;
	s6 =	sadd.s32 s30, s2  }
0xe: {  	s17 =	ssub.s32 s26, s31;
	s12 =	smul.u32 $0x9C0, s20;
	s18 =	sadd.s32 s18, s16  }
0xf: {  	p1 =	sgt.u32 s20, $0x3;
	s20 =	simm.s32 $0x100;
	s26 =	simm.s32 $0x2  }
0x10: {  	s7 =	sadd.s32 $0x4000, s6;
	s8 =	sadd.s32 $0x8000, s6;
	s9 =	sadd.s32 $0xC000, s6  }
0x11: {  	s10 =	sadd.s32 $0x10000, s6;
	s15 =	sadd.s32 $0x18E00, s15;
	s12 =	sadd.s32 s16, s12  }
0x12: {  	s16 =	smax.u32 s17, $0x1;
	s17 =	sadd.s32 s19, s18;
	s18 =	simm.s32 $0x200  }
0x13: {  	s19 =	simm.s32 $0x3;
	s25 =	sadd.s32 s25, s15;
	s14 =	sadd.s32 $0x20, s12  }
.LBB2_1:
0x14: {  	[tilespmem:s18], [sflag:$0x3] =	stream.linear.gather [hbm4b:s5+s4], $0x4000, $0x38;
	[tilespmem:$0x1BA80] =	vst v63  }
0x15: {  	_ =	swait.ge [sflag:s19], $0x4000  }
0x16: {  	[sflag:s19] =	ssyncset.done $0x0  }
0x17: {  	[sflag:s19] =	ssyncadd.s32 $0xFFFFC000  }
0x18: {  	[spmem:s6] =	stream.linear.scatter [tilespmem:s18], [sflag:$0x3], $0x4000, $0x38;
	[tilespmem:$0x1BA80] =	vst v63  }
0x19: {  	_ =	swait.ge [sflag:s19], $0x4000  }
0x1a: {  	[sflag:s19] =	ssyncset.done $0x0  }
0x1b: {  	[sflag:s19] =	ssyncadd.s32 $0xFFFFC000  }
0x1c: {  	[spmem:s7] =	stream.linear.scatter [tilespmem:s18], [sflag:$0x3], $0x4000, $0x38;
	[tilespmem:$0x1BA80] =	vst v63  }
0x1d: {  	_ =	swait.ge [sflag:s19], $0x4000  }
0x1e: {  	[sflag:s19] =	ssyncset.done $0x0  }
0x1f: {  	[sflag:s19] =	ssyncadd.s32 $0xFFFFC000  }
0x20: {  	[spmem:s8] =	stream.linear.scatter [tilespmem:s18], [sflag:$0x3], $0x4000, $0x38;
	[tilespmem:$0x1BA80] =	vst v63  }
0x21: {  	_ =	swait.ge [sflag:s19], $0x4000  }
0x22: {  	[sflag:s19] =	ssyncset.done $0x0  }
0x23: {  	[sflag:s19] =	ssyncadd.s32 $0xFFFFC000  }
0x24: {  	[spmem:s9] =	stream.linear.scatter [tilespmem:s18], [sflag:$0x3], $0x4000, $0x38;
	[tilespmem:$0x1BA80] =	vst v63  }
0x25: {  	_ =	swait.ge [sflag:s19], $0x4000  }
0x26: {  	[sflag:s19] =	ssyncset.done $0x0  }
0x27: {  	[sflag:s19] =	ssyncadd.s32 $0xFFFFC000  }
0x28: {  	[spmem:s10] =	stream.linear.scatter [tilespmem:s18], [sflag:$0x3], $0x3800, $0x38;
	[tilespmem:$0x1BA80] =	vst v63  }
0x29: {  	_ =	swait.ge [sflag:s19], $0x3800  }
0x2a: {  	[sflag:s19] =	ssyncset.done $0x0  }
0x2b: {  	s30 =	simm.s32 @!p0 $0x200;
	[sflag:s19] =	ssyncadd.s32 $0xFFFFC800  }
0x2c: {  	[spmem:s11] =	stream.linear.scatter @!p0 [tilespmem:s30], [sflag:$0x3], $0x800, $0x38;
	[tilespmem:$0x1BA80] =	vst v63  }
0x2d: {  	s30 =	simm.s32 @!p0 $0x3  }
0x2e: {  	_ =	swait.ge @!p0 [sflag:s30], $0x800  }
0x2f: {  	[sflag:s30] =	ssyncset.done @!p0 $0x0  }
0x30: {  	[sflag:s30] =	ssyncadd.s32 @!p0 $0xFFFFF800  }
0x31: {  	s31 =	simm.s32 @!p1 $0x3;
	s30 =	simm.s32 @!p1 $0x0;
	[bflag:$0x0] =	sbarrier.arrive $0xFFFF  }
0x32: {  	[tilespmem:s30], [sflag:$0x3] =	stream.linear.gather @!p1 [hbm4b:s13+s30], $0x100, $0x38;
	[tilespmem:$0x1BA80] =	vst v63  }
0x33: {  	_ =	swait.ge @!p1 [sflag:s31], $0x100  }
0x34: {  	[sflag:s31] =	ssyncset.done @!p1 $0x0  }
0x35: {  	s0 =	simm.s32 @!p1 $0x80;
	s3 =	simm.s32 @!p1 $0x200;
	[sflag:s31] =	ssyncadd.s32 @!p1 $0xFFFFFF00  }
0x36: {  	[tilespmem:s3], [sflag:$0x1] =	stream.indirect.gather @!p1 [hbm4b:s1+s0], $0x80, s30, s0, $0xb8;
	[tilespmem:$0x1BA80] =	vst v63  }
0x37: {  	s30 =	simm.s32 @!p1 $0x1  }
0x38: {  	_ =	swait.ge @!p1 [sflag:s30], $0x4000  }
0x39: {  	[sflag:s30] =	ssyncset.done @!p1 $0x0  }
0x3a: {  	[sflag:s30] =	ssyncadd.s32 @!p1 $0xFFFFC000  }
0x3b: {  	[spmem:s2] =	stream.indirect.scatter.add.f32 @!p1 [tilespmem:s3], [sflag:$0x3], $0x80, s0, s0, $0xb8;
	[tilespmem:$0x1BA80] =	vst v63  }
0x3c: {  	_ =	swait.ge @!p1 [sflag:s31], $0x4000  }
0x3d: {  	[sflag:s31] =	ssyncset.done @!p1 $0x0  }
0x3e: {  	[sflag:s31] =	ssyncadd.s32 @!p1 $0xFFFFC000  }
0x3f: {  	[tilespmem:s4], [sflag:$0x3] =	stream.linear.gather [hbm4b:s12+s4], $0x100, $0x38;
	[tilespmem:$0x1BA80] =	vst v63  }
0x40: {  	_ =	swait.ge [sflag:s19], $0x100  }
0x41: {  	[sflag:s19] =	ssyncset.done $0x0  }
0x42: {  	[sflag:s19] =	ssyncadd.s32 $0xFFFFFF00  }
0x43: {  	[tilespmem:s20], [sflag:$0x3] =	stream.linear.gather [hbm4b:s14+s4], $0x100, $0x38;
	[tilespmem:$0x1BA80] =	vst v63  }
0x44: {  	_ =	swait.ge [sflag:s19], $0x100  }
0x45: {  	[sflag:s19] =	ssyncset.done $0x0  }
0x46: {  	[sflag:s19] =	ssyncadd.s32 $0xFFFFFF00  }
0x47: {  	[tilespmem:s18], [sflag:$0x1] =	stream.indirect.gather [hbm4b:s1+s21], $0x80, s4, s21, $0xb8;
	[tilespmem:$0x1BA80] =	vst v63  }
0x48: {  	_ =	swait.ge [sflag:s22], $0x4000  }
0x49: {  	[sflag:s22] =	ssyncset.done $0x0  }
0x4a: {  	[sflag:s22] =	ssyncadd.s32 $0xFFFFC000  }
0x4b: {  	[tilespmem:s23], [sflag:$0x2] =	stream.indirect.gather [hbm4b:s1+s21], $0x80, s20, s21, $0xb8;
	[tilespmem:$0x1BA80] =	vst v63  }
0x4c: {  	_ = 	snop  }
0x4d: {  	[spmem:s2] =	stream.indirect.scatter.add.f32 [tilespmem:s18], [sflag:$0x4], $0x80, s21, s21, $0xb8;
	[tilespmem:$0x1BA80] =	vst v63  }
0x4e: {  	_ =	swait.ge [sflag:s24], $0x4000  }
0x4f: {  	s0 =	sadd.s32 $0xFFFFF680, s17;
	[sflag:s24] =	ssyncset.done $0x0  }
0x50: {  	s31 =	sadd.s32 $0x9C0, s0;
	[sflag:s24] =	ssyncadd.s32 $0xFFFFC000  }
0x51: {  	[tilespmem:s4], [sflag:$0x4] =	stream.linear.gather [hbm4b:s31+s4], $0x100, $0x38;
	[tilespmem:$0x1BA80] =	vst v63  }
0x52: {  	_ =	swait.ge [sflag:s24], $0x100  }
0x53: {  	[sflag:s24] =	ssyncset.done $0x0  }
0x54: {  	[sflag:s24] =	ssyncadd.s32 $0xFFFFFF00  }
0x55: {  	_ =	swait.ge [sflag:s26], $0x4000  }
0x56: {  	[sflag:s26] =	ssyncset.done $0x0  }
0x57: {  	[sflag:s26] =	ssyncadd.s32 $0xFFFFC000  }
0x58: {  	[tilespmem:s18], [sflag:$0x1] =	stream.indirect.gather [hbm4b:s1+s21], $0x80, s4, s21, $0xb8;
	[tilespmem:$0x1BA80] =	vst v63  }
0x59: {  	_ = 	snop  }
0x5a: {  	[spmem:s2] =	stream.indirect.scatter.add.f32 [tilespmem:s23], [sflag:$0x4], $0x80, s28, s21, $0xb8;
	[tilespmem:$0x1BA80] =	vst v63  }
0x5b: {  	_ =	swait.ge [sflag:s24], $0x4000  }
0x5c: {  	[sflag:s24] =	ssyncset.done $0x0  }
0x5d: {  	s0 =	sadd.s32 $0x9E0, s0;
	[sflag:s24] =	ssyncadd.s32 $0xFFFFC000  }
0x5e: {  	[tilespmem:s20], [sflag:$0x3] =	stream.linear.gather [hbm4b:s0+s4], $0x100, $0x38;
	[tilespmem:$0x1BA80] =	vst v63  }
0x5f: {  	_ =	swait.ge [sflag:s19], $0x100  }
0x60: {  	s30 =	simm.s32 $0xFFFFF6C0;
	[sflag:s19] =	ssyncset.done $0x0  }
.LBB2_2:
0x61: {  	p2 =	sne.s32 s30, $0xFFFFFFC0  }
0x62: {  	[sflag:s19] =	ssyncadd.s32 $0xFFFFFF00;
	s0 =	smov.u32 s30;
	s30 =	sadd.s32 $0x40, s30  }
0x63: {  	_ =	swait.ge [sflag:s22], $0x4000  }
0x64: {  	[sflag:s22] =	ssyncset.done $0x0  }
0x65: {  	[sflag:s22] =	ssyncadd.s32 $0xFFFFC000  }
0x66: {  	[tilespmem:s23], [sflag:$0x2] =	stream.indirect.gather [hbm4b:s1+s21], $0x80, s20, s21, $0xb8;
	[tilespmem:$0x1BA80] =	vst v63  }
0x67: {  	_ = 	snop  }
0x68: {  	[spmem:s2] =	stream.indirect.scatter.add.f32 [tilespmem:s18], [sflag:$0x4], $0x80, s21, s21, $0xb8;
	[tilespmem:$0x1BA80] =	vst v63  }
0x69: {  	_ =	swait.ge [sflag:s24], $0x4000  }
0x6a: {  	s0 =	sadd.s32 s0, s17;
	[sflag:s24] =	ssyncset.done $0x0  }
0x6b: {  	s3 =	sadd.s32 $0x9C0, s0;
	[sflag:s24] =	ssyncadd.s32 $0xFFFFC000  }
0x6c: {  	[tilespmem:s4], [sflag:$0x4] =	stream.linear.gather [hbm4b:s3+s4], $0x100, $0x38;
	[tilespmem:$0x1BA80] =	vst v63  }
0x6d: {  	_ =	swait.ge [sflag:s24], $0x100  }
0x6e: {  	[sflag:s24] =	ssyncset.done $0x0  }
0x6f: {  	[sflag:s24] =	ssyncadd.s32 $0xFFFFFF00  }
0x70: {  	_ =	swait.ge [sflag:s26], $0x4000  }
0x71: {  	[sflag:s26] =	ssyncset.done $0x0  }
0x72: {  	[sflag:s26] =	ssyncadd.s32 $0xFFFFC000  }
0x73: {  	[tilespmem:s18], [sflag:$0x1] =	stream.indirect.gather [hbm4b:s1+s21], $0x80, s4, s21, $0xb8;
	[tilespmem:$0x1BA80] =	vst v63  }
0x74: {  	_ = 	snop  }
0x75: {  	[spmem:s2] =	stream.indirect.scatter.add.f32 [tilespmem:s23], [sflag:$0x4], $0x80, s28, s21, $0xb8;
	[tilespmem:$0x1BA80] =	vst v63  }
0x76: {  	_ =	swait.ge [sflag:s24], $0x4000  }
.Ltmp0:
0x77: {  	[sflag:s24] =	ssyncset.done $0x0;
	(pc) =	sbr.rel @p2 .LBB2_2-.Ltmp0, $4  }
0x78: {  	s0 =	sadd.s32 $0x9E0, s0;
	[sflag:s24] =	ssyncadd.s32 $0xFFFFC000  }
0x79: {  	[tilespmem:s20], [sflag:$0x3] =	stream.linear.gather [hbm4b:s0+s4], $0x100, $0x38;
	[tilespmem:$0x1BA80] =	vst v63  }
0x7a: {  	_ =	swait.ge [sflag:s19], $0x100  }
0x7b: {  	[sflag:s19] =	ssyncset.done $0x0  }
0x7c: {  	[sflag:s19] =	ssyncadd.s32 $0xFFFFFF00  }
0x7d: {  	_ =	swait.ge [sflag:s22], $0x4000  }
0x7e: {  	[sflag:s22] =	ssyncset.done $0x0  }
0x7f: {  	[sflag:s22] =	ssyncadd.s32 $0xFFFFC000  }
0x80: {  	[tilespmem:s23], [sflag:$0x2] =	stream.indirect.gather [hbm4b:s1+s21], $0x80, s20, s21, $0xb8;
	[tilespmem:$0x1BA80] =	vst v63  }
0x81: {  	_ = 	snop  }
0x82: {  	[spmem:s2] =	stream.indirect.scatter.add.f32 [tilespmem:s18], [sflag:$0x4], $0x80, s21, s21, $0xb8;
	[tilespmem:$0x1BA80] =	vst v63  }
0x83: {  	_ =	swait.ge [sflag:s24], $0x4000  }
0x84: {  	[sflag:s24] =	ssyncset.done $0x0  }
0x85: {  	[sflag:s24] =	ssyncadd.s32 $0xFFFFC000  }
0x86: {  	_ =	swait.ge [sflag:s26], $0x4000  }
0x87: {  	[sflag:s26] =	ssyncset.done $0x0  }
0x88: {  	[sflag:s26] =	ssyncadd.s32 $0xFFFFC000  }
0x89: {  	[spmem:s2] =	stream.indirect.scatter.add.f32 [tilespmem:s23], [sflag:$0x4], $0x80, s28, s21, $0xb8;
	[tilespmem:$0x1BA80] =	vst v63  }
0x8a: {  	_ =	swait.ge [sflag:s24], $0x4000  }
0x8b: {  	s0 =	stileid.u32;
	[sflag:s24] =	ssyncset.done $0x0  }
0x8c: {  	s0 =	sshll.u32 s0, $0x6;
	[sflag:s24] =	ssyncadd.s32 $0xFFFFC000  }
0x8d: {  	s3 =	sshrl.u32 s6, $0x3;
	s0 =	sor.u32 $0x1C03, s0;
	[bflag:$0x0] =	sbarrier.arrive $0xFFFF  }
0x8e: {  	[hbm:s25], [sflag:s0] =	dma.local [spmem:s3], $0x2700  }
0x8f: {  	_ =	swait.ge [sflag:s19], $0x2700  }
0x90: {  	s30 =	sshrl.u32 @!p0 s11, $0x3;
	s29 =	sadd.s32 $0x1, s29;
	[sflag:s19] =	ssyncset.done $0x0  }
0x91: {  	p2 =	sne.s32 s29, s16;
	s3 =	sadd.s32 @!p0 $0x27000, s15;
	[sflag:s19] =	ssyncadd.s32 $0xFFFFD900  }
0x92: {  	[hbm:s3], [sflag:s0] =	dma.local @!p0 [spmem:s30], $0x100  }
.Ltmp1:
0x93: {  	_ = 	snop;
	(pc) =	sbr.rel @p2 .LBB2_1-.Ltmp1, $4  }
0x94: {  	s0 =	simm.s32 @!p0 $0x3  }
0x95: {  	_ =	swait.ge @!p0 [sflag:s0], $0x100  }
0x96: {  	[sflag:s0] =	ssyncset.done @!p0 $0x0  }
0x97: {  	[sflag:s0] =	ssyncadd.s32 @!p0 $0xFFFFFF00  }
0x98: {  	_ =	sfence.sel $0x180000  }
0x99: {  	[bflag:$0x0] =	sbarrier.arrive $0xFFFF  }
0x9a: {  	_ =	strace $0x90000047  }
0x9b: {  	s0 =	stileid.u32;
	[bflag:$0x2] =	sbarrier.arrive $0xFFFF  }
0x9c: {  	p0 =	sne.s32 s0, $0x0;
	s0 =	rddreg [dreg:$0x3]  }
0x9d: {  	s0 =	sadd.s32 @!p0 $0x100000, s0  }
0x9e: {  	[sflag:s0] =	ssyncadd.tile.s32 @!p0 $0x1;
	_ =	shalt  }
.Lfunc_end2:
_tile_overlayer_lowered:
.L_overlay_start_2:
0x9f: {  	(tag) =	ssettag $0x2  }
0xa0: {  	s0 =	rddreg [dreg:$0x0];
	s2 =	stileid.u32  }
0xa1: {  	s1 =	rddreg [dreg:$0x1];
	p0 =	sne.s32 s2, $0x0  }
0xa2: {  	s3 =	rddreg [dreg:$0x2];
	[bflag:$0x3] =	sbarrier.arrive $0xFFFF;
	s2 =	simm.s32 @!p0 $0x1C03  }
0xa3: {  	[timem:s3], [sflag:s2] =	dma.local @!p0 [hbm:s0], s1  }
0xa4: {  	s0 =	simm.s32 @!p0 $0x3  }
0xa5: {  	_ =	swait.ge @!p0 [sflag:s0], s1  }
0xa6: {  	s1 =	ssub.s32 @!p0 $0x0, s1;
	[sflag:s0] =	ssyncset.done @!p0 $0x0  }
0xa7: {  	[sflag:s0] =	ssyncadd.s32 @!p0 s1  }
0xa8: {  	[bflag:$0x3] =	sbarrier.arrive $0xFFFF  }
0xa9: {  	_ =	shalt  }

// kernel: kernel.14.cloned.1.call-start
scs
__scs_entry_jumppad:
0x0: {  	(pc) =	sbr.rel $0x88, $3  }
0x1: {  	(tag) =	ssettag $0x0;
	lr =	simm.s32 $0x1  }
0x2: {  	[smem:$0x3F98] =	sst lr;
	_ =	strace $0xD0000000  }
0x3: {  	_ = 	snop  }
0x4: {  	_ = 	snop  }
0x5: {  	_ = 	snop  }
0x6: {  	_ = 	snop  }
0x7: {  	_ = 	snop  }
__scs_overlays_trampoline_lowered:
0x8: {  	[smem:$0x3FA7] =	sst s0  }
0x9: {  	[smem:$0x3FA8] =	sst s1  }
0xa: {  	[smem:$0x3FA9] =	sst s2  }
0xb: {  	[smem:$0x3FAA] =	sst s3  }
0xc: {  	[smem:$0x3FAB] =	sst s4  }
0xd: {  	[smem:$0x3FAC] =	sst s5  }
0xe: {  	[smem:$0x3FAD] =	sst s6  }
0xf: {  	[smem:$0x3FAE] =	sst s7  }
0x10: {  	[smem:$0x3FAF] =	sst s8  }
0x11: {  	[smem:$0x3FB0] =	sst s9;
	s0 =	simm.s32 @!p0 $0x0  }
0x12: {  	s1 =	sld [smem:$0x3F96];
	s0 =	simm.s32 @p0 $0x1  }
0x13: {  	[smem:$0x3FB1] =	sst s0;
	s0 =	simm.s32 @!p1 $0x0  }
0x14: {  	s2 =	sld [smem:$0x3F95];
	s0 =	simm.s32 @p1 $0x1  }
0x15: {  	[smem:$0x3FB2] =	sst s0;
	s0 =	simm.s32 @!p2 $0x0  }
0x16: {  	s3 =	sld [smem:$0x3FDB];
	s0 =	simm.s32 @p2 $0x1  }
0x17: {  	s4 =	simm.s32 $0x1BF5;
	[smem:$0x3FB4] =	sst s0  }
0x18: {  	s0 =	sld [smem:$0x3F97];
	_ =	swait.ge [sflag:s4], $0x0  }
0x19: {  	s7 =	sld [smem:$0x3F98]  }
0x1a: {  	s8 =	sadd.s32 $0xFFFFE003, lr  }
0x1b: {  	s9 =	sadd.s32 $0xFFFFFEF7, lr;
	s5 =	simm.s32 $0xFFFFFFFF;
	p2 =	slt.u32 s8, $0xFFFFF086  }
0x1c: {  	p1 =	slt.u32 s9, $0xF7A;
	s5 =	simm.s32 @!p2 $0x0  }
0x1d: {  	s5 =	simm.s32 @p1 $0x1;
	p0 =	seq.s32 s7, s2  }
0x1e: {  	s7 =	smul.u32 @!p0 $0xF7A, s2;
	p2 =	seq.s32 @!p0 s5, $0x0  }
0x1f: {  	s9 =	smul.u32 $0xF7A, s1;
	s8 =	simm.s32 @!p0 $0x1BF5;
	p2 =	por !p2, p0  }
0x20: {  	[sflag:s8] =	ssyncset.s32 @!p0 $0xFFFFF086;
	s6 =	sadd.s32 @!p0 s3, s7;
	s7 =	simm.s32 @!p0 $0x108  }
0x21: {  	s3 =	sadd.s32 s3, s9;
	s6 =	sadd.s32 @!p0 $0x88, s6;
	s7 =	simm.s32 @p2 $0x1082  }
0x22: {  	[simem:s7], [sflag:s8] =	dma.local @!p0 [hbm:s6], $0xF7A  }
0x23: {  	s9 =	sor.u32 $0xD0000000, s2;
	s6 =	simm.s32 $0x108;
	_ =	swait.ge @!p0 [sflag:s8], $0x0  }
0x24: {  	s3 =	sadd.s32 $0x88, s3;
	s6 =	simm.s32 @!p1 $0x1082;
	[sflag:s4] =	ssyncset.s32 $0xFFFFF086  }
0x25: {  	[simem:s6], [sflag:s4] =	dma.local [hbm:s3], $0xF7A  }
0x26: {  	[smem:$0x3F98] =	sst s1;
	(tag) =	ssettag s2;
	_ =	strace s9  }
0x27: {  	s1 =	sld [smem:$0x3FA8]  }
0x28: {  	s2 =	sld [smem:$0x3FA9]  }
0x29: {  	s4 =	sld [smem:$0x3FAB]  }
0x2a: {  	p0 =	seq.s32 s5, $0x0;
	s5 =	sld [smem:$0x3FAC]  }
0x2b: {  	s6 =	sld [smem:$0x3FAD]  }
0x2c: {  	s7 =	sld [smem:$0x3FAE]  }
0x2d: {  	s3 =	simm.s32 $0x108;
	s8 =	sld [smem:$0x3FAF]  }
0x2e: {  	s3 =	simm.s32 @!p0 $0x1082;
	s9 =	sld [smem:$0x3FB0]  }
0x2f: {  	lr =	sadd.s32 s0, s3;
	s0 =	sld [smem:$0x3FA7]  }
0x30: {  	s3 =	sld [smem:$0x3FAA]  }
0x31: {  	[smem:$0x3FB3] =	sst s10  }
0x32: {  	s10 =	sld [smem:$0x3FB1];
	_ =	sdelay $0x3  }
0x33: {  	p0 =	seq.s32 s10, $0x1;
	s10 =	sld [smem:$0x3FB3];
	_ =	sdelay $0x3  }
0x34: {  	[smem:$0x3FB3] =	sst s10  }
0x35: {  	s10 =	sld [smem:$0x3FB2];
	_ =	sdelay $0x3  }
0x36: {  	p1 =	seq.s32 s10, $0x1;
	s10 =	sld [smem:$0x3FB3];
	_ =	sdelay $0x3  }
0x37: {  	[smem:$0x3FB3] =	sst s10  }
0x38: {  	s10 =	sld [smem:$0x3FB4]  }
0x39: {  	_ = 	snop;
	(pc) =	sbr.ind lr, $3  }
0x3a: {  	_ = 	snop  }
0x3b: {  	_ = 	snop  }
0x3c: {  	p2 =	seq.s32 s10, $0x1;
	s10 =	sld [smem:$0x3FB3]  }
0x3d: {  	_ =	shalt  }
0x3e: {  	_ =	shalt  }
0x3f: {  	_ =	shalt  }
0x40: {  	_ =	shalt  }
0x41: {  	_ =	shalt  }
0x42: {  	_ =	shalt  }
0x43: {  	_ =	shalt  }
0x44: {  	_ =	shalt  }
0x45: {  	_ =	shalt  }
0x46: {  	_ =	shalt  }
0x47: {  	_ =	shalt  }
0x48: {  	_ =	shalt  }
0x49: {  	_ =	shalt  }
0x4a: {  	_ =	shalt  }
0x4b: {  	_ =	shalt  }
0x4c: {  	_ =	shalt  }
0x4d: {  	_ =	shalt  }
0x4e: {  	_ =	shalt  }
0x4f: {  	_ =	shalt  }
0x50: {  	_ =	shalt  }
0x51: {  	_ =	shalt  }
0x52: {  	_ =	shalt  }
0x53: {  	_ =	shalt  }
0x54: {  	_ =	shalt  }
0x55: {  	_ =	shalt  }
0x56: {  	_ =	shalt  }
0x57: {  	_ =	shalt  }
0x58: {  	_ =	shalt  }
0x59: {  	_ =	shalt  }
0x5a: {  	_ =	shalt  }
0x5b: {  	_ =	shalt  }
0x5c: {  	_ =	shalt  }
0x5d: {  	_ =	shalt  }
0x5e: {  	_ =	shalt  }
0x5f: {  	_ =	shalt  }
0x60: {  	_ =	shalt  }
0x61: {  	_ =	shalt  }
0x62: {  	_ =	shalt  }
0x63: {  	_ =	shalt  }
0x64: {  	_ =	shalt  }
0x65: {  	_ =	shalt  }
0x66: {  	_ =	shalt  }
0x67: {  	_ =	shalt  }
0x68: {  	_ =	shalt  }
0x69: {  	_ =	shalt  }
0x6a: {  	_ =	shalt  }
0x6b: {  	_ =	shalt  }
0x6c: {  	_ =	shalt  }
0x6d: {  	_ =	shalt  }
0x6e: {  	_ =	shalt  }
0x6f: {  	_ =	shalt  }
0x70: {  	_ =	shalt  }
0x71: {  	_ =	shalt  }
0x72: {  	_ =	shalt  }
0x73: {  	_ =	shalt  }
0x74: {  	_ =	shalt  }
0x75: {  	_ =	shalt  }
0x76: {  	_ =	shalt  }
0x77: {  	_ =	shalt  }
0x78: {  	_ =	shalt  }
0x79: {  	_ =	shalt  }
0x7a: {  	_ =	shalt  }
0x7b: {  	_ =	shalt  }
0x7c: {  	_ =	shalt  }
0x7d: {  	_ =	shalt  }
0x7e: {  	_ =	shalt  }
0x7f: {  	_ =	shalt  }
0x80: {  	_ =	shalt  }
0x81: {  	_ =	shalt  }
0x82: {  	_ =	shalt  }
0x83: {  	_ =	shalt  }
0x84: {  	_ =	shalt  }
0x85: {  	_ =	shalt  }
0x86: {  	_ =	shalt  }
0x87: {  	_ =	shalt  }
.Lfunc_end0:
.L_simem_size_0:
called_computation.1_lowered:
.L_overlay_start_0:
0x88: {  	s2 =	sld [smem:$0x3FD9]  }
0x89: {  	s3 =	sld [smem:$0x3FFE];
	_ =	sdelay $0x1  }
0x8a: {  	s1 =	srdreg.scid  }
0x8b: {  	s0 =	sand.u32 $0x1, s1  }
0x8c: {  	s17 =	sshll.u32 s0, $0xA;
	s2 =	sadd.s32 s3, s2  }
0x8d: {  	s2 =	sadd.s32 s2, s17  }
0x8e: {  	[smem:$0x3FBF] =	sst s2  }
0x8f: {  	_ = 	snop  }
0x90: {  	(tm) =	ssettm $0x1  }
0x91: {  	s18 =	sld [smem:$0x3FFB];
	_ =	sdelay $0x3  }
0x92: {  	_ =	strace s18  }
0x93: {  	s2 =	sld [smem:$0x3FFC];
	_ =	sdelay $0x3  }
0x94: {  	_ =	strace s2  }
0x95: {  	s2 =	sld [smem:$0x3FFD];
	_ =	sdelay $0x3  }
0x96: {  	_ =	strace s2  }
0x97: {  	_ =	strace $0x8FFFFFFF  }
0x98: {  	s19 =	sld [smem:$0x3FDB];
	_ =	sdelay $0x1  }
0x99: {  	s20 =	simm.s32 $_scs_section_size  }
0x9a: {  	s4 =	simm.s32 $_size__tile_overlayer_lowered;
	s5 =	simm.s32 $_tile_overlayer_lowered  }
0x9b: {  	s6 =	simm.s32 $0x1BFF;
	s21 =	sshll.u32 s5, $0x1;
	s3 =	sadd.s32 s20, s19  }
0x9c: {  	s22 =	simm.s32 $0x0;
	s4 =	sshll.u32 s4, $0x1;
	s5 =	sadd.s32 s21, s3  }
0x9d: {  	[timem:s22], [sflag:s6] =	dma.local [hbm:s5], s4  }
0x9e: {  	_ =	swait.ge [sflag:s6], s4  }
0x9f: {  	s4 =	ssub.s32 $0x0, s4;
	[sflag:s6] =	ssyncset.done $0x0  }
0xa0: {  	[sflag:s6] =	ssyncadd.s32 s4;
	_ =	sdelay $0x1  }
0xa1: {  	s23 =	simm.s32 $0x1B8B  }
0xa2: {  	_ =	swait.ge [sflag:s23], $0x1  }
0xa3: {  	[sflag:s23] =	ssyncset.done $0x0  }
0xa4: {  	[sflag:s23] =	ssyncadd.s32 $0xFFFFFFFF  }
0xa5: {  	s4 =	sld [smem:$0x0]  }
0xa6: {  	s5 =	sand.u32 $0xFFFFFFFE, s1  }
0xa7: {  	p0 =	sne.s32 s1, s5  }
0xa8: {  	s5 =	sshll.u32 @p0 s5, $0xE  }
0xa9: {  	s5 =	sadd.s32 @p0 $0x11B8D, s5;
	s6 =	sshll.u32 @p0 s4, $0x11  }
0xaa: {  	s5 =	sor.u32 @p0 s6, s5  }
0xab: {  	[sflag:s5] =	ssyncadd.remote.s32 @p0 $0x1;
	_ =	sdelay $0x1  }
0xac: {  	s5 =	simm.s32 @p0 $0x1B8D  }
0xad: {  	_ =	swait.eq @p0 [sflag:s5], $0x1  }
0xae: {  	[sflag:s5] =	ssyncadd.s32 @p0 $0xFFFFFFFF  }
0xaf: {  	s6 =	sshll.u32 @!p0 s1, $0xE  }
0xb0: {  	s6 =	sor.u32 @!p0 $0x4000, s6;
	s5 =	simm.s32 @!p0 $0x1B8D  }
0xb1: {  	s4 =	sshll.u32 @!p0 s4, $0x11;
	s6 =	sadd.s32 @!p0 $0x11B8D, s6;
	_ =	swait.eq @!p0 [sflag:s5], $0x1  }
0xb2: {  	s4 =	sor.u32 @!p0 s4, s6;
	[sflag:s5] =	ssyncadd.s32 @!p0 $0xFFFFFFFF  }
0xb3: {  	s25 =	simm.s32 $0x1B8E;
	s24 =	sld [smem:$0x3FFE];
	[sflag:s4] =	ssyncadd.remote.s32 @!p0 $0x1  }
0xb4: {  	s26 =	simm.s32 $execute0_lowered;
	[smem:$0x3FD2] =	sst s25  }
0xb5: {  	s5 =	sshll.u32 s26, $0x1;
	_ =	strace $0x80000049;
	[dreg:$0x1] =	wrdreg $0xFFFFFFFF  }
0xb6: {  	s28 =	simm.s32 $_size_execute0_lowered;
	s3 =	sadd.s32 s3, s5;
	[dreg:$0x0] =	wrdreg $0x0  }
0xb7: {  	s5 =	sshll.u32 s28, $0x1;
	[dreg:$0x2] =	wrdreg s3  }
0xb8: {  	[dreg:$0x3] =	wrdreg s5  }
0xb9: {  	[dreg:$0x4] =	wrdreg $0xC0  }
0xba: {  	_ =	task [dreg:s22], $0x5FFFF  }
0xbb: {  	[dreg:$0x1] =	wrdreg $0xFFFFFFFF  }
0xbc: {  	[dreg:$0x0] =	wrdreg $0x60  }
0xbd: {  	[dreg:$0x2] =	wrdreg s24  }
0xbe: {  	[dreg:$0x3] =	wrdreg $0x82000  }
0xbf: {  	[dreg:$0x4] =	wrdreg $0xA  }
0xc0: {  	_ =	task.clear_ibuf [dreg:s22], $0x5FFFF;
	_ =	strace $0x90000049  }
0xc1: {  	s29 =	simm.s32 $0xA;
	_ =	strace $0x8000004B  }
0xc2: {  	_ =	swait.ge [sflag:s29], $0x1  }
0xc3: {  	[sflag:s29] =	ssyncadd.s32 $0xFFFFFFFF  }
0xc4: {  	_ =	strace $0x9000004B  }
0xc5: {  	_ =	sfence  }
0xc6: {  	s30 =	sld [smem:$0x0];
	_ =	sdelay $0x2  }
0xc7: {  	s31 =	sshll.u32 s1, $0xD;
	s1 =	sshrl.u32 s1, $0x2  }
0xc8: {  	s4 =	sand.u32 $0x4000, s31;
	s1 =	sadd.s32 s1, s30  }
0xc9: {  	s0 =	sor.u32 s4, s0;
	s1 =	sshll.u32 s1, $0x11  }
0xca: {  	s0 =	sor.u32 s1, s0  }
0xcb: {  	s0 =	sadd.s32 $0x8F2B, s0  }
0xcc: {  	[sflag:s0] =	ssyncadd.remote.s32 $0x1  }
0xcd: {  	_ =	sfence.sel $0xFFFF  }
0xce: {  	[dreg:$0x0] =	wrdreg $0xFFFFFFFF;
	(pc) =	sbr.abs _section_cstart, $3  }
0xcf: {  	[dreg:$0x1] =	wrdreg $0xFFFFFFFF  }
0xd0: {  	_ =	task.clear_ibuf [dreg:s22], $0x2FFFF;
	_ =	strace $0x9FFFFFFF  }
0xd1: {  	(tm) =	ssettm $0x7FFFFFFF  }
tec
execute0_lowered:
.L_overlay_start_1:
0x0: {  	(tag) =	ssettag $0x1  }
0x1: {  	s0 =	rddreg [dreg:$0x0]  }
0x2: {  	s1 =	rddreg [dreg:$0x1];
	s2 =	simm.s32 $0x0  }
0x3: {  	s3 =	srdreg.scid;
	s9 =	stileid.u32;
	s28 =	simm.s32 $0x1  }
0x4: {  	s29 =	simm.s32 $0x4200;
	s30 =	simm.s32 $0x80;
	s5 =	smul.u32 $0x4E000, s9  }
0x5: {  	s31 =	simm.s32 $0x4;
	[smem:$0x7FF] =	sst s2;
	s20 =	smul.u32 $0x4E, s9  }
0x6: {  	s3 =	sand.u32 $0x1, s3;
	s6 =	sadd.s32 $0x549000, s0;
	s22 =	smul.u32 $0x9C0, s9  }
0x7: {  	s18 =	sadd.s32 $0x4C00, s0;
	s7 =	sadd.s32 $0x18600, s0;
	s23 =	smul.u32 $0x27000, s9  }
0x8: {  	s19 =	sor.u32 $0x9C0, s9;
	s25 =	smul.u32 $0x2700, s9;
	p0 =	sne.s32 s9, $0xF  }
0x9: {  	_ =	strace $0x8000004A;
	s4 =	smul.u32 $0x27100, s3;
	[dreg:$0x3] =	wrdreg s7  }
0xa: {  	s10 =	ssub.s32 $0x2, s3;
	s8 =	sshll.u32 s3, $0x4;
	s16 =	smul.u32 $0x4E0, s3  }
0xb: {  	s11 =	sshrl.u32 s10, $0x1;
	s5 =	sshrl.u32 s5, $0x2;
	s21 =	sor.u32 s9, s8  }
0xc: {  	s8 =	sshll.u32 s19, $0xB;
	s0 =	sadd.s32 s4, s0;
	s14 =	smul.u32 $0x9C0, s21  }
0xd: {  	s4 =	ssub.s32 s10, s11;
	s5 =	sadd.s32 s5, s1;
	s15 =	smul.u32 $0x27000, s21  }
0xe: {  	s11 =	sshll.u32 s19, $0x5;
	s7 =	sadd.s32 s20, s16;
	s12 =	sadd.s32 $0x4000, s5  }
0xf: {  	p1 =	sgt.u32 s21, $0x3;
	s13 =	sadd.s32 $0x8000, s5;
	[dreg:$0x4] =	wrdreg s12  }
0x10: {  	s17 =	sadd.s32 $0xC000, s5;
	s10 =	sadd.s32 $0x10000, s5;
	[dreg:$0x5] =	wrdreg s13  }
0x11: {  	s11 =	sadd.s32 s18, s11;
	s16 =	sadd.s32 $0x67000, s0;
	[dreg:$0x6] =	wrdreg s17  }
0x12: {  	s7 =	sadd.s32 $0x2, s7;
	[dreg:$0x7] =	wrdreg s10;
	s17 =	smul.u32 $0x9C00, s3  }
0x13: {  	s10 =	sadd.s32 $0x138000, s1;
	[dreg:$0x8] =	wrdreg s11;
	s12 =	sadd.s32 s18, s14  }
0x14: {  	s13 =	sadd.s32 s6, s8;
	s15 =	sadd.s32 s6, s15;
	s3 =	smul.u32 $0x270000, s3  }
0x15: {  	s7 =	sshrl.u32 s7, $0x1;
	s25 =	sadd.s32 s25, s16;
	s14 =	sadd.s32 $0x20, s12  }
0x16: {  	s24 =	sshll.u32 s7, $0xC;
	s19 =	sadd.s32 $0x26800, s15;
	s26 =	sshll.u32 s7, $0x6  }
0x17: {  	s17 =	sadd.s32 s17, s18;
	s3 =	sadd.s32 s3, s6;
	s8 =	sadd.s32 s24, s6  }
0x18: {  	s24 =	simm.s32 $0x3;
	s20 =	sadd.s32 s22, s17;
	s0 =	sadd.s32 s23, s3  }
0x19: {  	s17 =	smax.u32 s4, $0x1;
	s22 =	sadd.s32 s26, s18;
	s23 =	simm.s32 $0x200  }
0x1a: {  	s26 =	simm.s32 $0x100;
	s3 =	simm.s32 $0x180;
	s4 =	simm.s32 $0x0  }
0x1b: {  	s20 =	sadd.s32 $0x60, s20;
	s7 =	sadd.s32 $0x800, s0;
	s0 =	simm.s32 $0x2  }
.LBB2_1:
0x1c: {  	s6 =	rddreg [dreg:$0x3]  }
0x1d: {  	[tilespmem:s23], [sflag:$0x3] =	stream.linear.gather [hbm4b:s6+s2], $0x4000, $0x38;
	[tilespmem:$0x1BA80] =	vst v63  }
0x1e: {  	_ =	swait.ge [sflag:s24], $0x4000  }
0x1f: {  	[sflag:s24] =	ssyncset.done $0x0  }
0x20: {  	[sflag:s24] =	ssyncadd.s32 $0xFFFFC000  }
0x21: {  	[spmem:s5] =	stream.linear.scatter [tilespmem:s23], [sflag:$0x3], $0x4000, $0x38;
	[tilespmem:$0x1BA80] =	vst v63  }
0x22: {  	_ =	swait.ge [sflag:s24], $0x4000  }
0x23: {  	[sflag:s24] =	ssyncset.done $0x0  }
0x24: {  	s18 =	rddreg [dreg:$0x4];
	[sflag:s24] =	ssyncadd.s32 $0xFFFFC000  }
0x25: {  	[spmem:s18] =	stream.linear.scatter [tilespmem:s23], [sflag:$0x3], $0x4000, $0x38;
	[tilespmem:$0x1BA80] =	vst v63  }
0x26: {  	_ =	swait.ge [sflag:s24], $0x4000  }
0x27: {  	[sflag:s24] =	ssyncset.done $0x0  }
0x28: {  	s21 =	rddreg [dreg:$0x5];
	[sflag:s24] =	ssyncadd.s32 $0xFFFFC000  }
0x29: {  	[spmem:s21] =	stream.linear.scatter [tilespmem:s23], [sflag:$0x3], $0x4000, $0x38;
	[tilespmem:$0x1BA80] =	vst v63  }
0x2a: {  	_ =	swait.ge [sflag:s24], $0x4000  }
0x2b: {  	[sflag:s24] =	ssyncset.done $0x0  }
0x2c: {  	s9 =	rddreg [dreg:$0x6];
	[sflag:s24] =	ssyncadd.s32 $0xFFFFC000  }
0x2d: {  	[spmem:s9] =	stream.linear.scatter [tilespmem:s23], [sflag:$0x3], $0x4000, $0x38;
	[tilespmem:$0x1BA80] =	vst v63  }
0x2e: {  	_ =	swait.ge [sflag:s24], $0x4000  }
0x2f: {  	[sflag:s24] =	ssyncset.done $0x0  }
0x30: {  	s11 =	rddreg [dreg:$0x7];
	[sflag:s24] =	ssyncadd.s32 $0xFFFFC000  }
0x31: {  	[spmem:s11] =	stream.linear.scatter [tilespmem:s23], [sflag:$0x3], $0x3800, $0x38;
	[tilespmem:$0x1BA80] =	vst v63  }
0x32: {  	_ =	swait.ge [sflag:s24], $0x3800  }
0x33: {  	[sflag:s24] =	ssyncset.done $0x0  }
0x34: {  	s6 =	simm.s32 @!p0 $0x200;
	[sflag:s24] =	ssyncadd.s32 $0xFFFFC800  }
0x35: {  	[spmem:s10] =	stream.linear.scatter @!p0 [tilespmem:s6], [sflag:$0x3], $0x800, $0x38;
	[tilespmem:$0x1BA80] =	vst v63  }
0x36: {  	s6 =	simm.s32 @!p0 $0x3  }
0x37: {  	_ =	swait.ge @!p0 [sflag:s6], $0x800  }
0x38: {  	[sflag:s6] =	ssyncset.done @!p0 $0x0  }
0x39: {  	[sflag:s6] =	ssyncadd.s32 @!p0 $0xFFFFF800  }
0x3a: {  	[bflag:$0x0] =	sbarrier.arrive $0xFFFF  }
0x3b: {  	s18 =	simm.s32 @!p1 $0x3;
	s6 =	simm.s32 @!p1 $0x0;
	s9 =	rddreg [dreg:$0x8]  }
0x3c: {  	[tilespmem:s6], [sflag:$0x3] =	stream.linear.gather @!p1 [hbm4b:s9+s6], $0x100, $0x38;
	[tilespmem:$0x1BA80] =	vst v63  }
0x3d: {  	_ =	swait.ge @!p1 [sflag:s18], $0x100  }
0x3e: {  	[sflag:s18] =	ssyncset.done @!p1 $0x0  }
0x3f: {  	s21 =	simm.s32 @!p1 $0x200;
	[sflag:s18] =	ssyncadd.s32 @!p1 $0xFFFFFF00  }
0x40: {  	[tilespmem:s21], [sflag:$0x3] =	stream.linear.gather @!p1 [hbm4b:s13+s6], $0x4000, $0x38;
	[tilespmem:$0x1BA80] =	vst v63  }
0x41: {  	_ =	swait.ge @!p1 [sflag:s18], $0x4000  }
0x42: {  	[sflag:s18] =	ssyncset.done @!p1 $0x0  }
0x43: {  	s6 =	simm.s32 @!p1 $0x80;
	[sflag:s18] =	ssyncadd.s32 @!p1 $0xFFFFC000  }
0x44: {  	[spmem:s1] =	stream.indirect.scatter.add.f32 @!p1 [tilespmem:s21], [sflag:$0x3], $0x80, s6, s6, $0xb8;
	[tilespmem:$0x1BA80] =	vst v63  }
0x45: {  	_ =	swait.ge @!p1 [sflag:s18], $0x4000  }
0x46: {  	[sflag:s18] =	ssyncset.done @!p1 $0x0  }
0x47: {  	[sflag:s18] =	ssyncadd.s32 @!p1 $0xFFFFC000  }
0x48: {  	[tilespmem:s2], [sflag:$0x3] =	stream.linear.gather [hbm4b:s12+s2], $0x100, $0x38;
	[tilespmem:$0x1BA80] =	vst v63  }
0x49: {  	_ =	swait.ge [sflag:s24], $0x100  }
0x4a: {  	[sflag:s24] =	ssyncset.done $0x0  }
0x4b: {  	[sflag:s24] =	ssyncadd.s32 $0xFFFFFF00  }
0x4c: {  	[tilespmem:s26], [sflag:$0x3] =	stream.linear.gather [hbm4b:s14+s2], $0x100, $0x38;
	[tilespmem:$0x1BA80] =	vst v63  }
0x4d: {  	_ =	swait.ge [sflag:s24], $0x100  }
0x4e: {  	[sflag:s24] =	ssyncset.done $0x0  }
0x4f: {  	[sflag:s24] =	ssyncadd.s32 $0xFFFFFF00  }
0x50: {  	[tilespmem:s23], [sflag:$0x1] =	stream.linear.gather [hbm4b:s15+s2], $0x4000, $0x38;
	[tilespmem:$0x1BA80] =	vst v63  }
0x51: {  	_ =	swait.ge [sflag:s28], $0x4000  }
0x52: {  	[sflag:s28] =	ssyncset.done $0x0  }
0x53: {  	[sflag:s28] =	ssyncadd.s32 $0xFFFFC000  }
0x54: {  	[tilespmem:s29], [sflag:$0x2] =	stream.linear.gather [hbm4b:s7+s2], $0x4000, $0x38;
	[tilespmem:$0x1BA80] =	vst v63  }
0x55: {  	_ = 	snop  }
0x56: {  	[spmem:s1] =	stream.indirect.scatter.add.f32 [tilespmem:s23], [sflag:$0x4], $0x80, s30, s30, $0xb8;
	[tilespmem:$0x1BA80] =	vst v63  }
0x57: {  	_ =	swait.ge [sflag:s31], $0x4000  }
0x58: {  	[sflag:s31] =	ssyncset.done $0x0  }
0x59: {  	s18 =	sadd.s32 $0x0, s22;
	[sflag:s31] =	ssyncadd.s32 $0xFFFFC000  }
0x5a: {  	[tilespmem:s2], [sflag:$0x4] =	stream.linear.gather [hbm4b:s18+s2], $0x100, $0x38;
	[tilespmem:$0x1BA80] =	vst v63  }
0x5b: {  	_ =	swait.ge [sflag:s31], $0x100  }
0x5c: {  	[sflag:s31] =	ssyncset.done $0x0  }
0x5d: {  	[sflag:s31] =	ssyncadd.s32 $0xFFFFFF00  }
0x5e: {  	_ =	swait.ge [sflag:s0], $0x4000  }
0x5f: {  	[sflag:s0] =	ssyncset.done $0x0  }
0x60: {  	[sflag:s0] =	ssyncadd.s32 $0xFFFFC000  }
0x61: {  	[tilespmem:s23], [sflag:$0x1] =	stream.linear.gather [hbm4b:s8+s2], $0x4000, $0x38;
	[tilespmem:$0x1BA80] =	vst v63  }
0x62: {  	_ = 	snop  }
0x63: {  	[spmem:s1] =	stream.indirect.scatter.add.f32 [tilespmem:s29], [sflag:$0x4], $0x80, s3, s30, $0xb8;
	[tilespmem:$0x1BA80] =	vst v63  }
0x64: {  	_ =	swait.ge [sflag:s31], $0x4000  }
0x65: {  	[sflag:s31] =	ssyncset.done $0x0  }
0x66: {  	s21 =	sadd.s32 $0x0, s20;
	[sflag:s31] =	ssyncadd.s32 $0xFFFFC000  }
0x67: {  	[tilespmem:s26], [sflag:$0x3] =	stream.linear.gather [hbm4b:s21+s2], $0x100, $0x38;
	[tilespmem:$0x1BA80] =	vst v63  }
0x68: {  	s6 =	simm.s32 $0x40;
	_ =	swait.ge [sflag:s24], $0x100  }
0x69: {  	s18 =	smov.u32 s8;
	s21 =	smov.u32 s7;
	[sflag:s24] =	ssyncset.done $0x0  }
.LBB2_2:
0x6a: {  	[sflag:s24] =	ssyncadd.s32 $0xFFFFFF00  }
0x6b: {  	s21 =	sadd.s32 $0x1000, s21;
	s18 =	sadd.s32 $0x1000, s18;
	s9 =	smov.u32 s6  }
0x6c: {  	p2 =	sne.s32 s6, $0x940;
	s6 =	sadd.s32 $0x40, s6;
	_ =	swait.ge [sflag:s28], $0x4000  }
0x6d: {  	[sflag:s28] =	ssyncset.done $0x0  }
0x6e: {  	[sflag:s28] =	ssyncadd.s32 $0xFFFFC000  }
0x6f: {  	[tilespmem:s29], [sflag:$0x2] =	stream.linear.gather [hbm4b:s21+s2], $0x4000, $0x38;
	[tilespmem:$0x1BA80] =	vst v63  }
0x70: {  	_ = 	snop  }
0x71: {  	[spmem:s1] =	stream.indirect.scatter.add.f32 [tilespmem:s23], [sflag:$0x4], $0x80, s30, s30, $0xb8;
	[tilespmem:$0x1BA80] =	vst v63  }
0x72: {  	_ =	swait.ge [sflag:s31], $0x4000  }
0x73: {  	[sflag:s31] =	ssyncset.done $0x0  }
0x74: {  	s11 =	sadd.s32 s9, s22;
	[sflag:s31] =	ssyncadd.s32 $0xFFFFC000  }
0x75: {  	[tilespmem:s2], [sflag:$0x4] =	stream.linear.gather [hbm4b:s11+s2], $0x100, $0x38;
	[tilespmem:$0x1BA80] =	vst v63  }
0x76: {  	_ =	swait.ge [sflag:s31], $0x100  }
0x77: {  	[sflag:s31] =	ssyncset.done $0x0  }
0x78: {  	[sflag:s31] =	ssyncadd.s32 $0xFFFFFF00  }
0x79: {  	_ =	swait.ge [sflag:s0], $0x4000  }
0x7a: {  	[sflag:s0] =	ssyncset.done $0x0  }
0x7b: {  	[sflag:s0] =	ssyncadd.s32 $0xFFFFC000  }
0x7c: {  	[tilespmem:s23], [sflag:$0x1] =	stream.linear.gather [hbm4b:s18+s2], $0x4000, $0x38;
	[tilespmem:$0x1BA80] =	vst v63  }
0x7d: {  	_ = 	snop  }
0x7e: {  	[spmem:s1] =	stream.indirect.scatter.add.f32 [tilespmem:s29], [sflag:$0x4], $0x80, s3, s30, $0xb8;
	[tilespmem:$0x1BA80] =	vst v63  }
0x7f: {  	_ =	swait.ge [sflag:s31], $0x4000  }
.Ltmp0:
0x80: {  	[sflag:s31] =	ssyncset.done $0x0;
	(pc) =	sbr.rel @p2 .LBB2_2-.Ltmp0, $4  }
0x81: {  	s9 =	sadd.s32 s9, s20;
	[sflag:s31] =	ssyncadd.s32 $0xFFFFC000  }
0x82: {  	[tilespmem:s26], [sflag:$0x3] =	stream.linear.gather [hbm4b:s9+s2], $0x100, $0x38;
	[tilespmem:$0x1BA80] =	vst v63  }
0x83: {  	_ =	swait.ge [sflag:s24], $0x100  }
0x84: {  	[sflag:s24] =	ssyncset.done $0x0  }
0x85: {  	[sflag:s24] =	ssyncadd.s32 $0xFFFFFF00  }
0x86: {  	_ =	swait.ge [sflag:s28], $0x4000  }
0x87: {  	[sflag:s28] =	ssyncset.done $0x0  }
0x88: {  	[sflag:s28] =	ssyncadd.s32 $0xFFFFC000  }
0x89: {  	[tilespmem:s29], [sflag:$0x2] =	stream.linear.gather [hbm4b:s19+s2], $0x4000, $0x38;
	[tilespmem:$0x1BA80] =	vst v63  }
0x8a: {  	_ = 	snop  }
0x8b: {  	[spmem:s1] =	stream.indirect.scatter.add.f32 [tilespmem:s23], [sflag:$0x4], $0x80, s30, s30, $0xb8;
	[tilespmem:$0x1BA80] =	vst v63  }
0x8c: {  	_ =	swait.ge [sflag:s31], $0x4000  }
0x8d: {  	[sflag:s31] =	ssyncset.done $0x0  }
0x8e: {  	[sflag:s31] =	ssyncadd.s32 $0xFFFFC000  }
0x8f: {  	_ =	swait.ge [sflag:s0], $0x4000  }
0x90: {  	[sflag:s0] =	ssyncset.done $0x0  }
0x91: {  	[sflag:s0] =	ssyncadd.s32 $0xFFFFC000  }
0x92: {  	[spmem:s1] =	stream.indirect.scatter.add.f32 [tilespmem:s29], [sflag:$0x4], $0x80, s3, s30, $0xb8;
	[tilespmem:$0x1BA80] =	vst v63  }
0x93: {  	_ =	swait.ge [sflag:s31], $0x4000  }
0x94: {  	s6 =	stileid.u32;
	[sflag:s31] =	ssyncset.done $0x0  }
0x95: {  	s6 =	sshll.u32 s6, $0x6;
	[sflag:s31] =	ssyncadd.s32 $0xFFFFC000  }
0x96: {  	s9 =	sshrl.u32 s5, $0x3;
	s6 =	sor.u32 $0x1C03, s6;
	[bflag:$0x0] =	sbarrier.arrive $0xFFFF  }
0x97: {  	[hbm:s25], [sflag:s6] =	dma.local [spmem:s9], $0x2700  }
0x98: {  	_ =	swait.ge [sflag:s24], $0x2700  }
0x99: {  	s11 =	sshrl.u32 @!p0 s10, $0x3;
	s4 =	sadd.s32 $0x1, s4;
	[sflag:s24] =	ssyncset.done $0x0  }
0x9a: {  	p2 =	sne.s32 s4, s17;
	s9 =	sadd.s32 @!p0 $0x27000, s16;
	[sflag:s24] =	ssyncadd.s32 $0xFFFFD900  }
0x9b: {  	[hbm:s9], [sflag:s6] =	dma.local @!p0 [spmem:s11], $0x100  }
.Ltmp1:
0x9c: {  	_ = 	snop;
	(pc) =	sbr.rel @p2 .LBB2_1-.Ltmp1, $4  }
0x9d: {  	s6 =	simm.s32 @!p0 $0x3  }
0x9e: {  	_ =	swait.ge @!p0 [sflag:s6], $0x100  }
0x9f: {  	[sflag:s6] =	ssyncset.done @!p0 $0x0  }
0xa0: {  	[sflag:s6] =	ssyncadd.s32 @!p0 $0xFFFFFF00  }
0xa1: {  	_ =	sfence.sel $0x180000  }
0xa2: {  	[bflag:$0x0] =	sbarrier.arrive $0xFFFF  }
0xa3: {  	_ =	strace $0x9000004A  }
0xa4: {  	s0 =	stileid.u32;
	[bflag:$0x2] =	sbarrier.arrive $0xFFFF  }
0xa5: {  	p0 =	sne.s32 s0, $0x0;
	s0 =	rddreg [dreg:$0x2]  }
0xa6: {  	s0 =	sadd.s32 @!p0 $0x100000, s0  }
0xa7: {  	[sflag:s0] =	ssyncadd.tile.s32 @!p0 $0x1;
	_ =	shalt  }
.Lfunc_end2:
_tile_overlayer_lowered:
.L_overlay_start_2:
0xa8: {  	(tag) =	ssettag $0x2  }
0xa9: {  	s0 =	rddreg [dreg:$0x0];
	s2 =	stileid.u32  }
0xaa: {  	s1 =	rddreg [dreg:$0x1];
	p0 =	sne.s32 s2, $0x0  }
0xab: {  	s3 =	rddreg [dreg:$0x2];
	[bflag:$0x3] =	sbarrier.arrive $0xFFFF;
	s2 =	simm.s32 @!p0 $0x1C03  }
0xac: {  	[timem:s3], [sflag:s2] =	dma.local @!p0 [hbm:s0], s1  }
0xad: {  	s0 =	simm.s32 @!p0 $0x3  }
0xae: {  	_ =	swait.ge @!p0 [sflag:s0], s1  }
0xaf: {  	s1 =	ssub.s32 @!p0 $0x0, s1;
	[sflag:s0] =	ssyncset.done @!p0 $0x0  }
0xb0: {  	[sflag:s0] =	ssyncadd.s32 @!p0 s1  }
0xb1: {  	[bflag:$0x3] =	sbarrier.arrive $0xFFFF  }
0xb2: {  	_ =	shalt  }

// kernel: kernel.17.cloned.1.call-start
scs
__scs_entry_jumppad:
0x0: {  	(pc) =	sbr.rel $0x88, $3  }
0x1: {  	(tag) =	ssettag $0x0;
	lr =	simm.s32 $0x1  }
0x2: {  	[smem:$0x3F98] =	sst lr;
	_ =	strace $0xD0000000  }
0x3: {  	_ = 	snop  }
0x4: {  	_ = 	snop  }
0x5: {  	_ = 	snop  }
0x6: {  	_ = 	snop  }
0x7: {  	_ = 	snop  }
__scs_overlays_trampoline_lowered:
0x8: {  	[smem:$0x3FA7] =	sst s0  }
0x9: {  	[smem:$0x3FA8] =	sst s1  }
0xa: {  	[smem:$0x3FA9] =	sst s2  }
0xb: {  	[smem:$0x3FAA] =	sst s3  }
0xc: {  	[smem:$0x3FAB] =	sst s4  }
0xd: {  	[smem:$0x3FAC] =	sst s5  }
0xe: {  	[smem:$0x3FAD] =	sst s6  }
0xf: {  	[smem:$0x3FAE] =	sst s7  }
0x10: {  	[smem:$0x3FAF] =	sst s8  }
0x11: {  	[smem:$0x3FB0] =	sst s9;
	s0 =	simm.s32 @!p0 $0x0  }
0x12: {  	s1 =	sld [smem:$0x3F96];
	s0 =	simm.s32 @p0 $0x1  }
0x13: {  	[smem:$0x3FB1] =	sst s0;
	s0 =	simm.s32 @!p1 $0x0  }
0x14: {  	s2 =	sld [smem:$0x3F95];
	s0 =	simm.s32 @p1 $0x1  }
0x15: {  	[smem:$0x3FB2] =	sst s0;
	s0 =	simm.s32 @!p2 $0x0  }
0x16: {  	s3 =	sld [smem:$0x3FDB];
	s0 =	simm.s32 @p2 $0x1  }
0x17: {  	s4 =	simm.s32 $0x1BF5;
	[smem:$0x3FB4] =	sst s0  }
0x18: {  	s0 =	sld [smem:$0x3F97];
	_ =	swait.ge [sflag:s4], $0x0  }
0x19: {  	s7 =	sld [smem:$0x3F98]  }
0x1a: {  	s8 =	sadd.s32 $0xFFFFE003, lr  }
0x1b: {  	s9 =	sadd.s32 $0xFFFFFEF7, lr;
	s5 =	simm.s32 $0xFFFFFFFF;
	p2 =	slt.u32 s8, $0xFFFFF086  }
0x1c: {  	p1 =	slt.u32 s9, $0xF7A;
	s5 =	simm.s32 @!p2 $0x0  }
0x1d: {  	s5 =	simm.s32 @p1 $0x1;
	p0 =	seq.s32 s7, s2  }
0x1e: {  	s7 =	smul.u32 @!p0 $0xF7A, s2;
	p2 =	seq.s32 @!p0 s5, $0x0  }
0x1f: {  	s9 =	smul.u32 $0xF7A, s1;
	s8 =	simm.s32 @!p0 $0x1BF5;
	p2 =	por !p2, p0  }
0x20: {  	[sflag:s8] =	ssyncset.s32 @!p0 $0xFFFFF086;
	s6 =	sadd.s32 @!p0 s3, s7;
	s7 =	simm.s32 @!p0 $0x108  }
0x21: {  	s3 =	sadd.s32 s3, s9;
	s6 =	sadd.s32 @!p0 $0x88, s6;
	s7 =	simm.s32 @p2 $0x1082  }
0x22: {  	[simem:s7], [sflag:s8] =	dma.local @!p0 [hbm:s6], $0xF7A  }
0x23: {  	s9 =	sor.u32 $0xD0000000, s2;
	s6 =	simm.s32 $0x108;
	_ =	swait.ge @!p0 [sflag:s8], $0x0  }
0x24: {  	s3 =	sadd.s32 $0x88, s3;
	s6 =	simm.s32 @!p1 $0x1082;
	[sflag:s4] =	ssyncset.s32 $0xFFFFF086  }
0x25: {  	[simem:s6], [sflag:s4] =	dma.local [hbm:s3], $0xF7A  }
0x26: {  	[smem:$0x3F98] =	sst s1;
	(tag) =	ssettag s2;
	_ =	strace s9  }
0x27: {  	s1 =	sld [smem:$0x3FA8]  }
0x28: {  	s2 =	sld [smem:$0x3FA9]  }
0x29: {  	s4 =	sld [smem:$0x3FAB]  }
0x2a: {  	p0 =	seq.s32 s5, $0x0;
	s5 =	sld [smem:$0x3FAC]  }
0x2b: {  	s6 =	sld [smem:$0x3FAD]  }
0x2c: {  	s7 =	sld [smem:$0x3FAE]  }
0x2d: {  	s3 =	simm.s32 $0x108;
	s8 =	sld [smem:$0x3FAF]  }
0x2e: {  	s3 =	simm.s32 @!p0 $0x1082;
	s9 =	sld [smem:$0x3FB0]  }
0x2f: {  	lr =	sadd.s32 s0, s3;
	s0 =	sld [smem:$0x3FA7]  }
0x30: {  	s3 =	sld [smem:$0x3FAA]  }
0x31: {  	[smem:$0x3FB3] =	sst s10  }
0x32: {  	s10 =	sld [smem:$0x3FB1];
	_ =	sdelay $0x3  }
0x33: {  	p0 =	seq.s32 s10, $0x1;
	s10 =	sld [smem:$0x3FB3];
	_ =	sdelay $0x3  }
0x34: {  	[smem:$0x3FB3] =	sst s10  }
0x35: {  	s10 =	sld [smem:$0x3FB2];
	_ =	sdelay $0x3  }
0x36: {  	p1 =	seq.s32 s10, $0x1;
	s10 =	sld [smem:$0x3FB3];
	_ =	sdelay $0x3  }
0x37: {  	[smem:$0x3FB3] =	sst s10  }
0x38: {  	s10 =	sld [smem:$0x3FB4]  }
0x39: {  	_ = 	snop;
	(pc) =	sbr.ind lr, $3  }
0x3a: {  	_ = 	snop  }
0x3b: {  	_ = 	snop  }
0x3c: {  	p2 =	seq.s32 s10, $0x1;
	s10 =	sld [smem:$0x3FB3]  }
0x3d: {  	_ =	shalt  }
0x3e: {  	_ =	shalt  }
0x3f: {  	_ =	shalt  }
0x40: {  	_ =	shalt  }
0x41: {  	_ =	shalt  }
0x42: {  	_ =	shalt  }
0x43: {  	_ =	shalt  }
0x44: {  	_ =	shalt  }
0x45: {  	_ =	shalt  }
0x46: {  	_ =	shalt  }
0x47: {  	_ =	shalt  }
0x48: {  	_ =	shalt  }
0x49: {  	_ =	shalt  }
0x4a: {  	_ =	shalt  }
0x4b: {  	_ =	shalt  }
0x4c: {  	_ =	shalt  }
0x4d: {  	_ =	shalt  }
0x4e: {  	_ =	shalt  }
0x4f: {  	_ =	shalt  }
0x50: {  	_ =	shalt  }
0x51: {  	_ =	shalt  }
0x52: {  	_ =	shalt  }
0x53: {  	_ =	shalt  }
0x54: {  	_ =	shalt  }
0x55: {  	_ =	shalt  }
0x56: {  	_ =	shalt  }
0x57: {  	_ =	shalt  }
0x58: {  	_ =	shalt  }
0x59: {  	_ =	shalt  }
0x5a: {  	_ =	shalt  }
0x5b: {  	_ =	shalt  }
0x5c: {  	_ =	shalt  }
0x5d: {  	_ =	shalt  }
0x5e: {  	_ =	shalt  }
0x5f: {  	_ =	shalt  }
0x60: {  	_ =	shalt  }
0x61: {  	_ =	shalt  }
0x62: {  	_ =	shalt  }
0x63: {  	_ =	shalt  }
0x64: {  	_ =	shalt  }
0x65: {  	_ =	shalt  }
0x66: {  	_ =	shalt  }
0x67: {  	_ =	shalt  }
0x68: {  	_ =	shalt  }
0x69: {  	_ =	shalt  }
0x6a: {  	_ =	shalt  }
0x6b: {  	_ =	shalt  }
0x6c: {  	_ =	shalt  }
0x6d: {  	_ =	shalt  }
0x6e: {  	_ =	shalt  }
0x6f: {  	_ =	shalt  }
0x70: {  	_ =	shalt  }
0x71: {  	_ =	shalt  }
0x72: {  	_ =	shalt  }
0x73: {  	_ =	shalt  }
0x74: {  	_ =	shalt  }
0x75: {  	_ =	shalt  }
0x76: {  	_ =	shalt  }
0x77: {  	_ =	shalt  }
0x78: {  	_ =	shalt  }
0x79: {  	_ =	shalt  }
0x7a: {  	_ =	shalt  }
0x7b: {  	_ =	shalt  }
0x7c: {  	_ =	shalt  }
0x7d: {  	_ =	shalt  }
0x7e: {  	_ =	shalt  }
0x7f: {  	_ =	shalt  }
0x80: {  	_ =	shalt  }
0x81: {  	_ =	shalt  }
0x82: {  	_ =	shalt  }
0x83: {  	_ =	shalt  }
0x84: {  	_ =	shalt  }
0x85: {  	_ =	shalt  }
0x86: {  	_ =	shalt  }
0x87: {  	_ =	shalt  }
.Lfunc_end0:
.L_simem_size_0:
called_computation.2_lowered:
.L_overlay_start_0:
0x88: {  	s2 =	sld [smem:$0x3FD9]  }
0x89: {  	s3 =	sld [smem:$0x3FFE];
	_ =	sdelay $0x1  }
0x8a: {  	s1 =	srdreg.scid  }
0x8b: {  	s0 =	sand.u32 $0x1, s1  }
0x8c: {  	s17 =	sshll.u32 s0, $0xA;
	s2 =	sadd.s32 s3, s2  }
0x8d: {  	s2 =	sadd.s32 s2, s17  }
0x8e: {  	[smem:$0x3FBF] =	sst s2  }
0x8f: {  	_ = 	snop  }
0x90: {  	s2 =	sld [smem:$0x3FD0];
	(tm) =	ssettm $0x1  }
0x91: {  	s18 =	sld [smem:$0x3FFB];
	_ =	sdelay $0x3  }
0x92: {  	_ =	strace s18  }
0x93: {  	s3 =	sld [smem:$0x3FFC];
	_ =	sdelay $0x3  }
0x94: {  	_ =	strace s3  }
0x95: {  	s3 =	sld [smem:$0x3FFD];
	_ =	sdelay $0x3  }
0x96: {  	_ =	strace s3  }
0x97: {  	_ =	strace $0x8FFFFFFF  }
0x98: {  	s19 =	sld [smem:$0x3FDB];
	_ =	sdelay $0x1  }
0x99: {  	s4 =	simm.s32 $_scs_section_size  }
0x9a: {  	s5 =	simm.s32 $_size__tile_overlayer_lowered;
	s6 =	simm.s32 $_tile_overlayer_lowered  }
0x9b: {  	s22 =	simm.s32 $0x1BFF;
	s21 =	sshll.u32 s6, $0x1;
	s3 =	sadd.s32 s4, s19  }
0x9c: {  	s7 =	simm.s32 $0x0;
	s20 =	sshll.u32 s5, $0x1;
	s5 =	sadd.s32 s21, s3  }
0x9d: {  	[timem:s7], [sflag:s22] =	dma.local [hbm:s5], s20  }
0x9e: {  	_ =	swait.ge [sflag:s22], s20  }
0x9f: {  	s4 =	ssub.s32 $0x0, s20;
	[sflag:s22] =	ssyncset.done $0x0  }
0xa0: {  	[sflag:s22] =	ssyncadd.s32 s4;
	_ =	sdelay $0x1  }
0xa1: {  	s23 =	simm.s32 $0x1B8B  }
0xa2: {  	_ =	swait.ge [sflag:s23], $0x1  }
0xa3: {  	[sflag:s23] =	ssyncset.done $0x0  }
0xa4: {  	s25 =	simm.s32 $0x1B8E;
	s24 =	sld [smem:$0x3FFE];
	[sflag:s23] =	ssyncadd.s32 $0xFFFFFFFF  }
0xa5: {  	s26 =	simm.s32 $execute0_lowered;
	[smem:$0x3FD2] =	sst s25  }
0xa6: {  	s5 =	sshll.u32 s26, $0x1;
	_ =	strace $0x8000004C;
	[dreg:$0x1] =	wrdreg $0xFFFFFFFF  }
0xa7: {  	s28 =	simm.s32 $_size_execute0_lowered;
	s3 =	sadd.s32 s3, s5;
	[dreg:$0x0] =	wrdreg $0x0  }
0xa8: {  	s5 =	sshll.u32 s28, $0x1;
	[dreg:$0x2] =	wrdreg s3  }
0xa9: {  	[dreg:$0x3] =	wrdreg s5  }
0xaa: {  	[dreg:$0x4] =	wrdreg $0xC0  }
0xab: {  	_ =	task [dreg:s7], $0x5FFFF  }
0xac: {  	[dreg:$0x1] =	wrdreg $0xFFFFFFFF  }
0xad: {  	[dreg:$0x0] =	wrdreg $0x60  }
0xae: {  	[dreg:$0x2] =	wrdreg s2  }
0xaf: {  	[dreg:$0x3] =	wrdreg s24  }
0xb0: {  	[dreg:$0x4] =	wrdreg $0x82000  }
0xb1: {  	[dreg:$0x5] =	wrdreg $0x9  }
0xb2: {  	_ =	task.clear_ibuf [dreg:s7], $0x6FFFF;
	_ =	strace $0x9000004C  }
0xb3: {  	s29 =	simm.s32 $0x9;
	_ =	strace $0x8000004E  }
0xb4: {  	_ =	swait.ge [sflag:s29], $0x1  }
0xb5: {  	[sflag:s29] =	ssyncadd.s32 $0xFFFFFFFF  }
0xb6: {  	_ =	strace $0x9000004E  }
0xb7: {  	_ =	sfence  }
0xb8: {  	s30 =	sld [smem:$0x0];
	_ =	sdelay $0x2  }
0xb9: {  	s31 =	sshll.u32 s1, $0xD;
	s1 =	sshrl.u32 s1, $0x2  }
0xba: {  	s3 =	sand.u32 $0x4000, s31;
	s1 =	sadd.s32 s1, s30  }
0xbb: {  	s0 =	sor.u32 s3, s0;
	s1 =	sshll.u32 s1, $0x11  }
0xbc: {  	s0 =	sor.u32 s1, s0  }
0xbd: {  	s0 =	sadd.s32 $0x8F2B, s0  }
0xbe: {  	[sflag:s0] =	ssyncadd.remote.s32 $0x1  }
0xbf: {  	_ =	sfence.sel $0xFFFF  }
0xc0: {  	[dreg:$0x0] =	wrdreg $0xFFFFFFFF;
	(pc) =	sbr.abs _section_cstart, $3  }
0xc1: {  	[dreg:$0x1] =	wrdreg $0xFFFFFFFF  }
0xc2: {  	_ =	task.clear_ibuf [dreg:s7], $0x2FFFF;
	_ =	strace $0x9FFFFFFF  }
0xc3: {  	(tm) =	ssettm $0x7FFFFFFF  }
tec
execute0_lowered:
.L_overlay_start_1:
0x0: {  	(tag) =	ssettag $0x1  }
0x1: {  	s1 =	rddreg [dreg:$0x0]  }
0x2: {  	s6 =	rddreg [dreg:$0x1]  }
0x3: {  	s2 =	rddreg [dreg:$0x2];
	s3 =	srdreg.scid  }
0x4: {  	s4 =	simm.s32 $0x0;
	s0 =	stileid.u32;
	s21 =	simm.s32 $0x80  }
0x5: {  	s22 =	simm.s32 $0x1;
	s23 =	simm.s32 $0x4200;
	s24 =	simm.s32 $0x4  }
0x6: {  	s28 =	simm.s32 $0x180;
	s29 =	simm.s32 $0x0;
	s13 =	sand.u32 $0x1, s3  }
0x7: {  	[smem:$0x7FF] =	sst s4;
	s8 =	smul.u32 $0x4E000, s0;
	s16 =	sadd.s32 $0x4C00, s6  }
0x8: {  	s5 =	sadd.s32 $0x18600, s6;
	s11 =	sadd.s32 $0x138000, s2;
	s19 =	smul.u32 $0x9C0, s0  }
0x9: {  	s14 =	sshll.u32 s0, $0x5;
	s25 =	smul.u32 $0x2700, s0;
	p0 =	sne.s32 s0, $0xF  }
0xa: {  	s7 =	smul.u32 $0x27100, s13;
	_ =	strace $0x8000004D;
	s26 =	ssub.s32 $0x2, s13  }
0xb: {  	s9 =	sshll.u32 s13, $0x4;
	s14 =	sadd.s32 s14, s16;
	s18 =	smul.u32 $0x9C00, s13  }
0xc: {  	s30 =	sshrl.u32 s8, $0x2;
	s31 =	sshrl.u32 s26, $0x1;
	s20 =	sor.u32 s0, s9  }
0xd: {  	s13 =	sadd.s32 $0x13800, s14;
	s15 =	sadd.s32 s7, s6;
	s6 =	sadd.s32 s30, s2  }
0xe: {  	s17 =	ssub.s32 s26, s31;
	s12 =	smul.u32 $0x9C0, s20;
	s18 =	sadd.s32 s18, s16  }
0xf: {  	p1 =	sgt.u32 s20, $0x3;
	s20 =	simm.s32 $0x100;
	s26 =	simm.s32 $0x2  }
0x10: {  	s7 =	sadd.s32 $0x4000, s6;
	s8 =	sadd.s32 $0x8000, s6;
	s9 =	sadd.s32 $0xC000, s6  }
0x11: {  	s10 =	sadd.s32 $0x10000, s6;
	s15 =	sadd.s32 $0x18E00, s15;
	s12 =	sadd.s32 s16, s12  }
0x12: {  	s16 =	smax.u32 s17, $0x1;
	s17 =	sadd.s32 s19, s18;
	s18 =	simm.s32 $0x200  }
0x13: {  	s19 =	simm.s32 $0x3;
	s25 =	sadd.s32 s25, s15;
	s14 =	sadd.s32 $0x20, s12  }
.LBB2_1:
0x14: {  	[tilespmem:s18], [sflag:$0x3] =	stream.linear.gather [hbm4b:s5+s4], $0x4000, $0x38;
	[tilespmem:$0x1BA80] =	vst v63  }
0x15: {  	_ =	swait.ge [sflag:s19], $0x4000  }
0x16: {  	[sflag:s19] =	ssyncset.done $0x0  }
0x17: {  	[sflag:s19] =	ssyncadd.s32 $0xFFFFC000  }
0x18: {  	[spmem:s6] =	stream.linear.scatter [tilespmem:s18], [sflag:$0x3], $0x4000, $0x38;
	[tilespmem:$0x1BA80] =	vst v63  }
0x19: {  	_ =	swait.ge [sflag:s19], $0x4000  }
0x1a: {  	[sflag:s19] =	ssyncset.done $0x0  }
0x1b: {  	[sflag:s19] =	ssyncadd.s32 $0xFFFFC000  }
0x1c: {  	[spmem:s7] =	stream.linear.scatter [tilespmem:s18], [sflag:$0x3], $0x4000, $0x38;
	[tilespmem:$0x1BA80] =	vst v63  }
0x1d: {  	_ =	swait.ge [sflag:s19], $0x4000  }
0x1e: {  	[sflag:s19] =	ssyncset.done $0x0  }
0x1f: {  	[sflag:s19] =	ssyncadd.s32 $0xFFFFC000  }
0x20: {  	[spmem:s8] =	stream.linear.scatter [tilespmem:s18], [sflag:$0x3], $0x4000, $0x38;
	[tilespmem:$0x1BA80] =	vst v63  }
0x21: {  	_ =	swait.ge [sflag:s19], $0x4000  }
0x22: {  	[sflag:s19] =	ssyncset.done $0x0  }
0x23: {  	[sflag:s19] =	ssyncadd.s32 $0xFFFFC000  }
0x24: {  	[spmem:s9] =	stream.linear.scatter [tilespmem:s18], [sflag:$0x3], $0x4000, $0x38;
	[tilespmem:$0x1BA80] =	vst v63  }
0x25: {  	_ =	swait.ge [sflag:s19], $0x4000  }
0x26: {  	[sflag:s19] =	ssyncset.done $0x0  }
0x27: {  	[sflag:s19] =	ssyncadd.s32 $0xFFFFC000  }
0x28: {  	[spmem:s10] =	stream.linear.scatter [tilespmem:s18], [sflag:$0x3], $0x3800, $0x38;
	[tilespmem:$0x1BA80] =	vst v63  }
0x29: {  	_ =	swait.ge [sflag:s19], $0x3800  }
0x2a: {  	[sflag:s19] =	ssyncset.done $0x0  }
0x2b: {  	s30 =	simm.s32 @!p0 $0x200;
	[sflag:s19] =	ssyncadd.s32 $0xFFFFC800  }
0x2c: {  	[spmem:s11] =	stream.linear.scatter @!p0 [tilespmem:s30], [sflag:$0x3], $0x800, $0x38;
	[tilespmem:$0x1BA80] =	vst v63  }
0x2d: {  	s30 =	simm.s32 @!p0 $0x3  }
0x2e: {  	_ =	swait.ge @!p0 [sflag:s30], $0x800  }
0x2f: {  	[sflag:s30] =	ssyncset.done @!p0 $0x0  }
0x30: {  	[sflag:s30] =	ssyncadd.s32 @!p0 $0xFFFFF800  }
0x31: {  	s31 =	simm.s32 @!p1 $0x3;
	s30 =	simm.s32 @!p1 $0x0;
	[bflag:$0x0] =	sbarrier.arrive $0xFFFF  }
0x32: {  	[tilespmem:s30], [sflag:$0x3] =	stream.linear.gather @!p1 [hbm4b:s13+s30], $0x100, $0x38;
	[tilespmem:$0x1BA80] =	vst v63  }
0x33: {  	_ =	swait.ge @!p1 [sflag:s31], $0x100  }
0x34: {  	[sflag:s31] =	ssyncset.done @!p1 $0x0  }
0x35: {  	s0 =	simm.s32 @!p1 $0x80;
	s3 =	simm.s32 @!p1 $0x200;
	[sflag:s31] =	ssyncadd.s32 @!p1 $0xFFFFFF00  }
0x36: {  	[tilespmem:s3], [sflag:$0x1] =	stream.indirect.gather @!p1 [hbm4b:s1+s0], $0x80, s30, s0, $0xb8;
	[tilespmem:$0x1BA80] =	vst v63  }
0x37: {  	s30 =	simm.s32 @!p1 $0x1  }
0x38: {  	_ =	swait.ge @!p1 [sflag:s30], $0x4000  }
0x39: {  	[sflag:s30] =	ssyncset.done @!p1 $0x0  }
0x3a: {  	[sflag:s30] =	ssyncadd.s32 @!p1 $0xFFFFC000  }
0x3b: {  	[spmem:s2] =	stream.indirect.scatter.add.f32 @!p1 [tilespmem:s3], [sflag:$0x3], $0x80, s0, s0, $0xb8;
	[tilespmem:$0x1BA80] =	vst v63  }
0x3c: {  	_ =	swait.ge @!p1 [sflag:s31], $0x4000  }
0x3d: {  	[sflag:s31] =	ssyncset.done @!p1 $0x0  }
0x3e: {  	[sflag:s31] =	ssyncadd.s32 @!p1 $0xFFFFC000  }
0x3f: {  	[tilespmem:s4], [sflag:$0x3] =	stream.linear.gather [hbm4b:s12+s4], $0x100, $0x38;
	[tilespmem:$0x1BA80] =	vst v63  }
0x40: {  	_ =	swait.ge [sflag:s19], $0x100  }
0x41: {  	[sflag:s19] =	ssyncset.done $0x0  }
0x42: {  	[sflag:s19] =	ssyncadd.s32 $0xFFFFFF00  }
0x43: {  	[tilespmem:s20], [sflag:$0x3] =	stream.linear.gather [hbm4b:s14+s4], $0x100, $0x38;
	[tilespmem:$0x1BA80] =	vst v63  }
0x44: {  	_ =	swait.ge [sflag:s19], $0x100  }
0x45: {  	[sflag:s19] =	ssyncset.done $0x0  }
0x46: {  	[sflag:s19] =	ssyncadd.s32 $0xFFFFFF00  }
0x47: {  	[tilespmem:s18], [sflag:$0x1] =	stream.indirect.gather [hbm4b:s1+s21], $0x80, s4, s21, $0xb8;
	[tilespmem:$0x1BA80] =	vst v63  }
0x48: {  	_ =	swait.ge [sflag:s22], $0x4000  }
0x49: {  	[sflag:s22] =	ssyncset.done $0x0  }
0x4a: {  	[sflag:s22] =	ssyncadd.s32 $0xFFFFC000  }
0x4b: {  	[tilespmem:s23], [sflag:$0x2] =	stream.indirect.gather [hbm4b:s1+s21], $0x80, s20, s21, $0xb8;
	[tilespmem:$0x1BA80] =	vst v63  }
0x4c: {  	_ = 	snop  }
0x4d: {  	[spmem:s2] =	stream.indirect.scatter.add.f32 [tilespmem:s18], [sflag:$0x4], $0x80, s21, s21, $0xb8;
	[tilespmem:$0x1BA80] =	vst v63  }
0x4e: {  	_ =	swait.ge [sflag:s24], $0x4000  }
0x4f: {  	s0 =	sadd.s32 $0xFFFFF680, s17;
	[sflag:s24] =	ssyncset.done $0x0  }
0x50: {  	s31 =	sadd.s32 $0x9C0, s0;
	[sflag:s24] =	ssyncadd.s32 $0xFFFFC000  }
0x51: {  	[tilespmem:s4], [sflag:$0x4] =	stream.linear.gather [hbm4b:s31+s4], $0x100, $0x38;
	[tilespmem:$0x1BA80] =	vst v63  }
0x52: {  	_ =	swait.ge [sflag:s24], $0x100  }
0x53: {  	[sflag:s24] =	ssyncset.done $0x0  }
0x54: {  	[sflag:s24] =	ssyncadd.s32 $0xFFFFFF00  }
0x55: {  	_ =	swait.ge [sflag:s26], $0x4000  }
0x56: {  	[sflag:s26] =	ssyncset.done $0x0  }
0x57: {  	[sflag:s26] =	ssyncadd.s32 $0xFFFFC000  }
0x58: {  	[tilespmem:s18], [sflag:$0x1] =	stream.indirect.gather [hbm4b:s1+s21], $0x80, s4, s21, $0xb8;
	[tilespmem:$0x1BA80] =	vst v63  }
0x59: {  	_ = 	snop  }
0x5a: {  	[spmem:s2] =	stream.indirect.scatter.add.f32 [tilespmem:s23], [sflag:$0x4], $0x80, s28, s21, $0xb8;
	[tilespmem:$0x1BA80] =	vst v63  }
0x5b: {  	_ =	swait.ge [sflag:s24], $0x4000  }
0x5c: {  	[sflag:s24] =	ssyncset.done $0x0  }
0x5d: {  	s0 =	sadd.s32 $0x9E0, s0;
	[sflag:s24] =	ssyncadd.s32 $0xFFFFC000  }
0x5e: {  	[tilespmem:s20], [sflag:$0x3] =	stream.linear.gather [hbm4b:s0+s4], $0x100, $0x38;
	[tilespmem:$0x1BA80] =	vst v63  }
0x5f: {  	_ =	swait.ge [sflag:s19], $0x100  }
0x60: {  	s30 =	simm.s32 $0xFFFFF6C0;
	[sflag:s19] =	ssyncset.done $0x0  }
.LBB2_2:
0x61: {  	p2 =	sne.s32 s30, $0xFFFFFFC0  }
0x62: {  	[sflag:s19] =	ssyncadd.s32 $0xFFFFFF00;
	s0 =	smov.u32 s30;
	s30 =	sadd.s32 $0x40, s30  }
0x63: {  	_ =	swait.ge [sflag:s22], $0x4000  }
0x64: {  	[sflag:s22] =	ssyncset.done $0x0  }
0x65: {  	[sflag:s22] =	ssyncadd.s32 $0xFFFFC000  }
0x66: {  	[tilespmem:s23], [sflag:$0x2] =	stream.indirect.gather [hbm4b:s1+s21], $0x80, s20, s21, $0xb8;
	[tilespmem:$0x1BA80] =	vst v63  }
0x67: {  	_ = 	snop  }
0x68: {  	[spmem:s2] =	stream.indirect.scatter.add.f32 [tilespmem:s18], [sflag:$0x4], $0x80, s21, s21, $0xb8;
	[tilespmem:$0x1BA80] =	vst v63  }
0x69: {  	_ =	swait.ge [sflag:s24], $0x4000  }
0x6a: {  	s0 =	sadd.s32 s0, s17;
	[sflag:s24] =	ssyncset.done $0x0  }
0x6b: {  	s3 =	sadd.s32 $0x9C0, s0;
	[sflag:s24] =	ssyncadd.s32 $0xFFFFC000  }
0x6c: {  	[tilespmem:s4], [sflag:$0x4] =	stream.linear.gather [hbm4b:s3+s4], $0x100, $0x38;
	[tilespmem:$0x1BA80] =	vst v63  }
0x6d: {  	_ =	swait.ge [sflag:s24], $0x100  }
0x6e: {  	[sflag:s24] =	ssyncset.done $0x0  }
0x6f: {  	[sflag:s24] =	ssyncadd.s32 $0xFFFFFF00  }
0x70: {  	_ =	swait.ge [sflag:s26], $0x4000  }
0x71: {  	[sflag:s26] =	ssyncset.done $0x0  }
0x72: {  	[sflag:s26] =	ssyncadd.s32 $0xFFFFC000  }
0x73: {  	[tilespmem:s18], [sflag:$0x1] =	stream.indirect.gather [hbm4b:s1+s21], $0x80, s4, s21, $0xb8;
	[tilespmem:$0x1BA80] =	vst v63  }
0x74: {  	_ = 	snop  }
0x75: {  	[spmem:s2] =	stream.indirect.scatter.add.f32 [tilespmem:s23], [sflag:$0x4], $0x80, s28, s21, $0xb8;
	[tilespmem:$0x1BA80] =	vst v63  }
0x76: {  	_ =	swait.ge [sflag:s24], $0x4000  }
.Ltmp0:
0x77: {  	[sflag:s24] =	ssyncset.done $0x0;
	(pc) =	sbr.rel @p2 .LBB2_2-.Ltmp0, $4  }
0x78: {  	s0 =	sadd.s32 $0x9E0, s0;
	[sflag:s24] =	ssyncadd.s32 $0xFFFFC000  }
0x79: {  	[tilespmem:s20], [sflag:$0x3] =	stream.linear.gather [hbm4b:s0+s4], $0x100, $0x38;
	[tilespmem:$0x1BA80] =	vst v63  }
0x7a: {  	_ =	swait.ge [sflag:s19], $0x100  }
0x7b: {  	[sflag:s19] =	ssyncset.done $0x0  }
0x7c: {  	[sflag:s19] =	ssyncadd.s32 $0xFFFFFF00  }
0x7d: {  	_ =	swait.ge [sflag:s22], $0x4000  }
0x7e: {  	[sflag:s22] =	ssyncset.done $0x0  }
0x7f: {  	[sflag:s22] =	ssyncadd.s32 $0xFFFFC000  }
0x80: {  	[tilespmem:s23], [sflag:$0x2] =	stream.indirect.gather [hbm4b:s1+s21], $0x80, s20, s21, $0xb8;
	[tilespmem:$0x1BA80] =	vst v63  }
0x81: {  	_ = 	snop  }
0x82: {  	[spmem:s2] =	stream.indirect.scatter.add.f32 [tilespmem:s18], [sflag:$0x4], $0x80, s21, s21, $0xb8;
	[tilespmem:$0x1BA80] =	vst v63  }
0x83: {  	_ =	swait.ge [sflag:s24], $0x4000  }
0x84: {  	[sflag:s24] =	ssyncset.done $0x0  }
0x85: {  	[sflag:s24] =	ssyncadd.s32 $0xFFFFC000  }
0x86: {  	_ =	swait.ge [sflag:s26], $0x4000  }
0x87: {  	[sflag:s26] =	ssyncset.done $0x0  }
0x88: {  	[sflag:s26] =	ssyncadd.s32 $0xFFFFC000  }
0x89: {  	[spmem:s2] =	stream.indirect.scatter.add.f32 [tilespmem:s23], [sflag:$0x4], $0x80, s28, s21, $0xb8;
	[tilespmem:$0x1BA80] =	vst v63  }
0x8a: {  	_ =	swait.ge [sflag:s24], $0x4000  }
0x8b: {  	s0 =	stileid.u32;
	[sflag:s24] =	ssyncset.done $0x0  }
0x8c: {  	s0 =	sshll.u32 s0, $0x6;
	[sflag:s24] =	ssyncadd.s32 $0xFFFFC000  }
0x8d: {  	s3 =	sshrl.u32 s6, $0x3;
	s0 =	sor.u32 $0x1C03, s0;
	[bflag:$0x0] =	sbarrier.arrive $0xFFFF  }
0x8e: {  	[hbm:s25], [sflag:s0] =	dma.local [spmem:s3], $0x2700  }
0x8f: {  	_ =	swait.ge [sflag:s19], $0x2700  }
0x90: {  	s30 =	sshrl.u32 @!p0 s11, $0x3;
	s29 =	sadd.s32 $0x1, s29;
	[sflag:s19] =	ssyncset.done $0x0  }
0x91: {  	p2 =	sne.s32 s29, s16;
	s3 =	sadd.s32 @!p0 $0x27000, s15;
	[sflag:s19] =	ssyncadd.s32 $0xFFFFD900  }
0x92: {  	[hbm:s3], [sflag:s0] =	dma.local @!p0 [spmem:s30], $0x100  }
.Ltmp1:
0x93: {  	_ = 	snop;
	(pc) =	sbr.rel @p2 .LBB2_1-.Ltmp1, $4  }
0x94: {  	s0 =	simm.s32 @!p0 $0x3  }
0x95: {  	_ =	swait.ge @!p0 [sflag:s0], $0x100  }
0x96: {  	[sflag:s0] =	ssyncset.done @!p0 $0x0  }
0x97: {  	[sflag:s0] =	ssyncadd.s32 @!p0 $0xFFFFFF00  }
0x98: {  	_ =	sfence.sel $0x180000  }
0x99: {  	[bflag:$0x0] =	sbarrier.arrive $0xFFFF  }
0x9a: {  	_ =	strace $0x9000004D  }
0x9b: {  	s0 =	stileid.u32;
	[bflag:$0x2] =	sbarrier.arrive $0xFFFF  }
0x9c: {  	p0 =	sne.s32 s0, $0x0;
	s0 =	rddreg [dreg:$0x3]  }
0x9d: {  	s0 =	sadd.s32 @!p0 $0x100000, s0  }
0x9e: {  	[sflag:s0] =	ssyncadd.tile.s32 @!p0 $0x1;
	_ =	shalt  }
.Lfunc_end2:
_tile_overlayer_lowered:
.L_overlay_start_2:
0x9f: {  	(tag) =	ssettag $0x2  }
0xa0: {  	s0 =	rddreg [dreg:$0x0];
	s2 =	stileid.u32  }
0xa1: {  	s1 =	rddreg [dreg:$0x1];
	p0 =	sne.s32 s2, $0x0  }
0xa2: {  	s3 =	rddreg [dreg:$0x2];
	[bflag:$0x3] =	sbarrier.arrive $0xFFFF;
	s2 =	simm.s32 @!p0 $0x1C03  }
0xa3: {  	[timem:s3], [sflag:s2] =	dma.local @!p0 [hbm:s0], s1  }
0xa4: {  	s0 =	simm.s32 @!p0 $0x3  }
0xa5: {  	_ =	swait.ge @!p0 [sflag:s0], s1  }
0xa6: {  	s1 =	ssub.s32 @!p0 $0x0, s1;
	[sflag:s0] =	ssyncset.done @!p0 $0x0  }
0xa7: {  	[sflag:s0] =	ssyncadd.s32 @!p0 s1  }
0xa8: {  	[bflag:$0x3] =	sbarrier.arrive $0xFFFF  }
0xa9: {  	_ =	shalt  }

// kernel: kernel.20.cloned.1.call-start
scs
__scs_entry_jumppad:
0x0: {  	(pc) =	sbr.rel $0x88, $3  }
0x1: {  	(tag) =	ssettag $0x0;
	lr =	simm.s32 $0x1  }
0x2: {  	[smem:$0x3F98] =	sst lr;
	_ =	strace $0xD0000000  }
0x3: {  	_ = 	snop  }
0x4: {  	_ = 	snop  }
0x5: {  	_ = 	snop  }
0x6: {  	_ = 	snop  }
0x7: {  	_ = 	snop  }
__scs_overlays_trampoline_lowered:
0x8: {  	[smem:$0x3FA7] =	sst s0  }
0x9: {  	[smem:$0x3FA8] =	sst s1  }
0xa: {  	[smem:$0x3FA9] =	sst s2  }
0xb: {  	[smem:$0x3FAA] =	sst s3  }
0xc: {  	[smem:$0x3FAB] =	sst s4  }
0xd: {  	[smem:$0x3FAC] =	sst s5  }
0xe: {  	[smem:$0x3FAD] =	sst s6  }
0xf: {  	[smem:$0x3FAE] =	sst s7  }
0x10: {  	[smem:$0x3FAF] =	sst s8  }
0x11: {  	[smem:$0x3FB0] =	sst s9;
	s0 =	simm.s32 @!p0 $0x0  }
0x12: {  	s1 =	sld [smem:$0x3F96];
	s0 =	simm.s32 @p0 $0x1  }
0x13: {  	[smem:$0x3FB1] =	sst s0;
	s0 =	simm.s32 @!p1 $0x0  }
0x14: {  	s2 =	sld [smem:$0x3F95];
	s0 =	simm.s32 @p1 $0x1  }
0x15: {  	[smem:$0x3FB2] =	sst s0;
	s0 =	simm.s32 @!p2 $0x0  }
0x16: {  	s3 =	sld [smem:$0x3FDB];
	s0 =	simm.s32 @p2 $0x1  }
0x17: {  	s4 =	simm.s32 $0x1BF5;
	[smem:$0x3FB4] =	sst s0  }
0x18: {  	s0 =	sld [smem:$0x3F97];
	_ =	swait.ge [sflag:s4], $0x0  }
0x19: {  	s7 =	sld [smem:$0x3F98]  }
0x1a: {  	s8 =	sadd.s32 $0xFFFFE003, lr  }
0x1b: {  	s9 =	sadd.s32 $0xFFFFFEF7, lr;
	s5 =	simm.s32 $0xFFFFFFFF;
	p2 =	slt.u32 s8, $0xFFFFF086  }
0x1c: {  	p1 =	slt.u32 s9, $0xF7A;
	s5 =	simm.s32 @!p2 $0x0  }
0x1d: {  	s5 =	simm.s32 @p1 $0x1;
	p0 =	seq.s32 s7, s2  }
0x1e: {  	s7 =	smul.u32 @!p0 $0xF7A, s2;
	p2 =	seq.s32 @!p0 s5, $0x0  }
0x1f: {  	s9 =	smul.u32 $0xF7A, s1;
	s8 =	simm.s32 @!p0 $0x1BF5;
	p2 =	por !p2, p0  }
0x20: {  	[sflag:s8] =	ssyncset.s32 @!p0 $0xFFFFF086;
	s6 =	sadd.s32 @!p0 s3, s7;
	s7 =	simm.s32 @!p0 $0x108  }
0x21: {  	s3 =	sadd.s32 s3, s9;
	s6 =	sadd.s32 @!p0 $0x88, s6;
	s7 =	simm.s32 @p2 $0x1082  }
0x22: {  	[simem:s7], [sflag:s8] =	dma.local @!p0 [hbm:s6], $0xF7A  }
0x23: {  	s9 =	sor.u32 $0xD0000000, s2;
	s6 =	simm.s32 $0x108;
	_ =	swait.ge @!p0 [sflag:s8], $0x0  }
0x24: {  	s3 =	sadd.s32 $0x88, s3;
	s6 =	simm.s32 @!p1 $0x1082;
	[sflag:s4] =	ssyncset.s32 $0xFFFFF086  }
0x25: {  	[simem:s6], [sflag:s4] =	dma.local [hbm:s3], $0xF7A  }
0x26: {  	[smem:$0x3F98] =	sst s1;
	(tag) =	ssettag s2;
	_ =	strace s9  }
0x27: {  	s1 =	sld [smem:$0x3FA8]  }
0x28: {  	s2 =	sld [smem:$0x3FA9]  }
0x29: {  	s4 =	sld [smem:$0x3FAB]  }
0x2a: {  	p0 =	seq.s32 s5, $0x0;
	s5 =	sld [smem:$0x3FAC]  }
0x2b: {  	s6 =	sld [smem:$0x3FAD]  }
0x2c: {  	s7 =	sld [smem:$0x3FAE]  }
0x2d: {  	s3 =	simm.s32 $0x108;
	s8 =	sld [smem:$0x3FAF]  }
0x2e: {  	s3 =	simm.s32 @!p0 $0x1082;
	s9 =	sld [smem:$0x3FB0]  }
0x2f: {  	lr =	sadd.s32 s0, s3;
	s0 =	sld [smem:$0x3FA7]  }
0x30: {  	s3 =	sld [smem:$0x3FAA]  }
0x31: {  	[smem:$0x3FB3] =	sst s10  }
0x32: {  	s10 =	sld [smem:$0x3FB1];
	_ =	sdelay $0x3  }
0x33: {  	p0 =	seq.s32 s10, $0x1;
	s10 =	sld [smem:$0x3FB3];
	_ =	sdelay $0x3  }
0x34: {  	[smem:$0x3FB3] =	sst s10  }
0x35: {  	s10 =	sld [smem:$0x3FB2];
	_ =	sdelay $0x3  }
0x36: {  	p1 =	seq.s32 s10, $0x1;
	s10 =	sld [smem:$0x3FB3];
	_ =	sdelay $0x3  }
0x37: {  	[smem:$0x3FB3] =	sst s10  }
0x38: {  	s10 =	sld [smem:$0x3FB4]  }
0x39: {  	_ = 	snop;
	(pc) =	sbr.ind lr, $3  }
0x3a: {  	_ = 	snop  }
0x3b: {  	_ = 	snop  }
0x3c: {  	p2 =	seq.s32 s10, $0x1;
	s10 =	sld [smem:$0x3FB3]  }
0x3d: {  	_ =	shalt  }
0x3e: {  	_ =	shalt  }
0x3f: {  	_ =	shalt  }
0x40: {  	_ =	shalt  }
0x41: {  	_ =	shalt  }
0x42: {  	_ =	shalt  }
0x43: {  	_ =	shalt  }
0x44: {  	_ =	shalt  }
0x45: {  	_ =	shalt  }
0x46: {  	_ =	shalt  }
0x47: {  	_ =	shalt  }
0x48: {  	_ =	shalt  }
0x49: {  	_ =	shalt  }
0x4a: {  	_ =	shalt  }
0x4b: {  	_ =	shalt  }
0x4c: {  	_ =	shalt  }
0x4d: {  	_ =	shalt  }
0x4e: {  	_ =	shalt  }
0x4f: {  	_ =	shalt  }
0x50: {  	_ =	shalt  }
0x51: {  	_ =	shalt  }
0x52: {  	_ =	shalt  }
0x53: {  	_ =	shalt  }
0x54: {  	_ =	shalt  }
0x55: {  	_ =	shalt  }
0x56: {  	_ =	shalt  }
0x57: {  	_ =	shalt  }
0x58: {  	_ =	shalt  }
0x59: {  	_ =	shalt  }
0x5a: {  	_ =	shalt  }
0x5b: {  	_ =	shalt  }
0x5c: {  	_ =	shalt  }
0x5d: {  	_ =	shalt  }
0x5e: {  	_ =	shalt  }
0x5f: {  	_ =	shalt  }
0x60: {  	_ =	shalt  }
0x61: {  	_ =	shalt  }
0x62: {  	_ =	shalt  }
0x63: {  	_ =	shalt  }
0x64: {  	_ =	shalt  }
0x65: {  	_ =	shalt  }
0x66: {  	_ =	shalt  }
0x67: {  	_ =	shalt  }
0x68: {  	_ =	shalt  }
0x69: {  	_ =	shalt  }
0x6a: {  	_ =	shalt  }
0x6b: {  	_ =	shalt  }
0x6c: {  	_ =	shalt  }
0x6d: {  	_ =	shalt  }
0x6e: {  	_ =	shalt  }
0x6f: {  	_ =	shalt  }
0x70: {  	_ =	shalt  }
0x71: {  	_ =	shalt  }
0x72: {  	_ =	shalt  }
0x73: {  	_ =	shalt  }
0x74: {  	_ =	shalt  }
0x75: {  	_ =	shalt  }
0x76: {  	_ =	shalt  }
0x77: {  	_ =	shalt  }
0x78: {  	_ =	shalt  }
0x79: {  	_ =	shalt  }
0x7a: {  	_ =	shalt  }
0x7b: {  	_ =	shalt  }
0x7c: {  	_ =	shalt  }
0x7d: {  	_ =	shalt  }
0x7e: {  	_ =	shalt  }
0x7f: {  	_ =	shalt  }
0x80: {  	_ =	shalt  }
0x81: {  	_ =	shalt  }
0x82: {  	_ =	shalt  }
0x83: {  	_ =	shalt  }
0x84: {  	_ =	shalt  }
0x85: {  	_ =	shalt  }
0x86: {  	_ =	shalt  }
0x87: {  	_ =	shalt  }
.Lfunc_end0:
.L_simem_size_0:
called_computation.3_lowered:
.L_overlay_start_0:
0x88: {  	s2 =	sld [smem:$0x3FD9]  }
0x89: {  	s3 =	sld [smem:$0x3FFE];
	_ =	sdelay $0x1  }
0x8a: {  	s1 =	srdreg.scid  }
0x8b: {  	s0 =	sand.u32 $0x1, s1  }
0x8c: {  	s17 =	sshll.u32 s0, $0xA;
	s2 =	sadd.s32 s3, s2  }
0x8d: {  	s2 =	sadd.s32 s2, s17  }
0x8e: {  	[smem:$0x3FBF] =	sst s2  }
0x8f: {  	_ = 	snop  }
0x90: {  	s2 =	sld [smem:$0x3FD0];
	(tm) =	ssettm $0x1  }
0x91: {  	s18 =	sld [smem:$0x3FFB];
	_ =	sdelay $0x3  }
0x92: {  	_ =	strace s18  }
0x93: {  	s3 =	sld [smem:$0x3FFC];
	_ =	sdelay $0x3  }
0x94: {  	_ =	strace s3  }
0x95: {  	s3 =	sld [smem:$0x3FFD];
	_ =	sdelay $0x3  }
0x96: {  	_ =	strace s3  }
0x97: {  	_ =	strace $0x8FFFFFFF  }
0x98: {  	s19 =	sld [smem:$0x3FDB];
	_ =	sdelay $0x1  }
0x99: {  	s4 =	simm.s32 $_scs_section_size  }
0x9a: {  	s5 =	simm.s32 $_size__tile_overlayer_lowered;
	s6 =	simm.s32 $_tile_overlayer_lowered  }
0x9b: {  	s22 =	simm.s32 $0x1BFF;
	s21 =	sshll.u32 s6, $0x1;
	s3 =	sadd.s32 s4, s19  }
0x9c: {  	s7 =	simm.s32 $0x0;
	s20 =	sshll.u32 s5, $0x1;
	s5 =	sadd.s32 s21, s3  }
0x9d: {  	[timem:s7], [sflag:s22] =	dma.local [hbm:s5], s20  }
0x9e: {  	_ =	swait.ge [sflag:s22], s20  }
0x9f: {  	s4 =	ssub.s32 $0x0, s20;
	[sflag:s22] =	ssyncset.done $0x0  }
0xa0: {  	[sflag:s22] =	ssyncadd.s32 s4;
	_ =	sdelay $0x1  }
0xa1: {  	s23 =	simm.s32 $0x1B8B  }
0xa2: {  	_ =	swait.ge [sflag:s23], $0x1  }
0xa3: {  	[sflag:s23] =	ssyncset.done $0x0  }
0xa4: {  	s25 =	simm.s32 $0x1B8E;
	s24 =	sld [smem:$0x3FFE];
	[sflag:s23] =	ssyncadd.s32 $0xFFFFFFFF  }
0xa5: {  	s26 =	simm.s32 $execute0_lowered;
	[smem:$0x3FD2] =	sst s25  }
0xa6: {  	s5 =	sshll.u32 s26, $0x1;
	_ =	strace $0x8000004F;
	[dreg:$0x1] =	wrdreg $0xFFFFFFFF  }
0xa7: {  	s28 =	simm.s32 $_size_execute0_lowered;
	s3 =	sadd.s32 s3, s5;
	[dreg:$0x0] =	wrdreg $0x0  }
0xa8: {  	s5 =	sshll.u32 s28, $0x1;
	[dreg:$0x2] =	wrdreg s3  }
0xa9: {  	[dreg:$0x3] =	wrdreg s5  }
0xaa: {  	[dreg:$0x4] =	wrdreg $0xC0  }
0xab: {  	_ =	task [dreg:s7], $0x5FFFF  }
0xac: {  	[dreg:$0x1] =	wrdreg $0xFFFFFFFF  }
0xad: {  	[dreg:$0x0] =	wrdreg $0x60  }
0xae: {  	[dreg:$0x2] =	wrdreg s2  }
0xaf: {  	[dreg:$0x3] =	wrdreg s24  }
0xb0: {  	[dreg:$0x4] =	wrdreg $0x82000  }
0xb1: {  	[dreg:$0x5] =	wrdreg $0x9  }
0xb2: {  	_ =	task.clear_ibuf [dreg:s7], $0x6FFFF;
	_ =	strace $0x9000004F  }
0xb3: {  	s29 =	simm.s32 $0x9;
	_ =	strace $0x80000051  }
0xb4: {  	_ =	swait.ge [sflag:s29], $0x1  }
0xb5: {  	[sflag:s29] =	ssyncadd.s32 $0xFFFFFFFF  }
0xb6: {  	_ =	strace $0x90000051  }
0xb7: {  	_ =	sfence  }
0xb8: {  	s30 =	sld [smem:$0x0];
	_ =	sdelay $0x2  }
0xb9: {  	s31 =	sshll.u32 s1, $0xD;
	s1 =	sshrl.u32 s1, $0x2  }
0xba: {  	s3 =	sand.u32 $0x4000, s31;
	s1 =	sadd.s32 s1, s30  }
0xbb: {  	s0 =	sor.u32 s3, s0;
	s1 =	sshll.u32 s1, $0x11  }
0xbc: {  	s0 =	sor.u32 s1, s0  }
0xbd: {  	s0 =	sadd.s32 $0x8F2B, s0  }
0xbe: {  	[sflag:s0] =	ssyncadd.remote.s32 $0x1  }
0xbf: {  	_ =	sfence.sel $0xFFFF  }
0xc0: {  	[dreg:$0x0] =	wrdreg $0xFFFFFFFF;
	(pc) =	sbr.abs _section_cstart, $3  }
0xc1: {  	[dreg:$0x1] =	wrdreg $0xFFFFFFFF  }
0xc2: {  	_ =	task.clear_ibuf [dreg:s7], $0x2FFFF;
	_ =	strace $0x9FFFFFFF  }
0xc3: {  	(tm) =	ssettm $0x7FFFFFFF  }
tec
execute0_lowered:
.L_overlay_start_1:
0x0: {  	(tag) =	ssettag $0x1  }
0x1: {  	s1 =	rddreg [dreg:$0x0]  }
0x2: {  	s6 =	rddreg [dreg:$0x1]  }
0x3: {  	s2 =	rddreg [dreg:$0x2];
	s3 =	srdreg.scid  }
0x4: {  	s4 =	simm.s32 $0x0;
	s0 =	stileid.u32;
	s21 =	simm.s32 $0x80  }
0x5: {  	s22 =	simm.s32 $0x1;
	s23 =	simm.s32 $0x4200;
	s24 =	simm.s32 $0x4  }
0x6: {  	s28 =	simm.s32 $0x180;
	s29 =	simm.s32 $0x0;
	s13 =	sand.u32 $0x1, s3  }
0x7: {  	[smem:$0x7FF] =	sst s4;
	s8 =	smul.u32 $0x4E000, s0;
	s16 =	sadd.s32 $0x4C00, s6  }
0x8: {  	s5 =	sadd.s32 $0x18600, s6;
	s11 =	sadd.s32 $0x138000, s2;
	s19 =	smul.u32 $0x9C0, s0  }
0x9: {  	s14 =	sshll.u32 s0, $0x5;
	s25 =	smul.u32 $0x2700, s0;
	p0 =	sne.s32 s0, $0xF  }
0xa: {  	s7 =	smul.u32 $0x27100, s13;
	_ =	strace $0x80000050;
	s26 =	ssub.s32 $0x2, s13  }
0xb: {  	s9 =	sshll.u32 s13, $0x4;
	s14 =	sadd.s32 s14, s16;
	s18 =	smul.u32 $0x9C00, s13  }
0xc: {  	s30 =	sshrl.u32 s8, $0x2;
	s31 =	sshrl.u32 s26, $0x1;
	s20 =	sor.u32 s0, s9  }
0xd: {  	s13 =	sadd.s32 $0x13800, s14;
	s15 =	sadd.s32 s7, s6;
	s6 =	sadd.s32 s30, s2  }
0xe: {  	s17 =	ssub.s32 s26, s31;
	s12 =	smul.u32 $0x9C0, s20;
	s18 =	sadd.s32 s18, s16  }
0xf: {  	p1 =	sgt.u32 s20, $0x3;
	s20 =	simm.s32 $0x100;
	s26 =	simm.s32 $0x2  }
0x10: {  	s7 =	sadd.s32 $0x4000, s6;
	s8 =	sadd.s32 $0x8000, s6;
	s9 =	sadd.s32 $0xC000, s6  }
0x11: {  	s10 =	sadd.s32 $0x10000, s6;
	s15 =	sadd.s32 $0x18E00, s15;
	s12 =	sadd.s32 s16, s12  }
0x12: {  	s16 =	smax.u32 s17, $0x1;
	s17 =	sadd.s32 s19, s18;
	s18 =	simm.s32 $0x200  }
0x13: {  	s19 =	simm.s32 $0x3;
	s25 =	sadd.s32 s25, s15;
	s14 =	sadd.s32 $0x20, s12  }
.LBB2_1:
0x14: {  	[tilespmem:s18], [sflag:$0x3] =	stream.linear.gather [hbm4b:s5+s4], $0x4000, $0x38;
	[tilespmem:$0x1BA80] =	vst v63  }
0x15: {  	_ =	swait.ge [sflag:s19], $0x4000  }
0x16: {  	[sflag:s19] =	ssyncset.done $0x0  }
0x17: {  	[sflag:s19] =	ssyncadd.s32 $0xFFFFC000  }
0x18: {  	[spmem:s6] =	stream.linear.scatter [tilespmem:s18], [sflag:$0x3], $0x4000, $0x38;
	[tilespmem:$0x1BA80] =	vst v63  }
0x19: {  	_ =	swait.ge [sflag:s19], $0x4000  }
0x1a: {  	[sflag:s19] =	ssyncset.done $0x0  }
0x1b: {  	[sflag:s19] =	ssyncadd.s32 $0xFFFFC000  }
0x1c: {  	[spmem:s7] =	stream.linear.scatter [tilespmem:s18], [sflag:$0x3], $0x4000, $0x38;
	[tilespmem:$0x1BA80] =	vst v63  }
0x1d: {  	_ =	swait.ge [sflag:s19], $0x4000  }
0x1e: {  	[sflag:s19] =	ssyncset.done $0x0  }
0x1f: {  	[sflag:s19] =	ssyncadd.s32 $0xFFFFC000  }
0x20: {  	[spmem:s8] =	stream.linear.scatter [tilespmem:s18], [sflag:$0x3], $0x4000, $0x38;
	[tilespmem:$0x1BA80] =	vst v63  }
0x21: {  	_ =	swait.ge [sflag:s19], $0x4000  }
0x22: {  	[sflag:s19] =	ssyncset.done $0x0  }
0x23: {  	[sflag:s19] =	ssyncadd.s32 $0xFFFFC000  }
0x24: {  	[spmem:s9] =	stream.linear.scatter [tilespmem:s18], [sflag:$0x3], $0x4000, $0x38;
	[tilespmem:$0x1BA80] =	vst v63  }
0x25: {  	_ =	swait.ge [sflag:s19], $0x4000  }
0x26: {  	[sflag:s19] =	ssyncset.done $0x0  }
0x27: {  	[sflag:s19] =	ssyncadd.s32 $0xFFFFC000  }
0x28: {  	[spmem:s10] =	stream.linear.scatter [tilespmem:s18], [sflag:$0x3], $0x3800, $0x38;
	[tilespmem:$0x1BA80] =	vst v63  }
0x29: {  	_ =	swait.ge [sflag:s19], $0x3800  }
0x2a: {  	[sflag:s19] =	ssyncset.done $0x0  }
0x2b: {  	s30 =	simm.s32 @!p0 $0x200;
	[sflag:s19] =	ssyncadd.s32 $0xFFFFC800  }
0x2c: {  	[spmem:s11] =	stream.linear.scatter @!p0 [tilespmem:s30], [sflag:$0x3], $0x800, $0x38;
	[tilespmem:$0x1BA80] =	vst v63  }
0x2d: {  	s30 =	simm.s32 @!p0 $0x3  }
0x2e: {  	_ =	swait.ge @!p0 [sflag:s30], $0x800  }
0x2f: {  	[sflag:s30] =	ssyncset.done @!p0 $0x0  }
0x30: {  	[sflag:s30] =	ssyncadd.s32 @!p0 $0xFFFFF800  }
0x31: {  	s31 =	simm.s32 @!p1 $0x3;
	s30 =	simm.s32 @!p1 $0x0;
	[bflag:$0x0] =	sbarrier.arrive $0xFFFF  }
0x32: {  	[tilespmem:s30], [sflag:$0x3] =	stream.linear.gather @!p1 [hbm4b:s13+s30], $0x100, $0x38;
	[tilespmem:$0x1BA80] =	vst v63  }
0x33: {  	_ =	swait.ge @!p1 [sflag:s31], $0x100  }
0x34: {  	[sflag:s31] =	ssyncset.done @!p1 $0x0  }
0x35: {  	s0 =	simm.s32 @!p1 $0x80;
	s3 =	simm.s32 @!p1 $0x200;
	[sflag:s31] =	ssyncadd.s32 @!p1 $0xFFFFFF00  }
0x36: {  	[tilespmem:s3], [sflag:$0x1] =	stream.indirect.gather @!p1 [hbm4b:s1+s0], $0x80, s30, s0, $0xb8;
	[tilespmem:$0x1BA80] =	vst v63  }
0x37: {  	s30 =	simm.s32 @!p1 $0x1  }
0x38: {  	_ =	swait.ge @!p1 [sflag:s30], $0x4000  }
0x39: {  	[sflag:s30] =	ssyncset.done @!p1 $0x0  }
0x3a: {  	[sflag:s30] =	ssyncadd.s32 @!p1 $0xFFFFC000  }
0x3b: {  	[spmem:s2] =	stream.indirect.scatter.add.f32 @!p1 [tilespmem:s3], [sflag:$0x3], $0x80, s0, s0, $0xb8;
	[tilespmem:$0x1BA80] =	vst v63  }
0x3c: {  	_ =	swait.ge @!p1 [sflag:s31], $0x4000  }
0x3d: {  	[sflag:s31] =	ssyncset.done @!p1 $0x0  }
0x3e: {  	[sflag:s31] =	ssyncadd.s32 @!p1 $0xFFFFC000  }
0x3f: {  	[tilespmem:s4], [sflag:$0x3] =	stream.linear.gather [hbm4b:s12+s4], $0x100, $0x38;
	[tilespmem:$0x1BA80] =	vst v63  }
0x40: {  	_ =	swait.ge [sflag:s19], $0x100  }
0x41: {  	[sflag:s19] =	ssyncset.done $0x0  }
0x42: {  	[sflag:s19] =	ssyncadd.s32 $0xFFFFFF00  }
0x43: {  	[tilespmem:s20], [sflag:$0x3] =	stream.linear.gather [hbm4b:s14+s4], $0x100, $0x38;
	[tilespmem:$0x1BA80] =	vst v63  }
0x44: {  	_ =	swait.ge [sflag:s19], $0x100  }
0x45: {  	[sflag:s19] =	ssyncset.done $0x0  }
0x46: {  	[sflag:s19] =	ssyncadd.s32 $0xFFFFFF00  }
0x47: {  	[tilespmem:s18], [sflag:$0x1] =	stream.indirect.gather [hbm4b:s1+s21], $0x80, s4, s21, $0xb8;
	[tilespmem:$0x1BA80] =	vst v63  }
0x48: {  	_ =	swait.ge [sflag:s22], $0x4000  }
0x49: {  	[sflag:s22] =	ssyncset.done $0x0  }
0x4a: {  	[sflag:s22] =	ssyncadd.s32 $0xFFFFC000  }
0x4b: {  	[tilespmem:s23], [sflag:$0x2] =	stream.indirect.gather [hbm4b:s1+s21], $0x80, s20, s21, $0xb8;
	[tilespmem:$0x1BA80] =	vst v63  }
0x4c: {  	_ = 	snop  }
0x4d: {  	[spmem:s2] =	stream.indirect.scatter.add.f32 [tilespmem:s18], [sflag:$0x4], $0x80, s21, s21, $0xb8;
	[tilespmem:$0x1BA80] =	vst v63  }
0x4e: {  	_ =	swait.ge [sflag:s24], $0x4000  }
0x4f: {  	s0 =	sadd.s32 $0xFFFFF680, s17;
	[sflag:s24] =	ssyncset.done $0x0  }
0x50: {  	s31 =	sadd.s32 $0x9C0, s0;
	[sflag:s24] =	ssyncadd.s32 $0xFFFFC000  }
0x51: {  	[tilespmem:s4], [sflag:$0x4] =	stream.linear.gather [hbm4b:s31+s4], $0x100, $0x38;
	[tilespmem:$0x1BA80] =	vst v63  }
0x52: {  	_ =	swait.ge [sflag:s24], $0x100  }
0x53: {  	[sflag:s24] =	ssyncset.done $0x0  }
0x54: {  	[sflag:s24] =	ssyncadd.s32 $0xFFFFFF00  }
0x55: {  	_ =	swait.ge [sflag:s26], $0x4000  }
0x56: {  	[sflag:s26] =	ssyncset.done $0x0  }
0x57: {  	[sflag:s26] =	ssyncadd.s32 $0xFFFFC000  }
0x58: {  	[tilespmem:s18], [sflag:$0x1] =	stream.indirect.gather [hbm4b:s1+s21], $0x80, s4, s21, $0xb8;
	[tilespmem:$0x1BA80] =	vst v63  }
0x59: {  	_ = 	snop  }
0x5a: {  	[spmem:s2] =	stream.indirect.scatter.add.f32 [tilespmem:s23], [sflag:$0x4], $0x80, s28, s21, $0xb8;
	[tilespmem:$0x1BA80] =	vst v63  }
0x5b: {  	_ =	swait.ge [sflag:s24], $0x4000  }
0x5c: {  	[sflag:s24] =	ssyncset.done $0x0  }
0x5d: {  	s0 =	sadd.s32 $0x9E0, s0;
	[sflag:s24] =	ssyncadd.s32 $0xFFFFC000  }
0x5e: {  	[tilespmem:s20], [sflag:$0x3] =	stream.linear.gather [hbm4b:s0+s4], $0x100, $0x38;
	[tilespmem:$0x1BA80] =	vst v63  }
0x5f: {  	_ =	swait.ge [sflag:s19], $0x100  }
0x60: {  	s30 =	simm.s32 $0xFFFFF6C0;
	[sflag:s19] =	ssyncset.done $0x0  }
.LBB2_2:
0x61: {  	p2 =	sne.s32 s30, $0xFFFFFFC0  }
0x62: {  	[sflag:s19] =	ssyncadd.s32 $0xFFFFFF00;
	s0 =	smov.u32 s30;
	s30 =	sadd.s32 $0x40, s30  }
0x63: {  	_ =	swait.ge [sflag:s22], $0x4000  }
0x64: {  	[sflag:s22] =	ssyncset.done $0x0  }
0x65: {  	[sflag:s22] =	ssyncadd.s32 $0xFFFFC000  }
0x66: {  	[tilespmem:s23], [sflag:$0x2] =	stream.indirect.gather [hbm4b:s1+s21], $0x80, s20, s21, $0xb8;
	[tilespmem:$0x1BA80] =	vst v63  }
0x67: {  	_ = 	snop  }
0x68: {  	[spmem:s2] =	stream.indirect.scatter.add.f32 [tilespmem:s18], [sflag:$0x4], $0x80, s21, s21, $0xb8;
	[tilespmem:$0x1BA80] =	vst v63  }
0x69: {  	_ =	swait.ge [sflag:s24], $0x4000  }
0x6a: {  	s0 =	sadd.s32 s0, s17;
	[sflag:s24] =	ssyncset.done $0x0  }
0x6b: {  	s3 =	sadd.s32 $0x9C0, s0;
	[sflag:s24] =	ssyncadd.s32 $0xFFFFC000  }
0x6c: {  	[tilespmem:s4], [sflag:$0x4] =	stream.linear.gather [hbm4b:s3+s4], $0x100, $0x38;
	[tilespmem:$0x1BA80] =	vst v63  }
0x6d: {  	_ =	swait.ge [sflag:s24], $0x100  }
0x6e: {  	[sflag:s24] =	ssyncset.done $0x0  }
0x6f: {  	[sflag:s24] =	ssyncadd.s32 $0xFFFFFF00  }
0x70: {  	_ =	swait.ge [sflag:s26], $0x4000  }
0x71: {  	[sflag:s26] =	ssyncset.done $0x0  }
0x72: {  	[sflag:s26] =	ssyncadd.s32 $0xFFFFC000  }
0x73: {  	[tilespmem:s18], [sflag:$0x1] =	stream.indirect.gather [hbm4b:s1+s21], $0x80, s4, s21, $0xb8;
	[tilespmem:$0x1BA80] =	vst v63  }
0x74: {  	_ = 	snop  }
0x75: {  	[spmem:s2] =	stream.indirect.scatter.add.f32 [tilespmem:s23], [sflag:$0x4], $0x80, s28, s21, $0xb8;
	[tilespmem:$0x1BA80] =	vst v63  }
0x76: {  	_ =	swait.ge [sflag:s24], $0x4000  }
.Ltmp0:
0x77: {  	[sflag:s24] =	ssyncset.done $0x0;
	(pc) =	sbr.rel @p2 .LBB2_2-.Ltmp0, $4  }
0x78: {  	s0 =	sadd.s32 $0x9E0, s0;
	[sflag:s24] =	ssyncadd.s32 $0xFFFFC000  }
0x79: {  	[tilespmem:s20], [sflag:$0x3] =	stream.linear.gather [hbm4b:s0+s4], $0x100, $0x38;
	[tilespmem:$0x1BA80] =	vst v63  }
0x7a: {  	_ =	swait.ge [sflag:s19], $0x100  }
0x7b: {  	[sflag:s19] =	ssyncset.done $0x0  }
0x7c: {  	[sflag:s19] =	ssyncadd.s32 $0xFFFFFF00  }
0x7d: {  	_ =	swait.ge [sflag:s22], $0x4000  }
0x7e: {  	[sflag:s22] =	ssyncset.done $0x0  }
0x7f: {  	[sflag:s22] =	ssyncadd.s32 $0xFFFFC000  }
0x80: {  	[tilespmem:s23], [sflag:$0x2] =	stream.indirect.gather [hbm4b:s1+s21], $0x80, s20, s21, $0xb8;
	[tilespmem:$0x1BA80] =	vst v63  }
0x81: {  	_ = 	snop  }
0x82: {  	[spmem:s2] =	stream.indirect.scatter.add.f32 [tilespmem:s18], [sflag:$0x4], $0x80, s21, s21, $0xb8;
	[tilespmem:$0x1BA80] =	vst v63  }
0x83: {  	_ =	swait.ge [sflag:s24], $0x4000  }
0x84: {  	[sflag:s24] =	ssyncset.done $0x0  }
0x85: {  	[sflag:s24] =	ssyncadd.s32 $0xFFFFC000  }
0x86: {  	_ =	swait.ge [sflag:s26], $0x4000  }
0x87: {  	[sflag:s26] =	ssyncset.done $0x0  }
0x88: {  	[sflag:s26] =	ssyncadd.s32 $0xFFFFC000  }
0x89: {  	[spmem:s2] =	stream.indirect.scatter.add.f32 [tilespmem:s23], [sflag:$0x4], $0x80, s28, s21, $0xb8;
	[tilespmem:$0x1BA80] =	vst v63  }
0x8a: {  	_ =	swait.ge [sflag:s24], $0x4000  }
0x8b: {  	s0 =	stileid.u32;
	[sflag:s24] =	ssyncset.done $0x0  }
0x8c: {  	s0 =	sshll.u32 s0, $0x6;
	[sflag:s24] =	ssyncadd.s32 $0xFFFFC000  }
0x8d: {  	s3 =	sshrl.u32 s6, $0x3;
	s0 =	sor.u32 $0x1C03, s0;
	[bflag:$0x0] =	sbarrier.arrive $0xFFFF  }
0x8e: {  	[hbm:s25], [sflag:s0] =	dma.local [spmem:s3], $0x2700  }
0x8f: {  	_ =	swait.ge [sflag:s19], $0x2700  }
0x90: {  	s30 =	sshrl.u32 @!p0 s11, $0x3;
	s29 =	sadd.s32 $0x1, s29;
	[sflag:s19] =	ssyncset.done $0x0  }
0x91: {  	p2 =	sne.s32 s29, s16;
	s3 =	sadd.s32 @!p0 $0x27000, s15;
	[sflag:s19] =	ssyncadd.s32 $0xFFFFD900  }
0x92: {  	[hbm:s3], [sflag:s0] =	dma.local @!p0 [spmem:s30], $0x100  }
.Ltmp1:
0x93: {  	_ = 	snop;
	(pc) =	sbr.rel @p2 .LBB2_1-.Ltmp1, $4  }
0x94: {  	s0 =	simm.s32 @!p0 $0x3  }
0x95: {  	_ =	swait.ge @!p0 [sflag:s0], $0x100  }
0x96: {  	[sflag:s0] =	ssyncset.done @!p0 $0x0  }
0x97: {  	[sflag:s0] =	ssyncadd.s32 @!p0 $0xFFFFFF00  }
0x98: {  	_ =	sfence.sel $0x180000  }
0x99: {  	[bflag:$0x0] =	sbarrier.arrive $0xFFFF  }
0x9a: {  	_ =	strace $0x90000050  }
0x9b: {  	s0 =	stileid.u32;
	[bflag:$0x2] =	sbarrier.arrive $0xFFFF  }
0x9c: {  	p0 =	sne.s32 s0, $0x0;
	s0 =	rddreg [dreg:$0x3]  }
0x9d: {  	s0 =	sadd.s32 @!p0 $0x100000, s0  }
0x9e: {  	[sflag:s0] =	ssyncadd.tile.s32 @!p0 $0x1;
	_ =	shalt  }
.Lfunc_end2:
_tile_overlayer_lowered:
.L_overlay_start_2:
0x9f: {  	(tag) =	ssettag $0x2  }
0xa0: {  	s0 =	rddreg [dreg:$0x0];
	s2 =	stileid.u32  }
0xa1: {  	s1 =	rddreg [dreg:$0x1];
	p0 =	sne.s32 s2, $0x0  }
0xa2: {  	s3 =	rddreg [dreg:$0x2];
	[bflag:$0x3] =	sbarrier.arrive $0xFFFF;
	s2 =	simm.s32 @!p0 $0x1C03  }
0xa3: {  	[timem:s3], [sflag:s2] =	dma.local @!p0 [hbm:s0], s1  }
0xa4: {  	s0 =	simm.s32 @!p0 $0x3  }
0xa5: {  	_ =	swait.ge @!p0 [sflag:s0], s1  }
0xa6: {  	s1 =	ssub.s32 @!p0 $0x0, s1;
	[sflag:s0] =	ssyncset.done @!p0 $0x0  }
0xa7: {  	[sflag:s0] =	ssyncadd.s32 @!p0 s1  }
0xa8: {  	[bflag:$0x3] =	sbarrier.arrive $0xFFFF  }
0xa9: {  	_ =	shalt  }

</sc_bundles>
